<compile_context>
chip_gen: v7x
topology: tpu7x:2x2x1
jax: 0.10.2.dev20260603
libtpu: 0.0.44.dev20260713+nightly
codegen_flags: <defaults>
</compile_context>

<pallas_src>
import jax
import jax.numpy as jnp
from jax import lax
from jax.experimental import pallas as pl
from jax.experimental.pallas import tpu as pltpu
from jax.experimental.pallas import tpu_sc as plsc

_THRESH = 0.35667494393873245
_LB_IGNORE = 255
_FACTOR = 16

_NB, _NC, _H, _W = 8, 19, 512, 512
_NPIX = _NB * _H * _W
_K_STATIC = max(_NPIX // _FACTOR, 1)
_LN2 = 0.6931471805599453

_SCI = 2
_TCI = _NB - _SCI

_NWORK = 32
_WPI = _NWORK // _SCI
_ROWS_PER_WORK = _H // _WPI
_CR = 8
_CW = 256
_CHUNK = _CR * _CW
_NSTRIPE = _ROWS_PER_WORK // _CR
_NHALF = _W // _CW
_NCHUNK = _NSTRIPE * _NHALF
_GROUPS = _CHUNK // 16

_TC_RB = 128
_TC_NRB = _H // _TC_RB
_TC_STEPS = _TCI * _TC_NRB


def _log_f32(s):
    bits = lax.bitcast_convert_type(s, jnp.int32)
    e = jnp.right_shift(bits, 23) - 127
    m = lax.bitcast_convert_type(
        jnp.bitwise_or(jnp.bitwise_and(bits, 0x7FFFFF), 0x3F800000),
        jnp.float32)
    big = m > 1.4142135623730951
    m = jnp.where(big, m * 0.5, m)
    ef = (e + jnp.where(big, 1, 0)).astype(jnp.float32)
    z = m - 1.0
    c8, c7, c6, c5, c4, c3, c2, c1, c0 = (
        7.0376836292e-2, -1.1514610310e-1, 1.1676998740e-1,
        -1.2420140846e-1, 1.4249322787e-1, -1.6668057665e-1,
        2.0000714765e-1, -2.4999993993e-1, 3.3333331174e-1)
    z2 = z * z
    z4 = z2 * z2
    b0 = c1 * z + c0
    b1 = c3 * z + c2
    b2 = c5 * z + c4
    b3 = c7 * z + c6
    d0 = b1 * z2 + b0
    d1 = b3 * z2 + b2
    poly = (c8 * z4 + d1) * z4 + d0
    r = z * z2 * poly - 0.5 * z2
    return z + r + ef * _LN2


def _tree(xs, op):
    xs = list(xs)
    while len(xs) > 1:
        nxt = [op(xs[i], xs[i + 1]) for i in range(0, len(xs) - 1, 2)]
        if len(xs) % 2:
            nxt.append(xs[-1])
        xs = nxt
    return xs[0]




def _sc_body(logits_hbm, labels_hbm, loss_hbm, cnt_out, sum_out, val_out,
             lbuf, labv, lossv, stage, sem, osem):
    cid = lax.axis_index("c")
    sid = lax.axis_index("s")
    wid = sid * 2 + cid
    img = wid // _WPI
    row0 = (wid % _WPI) * _ROWS_PER_WORK

    zeros = jnp.zeros((16,), jnp.float32)

    def chunk_coords(k):
        stripe = k // _NHALF
        half = k % _NHALF
        return row0 + stripe * _CR, half * _CW

    def fire_chunk(k, slot):
        r0, w0 = chunk_coords(k)
        for c in range(_NC):
            src = logits_hbm.at[img, c, pl.ds(r0, _CR), pl.ds(w0, _CW)]
            pltpu.async_copy(
                src, lbuf.at[pl.ds((slot * _NC + c) * _CR, _CR), :], sem)
        pltpu.async_copy(labels_hbm.at[img, pl.ds(r0, _CR), pl.ds(w0, _CW)],
                         labv.at[pl.ds(slot * _CR, _CR), :], sem)

    def drain_chunk(slot):
        for c in range(_NC):
            pltpu.make_async_copy(
                logits_hbm.at[0, 0, pl.ds(0, _CR), pl.ds(0, _CW)],
                lbuf.at[pl.ds((slot * _NC + c) * _CR, _CR), :], sem).wait()
        pltpu.make_async_copy(
            labels_hbm.at[0, pl.ds(0, _CR), pl.ds(0, _CW)],
            labv.at[pl.ds(slot * _CR, _CR), :], sem).wait()

    def compute_chunk(k, slot, carry):
        def one_group(r, w, acc):
            cnt_h, sum_h, cnt_v = acc

            def zload(c):
                return lbuf[(slot * _NC + c) * _CR + r, pl.ds(w, 16)]

            lab = labv[slot * _CR + r, pl.ds(w, 16)]
            valid = lab != _LB_IGNORE
            labc = jnp.minimum(jnp.maximum(lab, 0), _NC - 1)
            z0 = zload(0)
            m = z0
            z_l = z0
            for c in range(1, _NC):
                zc = zload(c)
                m = jnp.maximum(m, zc)
                z_l = jnp.where(labc == c, zc, z_l)
            s = _tree([jnp.exp(zload(c) - m) for c in range(_NC)], jnp.add)
            loss = _log_f32(s) - (z_l - m)
            loss = jnp.where(valid, loss, 0.0)
            hard = loss > _THRESH
            cnt_h = cnt_h + jnp.where(hard, 1.0, 0.0)
            sum_h = sum_h + jnp.where(hard, loss, 0.0)
            cnt_v = cnt_v + jnp.where(valid, 1.0, 0.0)
            lossv[slot * _CR + r, pl.ds(w, 16)] = loss
            return (cnt_h, sum_h, cnt_v)

        def pair_group_body(q, acc):
            r = jnp.right_shift(q, 3)
            wb = jnp.bitwise_and(q, 7) * 32
            acc = one_group(r, pl.multiple_of(wb, 16), acc)
            acc = one_group(r, pl.multiple_of(wb + 16, 16), acc)
            return acc

        carry = lax.fori_loop(0, _GROUPS // 2, pair_group_body, carry)
        r0, w0 = chunk_coords(k)
        pltpu.async_copy(lossv.at[pl.ds(slot * _CR, _CR), :],
                         loss_hbm.at[img, pl.ds(r0, _CR), pl.ds(w0, _CW)],
                         osem)
        return carry

    def drain_loss(slot):
        pltpu.make_async_copy(
            lossv.at[pl.ds(slot * _CR, _CR), :],
            loss_hbm.at[0, pl.ds(0, _CR), pl.ds(0, _CW)], osem).wait()

    fire_chunk(0, 0)
    fire_chunk(1, 1)

    def pair_body(j2, carry):
        for slot in (0, 1):
            k = j2 * 2 + slot
            drain_chunk(slot)

            @pl.when(k >= 2)
            def _():
                drain_loss(slot)

            carry = compute_chunk(k, slot, carry)

            @pl.when(k + 2 < _NCHUNK)
            def _():
                fire_chunk(k + 2, slot)
        return carry

    cnt_h, sum_h, cnt_v = lax.fori_loop(
        0, _NCHUNK // 2, pair_body, (zeros, zeros, zeros))
    drain_loss(0)
    drain_loss(1)

    stage[pl.ds(0, 16)] = cnt_h
    pltpu.sync_copy(stage, cnt_out.at[pl.ds(wid * 16, 16)])
    stage[pl.ds(0, 16)] = sum_h
    pltpu.sync_copy(stage, sum_out.at[pl.ds(wid * 16, 16)])
    stage[pl.ds(0, 16)] = cnt_v
    pltpu.sync_copy(stage, val_out.at[pl.ds(wid * 16, 16)])


def _sc_main(logits, labels):
    mesh = plsc.VectorSubcoreMesh(core_axis_name="c", subcore_axis_name="s")
    f = pl.kernel(
        _sc_body,
        mesh=mesh,
        out_type=[
            jax.ShapeDtypeStruct((_SCI, _H, _W), jnp.float32),
            jax.ShapeDtypeStruct((_NWORK * 16,), jnp.float32),
            jax.ShapeDtypeStruct((_NWORK * 16,), jnp.float32),
            jax.ShapeDtypeStruct((_NWORK * 16,), jnp.float32),
        ],
        scratch_types=[
            pltpu.VMEM((2 * _NC * _CR, _CW), jnp.float32),
            pltpu.VMEM((2 * _CR, _CW), jnp.int32),
            pltpu.VMEM((2 * _CR, _CW), jnp.float32),
            pltpu.VMEM((16,), jnp.float32),
            pltpu.SemaphoreType.DMA,
            pltpu.SemaphoreType.DMA,
        ],
    )
    return f(logits, labels)




def _tc_body(x_ref, lab_ref, loss_ref, part_ref):
    x = x_ref[0]
    lab = lab_ref[0]
    m = jnp.max(x, axis=0)
    s = jnp.sum(jnp.exp(x - m[None]), axis=0)
    valid = lab != _LB_IGNORE
    labc = jnp.minimum(jnp.maximum(lab, 0), _NC - 1)
    z_l = x[0]
    for c in range(1, _NC):
        z_l = jnp.where(labc == c, x[c], z_l)
    loss = jnp.log(s) - (z_l - m)
    loss = jnp.where(valid, loss, 0.0)
    loss_ref[0] = loss
    hard = loss > _THRESH
    part_ref[0, 0, 0] = jnp.sum(hard.astype(jnp.float32))
    part_ref[0, 0, 1] = jnp.sum(jnp.where(hard, loss, 0.0))
    part_ref[0, 0, 2] = jnp.sum(valid.astype(jnp.float32))


def _tc_main(logits, labels):
    return pl.pallas_call(
        _tc_body,
        grid=(_TCI, _TC_NRB),
        in_specs=[
            pl.BlockSpec((1, _NC, _TC_RB, _W),
                         lambda j, i: (j + _SCI, 0, i, 0)),
            pl.BlockSpec((1, _TC_RB, _W), lambda j, i: (j + _SCI, i, 0)),
        ],
        out_specs=[
            pl.BlockSpec((1, _TC_RB, _W), lambda j, i: (j, i, 0)),
            pl.BlockSpec((1, 1, 3), lambda j, i: (j * _TC_NRB + i, 0, 0),
                         memory_space=pltpu.SMEM),
        ],
        out_shape=[
            jax.ShapeDtypeStruct((_TCI, _H, _W), jnp.float32),
            jax.ShapeDtypeStruct((_TC_STEPS, 1, 3), jnp.float32),
        ],
    )(logits, labels)




def _topk_mean_body(x1_ref, x2_ref, o_ref):
    x1 = jnp.maximum(x1_ref[...], 0.0)
    x2 = jnp.maximum(x2_ref[...], 0.0)
    b1 = lax.bitcast_convert_type(x1, jnp.int32)
    b2 = lax.bitcast_convert_type(x2, jnp.int32)
    kf = jnp.float32(_K_STATIC)

    def step(i, cand):
        test = jnp.bitwise_or(cand, lax.shift_left(jnp.int32(1), 30 - i))
        cnt = (jnp.sum((b1 >= test).astype(jnp.float32))
               + jnp.sum((b2 >= test).astype(jnp.float32)))
        return jnp.where(cnt >= kf, test, cand)

    cand = lax.fori_loop(0, 31, step, jnp.int32(0))
    v = lax.bitcast_convert_type(cand, jnp.float32)
    g1 = x1 > v
    g2 = x2 > v
    cnt_gt = (jnp.sum(g1.astype(jnp.float32))
              + jnp.sum(g2.astype(jnp.float32)))
    sum_gt = (jnp.sum(jnp.where(g1, x1, 0.0))
              + jnp.sum(jnp.where(g2, x2, 0.0)))
    o_ref[0, 0] = (sum_gt + (kf - cnt_gt) * v) / kf


def _topk_mean(losses):
    loss_sc, loss_tc = losses
    out = pl.pallas_call(
        _topk_mean_body,
        out_shape=jax.ShapeDtypeStruct((1, 1), jnp.float32),
        out_specs=pl.BlockSpec(memory_space=pltpu.SMEM),
    )(loss_sc, loss_tc)
    return out[0, 0]


def kernel(logits, labels):
    loss_sc, cnt_h, sum_h, cnt_v = _sc_main(logits, labels)
    loss_tc, tc_part = _tc_main(logits, labels)
    n_hard_f = jnp.sum(cnt_h) + jnp.sum(tc_part[:, 0, 0])
    sum_hard = jnp.sum(sum_h) + jnp.sum(tc_part[:, 0, 1])
    n_valid_f = jnp.sum(cnt_v) + jnp.sum(tc_part[:, 0, 2])
    n_hard = n_hard_f.astype(jnp.int32)
    n_min = n_valid_f.astype(jnp.int32) // _FACTOR
    mean_hard = sum_hard / jnp.maximum(n_hard, 1).astype(jnp.float32)
    pred = n_hard < n_min
    return lax.cond(pred, _topk_mean, lambda _: mean_hard,
                    (loss_sc, loss_tc))

# --- scband reference (transcript-rebuilt; emitter-appended) ---
"""Pipeline reference for scband-ohem-celoss-48120813584430 (READ-ONLY COPY).

The authoritative reference and input builder live on the scoring server;
editing this copy changes nothing except your own understanding.
"""

import jax, jax.numpy as jnp
import numpy as np

THRESH = float(-np.log(0.7))
LB_IGNORE = 255
FACTOR = 16


def setup_inputs(seed: int = 0) -> dict:
    key = jax.random.key(seed)
    k1, k2 = jax.random.split(key)
    logits = jax.random.normal(k1, (8, 19, 512, 512), dtype=jnp.float32)
    labels = jax.random.randint(k2, (8, 512, 512), 0, 19, dtype=jnp.int32)
    return {"logits": logits, "labels": labels}


def reference(logits, labels):
    # per-pixel cross entropy with ignore_index, reduction='none'
    num_classes = logits.shape[1]
    logp = jax.nn.log_softmax(logits, axis=1)
    lab_safe = jnp.clip(labels, 0, num_classes - 1)
    gathered = jnp.take_along_axis(logp, lab_safe[:, None, :, :], axis=1)[:, 0]
    valid = labels != LB_IGNORE
    loss = jnp.where(valid, -gathered, 0.0).reshape(-1)

    # OHEM: keep hard examples (loss > thresh), at least n_min of them
    n_min = valid.sum() // FACTOR
    n_min_static = max(labels.size // FACTOR, 1)
    hard = loss > THRESH
    n_hard = hard.sum()
    mean_hard = jnp.sum(jnp.where(hard, loss, 0.0)) / jnp.maximum(n_hard, 1)
    mean_topk = jnp.mean(jax.lax.top_k(loss, n_min_static)[0])
    return jnp.where(n_hard < n_min, mean_topk, mean_hard)

if __name__ == "__main__":
    import jax
    _d = setup_inputs()
    print(jax.jit(kernel)(*tuple(_d.values())))

</pallas_src>

<mosaic_0001>
#map = affine_map<(d0, d1) -> (0, 0, 0, 0)>
#map1 = affine_map<(d0, d1) -> (0, 0, 0)>
#map2 = affine_map<(d0, d1) -> (0)>
module attributes {stable_mosaic.version = 14 : i64} {
  func.func @_sc_body(%arg0: i32, %arg1: i32, %arg2: memref<8x19x512x512xf32, #tpu.memory_space<hbm>>, %arg3: memref<8x512x512xi32, #tpu.memory_space<hbm>>, %arg4: memref<2x512x512xf32, #tpu.memory_space<hbm>>, %arg5: memref<512xf32, #tpu.memory_space<hbm>>, %arg6: memref<512xf32, #tpu.memory_space<hbm>>, %arg7: memref<512xf32, #tpu.memory_space<hbm>>, %arg8: memref<304x256xf32, #tpu.memory_space<vmem>>, %arg9: memref<16x256xi32, #tpu.memory_space<vmem>>, %arg10: memref<16x256xf32, #tpu.memory_space<vmem>>, %arg11: memref<16xf32, #tpu.memory_space<vmem>>, %arg12: memref<!tpu.dma_semaphore, #tpu.memory_space<semaphore_mem>>, %arg13: memref<!tpu.dma_semaphore, #tpu.memory_space<semaphore_mem>>) attributes {dimension_semantics = [#tpu.dimension_semantics<core_parallel>, #tpu.dimension_semantics<subcore_parallel>], iteration_bounds = array<i64: 2, 16>, scalar_prefetch = 0 : i64, scratch_operands = 6 : i64, tpu.core_type = #tpu.core_type<sc_vector_subcore>, window_params = [{transform_indices = #map}, {transform_indices = #map1}, {transform_indices = #map1}, {transform_indices = #map2}, {transform_indices = #map2}, {transform_indices = #map2}]} {
    %mul3A = arith.constant 2 : i32
    %mul3A_0 = arith.muli %arg1, %mul3A : i32
    %add3A = arith.addi %mul3A_0, %arg0 : i32
    %jit3A = arith.constant 16 : i32
    %div3A = arith.divsi %add3A, %jit3A : i32
    %sign3A = arith.constant 0 : i32
    %sign3A_1 = arith.cmpi sgt, %add3A, %sign3A : i32
    %sign3A_2 = arith.extui %sign3A_1 : i1 to i32
    %sign3A_3 = arith.constant 0 : i32
    %sign3A_4 = arith.cmpi slt, %add3A, %sign3A_3 : i32
    %sign3A_5 = arith.extui %sign3A_4 : i1 to i32
    %sign3A_6 = arith.subi %sign3A_2, %sign3A_5 : i32
    %sign3A_7 = arith.constant 0 : i32
    %sign3A_8 = arith.cmpi sgt, %jit3A, %sign3A_7 : i32
    %sign3A_9 = arith.extui %sign3A_8 : i1 to i32
    %sign3A_10 = arith.constant 0 : i32
    %sign3A_11 = arith.cmpi slt, %jit3A, %sign3A_10 : i32
    %sign3A_12 = arith.extui %sign3A_11 : i1 to i32
    %sign3A_13 = arith.subi %sign3A_9, %sign3A_12 : i32
    %ne3A = arith.cmpi ne, %sign3A_6, %sign3A_13 : i32
    %rem3A = arith.remsi %add3A, %jit3A : i32
    %ne3A_14 = arith.constant 0 : i32
    %ne3A_15 = arith.cmpi ne, %rem3A, %ne3A_14 : i32
    %and3A = arith.andi %ne3A, %ne3A_15 : i1
    %sub3A = arith.constant 1 : i32
    %sub3A_16 = arith.subi %div3A, %sub3A : i32
    %select_n3A = arith.select %and3A, %sub3A_16, %div3A : i32
    %jit3A_17 = arith.constant 16 : i32
    %eq3A = arith.constant 0 : i32
    %eq3A_18 = arith.cmpi eq, %jit3A_17, %eq3A : i32
    %jit3A_19 = arith.constant 1 : i32
    %select_n3A_20 = arith.select %eq3A_18, %jit3A_19, %jit3A_17 : i32
    %rem3A_21 = arith.remsi %add3A, %select_n3A_20 : i32
    %ne3A_22 = arith.constant 0 : i32
    %ne3A_23 = arith.cmpi ne, %rem3A_21, %ne3A_22 : i32
    %lt3A = arith.constant 0 : i32
    %lt3A_24 = arith.cmpi slt, %rem3A_21, %lt3A : i32
    %lt3A_25 = arith.constant 0 : i32
    %lt3A_26 = arith.cmpi slt, %select_n3A_20, %lt3A_25 : i32
    %ne3A_27 = arith.xori %lt3A_24, %lt3A_26 : i1
    %and3A_28 = arith.andi %ne3A_27, %ne3A_23 : i1
    %add3A_29 = arith.addi %rem3A_21, %select_n3A_20 : i32
    %select_n3A_30 = arith.select %and3A_28, %add3A_29, %rem3A_21 : i32
    %mul3A_31 = arith.constant 32 : i32
    %mul3A_32 = arith.muli %select_n3A_30, %mul3A_31 : i32
    %broadcast_in_dim3A = arith.constant 0.000000e+00 : f32
    %broadcast_in_dim3A_33 = vector.broadcast %broadcast_in_dim3A : f32 to vector<16xf32>
    %add3A_34 = arith.constant 0 : i32
    %add3A_35 = arith.addi %mul3A_32, %add3A_34 : i32
    %dma_start3A = arith.constant 0 : i32
    %dma_start3A_36 = arith.constant 0 : i32
    %dma_start3A_37 = arith.constant 0 : i32
    %dma_start3A_38 = tpu.memref_slice %arg8[%dma_start3A_36, %dma_start3A_37] : memref<304x256xf32, #tpu.memory_space<vmem>> -> memref<8x256xf32, #tpu.memory_space<vmem>>
    %dma_start3A_39 = arith.constant 0 : i32
    %dma_start3A_40 = tpu.memref_slice %arg2[%select_n3A, %dma_start3A, %add3A_35, %dma_start3A_39] : memref<8x19x512x512xf32, #tpu.memory_space<hbm>> -> memref<1x1x8x256xf32, #tpu.memory_space<hbm>>
    %dma_start3A_41 = tpu.memref_squeeze %dma_start3A_40 : memref<1x1x8x256xf32, #tpu.memory_space<hbm>> -> memref<8x256xf32, #tpu.memory_space<hbm>>
    %dma_start3A_42 = arith.constant 0 : i32
    %dma_start3A_43 = arith.constant 0 : i32
    %dma_start3A_44 = tpu.memref_slice %arg8[%dma_start3A_42, %dma_start3A_43] : memref<304x256xf32, #tpu.memory_space<vmem>> -> memref<8x256xf32, #tpu.memory_space<vmem>>
    %dma_start3A_45 = arith.constant 0 : i32
    %dma_start3A_46 = tpu.memref_slice %arg2[%select_n3A, %dma_start3A, %add3A_35, %dma_start3A_45] : memref<8x19x512x512xf32, #tpu.memory_space<hbm>> -> memref<1x1x8x256xf32, #tpu.memory_space<hbm>>
    %dma_start3A_47 = tpu.memref_squeeze %dma_start3A_46 : memref<1x1x8x256xf32, #tpu.memory_space<hbm>> -> memref<8x256xf32, #tpu.memory_space<hbm>>
    tpu.enqueue_dma source(%dma_start3A_47 : memref<8x256xf32, #tpu.memory_space<hbm>>) target(%dma_start3A_44 : memref<8x256xf32, #tpu.memory_space<vmem>>) target_semaphore(%arg12 : memref<!tpu.dma_semaphore, #tpu.memory_space<semaphore_mem>>)
    %dma_start3A_48 = arith.constant 1 : i32
    %dma_start3A_49 = arith.constant 8 : i32
    %dma_start3A_50 = arith.constant 0 : i32
    %dma_start3A_51 = tpu.memref_slice %arg8[%dma_start3A_49, %dma_start3A_50] : memref<304x256xf32, #tpu.memory_space<vmem>> -> memref<8x256xf32, #tpu.memory_space<vmem>>
    %dma_start3A_52 = arith.constant 0 : i32
    %dma_start3A_53 = tpu.memref_slice %arg2[%select_n3A, %dma_start3A_48, %add3A_35, %dma_start3A_52] : memref<8x19x512x512xf32, #tpu.memory_space<hbm>> -> memref<1x1x8x256xf32, #tpu.memory_space<hbm>>
    %dma_start3A_54 = tpu.memref_squeeze %dma_start3A_53 : memref<1x1x8x256xf32, #tpu.memory_space<hbm>> -> memref<8x256xf32, #tpu.memory_space<hbm>>
    %dma_start3A_55 = arith.constant 8 : i32
    %dma_start3A_56 = arith.constant 0 : i32
    %dma_start3A_57 = tpu.memref_slice %arg8[%dma_start3A_55, %dma_start3A_56] : memref<304x256xf32, #tpu.memory_space<vmem>> -> memref<8x256xf32, #tpu.memory_space<vmem>>
    %dma_start3A_58 = arith.constant 0 : i32
    %dma_start3A_59 = tpu.memref_slice %arg2[%select_n3A, %dma_start3A_48, %add3A_35, %dma_start3A_58] : memref<8x19x512x512xf32, #tpu.memory_space<hbm>> -> memref<1x1x8x256xf32, #tpu.memory_space<hbm>>
    %dma_start3A_60 = tpu.memref_squeeze %dma_start3A_59 : memref<1x1x8x256xf32, #tpu.memory_space<hbm>> -> memref<8x256xf32, #tpu.memory_space<hbm>>
    tpu.enqueue_dma source(%dma_start3A_60 : memref<8x256xf32, #tpu.memory_space<hbm>>) target(%dma_start3A_57 : memref<8x256xf32, #tpu.memory_space<vmem>>) target_semaphore(%arg12 : memref<!tpu.dma_semaphore, #tpu.memory_space<semaphore_mem>>)
    %dma_start3A_61 = arith.constant 2 : i32
    %dma_start3A_62 = arith.constant 16 : i32
    %dma_start3A_63 = arith.constant 0 : i32
    %dma_start3A_64 = tpu.memref_slice %arg8[%dma_start3A_62, %dma_start3A_63] : memref<304x256xf32, #tpu.memory_space<vmem>> -> memref<8x256xf32, #tpu.memory_space<vmem>>
    %dma_start3A_65 = arith.constant 0 : i32
    %dma_start3A_66 = tpu.memref_slice %arg2[%select_n3A, %dma_start3A_61, %add3A_35, %dma_start3A_65] : memref<8x19x512x512xf32, #tpu.memory_space<hbm>> -> memref<1x1x8x256xf32, #tpu.memory_space<hbm>>
    %dma_start3A_67 = tpu.memref_squeeze %dma_start3A_66 : memref<1x1x8x256xf32, #tpu.memory_space<hbm>> -> memref<8x256xf32, #tpu.memory_space<hbm>>
    %dma_start3A_68 = arith.constant 16 : i32
    %dma_start3A_69 = arith.constant 0 : i32
    %dma_start3A_70 = tpu.memref_slice %arg8[%dma_start3A_68, %dma_start3A_69] : memref<304x256xf32, #tpu.memory_space<vmem>> -> memref<8x256xf32, #tpu.memory_space<vmem>>
    %dma_start3A_71 = arith.constant 0 : i32
    %dma_start3A_72 = tpu.memref_slice %arg2[%select_n3A, %dma_start3A_61, %add3A_35, %dma_start3A_71] : memref<8x19x512x512xf32, #tpu.memory_space<hbm>> -> memref<1x1x8x256xf32, #tpu.memory_space<hbm>>
    %dma_start3A_73 = tpu.memref_squeeze %dma_start3A_72 : memref<1x1x8x256xf32, #tpu.memory_space<hbm>> -> memref<8x256xf32, #tpu.memory_space<hbm>>
    tpu.enqueue_dma source(%dma_start3A_73 : memref<8x256xf32, #tpu.memory_space<hbm>>) target(%dma_start3A_70 : memref<8x256xf32, #tpu.memory_space<vmem>>) target_semaphore(%arg12 : memref<!tpu.dma_semaphore, #tpu.memory_space<semaphore_mem>>)
    %dma_start3A_74 = arith.constant 3 : i32
    %dma_start3A_75 = arith.constant 24 : i32
    %dma_start3A_76 = arith.constant 0 : i32
    %dma_start3A_77 = tpu.memref_slice %arg8[%dma_start3A_75, %dma_start3A_76] : memref<304x256xf32, #tpu.memory_space<vmem>> -> memref<8x256xf32, #tpu.memory_space<vmem>>
    %dma_start3A_78 = arith.constant 0 : i32
    %dma_start3A_79 = tpu.memref_slice %arg2[%select_n3A, %dma_start3A_74, %add3A_35, %dma_start3A_78] : memref<8x19x512x512xf32, #tpu.memory_space<hbm>> -> memref<1x1x8x256xf32, #tpu.memory_space<hbm>>
    %dma_start3A_80 = tpu.memref_squeeze %dma_start3A_79 : memref<1x1x8x256xf32, #tpu.memory_space<hbm>> -> memref<8x256xf32, #tpu.memory_space<hbm>>
    %dma_start3A_81 = arith.constant 24 : i32
    %dma_start3A_82 = arith.constant 0 : i32
    %dma_start3A_83 = tpu.memref_slice %arg8[%dma_start3A_81, %dma_start3A_82] : memref<304x256xf32, #tpu.memory_space<vmem>> -> memref<8x256xf32, #tpu.memory_space<vmem>>
    %dma_start3A_84 = arith.constant 0 : i32
    %dma_start3A_85 = tpu.memref_slice %arg2[%select_n3A, %dma_start3A_74, %add3A_35, %dma_start3A_84] : memref<8x19x512x512xf32, #tpu.memory_space<hbm>> -> memref<1x1x8x256xf32, #tpu.memory_space<hbm>>
    %dma_start3A_86 = tpu.memref_squeeze %dma_start3A_85 : memref<1x1x8x256xf32, #tpu.memory_space<hbm>> -> memref<8x256xf32, #tpu.memory_space<hbm>>
    tpu.enqueue_dma source(%dma_start3A_86 : memref<8x256xf32, #tpu.memory_space<hbm>>) target(%dma_start3A_83 : memref<8x256xf32, #tpu.memory_space<vmem>>) target_semaphore(%arg12 : memref<!tpu.dma_semaphore, #tpu.memory_space<semaphore_mem>>)
    %dma_start3A_87 = arith.constant 4 : i32
    %dma_start3A_88 = arith.constant 32 : i32
    %dma_start3A_89 = arith.constant 0 : i32
    %dma_start3A_90 = tpu.memref_slice %arg8[%dma_start3A_88, %dma_start3A_89] : memref<304x256xf32, #tpu.memory_space<vmem>> -> memref<8x256xf32, #tpu.memory_space<vmem>>
    %dma_start3A_91 = arith.constant 0 : i32
    %dma_start3A_92 = tpu.memref_slice %arg2[%select_n3A, %dma_start3A_87, %add3A_35, %dma_start3A_91] : memref<8x19x512x512xf32, #tpu.memory_space<hbm>> -> memref<1x1x8x256xf32, #tpu.memory_space<hbm>>
    %dma_start3A_93 = tpu.memref_squeeze %dma_start3A_92 : memref<1x1x8x256xf32, #tpu.memory_space<hbm>> -> memref<8x256xf32, #tpu.memory_space<hbm>>
    %dma_start3A_94 = arith.constant 32 : i32
    %dma_start3A_95 = arith.constant 0 : i32
    %dma_start3A_96 = tpu.memref_slice %arg8[%dma_start3A_94, %dma_start3A_95] : memref<304x256xf32, #tpu.memory_space<vmem>> -> memref<8x256xf32, #tpu.memory_space<vmem>>
    %dma_start3A_97 = arith.constant 0 : i32
    %dma_start3A_98 = tpu.memref_slice %arg2[%select_n3A, %dma_start3A_87, %add3A_35, %dma_start3A_97] : memref<8x19x512x512xf32, #tpu.memory_space<hbm>> -> memref<1x1x8x256xf32, #tpu.memory_space<hbm>>
    %dma_start3A_99 = tpu.memref_squeeze %dma_start3A_98 : memref<1x1x8x256xf32, #tpu.memory_space<hbm>> -> memref<8x256xf32, #tpu.memory_space<hbm>>
    tpu.enqueue_dma source(%dma_start3A_99 : memref<8x256xf32, #tpu.memory_space<hbm>>) target(%dma_start3A_96 : memref<8x256xf32, #tpu.memory_space<vmem>>) target_semaphore(%arg12 : memref<!tpu.dma_semaphore, #tpu.memory_space<semaphore_mem>>)
    %dma_start3A_100 = arith.constant 5 : i32
    %dma_start3A_101 = arith.constant 40 : i32
    %dma_start3A_102 = arith.constant 0 : i32
    %dma_start3A_103 = tpu.memref_slice %arg8[%dma_start3A_101, %dma_start3A_102] : memref<304x256xf32, #tpu.memory_space<vmem>> -> memref<8x256xf32, #tpu.memory_space<vmem>>
    %dma_start3A_104 = arith.constant 0 : i32
    %dma_start3A_105 = tpu.memref_slice %arg2[%select_n3A, %dma_start3A_100, %add3A_35, %dma_start3A_104] : memref<8x19x512x512xf32, #tpu.memory_space<hbm>> -> memref<1x1x8x256xf32, #tpu.memory_space<hbm>>
    %dma_start3A_106 = tpu.memref_squeeze %dma_start3A_105 : memref<1x1x8x256xf32, #tpu.memory_space<hbm>> -> memref<8x256xf32, #tpu.memory_space<hbm>>
    %dma_start3A_107 = arith.constant 40 : i32
    %dma_start3A_108 = arith.constant 0 : i32
    %dma_start3A_109 = tpu.memref_slice %arg8[%dma_start3A_107, %dma_start3A_108] : memref<304x256xf32, #tpu.memory_space<vmem>> -> memref<8x256xf32, #tpu.memory_space<vmem>>
    %dma_start3A_110 = arith.constant 0 : i32
    %dma_start3A_111 = tpu.memref_slice %arg2[%select_n3A, %dma_start3A_100, %add3A_35, %dma_start3A_110] : memref<8x19x512x512xf32, #tpu.memory_space<hbm>> -> memref<1x1x8x256xf32, #tpu.memory_space<hbm>>
    %dma_start3A_112 = tpu.memref_squeeze %dma_start3A_111 : memref<1x1x8x256xf32, #tpu.memory_space<hbm>> -> memref<8x256xf32, #tpu.memory_space<hbm>>
    tpu.enqueue_dma source(%dma_start3A_112 : memref<8x256xf32, #tpu.memory_space<hbm>>) target(%dma_start3A_109 : memref<8x256xf32, #tpu.memory_space<vmem>>) target_semaphore(%arg12 : memref<!tpu.dma_semaphore, #tpu.memory_space<semaphore_mem>>)
    %dma_start3A_113 = arith.constant 6 : i32
    %dma_start3A_114 = arith.constant 48 : i32
    %dma_start3A_115 = arith.constant 0 : i32
    %dma_start3A_116 = tpu.memref_slice %arg8[%dma_start3A_114, %dma_start3A_115] : memref<304x256xf32, #tpu.memory_space<vmem>> -> memref<8x256xf32, #tpu.memory_space<vmem>>
    %dma_start3A_117 = arith.constant 0 : i32
    %dma_start3A_118 = tpu.memref_slice %arg2[%select_n3A, %dma_start3A_113, %add3A_35, %dma_start3A_117] : memref<8x19x512x512xf32, #tpu.memory_space<hbm>> -> memref<1x1x8x256xf32, #tpu.memory_space<hbm>>
    %dma_start3A_119 = tpu.memref_squeeze %dma_start3A_118 : memref<1x1x8x256xf32, #tpu.memory_space<hbm>> -> memref<8x256xf32, #tpu.memory_space<hbm>>
    %dma_start3A_120 = arith.constant 48 : i32
    %dma_start3A_121 = arith.constant 0 : i32
    %dma_start3A_122 = tpu.memref_slice %arg8[%dma_start3A_120, %dma_start3A_121] : memref<304x256xf32, #tpu.memory_space<vmem>> -> memref<8x256xf32, #tpu.memory_space<vmem>>
    %dma_start3A_123 = arith.constant 0 : i32
    %dma_start3A_124 = tpu.memref_slice %arg2[%select_n3A, %dma_start3A_113, %add3A_35, %dma_start3A_123] : memref<8x19x512x512xf32, #tpu.memory_space<hbm>> -> memref<1x1x8x256xf32, #tpu.memory_space<hbm>>
    %dma_start3A_125 = tpu.memref_squeeze %dma_start3A_124 : memref<1x1x8x256xf32, #tpu.memory_space<hbm>> -> memref<8x256xf32, #tpu.memory_space<hbm>>
    tpu.enqueue_dma source(%dma_start3A_125 : memref<8x256xf32, #tpu.memory_space<hbm>>) target(%dma_start3A_122 : memref<8x256xf32, #tpu.memory_space<vmem>>) target_semaphore(%arg12 : memref<!tpu.dma_semaphore, #tpu.memory_space<semaphore_mem>>)
    %dma_start3A_126 = arith.constant 7 : i32
    %dma_start3A_127 = arith.constant 56 : i32
    %dma_start3A_128 = arith.constant 0 : i32
    %dma_start3A_129 = tpu.memref_slice %arg8[%dma_start3A_127, %dma_start3A_128] : memref<304x256xf32, #tpu.memory_space<vmem>> -> memref<8x256xf32, #tpu.memory_space<vmem>>
    %dma_start3A_130 = arith.constant 0 : i32
    %dma_start3A_131 = tpu.memref_slice %arg2[%select_n3A, %dma_start3A_126, %add3A_35, %dma_start3A_130] : memref<8x19x512x512xf32, #tpu.memory_space<hbm>> -> memref<1x1x8x256xf32, #tpu.memory_space<hbm>>
    %dma_start3A_132 = tpu.memref_squeeze %dma_start3A_131 : memref<1x1x8x256xf32, #tpu.memory_space<hbm>> -> memref<8x256xf32, #tpu.memory_space<hbm>>
    %dma_start3A_133 = arith.constant 56 : i32
    %dma_start3A_134 = arith.constant 0 : i32
    %dma_start3A_135 = tpu.memref_slice %arg8[%dma_start3A_133, %dma_start3A_134] : memref<304x256xf32, #tpu.memory_space<vmem>> -> memref<8x256xf32, #tpu.memory_space<vmem>>
    %dma_start3A_136 = arith.constant 0 : i32
    %dma_start3A_137 = tpu.memref_slice %arg2[%select_n3A, %dma_start3A_126, %add3A_35, %dma_start3A_136] : memref<8x19x512x512xf32, #tpu.memory_space<hbm>> -> memref<1x1x8x256xf32, #tpu.memory_space<hbm>>
    %dma_start3A_138 = tpu.memref_squeeze %dma_start3A_137 : memref<1x1x8x256xf32, #tpu.memory_space<hbm>> -> memref<8x256xf32, #tpu.memory_space<hbm>>
    tpu.enqueue_dma source(%dma_start3A_138 : memref<8x256xf32, #tpu.memory_space<hbm>>) target(%dma_start3A_135 : memref<8x256xf32, #tpu.memory_space<vmem>>) target_semaphore(%arg12 : memref<!tpu.dma_semaphore, #tpu.memory_space<semaphore_mem>>)
    %dma_start3A_139 = arith.constant 8 : i32
    %dma_start3A_140 = arith.constant 64 : i32
    %dma_start3A_141 = arith.constant 0 : i32
    %dma_start3A_142 = tpu.memref_slice %arg8[%dma_start3A_140, %dma_start3A_141] : memref<304x256xf32, #tpu.memory_space<vmem>> -> memref<8x256xf32, #tpu.memory_space<vmem>>
    %dma_start3A_143 = arith.constant 0 : i32
    %dma_start3A_144 = tpu.memref_slice %arg2[%select_n3A, %dma_start3A_139, %add3A_35, %dma_start3A_143] : memref<8x19x512x512xf32, #tpu.memory_space<hbm>> -> memref<1x1x8x256xf32, #tpu.memory_space<hbm>>
    %dma_start3A_145 = tpu.memref_squeeze %dma_start3A_144 : memref<1x1x8x256xf32, #tpu.memory_space<hbm>> -> memref<8x256xf32, #tpu.memory_space<hbm>>
    %dma_start3A_146 = arith.constant 64 : i32
    %dma_start3A_147 = arith.constant 0 : i32
    %dma_start3A_148 = tpu.memref_slice %arg8[%dma_start3A_146, %dma_start3A_147] : memref<304x256xf32, #tpu.memory_space<vmem>> -> memref<8x256xf32, #tpu.memory_space<vmem>>
    %dma_start3A_149 = arith.constant 0 : i32
    %dma_start3A_150 = tpu.memref_slice %arg2[%select_n3A, %dma_start3A_139, %add3A_35, %dma_start3A_149] : memref<8x19x512x512xf32, #tpu.memory_space<hbm>> -> memref<1x1x8x256xf32, #tpu.memory_space<hbm>>
    %dma_start3A_151 = tpu.memref_squeeze %dma_start3A_150 : memref<1x1x8x256xf32, #tpu.memory_space<hbm>> -> memref<8x256xf32, #tpu.memory_space<hbm>>
    tpu.enqueue_dma source(%dma_start3A_151 : memref<8x256xf32, #tpu.memory_space<hbm>>) target(%dma_start3A_148 : memref<8x256xf32, #tpu.memory_space<vmem>>) target_semaphore(%arg12 : memref<!tpu.dma_semaphore, #tpu.memory_space<semaphore_mem>>)
    %dma_start3A_152 = arith.constant 9 : i32
    %dma_start3A_153 = arith.constant 72 : i32
    %dma_start3A_154 = arith.constant 0 : i32
    %dma_start3A_155 = tpu.memref_slice %arg8[%dma_start3A_153, %dma_start3A_154] : memref<304x256xf32, #tpu.memory_space<vmem>> -> memref<8x256xf32, #tpu.memory_space<vmem>>
    %dma_start3A_156 = arith.constant 0 : i32
    %dma_start3A_157 = tpu.memref_slice %arg2[%select_n3A, %dma_start3A_152, %add3A_35, %dma_start3A_156] : memref<8x19x512x512xf32, #tpu.memory_space<hbm>> -> memref<1x1x8x256xf32, #tpu.memory_space<hbm>>
    %dma_start3A_158 = tpu.memref_squeeze %dma_start3A_157 : memref<1x1x8x256xf32, #tpu.memory_space<hbm>> -> memref<8x256xf32, #tpu.memory_space<hbm>>
    %dma_start3A_159 = arith.constant 72 : i32
    %dma_start3A_160 = arith.constant 0 : i32
    %dma_start3A_161 = tpu.memref_slice %arg8[%dma_start3A_159, %dma_start3A_160] : memref<304x256xf32, #tpu.memory_space<vmem>> -> memref<8x256xf32, #tpu.memory_space<vmem>>
    %dma_start3A_162 = arith.constant 0 : i32
    %dma_start3A_163 = tpu.memref_slice %arg2[%select_n3A, %dma_start3A_152, %add3A_35, %dma_start3A_162] : memref<8x19x512x512xf32, #tpu.memory_space<hbm>> -> memref<1x1x8x256xf32, #tpu.memory_space<hbm>>
    %dma_start3A_164 = tpu.memref_squeeze %dma_start3A_163 : memref<1x1x8x256xf32, #tpu.memory_space<hbm>> -> memref<8x256xf32, #tpu.memory_space<hbm>>
    tpu.enqueue_dma source(%dma_start3A_164 : memref<8x256xf32, #tpu.memory_space<hbm>>) target(%dma_start3A_161 : memref<8x256xf32, #tpu.memory_space<vmem>>) target_semaphore(%arg12 : memref<!tpu.dma_semaphore, #tpu.memory_space<semaphore_mem>>)
    %dma_start3A_165 = arith.constant 10 : i32
    %dma_start3A_166 = arith.constant 80 : i32
    %dma_start3A_167 = arith.constant 0 : i32
    %dma_start3A_168 = tpu.memref_slice %arg8[%dma_start3A_166, %dma_start3A_167] : memref<304x256xf32, #tpu.memory_space<vmem>> -> memref<8x256xf32, #tpu.memory_space<vmem>>
    %dma_start3A_169 = arith.constant 0 : i32
    %dma_start3A_170 = tpu.memref_slice %arg2[%select_n3A, %dma_start3A_165, %add3A_35, %dma_start3A_169] : memref<8x19x512x512xf32, #tpu.memory_space<hbm>> -> memref<1x1x8x256xf32, #tpu.memory_space<hbm>>
    %dma_start3A_171 = tpu.memref_squeeze %dma_start3A_170 : memref<1x1x8x256xf32, #tpu.memory_space<hbm>> -> memref<8x256xf32, #tpu.memory_space<hbm>>
    %dma_start3A_172 = arith.constant 80 : i32
    %dma_start3A_173 = arith.constant 0 : i32
    %dma_start3A_174 = tpu.memref_slice %arg8[%dma_start3A_172, %dma_start3A_173] : memref<304x256xf32, #tpu.memory_space<vmem>> -> memref<8x256xf32, #tpu.memory_space<vmem>>
    %dma_start3A_175 = arith.constant 0 : i32
    %dma_start3A_176 = tpu.memref_slice %arg2[%select_n3A, %dma_start3A_165, %add3A_35, %dma_start3A_175] : memref<8x19x512x512xf32, #tpu.memory_space<hbm>> -> memref<1x1x8x256xf32, #tpu.memory_space<hbm>>
    %dma_start3A_177 = tpu.memref_squeeze %dma_start3A_176 : memref<1x1x8x256xf32, #tpu.memory_space<hbm>> -> memref<8x256xf32, #tpu.memory_space<hbm>>
    tpu.enqueue_dma source(%dma_start3A_177 : memref<8x256xf32, #tpu.memory_space<hbm>>) target(%dma_start3A_174 : memref<8x256xf32, #tpu.memory_space<vmem>>) target_semaphore(%arg12 : memref<!tpu.dma_semaphore, #tpu.memory_space<semaphore_mem>>)
    %dma_start3A_178 = arith.constant 11 : i32
    %dma_start3A_179 = arith.constant 88 : i32
    %dma_start3A_180 = arith.constant 0 : i32
    %dma_start3A_181 = tpu.memref_slice %arg8[%dma_start3A_179, %dma_start3A_180] : memref<304x256xf32, #tpu.memory_space<vmem>> -> memref<8x256xf32, #tpu.memory_space<vmem>>
    %dma_start3A_182 = arith.constant 0 : i32
    %dma_start3A_183 = tpu.memref_slice %arg2[%select_n3A, %dma_start3A_178, %add3A_35, %dma_start3A_182] : memref<8x19x512x512xf32, #tpu.memory_space<hbm>> -> memref<1x1x8x256xf32, #tpu.memory_space<hbm>>
    %dma_start3A_184 = tpu.memref_squeeze %dma_start3A_183 : memref<1x1x8x256xf32, #tpu.memory_space<hbm>> -> memref<8x256xf32, #tpu.memory_space<hbm>>
    %dma_start3A_185 = arith.constant 88 : i32
    %dma_start3A_186 = arith.constant 0 : i32
    %dma_start3A_187 = tpu.memref_slice %arg8[%dma_start3A_185, %dma_start3A_186] : memref<304x256xf32, #tpu.memory_space<vmem>> -> memref<8x256xf32, #tpu.memory_space<vmem>>
    %dma_start3A_188 = arith.constant 0 : i32
    %dma_start3A_189 = tpu.memref_slice %arg2[%select_n3A, %dma_start3A_178, %add3A_35, %dma_start3A_188] : memref<8x19x512x512xf32, #tpu.memory_space<hbm>> -> memref<1x1x8x256xf32, #tpu.memory_space<hbm>>
    %dma_start3A_190 = tpu.memref_squeeze %dma_start3A_189 : memref<1x1x8x256xf32, #tpu.memory_space<hbm>> -> memref<8x256xf32, #tpu.memory_space<hbm>>
    tpu.enqueue_dma source(%dma_start3A_190 : memref<8x256xf32, #tpu.memory_space<hbm>>) target(%dma_start3A_187 : memref<8x256xf32, #tpu.memory_space<vmem>>) target_semaphore(%arg12 : memref<!tpu.dma_semaphore, #tpu.memory_space<semaphore_mem>>)
    %dma_start3A_191 = arith.constant 12 : i32
    %dma_start3A_192 = arith.constant 96 : i32
    %dma_start3A_193 = arith.constant 0 : i32
    %dma_start3A_194 = tpu.memref_slice %arg8[%dma_start3A_192, %dma_start3A_193] : memref<304x256xf32, #tpu.memory_space<vmem>> -> memref<8x256xf32, #tpu.memory_space<vmem>>
    %dma_start3A_195 = arith.constant 0 : i32
    %dma_start3A_196 = tpu.memref_slice %arg2[%select_n3A, %dma_start3A_191, %add3A_35, %dma_start3A_195] : memref<8x19x512x512xf32, #tpu.memory_space<hbm>> -> memref<1x1x8x256xf32, #tpu.memory_space<hbm>>
    %dma_start3A_197 = tpu.memref_squeeze %dma_start3A_196 : memref<1x1x8x256xf32, #tpu.memory_space<hbm>> -> memref<8x256xf32, #tpu.memory_space<hbm>>
    %dma_start3A_198 = arith.constant 96 : i32
    %dma_start3A_199 = arith.constant 0 : i32
    %dma_start3A_200 = tpu.memref_slice %arg8[%dma_start3A_198, %dma_start3A_199] : memref<304x256xf32, #tpu.memory_space<vmem>> -> memref<8x256xf32, #tpu.memory_space<vmem>>
    %dma_start3A_201 = arith.constant 0 : i32
    %dma_start3A_202 = tpu.memref_slice %arg2[%select_n3A, %dma_start3A_191, %add3A_35, %dma_start3A_201] : memref<8x19x512x512xf32, #tpu.memory_space<hbm>> -> memref<1x1x8x256xf32, #tpu.memory_space<hbm>>
    %dma_start3A_203 = tpu.memref_squeeze %dma_start3A_202 : memref<1x1x8x256xf32, #tpu.memory_space<hbm>> -> memref<8x256xf32, #tpu.memory_space<hbm>>
    tpu.enqueue_dma source(%dma_start3A_203 : memref<8x256xf32, #tpu.memory_space<hbm>>) target(%dma_start3A_200 : memref<8x256xf32, #tpu.memory_space<vmem>>) target_semaphore(%arg12 : memref<!tpu.dma_semaphore, #tpu.memory_space<semaphore_mem>>)
    %dma_start3A_204 = arith.constant 13 : i32
    %dma_start3A_205 = arith.constant 104 : i32
    %dma_start3A_206 = arith.constant 0 : i32
    %dma_start3A_207 = tpu.memref_slice %arg8[%dma_start3A_205, %dma_start3A_206] : memref<304x256xf32, #tpu.memory_space<vmem>> -> memref<8x256xf32, #tpu.memory_space<vmem>>
    %dma_start3A_208 = arith.constant 0 : i32
    %dma_start3A_209 = tpu.memref_slice %arg2[%select_n3A, %dma_start3A_204, %add3A_35, %dma_start3A_208] : memref<8x19x512x512xf32, #tpu.memory_space<hbm>> -> memref<1x1x8x256xf32, #tpu.memory_space<hbm>>
    %dma_start3A_210 = tpu.memref_squeeze %dma_start3A_209 : memref<1x1x8x256xf32, #tpu.memory_space<hbm>> -> memref<8x256xf32, #tpu.memory_space<hbm>>
    %dma_start3A_211 = arith.constant 104 : i32
    %dma_start3A_212 = arith.constant 0 : i32
    %dma_start3A_213 = tpu.memref_slice %arg8[%dma_start3A_211, %dma_start3A_212] : memref<304x256xf32, #tpu.memory_space<vmem>> -> memref<8x256xf32, #tpu.memory_space<vmem>>
    %dma_start3A_214 = arith.constant 0 : i32
    %dma_start3A_215 = tpu.memref_slice %arg2[%select_n3A, %dma_start3A_204, %add3A_35, %dma_start3A_214] : memref<8x19x512x512xf32, #tpu.memory_space<hbm>> -> memref<1x1x8x256xf32, #tpu.memory_space<hbm>>
    %dma_start3A_216 = tpu.memref_squeeze %dma_start3A_215 : memref<1x1x8x256xf32, #tpu.memory_space<hbm>> -> memref<8x256xf32, #tpu.memory_space<hbm>>
    tpu.enqueue_dma source(%dma_start3A_216 : memref<8x256xf32, #tpu.memory_space<hbm>>) target(%dma_start3A_213 : memref<8x256xf32, #tpu.memory_space<vmem>>) target_semaphore(%arg12 : memref<!tpu.dma_semaphore, #tpu.memory_space<semaphore_mem>>)
    %dma_start3A_217 = arith.constant 14 : i32
    %dma_start3A_218 = arith.constant 112 : i32
    %dma_start3A_219 = arith.constant 0 : i32
    %dma_start3A_220 = tpu.memref_slice %arg8[%dma_start3A_218, %dma_start3A_219] : memref<304x256xf32, #tpu.memory_space<vmem>> -> memref<8x256xf32, #tpu.memory_space<vmem>>
    %dma_start3A_221 = arith.constant 0 : i32
    %dma_start3A_222 = tpu.memref_slice %arg2[%select_n3A, %dma_start3A_217, %add3A_35, %dma_start3A_221] : memref<8x19x512x512xf32, #tpu.memory_space<hbm>> -> memref<1x1x8x256xf32, #tpu.memory_space<hbm>>
    %dma_start3A_223 = tpu.memref_squeeze %dma_start3A_222 : memref<1x1x8x256xf32, #tpu.memory_space<hbm>> -> memref<8x256xf32, #tpu.memory_space<hbm>>
    %dma_start3A_224 = arith.constant 112 : i32
    %dma_start3A_225 = arith.constant 0 : i32
    %dma_start3A_226 = tpu.memref_slice %arg8[%dma_start3A_224, %dma_start3A_225] : memref<304x256xf32, #tpu.memory_space<vmem>> -> memref<8x256xf32, #tpu.memory_space<vmem>>
    %dma_start3A_227 = arith.constant 0 : i32
    %dma_start3A_228 = tpu.memref_slice %arg2[%select_n3A, %dma_start3A_217, %add3A_35, %dma_start3A_227] : memref<8x19x512x512xf32, #tpu.memory_space<hbm>> -> memref<1x1x8x256xf32, #tpu.memory_space<hbm>>
    %dma_start3A_229 = tpu.memref_squeeze %dma_start3A_228 : memref<1x1x8x256xf32, #tpu.memory_space<hbm>> -> memref<8x256xf32, #tpu.memory_space<hbm>>
    tpu.enqueue_dma source(%dma_start3A_229 : memref<8x256xf32, #tpu.memory_space<hbm>>) target(%dma_start3A_226 : memref<8x256xf32, #tpu.memory_space<vmem>>) target_semaphore(%arg12 : memref<!tpu.dma_semaphore, #tpu.memory_space<semaphore_mem>>)
    %dma_start3A_230 = arith.constant 15 : i32
    %dma_start3A_231 = arith.constant 120 : i32
    %dma_start3A_232 = arith.constant 0 : i32
    %dma_start3A_233 = tpu.memref_slice %arg8[%dma_start3A_231, %dma_start3A_232] : memref<304x256xf32, #tpu.memory_space<vmem>> -> memref<8x256xf32, #tpu.memory_space<vmem>>
    %dma_start3A_234 = arith.constant 0 : i32
    %dma_start3A_235 = tpu.memref_slice %arg2[%select_n3A, %dma_start3A_230, %add3A_35, %dma_start3A_234] : memref<8x19x512x512xf32, #tpu.memory_space<hbm>> -> memref<1x1x8x256xf32, #tpu.memory_space<hbm>>
    %dma_start3A_236 = tpu.memref_squeeze %dma_start3A_235 : memref<1x1x8x256xf32, #tpu.memory_space<hbm>> -> memref<8x256xf32, #tpu.memory_space<hbm>>
    %dma_start3A_237 = arith.constant 120 : i32
    %dma_start3A_238 = arith.constant 0 : i32
    %dma_start3A_239 = tpu.memref_slice %arg8[%dma_start3A_237, %dma_start3A_238] : memref<304x256xf32, #tpu.memory_space<vmem>> -> memref<8x256xf32, #tpu.memory_space<vmem>>
    %dma_start3A_240 = arith.constant 0 : i32
    %dma_start3A_241 = tpu.memref_slice %arg2[%select_n3A, %dma_start3A_230, %add3A_35, %dma_start3A_240] : memref<8x19x512x512xf32, #tpu.memory_space<hbm>> -> memref<1x1x8x256xf32, #tpu.memory_space<hbm>>
    %dma_start3A_242 = tpu.memref_squeeze %dma_start3A_241 : memref<1x1x8x256xf32, #tpu.memory_space<hbm>> -> memref<8x256xf32, #tpu.memory_space<hbm>>
    tpu.enqueue_dma source(%dma_start3A_242 : memref<8x256xf32, #tpu.memory_space<hbm>>) target(%dma_start3A_239 : memref<8x256xf32, #tpu.memory_space<vmem>>) target_semaphore(%arg12 : memref<!tpu.dma_semaphore, #tpu.memory_space<semaphore_mem>>)
    %dma_start3A_243 = arith.constant 16 : i32
    %dma_start3A_244 = arith.constant 128 : i32
    %dma_start3A_245 = arith.constant 0 : i32
    %dma_start3A_246 = tpu.memref_slice %arg8[%dma_start3A_244, %dma_start3A_245] : memref<304x256xf32, #tpu.memory_space<vmem>> -> memref<8x256xf32, #tpu.memory_space<vmem>>
    %dma_start3A_247 = arith.constant 0 : i32
    %dma_start3A_248 = tpu.memref_slice %arg2[%select_n3A, %dma_start3A_243, %add3A_35, %dma_start3A_247] : memref<8x19x512x512xf32, #tpu.memory_space<hbm>> -> memref<1x1x8x256xf32, #tpu.memory_space<hbm>>
    %dma_start3A_249 = tpu.memref_squeeze %dma_start3A_248 : memref<1x1x8x256xf32, #tpu.memory_space<hbm>> -> memref<8x256xf32, #tpu.memory_space<hbm>>
    %dma_start3A_250 = arith.constant 128 : i32
    %dma_start3A_251 = arith.constant 0 : i32
    %dma_start3A_252 = tpu.memref_slice %arg8[%dma_start3A_250, %dma_start3A_251] : memref<304x256xf32, #tpu.memory_space<vmem>> -> memref<8x256xf32, #tpu.memory_space<vmem>>
    %dma_start3A_253 = arith.constant 0 : i32
    %dma_start3A_254 = tpu.memref_slice %arg2[%select_n3A, %dma_start3A_243, %add3A_35, %dma_start3A_253] : memref<8x19x512x512xf32, #tpu.memory_space<hbm>> -> memref<1x1x8x256xf32, #tpu.memory_space<hbm>>
    %dma_start3A_255 = tpu.memref_squeeze %dma_start3A_254 : memref<1x1x8x256xf32, #tpu.memory_space<hbm>> -> memref<8x256xf32, #tpu.memory_space<hbm>>
    tpu.enqueue_dma source(%dma_start3A_255 : memref<8x256xf32, #tpu.memory_space<hbm>>) target(%dma_start3A_252 : memref<8x256xf32, #tpu.memory_space<vmem>>) target_semaphore(%arg12 : memref<!tpu.dma_semaphore, #tpu.memory_space<semaphore_mem>>)
    %dma_start3A_256 = arith.constant 17 : i32
    %dma_start3A_257 = arith.constant 136 : i32
    %dma_start3A_258 = arith.constant 0 : i32
    %dma_start3A_259 = tpu.memref_slice %arg8[%dma_start3A_257, %dma_start3A_258] : memref<304x256xf32, #tpu.memory_space<vmem>> -> memref<8x256xf32, #tpu.memory_space<vmem>>
    %dma_start3A_260 = arith.constant 0 : i32
    %dma_start3A_261 = tpu.memref_slice %arg2[%select_n3A, %dma_start3A_256, %add3A_35, %dma_start3A_260] : memref<8x19x512x512xf32, #tpu.memory_space<hbm>> -> memref<1x1x8x256xf32, #tpu.memory_space<hbm>>
    %dma_start3A_262 = tpu.memref_squeeze %dma_start3A_261 : memref<1x1x8x256xf32, #tpu.memory_space<hbm>> -> memref<8x256xf32, #tpu.memory_space<hbm>>
    %dma_start3A_263 = arith.constant 136 : i32
    %dma_start3A_264 = arith.constant 0 : i32
    %dma_start3A_265 = tpu.memref_slice %arg8[%dma_start3A_263, %dma_start3A_264] : memref<304x256xf32, #tpu.memory_space<vmem>> -> memref<8x256xf32, #tpu.memory_space<vmem>>
    %dma_start3A_266 = arith.constant 0 : i32
    %dma_start3A_267 = tpu.memref_slice %arg2[%select_n3A, %dma_start3A_256, %add3A_35, %dma_start3A_266] : memref<8x19x512x512xf32, #tpu.memory_space<hbm>> -> memref<1x1x8x256xf32, #tpu.memory_space<hbm>>
    %dma_start3A_268 = tpu.memref_squeeze %dma_start3A_267 : memref<1x1x8x256xf32, #tpu.memory_space<hbm>> -> memref<8x256xf32, #tpu.memory_space<hbm>>
    tpu.enqueue_dma source(%dma_start3A_268 : memref<8x256xf32, #tpu.memory_space<hbm>>) target(%dma_start3A_265 : memref<8x256xf32, #tpu.memory_space<vmem>>) target_semaphore(%arg12 : memref<!tpu.dma_semaphore, #tpu.memory_space<semaphore_mem>>)
    %dma_start3A_269 = arith.constant 18 : i32
    %dma_start3A_270 = arith.constant 144 : i32
    %dma_start3A_271 = arith.constant 0 : i32
    %dma_start3A_272 = tpu.memref_slice %arg8[%dma_start3A_270, %dma_start3A_271] : memref<304x256xf32, #tpu.memory_space<vmem>> -> memref<8x256xf32, #tpu.memory_space<vmem>>
    %dma_start3A_273 = arith.constant 0 : i32
    %dma_start3A_274 = tpu.memref_slice %arg2[%select_n3A, %dma_start3A_269, %add3A_35, %dma_start3A_273] : memref<8x19x512x512xf32, #tpu.memory_space<hbm>> -> memref<1x1x8x256xf32, #tpu.memory_space<hbm>>
    %dma_start3A_275 = tpu.memref_squeeze %dma_start3A_274 : memref<1x1x8x256xf32, #tpu.memory_space<hbm>> -> memref<8x256xf32, #tpu.memory_space<hbm>>
    %dma_start3A_276 = arith.constant 144 : i32
    %dma_start3A_277 = arith.constant 0 : i32
    %dma_start3A_278 = tpu.memref_slice %arg8[%dma_start3A_276, %dma_start3A_277] : memref<304x256xf32, #tpu.memory_space<vmem>> -> memref<8x256xf32, #tpu.memory_space<vmem>>
    %dma_start3A_279 = arith.constant 0 : i32
    %dma_start3A_280 = tpu.memref_slice %arg2[%select_n3A, %dma_start3A_269, %add3A_35, %dma_start3A_279] : memref<8x19x512x512xf32, #tpu.memory_space<hbm>> -> memref<1x1x8x256xf32, #tpu.memory_space<hbm>>
    %dma_start3A_281 = tpu.memref_squeeze %dma_start3A_280 : memref<1x1x8x256xf32, #tpu.memory_space<hbm>> -> memref<8x256xf32, #tpu.memory_space<hbm>>
    tpu.enqueue_dma source(%dma_start3A_281 : memref<8x256xf32, #tpu.memory_space<hbm>>) target(%dma_start3A_278 : memref<8x256xf32, #tpu.memory_space<vmem>>) target_semaphore(%arg12 : memref<!tpu.dma_semaphore, #tpu.memory_space<semaphore_mem>>)
    %dma_start3A_282 = arith.constant 0 : i32
    %dma_start3A_283 = arith.constant 0 : i32
    %dma_start3A_284 = tpu.memref_slice %arg9[%dma_start3A_282, %dma_start3A_283] : memref<16x256xi32, #tpu.memory_space<vmem>> -> memref<8x256xi32, #tpu.memory_space<vmem>>
    %dma_start3A_285 = arith.constant 0 : i32
    %dma_start3A_286 = tpu.memref_slice %arg3[%select_n3A, %add3A_35, %dma_start3A_285] : memref<8x512x512xi32, #tpu.memory_space<hbm>> -> memref<1x8x256xi32, #tpu.memory_space<hbm>>
    %dma_start3A_287 = tpu.memref_squeeze %dma_start3A_286 : memref<1x8x256xi32, #tpu.memory_space<hbm>> -> memref<8x256xi32, #tpu.memory_space<hbm>>
    %dma_start3A_288 = arith.constant 0 : i32
    %dma_start3A_289 = arith.constant 0 : i32
    %dma_start3A_290 = tpu.memref_slice %arg9[%dma_start3A_288, %dma_start3A_289] : memref<16x256xi32, #tpu.memory_space<vmem>> -> memref<8x256xi32, #tpu.memory_space<vmem>>
    %dma_start3A_291 = arith.constant 0 : i32
    %dma_start3A_292 = tpu.memref_slice %arg3[%select_n3A, %add3A_35, %dma_start3A_291] : memref<8x512x512xi32, #tpu.memory_space<hbm>> -> memref<1x8x256xi32, #tpu.memory_space<hbm>>
    %dma_start3A_293 = tpu.memref_squeeze %dma_start3A_292 : memref<1x8x256xi32, #tpu.memory_space<hbm>> -> memref<8x256xi32, #tpu.memory_space<hbm>>
    tpu.enqueue_dma source(%dma_start3A_293 : memref<8x256xi32, #tpu.memory_space<hbm>>) target(%dma_start3A_290 : memref<8x256xi32, #tpu.memory_space<vmem>>) target_semaphore(%arg12 : memref<!tpu.dma_semaphore, #tpu.memory_space<semaphore_mem>>)
    %add3A_294 = arith.constant 0 : i32
    %add3A_295 = arith.addi %mul3A_32, %add3A_294 : i32
    %dma_start3A_296 = arith.constant 0 : i32
    %dma_start3A_297 = arith.constant 152 : i32
    %dma_start3A_298 = arith.constant 0 : i32
    %dma_start3A_299 = tpu.memref_slice %arg8[%dma_start3A_297, %dma_start3A_298] : memref<304x256xf32, #tpu.memory_space<vmem>> -> memref<8x256xf32, #tpu.memory_space<vmem>>
    %dma_start3A_300 = arith.constant 256 : i32
    %dma_start3A_301 = tpu.memref_slice %arg2[%select_n3A, %dma_start3A_296, %add3A_295, %dma_start3A_300] : memref<8x19x512x512xf32, #tpu.memory_space<hbm>> -> memref<1x1x8x256xf32, #tpu.memory_space<hbm>>
    %dma_start3A_302 = tpu.memref_squeeze %dma_start3A_301 : memref<1x1x8x256xf32, #tpu.memory_space<hbm>> -> memref<8x256xf32, #tpu.memory_space<hbm>>
    %dma_start3A_303 = arith.constant 152 : i32
    %dma_start3A_304 = arith.constant 0 : i32
    %dma_start3A_305 = tpu.memref_slice %arg8[%dma_start3A_303, %dma_start3A_304] : memref<304x256xf32, #tpu.memory_space<vmem>> -> memref<8x256xf32, #tpu.memory_space<vmem>>
    %dma_start3A_306 = arith.constant 256 : i32
    %dma_start3A_307 = tpu.memref_slice %arg2[%select_n3A, %dma_start3A_296, %add3A_295, %dma_start3A_306] : memref<8x19x512x512xf32, #tpu.memory_space<hbm>> -> memref<1x1x8x256xf32, #tpu.memory_space<hbm>>
    %dma_start3A_308 = tpu.memref_squeeze %dma_start3A_307 : memref<1x1x8x256xf32, #tpu.memory_space<hbm>> -> memref<8x256xf32, #tpu.memory_space<hbm>>
    tpu.enqueue_dma source(%dma_start3A_308 : memref<8x256xf32, #tpu.memory_space<hbm>>) target(%dma_start3A_305 : memref<8x256xf32, #tpu.memory_space<vmem>>) target_semaphore(%arg12 : memref<!tpu.dma_semaphore, #tpu.memory_space<semaphore_mem>>)
    %dma_start3A_309 = arith.constant 1 : i32
    %dma_start3A_310 = arith.constant 160 : i32
    %dma_start3A_311 = arith.constant 0 : i32
    %dma_start3A_312 = tpu.memref_slice %arg8[%dma_start3A_310, %dma_start3A_311] : memref<304x256xf32, #tpu.memory_space<vmem>> -> memref<8x256xf32, #tpu.memory_space<vmem>>
    %dma_start3A_313 = arith.constant 256 : i32
    %dma_start3A_314 = tpu.memref_slice %arg2[%select_n3A, %dma_start3A_309, %add3A_295, %dma_start3A_313] : memref<8x19x512x512xf32, #tpu.memory_space<hbm>> -> memref<1x1x8x256xf32, #tpu.memory_space<hbm>>
    %dma_start3A_315 = tpu.memref_squeeze %dma_start3A_314 : memref<1x1x8x256xf32, #tpu.memory_space<hbm>> -> memref<8x256xf32, #tpu.memory_space<hbm>>
    %dma_start3A_316 = arith.constant 160 : i32
    %dma_start3A_317 = arith.constant 0 : i32
    %dma_start3A_318 = tpu.memref_slice %arg8[%dma_start3A_316, %dma_start3A_317] : memref<304x256xf32, #tpu.memory_space<vmem>> -> memref<8x256xf32, #tpu.memory_space<vmem>>
    %dma_start3A_319 = arith.constant 256 : i32
    %dma_start3A_320 = tpu.memref_slice %arg2[%select_n3A, %dma_start3A_309, %add3A_295, %dma_start3A_319] : memref<8x19x512x512xf32, #tpu.memory_space<hbm>> -> memref<1x1x8x256xf32, #tpu.memory_space<hbm>>
    %dma_start3A_321 = tpu.memref_squeeze %dma_start3A_320 : memref<1x1x8x256xf32, #tpu.memory_space<hbm>> -> memref<8x256xf32, #tpu.memory_space<hbm>>
    tpu.enqueue_dma source(%dma_start3A_321 : memref<8x256xf32, #tpu.memory_space<hbm>>) target(%dma_start3A_318 : memref<8x256xf32, #tpu.memory_space<vmem>>) target_semaphore(%arg12 : memref<!tpu.dma_semaphore, #tpu.memory_space<semaphore_mem>>)
    %dma_start3A_322 = arith.constant 2 : i32
    %dma_start3A_323 = arith.constant 168 : i32
    %dma_start3A_324 = arith.constant 0 : i32
    %dma_start3A_325 = tpu.memref_slice %arg8[%dma_start3A_323, %dma_start3A_324] : memref<304x256xf32, #tpu.memory_space<vmem>> -> memref<8x256xf32, #tpu.memory_space<vmem>>
    %dma_start3A_326 = arith.constant 256 : i32
    %dma_start3A_327 = tpu.memref_slice %arg2[%select_n3A, %dma_start3A_322, %add3A_295, %dma_start3A_326] : memref<8x19x512x512xf32, #tpu.memory_space<hbm>> -> memref<1x1x8x256xf32, #tpu.memory_space<hbm>>
    %dma_start3A_328 = tpu.memref_squeeze %dma_start3A_327 : memref<1x1x8x256xf32, #tpu.memory_space<hbm>> -> memref<8x256xf32, #tpu.memory_space<hbm>>
    %dma_start3A_329 = arith.constant 168 : i32
    %dma_start3A_330 = arith.constant 0 : i32
    %dma_start3A_331 = tpu.memref_slice %arg8[%dma_start3A_329, %dma_start3A_330] : memref<304x256xf32, #tpu.memory_space<vmem>> -> memref<8x256xf32, #tpu.memory_space<vmem>>
    %dma_start3A_332 = arith.constant 256 : i32
    %dma_start3A_333 = tpu.memref_slice %arg2[%select_n3A, %dma_start3A_322, %add3A_295, %dma_start3A_332] : memref<8x19x512x512xf32, #tpu.memory_space<hbm>> -> memref<1x1x8x256xf32, #tpu.memory_space<hbm>>
    %dma_start3A_334 = tpu.memref_squeeze %dma_start3A_333 : memref<1x1x8x256xf32, #tpu.memory_space<hbm>> -> memref<8x256xf32, #tpu.memory_space<hbm>>
    tpu.enqueue_dma source(%dma_start3A_334 : memref<8x256xf32, #tpu.memory_space<hbm>>) target(%dma_start3A_331 : memref<8x256xf32, #tpu.memory_space<vmem>>) target_semaphore(%arg12 : memref<!tpu.dma_semaphore, #tpu.memory_space<semaphore_mem>>)
    %dma_start3A_335 = arith.constant 3 : i32
    %dma_start3A_336 = arith.constant 176 : i32
    %dma_start3A_337 = arith.constant 0 : i32
    %dma_start3A_338 = tpu.memref_slice %arg8[%dma_start3A_336, %dma_start3A_337] : memref<304x256xf32, #tpu.memory_space<vmem>> -> memref<8x256xf32, #tpu.memory_space<vmem>>
    %dma_start3A_339 = arith.constant 256 : i32
    %dma_start3A_340 = tpu.memref_slice %arg2[%select_n3A, %dma_start3A_335, %add3A_295, %dma_start3A_339] : memref<8x19x512x512xf32, #tpu.memory_space<hbm>> -> memref<1x1x8x256xf32, #tpu.memory_space<hbm>>
    %dma_start3A_341 = tpu.memref_squeeze %dma_start3A_340 : memref<1x1x8x256xf32, #tpu.memory_space<hbm>> -> memref<8x256xf32, #tpu.memory_space<hbm>>
    %dma_start3A_342 = arith.constant 176 : i32
    %dma_start3A_343 = arith.constant 0 : i32
    %dma_start3A_344 = tpu.memref_slice %arg8[%dma_start3A_342, %dma_start3A_343] : memref<304x256xf32, #tpu.memory_space<vmem>> -> memref<8x256xf32, #tpu.memory_space<vmem>>
    %dma_start3A_345 = arith.constant 256 : i32
    %dma_start3A_346 = tpu.memref_slice %arg2[%select_n3A, %dma_start3A_335, %add3A_295, %dma_start3A_345] : memref<8x19x512x512xf32, #tpu.memory_space<hbm>> -> memref<1x1x8x256xf32, #tpu.memory_space<hbm>>
    %dma_start3A_347 = tpu.memref_squeeze %dma_start3A_346 : memref<1x1x8x256xf32, #tpu.memory_space<hbm>> -> memref<8x256xf32, #tpu.memory_space<hbm>>
    tpu.enqueue_dma source(%dma_start3A_347 : memref<8x256xf32, #tpu.memory_space<hbm>>) target(%dma_start3A_344 : memref<8x256xf32, #tpu.memory_space<vmem>>) target_semaphore(%arg12 : memref<!tpu.dma_semaphore, #tpu.memory_space<semaphore_mem>>)
    %dma_start3A_348 = arith.constant 4 : i32
    %dma_start3A_349 = arith.constant 184 : i32
    %dma_start3A_350 = arith.constant 0 : i32
    %dma_start3A_351 = tpu.memref_slice %arg8[%dma_start3A_349, %dma_start3A_350] : memref<304x256xf32, #tpu.memory_space<vmem>> -> memref<8x256xf32, #tpu.memory_space<vmem>>
    %dma_start3A_352 = arith.constant 256 : i32
    %dma_start3A_353 = tpu.memref_slice %arg2[%select_n3A, %dma_start3A_348, %add3A_295, %dma_start3A_352] : memref<8x19x512x512xf32, #tpu.memory_space<hbm>> -> memref<1x1x8x256xf32, #tpu.memory_space<hbm>>
    %dma_start3A_354 = tpu.memref_squeeze %dma_start3A_353 : memref<1x1x8x256xf32, #tpu.memory_space<hbm>> -> memref<8x256xf32, #tpu.memory_space<hbm>>
    %dma_start3A_355 = arith.constant 184 : i32
    %dma_start3A_356 = arith.constant 0 : i32
    %dma_start3A_357 = tpu.memref_slice %arg8[%dma_start3A_355, %dma_start3A_356] : memref<304x256xf32, #tpu.memory_space<vmem>> -> memref<8x256xf32, #tpu.memory_space<vmem>>
    %dma_start3A_358 = arith.constant 256 : i32
    %dma_start3A_359 = tpu.memref_slice %arg2[%select_n3A, %dma_start3A_348, %add3A_295, %dma_start3A_358] : memref<8x19x512x512xf32, #tpu.memory_space<hbm>> -> memref<1x1x8x256xf32, #tpu.memory_space<hbm>>
    %dma_start3A_360 = tpu.memref_squeeze %dma_start3A_359 : memref<1x1x8x256xf32, #tpu.memory_space<hbm>> -> memref<8x256xf32, #tpu.memory_space<hbm>>
    tpu.enqueue_dma source(%dma_start3A_360 : memref<8x256xf32, #tpu.memory_space<hbm>>) target(%dma_start3A_357 : memref<8x256xf32, #tpu.memory_space<vmem>>) target_semaphore(%arg12 : memref<!tpu.dma_semaphore, #tpu.memory_space<semaphore_mem>>)
    %dma_start3A_361 = arith.constant 5 : i32
    %dma_start3A_362 = arith.constant 192 : i32
    %dma_start3A_363 = arith.constant 0 : i32
    %dma_start3A_364 = tpu.memref_slice %arg8[%dma_start3A_362, %dma_start3A_363] : memref<304x256xf32, #tpu.memory_space<vmem>> -> memref<8x256xf32, #tpu.memory_space<vmem>>
    %dma_start3A_365 = arith.constant 256 : i32
    %dma_start3A_366 = tpu.memref_slice %arg2[%select_n3A, %dma_start3A_361, %add3A_295, %dma_start3A_365] : memref<8x19x512x512xf32, #tpu.memory_space<hbm>> -> memref<1x1x8x256xf32, #tpu.memory_space<hbm>>
    %dma_start3A_367 = tpu.memref_squeeze %dma_start3A_366 : memref<1x1x8x256xf32, #tpu.memory_space<hbm>> -> memref<8x256xf32, #tpu.memory_space<hbm>>
    %dma_start3A_368 = arith.constant 192 : i32
    %dma_start3A_369 = arith.constant 0 : i32
    %dma_start3A_370 = tpu.memref_slice %arg8[%dma_start3A_368, %dma_start3A_369] : memref<304x256xf32, #tpu.memory_space<vmem>> -> memref<8x256xf32, #tpu.memory_space<vmem>>
    %dma_start3A_371 = arith.constant 256 : i32
    %dma_start3A_372 = tpu.memref_slice %arg2[%select_n3A, %dma_start3A_361, %add3A_295, %dma_start3A_371] : memref<8x19x512x512xf32, #tpu.memory_space<hbm>> -> memref<1x1x8x256xf32, #tpu.memory_space<hbm>>
    %dma_start3A_373 = tpu.memref_squeeze %dma_start3A_372 : memref<1x1x8x256xf32, #tpu.memory_space<hbm>> -> memref<8x256xf32, #tpu.memory_space<hbm>>
    tpu.enqueue_dma source(%dma_start3A_373 : memref<8x256xf32, #tpu.memory_space<hbm>>) target(%dma_start3A_370 : memref<8x256xf32, #tpu.memory_space<vmem>>) target_semaphore(%arg12 : memref<!tpu.dma_semaphore, #tpu.memory_space<semaphore_mem>>)
    %dma_start3A_374 = arith.constant 6 : i32
    %dma_start3A_375 = arith.constant 200 : i32
    %dma_start3A_376 = arith.constant 0 : i32
    %dma_start3A_377 = tpu.memref_slice %arg8[%dma_start3A_375, %dma_start3A_376] : memref<304x256xf32, #tpu.memory_space<vmem>> -> memref<8x256xf32, #tpu.memory_space<vmem>>
    %dma_start3A_378 = arith.constant 256 : i32
    %dma_start3A_379 = tpu.memref_slice %arg2[%select_n3A, %dma_start3A_374, %add3A_295, %dma_start3A_378] : memref<8x19x512x512xf32, #tpu.memory_space<hbm>> -> memref<1x1x8x256xf32, #tpu.memory_space<hbm>>
    %dma_start3A_380 = tpu.memref_squeeze %dma_start3A_379 : memref<1x1x8x256xf32, #tpu.memory_space<hbm>> -> memref<8x256xf32, #tpu.memory_space<hbm>>
    %dma_start3A_381 = arith.constant 200 : i32
    %dma_start3A_382 = arith.constant 0 : i32
    %dma_start3A_383 = tpu.memref_slice %arg8[%dma_start3A_381, %dma_start3A_382] : memref<304x256xf32, #tpu.memory_space<vmem>> -> memref<8x256xf32, #tpu.memory_space<vmem>>
    %dma_start3A_384 = arith.constant 256 : i32
    %dma_start3A_385 = tpu.memref_slice %arg2[%select_n3A, %dma_start3A_374, %add3A_295, %dma_start3A_384] : memref<8x19x512x512xf32, #tpu.memory_space<hbm>> -> memref<1x1x8x256xf32, #tpu.memory_space<hbm>>
    %dma_start3A_386 = tpu.memref_squeeze %dma_start3A_385 : memref<1x1x8x256xf32, #tpu.memory_space<hbm>> -> memref<8x256xf32, #tpu.memory_space<hbm>>
    tpu.enqueue_dma source(%dma_start3A_386 : memref<8x256xf32, #tpu.memory_space<hbm>>) target(%dma_start3A_383 : memref<8x256xf32, #tpu.memory_space<vmem>>) target_semaphore(%arg12 : memref<!tpu.dma_semaphore, #tpu.memory_space<semaphore_mem>>)
    %dma_start3A_387 = arith.constant 7 : i32
    %dma_start3A_388 = arith.constant 208 : i32
    %dma_start3A_389 = arith.constant 0 : i32
    %dma_start3A_390 = tpu.memref_slice %arg8[%dma_start3A_388, %dma_start3A_389] : memref<304x256xf32, #tpu.memory_space<vmem>> -> memref<8x256xf32, #tpu.memory_space<vmem>>
    %dma_start3A_391 = arith.constant 256 : i32
    %dma_start3A_392 = tpu.memref_slice %arg2[%select_n3A, %dma_start3A_387, %add3A_295, %dma_start3A_391] : memref<8x19x512x512xf32, #tpu.memory_space<hbm>> -> memref<1x1x8x256xf32, #tpu.memory_space<hbm>>
    %dma_start3A_393 = tpu.memref_squeeze %dma_start3A_392 : memref<1x1x8x256xf32, #tpu.memory_space<hbm>> -> memref<8x256xf32, #tpu.memory_space<hbm>>
    %dma_start3A_394 = arith.constant 208 : i32
    %dma_start3A_395 = arith.constant 0 : i32
    %dma_start3A_396 = tpu.memref_slice %arg8[%dma_start3A_394, %dma_start3A_395] : memref<304x256xf32, #tpu.memory_space<vmem>> -> memref<8x256xf32, #tpu.memory_space<vmem>>
    %dma_start3A_397 = arith.constant 256 : i32
    %dma_start3A_398 = tpu.memref_slice %arg2[%select_n3A, %dma_start3A_387, %add3A_295, %dma_start3A_397] : memref<8x19x512x512xf32, #tpu.memory_space<hbm>> -> memref<1x1x8x256xf32, #tpu.memory_space<hbm>>
    %dma_start3A_399 = tpu.memref_squeeze %dma_start3A_398 : memref<1x1x8x256xf32, #tpu.memory_space<hbm>> -> memref<8x256xf32, #tpu.memory_space<hbm>>
    tpu.enqueue_dma source(%dma_start3A_399 : memref<8x256xf32, #tpu.memory_space<hbm>>) target(%dma_start3A_396 : memref<8x256xf32, #tpu.memory_space<vmem>>) target_semaphore(%arg12 : memref<!tpu.dma_semaphore, #tpu.memory_space<semaphore_mem>>)
    %dma_start3A_400 = arith.constant 8 : i32
    %dma_start3A_401 = arith.constant 216 : i32
    %dma_start3A_402 = arith.constant 0 : i32
    %dma_start3A_403 = tpu.memref_slice %arg8[%dma_start3A_401, %dma_start3A_402] : memref<304x256xf32, #tpu.memory_space<vmem>> -> memref<8x256xf32, #tpu.memory_space<vmem>>
    %dma_start3A_404 = arith.constant 256 : i32
    %dma_start3A_405 = tpu.memref_slice %arg2[%select_n3A, %dma_start3A_400, %add3A_295, %dma_start3A_404] : memref<8x19x512x512xf32, #tpu.memory_space<hbm>> -> memref<1x1x8x256xf32, #tpu.memory_space<hbm>>
    %dma_start3A_406 = tpu.memref_squeeze %dma_start3A_405 : memref<1x1x8x256xf32, #tpu.memory_space<hbm>> -> memref<8x256xf32, #tpu.memory_space<hbm>>
    %dma_start3A_407 = arith.constant 216 : i32
    %dma_start3A_408 = arith.constant 0 : i32
    %dma_start3A_409 = tpu.memref_slice %arg8[%dma_start3A_407, %dma_start3A_408] : memref<304x256xf32, #tpu.memory_space<vmem>> -> memref<8x256xf32, #tpu.memory_space<vmem>>
    %dma_start3A_410 = arith.constant 256 : i32
    %dma_start3A_411 = tpu.memref_slice %arg2[%select_n3A, %dma_start3A_400, %add3A_295, %dma_start3A_410] : memref<8x19x512x512xf32, #tpu.memory_space<hbm>> -> memref<1x1x8x256xf32, #tpu.memory_space<hbm>>
    %dma_start3A_412 = tpu.memref_squeeze %dma_start3A_411 : memref<1x1x8x256xf32, #tpu.memory_space<hbm>> -> memref<8x256xf32, #tpu.memory_space<hbm>>
    tpu.enqueue_dma source(%dma_start3A_412 : memref<8x256xf32, #tpu.memory_space<hbm>>) target(%dma_start3A_409 : memref<8x256xf32, #tpu.memory_space<vmem>>) target_semaphore(%arg12 : memref<!tpu.dma_semaphore, #tpu.memory_space<semaphore_mem>>)
    %dma_start3A_413 = arith.constant 9 : i32
    %dma_start3A_414 = arith.constant 224 : i32
    %dma_start3A_415 = arith.constant 0 : i32
    %dma_start3A_416 = tpu.memref_slice %arg8[%dma_start3A_414, %dma_start3A_415] : memref<304x256xf32, #tpu.memory_space<vmem>> -> memref<8x256xf32, #tpu.memory_space<vmem>>
    %dma_start3A_417 = arith.constant 256 : i32
    %dma_start3A_418 = tpu.memref_slice %arg2[%select_n3A, %dma_start3A_413, %add3A_295, %dma_start3A_417] : memref<8x19x512x512xf32, #tpu.memory_space<hbm>> -> memref<1x1x8x256xf32, #tpu.memory_space<hbm>>
    %dma_start3A_419 = tpu.memref_squeeze %dma_start3A_418 : memref<1x1x8x256xf32, #tpu.memory_space<hbm>> -> memref<8x256xf32, #tpu.memory_space<hbm>>
    %dma_start3A_420 = arith.constant 224 : i32
    %dma_start3A_421 = arith.constant 0 : i32
    %dma_start3A_422 = tpu.memref_slice %arg8[%dma_start3A_420, %dma_start3A_421] : memref<304x256xf32, #tpu.memory_space<vmem>> -> memref<8x256xf32, #tpu.memory_space<vmem>>
    %dma_start3A_423 = arith.constant 256 : i32
    %dma_start3A_424 = tpu.memref_slice %arg2[%select_n3A, %dma_start3A_413, %add3A_295, %dma_start3A_423] : memref<8x19x512x512xf32, #tpu.memory_space<hbm>> -> memref<1x1x8x256xf32, #tpu.memory_space<hbm>>
    %dma_start3A_425 = tpu.memref_squeeze %dma_start3A_424 : memref<1x1x8x256xf32, #tpu.memory_space<hbm>> -> memref<8x256xf32, #tpu.memory_space<hbm>>
    tpu.enqueue_dma source(%dma_start3A_425 : memref<8x256xf32, #tpu.memory_space<hbm>>) target(%dma_start3A_422 : memref<8x256xf32, #tpu.memory_space<vmem>>) target_semaphore(%arg12 : memref<!tpu.dma_semaphore, #tpu.memory_space<semaphore_mem>>)
    %dma_start3A_426 = arith.constant 10 : i32
    %dma_start3A_427 = arith.constant 232 : i32
    %dma_start3A_428 = arith.constant 0 : i32
    %dma_start3A_429 = tpu.memref_slice %arg8[%dma_start3A_427, %dma_start3A_428] : memref<304x256xf32, #tpu.memory_space<vmem>> -> memref<8x256xf32, #tpu.memory_space<vmem>>
    %dma_start3A_430 = arith.constant 256 : i32
    %dma_start3A_431 = tpu.memref_slice %arg2[%select_n3A, %dma_start3A_426, %add3A_295, %dma_start3A_430] : memref<8x19x512x512xf32, #tpu.memory_space<hbm>> -> memref<1x1x8x256xf32, #tpu.memory_space<hbm>>
    %dma_start3A_432 = tpu.memref_squeeze %dma_start3A_431 : memref<1x1x8x256xf32, #tpu.memory_space<hbm>> -> memref<8x256xf32, #tpu.memory_space<hbm>>
    %dma_start3A_433 = arith.constant 232 : i32
    %dma_start3A_434 = arith.constant 0 : i32
    %dma_start3A_435 = tpu.memref_slice %arg8[%dma_start3A_433, %dma_start3A_434] : memref<304x256xf32, #tpu.memory_space<vmem>> -> memref<8x256xf32, #tpu.memory_space<vmem>>
    %dma_start3A_436 = arith.constant 256 : i32
    %dma_start3A_437 = tpu.memref_slice %arg2[%select_n3A, %dma_start3A_426, %add3A_295, %dma_start3A_436] : memref<8x19x512x512xf32, #tpu.memory_space<hbm>> -> memref<1x1x8x256xf32, #tpu.memory_space<hbm>>
    %dma_start3A_438 = tpu.memref_squeeze %dma_start3A_437 : memref<1x1x8x256xf32, #tpu.memory_space<hbm>> -> memref<8x256xf32, #tpu.memory_space<hbm>>
    tpu.enqueue_dma source(%dma_start3A_438 : memref<8x256xf32, #tpu.memory_space<hbm>>) target(%dma_start3A_435 : memref<8x256xf32, #tpu.memory_space<vmem>>) target_semaphore(%arg12 : memref<!tpu.dma_semaphore, #tpu.memory_space<semaphore_mem>>)
    %dma_start3A_439 = arith.constant 11 : i32
    %dma_start3A_440 = arith.constant 240 : i32
    %dma_start3A_441 = arith.constant 0 : i32
    %dma_start3A_442 = tpu.memref_slice %arg8[%dma_start3A_440, %dma_start3A_441] : memref<304x256xf32, #tpu.memory_space<vmem>> -> memref<8x256xf32, #tpu.memory_space<vmem>>
    %dma_start3A_443 = arith.constant 256 : i32
    %dma_start3A_444 = tpu.memref_slice %arg2[%select_n3A, %dma_start3A_439, %add3A_295, %dma_start3A_443] : memref<8x19x512x512xf32, #tpu.memory_space<hbm>> -> memref<1x1x8x256xf32, #tpu.memory_space<hbm>>
    %dma_start3A_445 = tpu.memref_squeeze %dma_start3A_444 : memref<1x1x8x256xf32, #tpu.memory_space<hbm>> -> memref<8x256xf32, #tpu.memory_space<hbm>>
    %dma_start3A_446 = arith.constant 240 : i32
    %dma_start3A_447 = arith.constant 0 : i32
    %dma_start3A_448 = tpu.memref_slice %arg8[%dma_start3A_446, %dma_start3A_447] : memref<304x256xf32, #tpu.memory_space<vmem>> -> memref<8x256xf32, #tpu.memory_space<vmem>>
    %dma_start3A_449 = arith.constant 256 : i32
    %dma_start3A_450 = tpu.memref_slice %arg2[%select_n3A, %dma_start3A_439, %add3A_295, %dma_start3A_449] : memref<8x19x512x512xf32, #tpu.memory_space<hbm>> -> memref<1x1x8x256xf32, #tpu.memory_space<hbm>>
    %dma_start3A_451 = tpu.memref_squeeze %dma_start3A_450 : memref<1x1x8x256xf32, #tpu.memory_space<hbm>> -> memref<8x256xf32, #tpu.memory_space<hbm>>
    tpu.enqueue_dma source(%dma_start3A_451 : memref<8x256xf32, #tpu.memory_space<hbm>>) target(%dma_start3A_448 : memref<8x256xf32, #tpu.memory_space<vmem>>) target_semaphore(%arg12 : memref<!tpu.dma_semaphore, #tpu.memory_space<semaphore_mem>>)
    %dma_start3A_452 = arith.constant 12 : i32
    %dma_start3A_453 = arith.constant 248 : i32
    %dma_start3A_454 = arith.constant 0 : i32
    %dma_start3A_455 = tpu.memref_slice %arg8[%dma_start3A_453, %dma_start3A_454] : memref<304x256xf32, #tpu.memory_space<vmem>> -> memref<8x256xf32, #tpu.memory_space<vmem>>
    %dma_start3A_456 = arith.constant 256 : i32
    %dma_start3A_457 = tpu.memref_slice %arg2[%select_n3A, %dma_start3A_452, %add3A_295, %dma_start3A_456] : memref<8x19x512x512xf32, #tpu.memory_space<hbm>> -> memref<1x1x8x256xf32, #tpu.memory_space<hbm>>
    %dma_start3A_458 = tpu.memref_squeeze %dma_start3A_457 : memref<1x1x8x256xf32, #tpu.memory_space<hbm>> -> memref<8x256xf32, #tpu.memory_space<hbm>>
    %dma_start3A_459 = arith.constant 248 : i32
    %dma_start3A_460 = arith.constant 0 : i32
    %dma_start3A_461 = tpu.memref_slice %arg8[%dma_start3A_459, %dma_start3A_460] : memref<304x256xf32, #tpu.memory_space<vmem>> -> memref<8x256xf32, #tpu.memory_space<vmem>>
    %dma_start3A_462 = arith.constant 256 : i32
    %dma_start3A_463 = tpu.memref_slice %arg2[%select_n3A, %dma_start3A_452, %add3A_295, %dma_start3A_462] : memref<8x19x512x512xf32, #tpu.memory_space<hbm>> -> memref<1x1x8x256xf32, #tpu.memory_space<hbm>>
    %dma_start3A_464 = tpu.memref_squeeze %dma_start3A_463 : memref<1x1x8x256xf32, #tpu.memory_space<hbm>> -> memref<8x256xf32, #tpu.memory_space<hbm>>
    tpu.enqueue_dma source(%dma_start3A_464 : memref<8x256xf32, #tpu.memory_space<hbm>>) target(%dma_start3A_461 : memref<8x256xf32, #tpu.memory_space<vmem>>) target_semaphore(%arg12 : memref<!tpu.dma_semaphore, #tpu.memory_space<semaphore_mem>>)
    %dma_start3A_465 = arith.constant 13 : i32
    %dma_start3A_466 = arith.constant 256 : i32
    %dma_start3A_467 = arith.constant 0 : i32
    %dma_start3A_468 = tpu.memref_slice %arg8[%dma_start3A_466, %dma_start3A_467] : memref<304x256xf32, #tpu.memory_space<vmem>> -> memref<8x256xf32, #tpu.memory_space<vmem>>
    %dma_start3A_469 = arith.constant 256 : i32
    %dma_start3A_470 = tpu.memref_slice %arg2[%select_n3A, %dma_start3A_465, %add3A_295, %dma_start3A_469] : memref<8x19x512x512xf32, #tpu.memory_space<hbm>> -> memref<1x1x8x256xf32, #tpu.memory_space<hbm>>
    %dma_start3A_471 = tpu.memref_squeeze %dma_start3A_470 : memref<1x1x8x256xf32, #tpu.memory_space<hbm>> -> memref<8x256xf32, #tpu.memory_space<hbm>>
    %dma_start3A_472 = arith.constant 256 : i32
    %dma_start3A_473 = arith.constant 0 : i32
    %dma_start3A_474 = tpu.memref_slice %arg8[%dma_start3A_472, %dma_start3A_473] : memref<304x256xf32, #tpu.memory_space<vmem>> -> memref<8x256xf32, #tpu.memory_space<vmem>>
    %dma_start3A_475 = arith.constant 256 : i32
    %dma_start3A_476 = tpu.memref_slice %arg2[%select_n3A, %dma_start3A_465, %add3A_295, %dma_start3A_475] : memref<8x19x512x512xf32, #tpu.memory_space<hbm>> -> memref<1x1x8x256xf32, #tpu.memory_space<hbm>>
    %dma_start3A_477 = tpu.memref_squeeze %dma_start3A_476 : memref<1x1x8x256xf32, #tpu.memory_space<hbm>> -> memref<8x256xf32, #tpu.memory_space<hbm>>
    tpu.enqueue_dma source(%dma_start3A_477 : memref<8x256xf32, #tpu.memory_space<hbm>>) target(%dma_start3A_474 : memref<8x256xf32, #tpu.memory_space<vmem>>) target_semaphore(%arg12 : memref<!tpu.dma_semaphore, #tpu.memory_space<semaphore_mem>>)
    %dma_start3A_478 = arith.constant 14 : i32
    %dma_start3A_479 = arith.constant 264 : i32
    %dma_start3A_480 = arith.constant 0 : i32
    %dma_start3A_481 = tpu.memref_slice %arg8[%dma_start3A_479, %dma_start3A_480] : memref<304x256xf32, #tpu.memory_space<vmem>> -> memref<8x256xf32, #tpu.memory_space<vmem>>
    %dma_start3A_482 = arith.constant 256 : i32
    %dma_start3A_483 = tpu.memref_slice %arg2[%select_n3A, %dma_start3A_478, %add3A_295, %dma_start3A_482] : memref<8x19x512x512xf32, #tpu.memory_space<hbm>> -> memref<1x1x8x256xf32, #tpu.memory_space<hbm>>
    %dma_start3A_484 = tpu.memref_squeeze %dma_start3A_483 : memref<1x1x8x256xf32, #tpu.memory_space<hbm>> -> memref<8x256xf32, #tpu.memory_space<hbm>>
    %dma_start3A_485 = arith.constant 264 : i32
    %dma_start3A_486 = arith.constant 0 : i32
    %dma_start3A_487 = tpu.memref_slice %arg8[%dma_start3A_485, %dma_start3A_486] : memref<304x256xf32, #tpu.memory_space<vmem>> -> memref<8x256xf32, #tpu.memory_space<vmem>>
    %dma_start3A_488 = arith.constant 256 : i32
    %dma_start3A_489 = tpu.memref_slice %arg2[%select_n3A, %dma_start3A_478, %add3A_295, %dma_start3A_488] : memref<8x19x512x512xf32, #tpu.memory_space<hbm>> -> memref<1x1x8x256xf32, #tpu.memory_space<hbm>>
    %dma_start3A_490 = tpu.memref_squeeze %dma_start3A_489 : memref<1x1x8x256xf32, #tpu.memory_space<hbm>> -> memref<8x256xf32, #tpu.memory_space<hbm>>
    tpu.enqueue_dma source(%dma_start3A_490 : memref<8x256xf32, #tpu.memory_space<hbm>>) target(%dma_start3A_487 : memref<8x256xf32, #tpu.memory_space<vmem>>) target_semaphore(%arg12 : memref<!tpu.dma_semaphore, #tpu.memory_space<semaphore_mem>>)
    %dma_start3A_491 = arith.constant 15 : i32
    %dma_start3A_492 = arith.constant 272 : i32
    %dma_start3A_493 = arith.constant 0 : i32
    %dma_start3A_494 = tpu.memref_slice %arg8[%dma_start3A_492, %dma_start3A_493] : memref<304x256xf32, #tpu.memory_space<vmem>> -> memref<8x256xf32, #tpu.memory_space<vmem>>
    %dma_start3A_495 = arith.constant 256 : i32
    %dma_start3A_496 = tpu.memref_slice %arg2[%select_n3A, %dma_start3A_491, %add3A_295, %dma_start3A_495] : memref<8x19x512x512xf32, #tpu.memory_space<hbm>> -> memref<1x1x8x256xf32, #tpu.memory_space<hbm>>
    %dma_start3A_497 = tpu.memref_squeeze %dma_start3A_496 : memref<1x1x8x256xf32, #tpu.memory_space<hbm>> -> memref<8x256xf32, #tpu.memory_space<hbm>>
    %dma_start3A_498 = arith.constant 272 : i32
    %dma_start3A_499 = arith.constant 0 : i32
    %dma_start3A_500 = tpu.memref_slice %arg8[%dma_start3A_498, %dma_start3A_499] : memref<304x256xf32, #tpu.memory_space<vmem>> -> memref<8x256xf32, #tpu.memory_space<vmem>>
    %dma_start3A_501 = arith.constant 256 : i32
    %dma_start3A_502 = tpu.memref_slice %arg2[%select_n3A, %dma_start3A_491, %add3A_295, %dma_start3A_501] : memref<8x19x512x512xf32, #tpu.memory_space<hbm>> -> memref<1x1x8x256xf32, #tpu.memory_space<hbm>>
    %dma_start3A_503 = tpu.memref_squeeze %dma_start3A_502 : memref<1x1x8x256xf32, #tpu.memory_space<hbm>> -> memref<8x256xf32, #tpu.memory_space<hbm>>
    tpu.enqueue_dma source(%dma_start3A_503 : memref<8x256xf32, #tpu.memory_space<hbm>>) target(%dma_start3A_500 : memref<8x256xf32, #tpu.memory_space<vmem>>) target_semaphore(%arg12 : memref<!tpu.dma_semaphore, #tpu.memory_space<semaphore_mem>>)
    %dma_start3A_504 = arith.constant 16 : i32
    %dma_start3A_505 = arith.constant 280 : i32
    %dma_start3A_506 = arith.constant 0 : i32
    %dma_start3A_507 = tpu.memref_slice %arg8[%dma_start3A_505, %dma_start3A_506] : memref<304x256xf32, #tpu.memory_space<vmem>> -> memref<8x256xf32, #tpu.memory_space<vmem>>
    %dma_start3A_508 = arith.constant 256 : i32
    %dma_start3A_509 = tpu.memref_slice %arg2[%select_n3A, %dma_start3A_504, %add3A_295, %dma_start3A_508] : memref<8x19x512x512xf32, #tpu.memory_space<hbm>> -> memref<1x1x8x256xf32, #tpu.memory_space<hbm>>
    %dma_start3A_510 = tpu.memref_squeeze %dma_start3A_509 : memref<1x1x8x256xf32, #tpu.memory_space<hbm>> -> memref<8x256xf32, #tpu.memory_space<hbm>>
    %dma_start3A_511 = arith.constant 280 : i32
    %dma_start3A_512 = arith.constant 0 : i32
    %dma_start3A_513 = tpu.memref_slice %arg8[%dma_start3A_511, %dma_start3A_512] : memref<304x256xf32, #tpu.memory_space<vmem>> -> memref<8x256xf32, #tpu.memory_space<vmem>>
    %dma_start3A_514 = arith.constant 256 : i32
    %dma_start3A_515 = tpu.memref_slice %arg2[%select_n3A, %dma_start3A_504, %add3A_295, %dma_start3A_514] : memref<8x19x512x512xf32, #tpu.memory_space<hbm>> -> memref<1x1x8x256xf32, #tpu.memory_space<hbm>>
    %dma_start3A_516 = tpu.memref_squeeze %dma_start3A_515 : memref<1x1x8x256xf32, #tpu.memory_space<hbm>> -> memref<8x256xf32, #tpu.memory_space<hbm>>
    tpu.enqueue_dma source(%dma_start3A_516 : memref<8x256xf32, #tpu.memory_space<hbm>>) target(%dma_start3A_513 : memref<8x256xf32, #tpu.memory_space<vmem>>) target_semaphore(%arg12 : memref<!tpu.dma_semaphore, #tpu.memory_space<semaphore_mem>>)
    %dma_start3A_517 = arith.constant 17 : i32
    %dma_start3A_518 = arith.constant 288 : i32
    %dma_start3A_519 = arith.constant 0 : i32
    %dma_start3A_520 = tpu.memref_slice %arg8[%dma_start3A_518, %dma_start3A_519] : memref<304x256xf32, #tpu.memory_space<vmem>> -> memref<8x256xf32, #tpu.memory_space<vmem>>
    %dma_start3A_521 = arith.constant 256 : i32
    %dma_start3A_522 = tpu.memref_slice %arg2[%select_n3A, %dma_start3A_517, %add3A_295, %dma_start3A_521] : memref<8x19x512x512xf32, #tpu.memory_space<hbm>> -> memref<1x1x8x256xf32, #tpu.memory_space<hbm>>
    %dma_start3A_523 = tpu.memref_squeeze %dma_start3A_522 : memref<1x1x8x256xf32, #tpu.memory_space<hbm>> -> memref<8x256xf32, #tpu.memory_space<hbm>>
    %dma_start3A_524 = arith.constant 288 : i32
    %dma_start3A_525 = arith.constant 0 : i32
    %dma_start3A_526 = tpu.memref_slice %arg8[%dma_start3A_524, %dma_start3A_525] : memref<304x256xf32, #tpu.memory_space<vmem>> -> memref<8x256xf32, #tpu.memory_space<vmem>>
    %dma_start3A_527 = arith.constant 256 : i32
    %dma_start3A_528 = tpu.memref_slice %arg2[%select_n3A, %dma_start3A_517, %add3A_295, %dma_start3A_527] : memref<8x19x512x512xf32, #tpu.memory_space<hbm>> -> memref<1x1x8x256xf32, #tpu.memory_space<hbm>>
    %dma_start3A_529 = tpu.memref_squeeze %dma_start3A_528 : memref<1x1x8x256xf32, #tpu.memory_space<hbm>> -> memref<8x256xf32, #tpu.memory_space<hbm>>
    tpu.enqueue_dma source(%dma_start3A_529 : memref<8x256xf32, #tpu.memory_space<hbm>>) target(%dma_start3A_526 : memref<8x256xf32, #tpu.memory_space<vmem>>) target_semaphore(%arg12 : memref<!tpu.dma_semaphore, #tpu.memory_space<semaphore_mem>>)
    %dma_start3A_530 = arith.constant 18 : i32
    %dma_start3A_531 = arith.constant 296 : i32
    %dma_start3A_532 = arith.constant 0 : i32
    %dma_start3A_533 = tpu.memref_slice %arg8[%dma_start3A_531, %dma_start3A_532] : memref<304x256xf32, #tpu.memory_space<vmem>> -> memref<8x256xf32, #tpu.memory_space<vmem>>
    %dma_start3A_534 = arith.constant 256 : i32
    %dma_start3A_535 = tpu.memref_slice %arg2[%select_n3A, %dma_start3A_530, %add3A_295, %dma_start3A_534] : memref<8x19x512x512xf32, #tpu.memory_space<hbm>> -> memref<1x1x8x256xf32, #tpu.memory_space<hbm>>
    %dma_start3A_536 = tpu.memref_squeeze %dma_start3A_535 : memref<1x1x8x256xf32, #tpu.memory_space<hbm>> -> memref<8x256xf32, #tpu.memory_space<hbm>>
    %dma_start3A_537 = arith.constant 296 : i32
    %dma_start3A_538 = arith.constant 0 : i32
    %dma_start3A_539 = tpu.memref_slice %arg8[%dma_start3A_537, %dma_start3A_538] : memref<304x256xf32, #tpu.memory_space<vmem>> -> memref<8x256xf32, #tpu.memory_space<vmem>>
    %dma_start3A_540 = arith.constant 256 : i32
    %dma_start3A_541 = tpu.memref_slice %arg2[%select_n3A, %dma_start3A_530, %add3A_295, %dma_start3A_540] : memref<8x19x512x512xf32, #tpu.memory_space<hbm>> -> memref<1x1x8x256xf32, #tpu.memory_space<hbm>>
    %dma_start3A_542 = tpu.memref_squeeze %dma_start3A_541 : memref<1x1x8x256xf32, #tpu.memory_space<hbm>> -> memref<8x256xf32, #tpu.memory_space<hbm>>
    tpu.enqueue_dma source(%dma_start3A_542 : memref<8x256xf32, #tpu.memory_space<hbm>>) target(%dma_start3A_539 : memref<8x256xf32, #tpu.memory_space<vmem>>) target_semaphore(%arg12 : memref<!tpu.dma_semaphore, #tpu.memory_space<semaphore_mem>>)
    %dma_start3A_543 = arith.constant 8 : i32
    %dma_start3A_544 = arith.constant 0 : i32
    %dma_start3A_545 = tpu.memref_slice %arg9[%dma_start3A_543, %dma_start3A_544] : memref<16x256xi32, #tpu.memory_space<vmem>> -> memref<8x256xi32, #tpu.memory_space<vmem>>
    %dma_start3A_546 = arith.constant 256 : i32
    %dma_start3A_547 = tpu.memref_slice %arg3[%select_n3A, %add3A_295, %dma_start3A_546] : memref<8x512x512xi32, #tpu.memory_space<hbm>> -> memref<1x8x256xi32, #tpu.memory_space<hbm>>
    %dma_start3A_548 = tpu.memref_squeeze %dma_start3A_547 : memref<1x8x256xi32, #tpu.memory_space<hbm>> -> memref<8x256xi32, #tpu.memory_space<hbm>>
    %dma_start3A_549 = arith.constant 8 : i32
    %dma_start3A_550 = arith.constant 0 : i32
    %dma_start3A_551 = tpu.memref_slice %arg9[%dma_start3A_549, %dma_start3A_550] : memref<16x256xi32, #tpu.memory_space<vmem>> -> memref<8x256xi32, #tpu.memory_space<vmem>>
    %dma_start3A_552 = arith.constant 256 : i32
    %dma_start3A_553 = tpu.memref_slice %arg3[%select_n3A, %add3A_295, %dma_start3A_552] : memref<8x512x512xi32, #tpu.memory_space<hbm>> -> memref<1x8x256xi32, #tpu.memory_space<hbm>>
    %dma_start3A_554 = tpu.memref_squeeze %dma_start3A_553 : memref<1x8x256xi32, #tpu.memory_space<hbm>> -> memref<8x256xi32, #tpu.memory_space<hbm>>
    tpu.enqueue_dma source(%dma_start3A_554 : memref<8x256xi32, #tpu.memory_space<hbm>>) target(%dma_start3A_551 : memref<8x256xi32, #tpu.memory_space<vmem>>) target_semaphore(%arg12 : memref<!tpu.dma_semaphore, #tpu.memory_space<semaphore_mem>>)
    %scan3A = arith.constant 0 : i32
    %scan3A_555 = arith.constant 4 : i32
    %scan3A_556 = arith.addi %scan3A, %scan3A_555 : i32
    %scan3A_557 = arith.constant 1 : i32
    %scan3A_558:3 = scf.for %scan3A_606 = %scan3A to %scan3A_556 step %scan3A_557 iter_args(%scan3A_607 = %broadcast_in_dim3A_33, %scan3A_608 = %broadcast_in_dim3A_33, %scan3A_609 = %broadcast_in_dim3A_33) -> (vector<16xf32>, vector<16xf32>, vector<16xf32>)  : i32 {
      %mul3A_610 = arith.constant 2 : i32
      %mul3A_611 = arith.muli %scan3A_606, %mul3A_610 : i32
      %add3A_612 = arith.constant 0 : i32
      %add3A_613 = arith.addi %mul3A_611, %add3A_612 : i32
      %dma_wait3A_614 = arith.constant 0 : i32
      %dma_wait3A_615 = arith.constant 0 : i32
      %dma_wait3A_616 = arith.constant 0 : i32
      %dma_wait3A_617 = arith.constant 0 : i32
      %dma_wait3A_618 = tpu.memref_slice %arg8[%dma_wait3A_616, %dma_wait3A_617] : memref<304x256xf32, #tpu.memory_space<vmem>> -> memref<8x256xf32, #tpu.memory_space<vmem>>
      %dma_wait3A_619 = arith.constant 0 : i32
      %dma_wait3A_620 = arith.constant 0 : i32
      %dma_wait3A_621 = tpu.memref_slice %arg2[%dma_wait3A_614, %dma_wait3A_615, %dma_wait3A_619, %dma_wait3A_620] : memref<8x19x512x512xf32, #tpu.memory_space<hbm>> -> memref<1x1x8x256xf32, #tpu.memory_space<hbm>>
      %dma_wait3A_622 = tpu.memref_squeeze %dma_wait3A_621 : memref<1x1x8x256xf32, #tpu.memory_space<hbm>> -> memref<8x256xf32, #tpu.memory_space<hbm>>
      %dma_wait3A_623 = arith.constant 0 : i32
      %dma_wait3A_624 = arith.constant 0 : i32
      %dma_wait3A_625 = tpu.memref_slice %arg8[%dma_wait3A_623, %dma_wait3A_624] : memref<304x256xf32, #tpu.memory_space<vmem>> -> memref<8x256xf32, #tpu.memory_space<vmem>>
      %dma_wait3A_626 = arith.constant 0 : i32
      %dma_wait3A_627 = arith.constant 0 : i32
      %dma_wait3A_628 = tpu.memref_slice %arg2[%dma_wait3A_614, %dma_wait3A_615, %dma_wait3A_626, %dma_wait3A_627] : memref<8x19x512x512xf32, #tpu.memory_space<hbm>> -> memref<1x1x8x256xf32, #tpu.memory_space<hbm>>
      %dma_wait3A_629 = tpu.memref_squeeze %dma_wait3A_628 : memref<1x1x8x256xf32, #tpu.memory_space<hbm>> -> memref<8x256xf32, #tpu.memory_space<hbm>>
      tpu.wait_dma2 semaphore(%arg12 : memref<!tpu.dma_semaphore, #tpu.memory_space<semaphore_mem>>) src(%dma_wait3A_629 : memref<8x256xf32, #tpu.memory_space<hbm>>) dst(%dma_wait3A_625 : memref<8x256xf32, #tpu.memory_space<vmem>>)
      %dma_wait3A_630 = arith.constant 0 : i32
      %dma_wait3A_631 = arith.constant 0 : i32
      %dma_wait3A_632 = arith.constant 8 : i32
      %dma_wait3A_633 = arith.constant 0 : i32
      %dma_wait3A_634 = tpu.memref_slice %arg8[%dma_wait3A_632, %dma_wait3A_633] : memref<304x256xf32, #tpu.memory_space<vmem>> -> memref<8x256xf32, #tpu.memory_space<vmem>>
      %dma_wait3A_635 = arith.constant 0 : i32
      %dma_wait3A_636 = arith.constant 0 : i32
      %dma_wait3A_637 = tpu.memref_slice %arg2[%dma_wait3A_630, %dma_wait3A_631, %dma_wait3A_635, %dma_wait3A_636] : memref<8x19x512x512xf32, #tpu.memory_space<hbm>> -> memref<1x1x8x256xf32, #tpu.memory_space<hbm>>
      %dma_wait3A_638 = tpu.memref_squeeze %dma_wait3A_637 : memref<1x1x8x256xf32, #tpu.memory_space<hbm>> -> memref<8x256xf32, #tpu.memory_space<hbm>>
      %dma_wait3A_639 = arith.constant 8 : i32
      %dma_wait3A_640 = arith.constant 0 : i32
      %dma_wait3A_641 = tpu.memref_slice %arg8[%dma_wait3A_639, %dma_wait3A_640] : memref<304x256xf32, #tpu.memory_space<vmem>> -> memref<8x256xf32, #tpu.memory_space<vmem>>
      %dma_wait3A_642 = arith.constant 0 : i32
      %dma_wait3A_643 = arith.constant 0 : i32
      %dma_wait3A_644 = tpu.memref_slice %arg2[%dma_wait3A_630, %dma_wait3A_631, %dma_wait3A_642, %dma_wait3A_643] : memref<8x19x512x512xf32, #tpu.memory_space<hbm>> -> memref<1x1x8x256xf32, #tpu.memory_space<hbm>>
      %dma_wait3A_645 = tpu.memref_squeeze %dma_wait3A_644 : memref<1x1x8x256xf32, #tpu.memory_space<hbm>> -> memref<8x256xf32, #tpu.memory_space<hbm>>
      tpu.wait_dma2 semaphore(%arg12 : memref<!tpu.dma_semaphore, #tpu.memory_space<semaphore_mem>>) src(%dma_wait3A_645 : memref<8x256xf32, #tpu.memory_space<hbm>>) dst(%dma_wait3A_641 : memref<8x256xf32, #tpu.memory_space<vmem>>)
      %dma_wait3A_646 = arith.constant 0 : i32
      %dma_wait3A_647 = arith.constant 0 : i32
      %dma_wait3A_648 = arith.constant 16 : i32
      %dma_wait3A_649 = arith.constant 0 : i32
      %dma_wait3A_650 = tpu.memref_slice %arg8[%dma_wait3A_648, %dma_wait3A_649] : memref<304x256xf32, #tpu.memory_space<vmem>> -> memref<8x256xf32, #tpu.memory_space<vmem>>
      %dma_wait3A_651 = arith.constant 0 : i32
      %dma_wait3A_652 = arith.constant 0 : i32
      %dma_wait3A_653 = tpu.memref_slice %arg2[%dma_wait3A_646, %dma_wait3A_647, %dma_wait3A_651, %dma_wait3A_652] : memref<8x19x512x512xf32, #tpu.memory_space<hbm>> -> memref<1x1x8x256xf32, #tpu.memory_space<hbm>>
      %dma_wait3A_654 = tpu.memref_squeeze %dma_wait3A_653 : memref<1x1x8x256xf32, #tpu.memory_space<hbm>> -> memref<8x256xf32, #tpu.memory_space<hbm>>
      %dma_wait3A_655 = arith.constant 16 : i32
      %dma_wait3A_656 = arith.constant 0 : i32
      %dma_wait3A_657 = tpu.memref_slice %arg8[%dma_wait3A_655, %dma_wait3A_656] : memref<304x256xf32, #tpu.memory_space<vmem>> -> memref<8x256xf32, #tpu.memory_space<vmem>>
      %dma_wait3A_658 = arith.constant 0 : i32
      %dma_wait3A_659 = arith.constant 0 : i32
      %dma_wait3A_660 = tpu.memref_slice %arg2[%dma_wait3A_646, %dma_wait3A_647, %dma_wait3A_658, %dma_wait3A_659] : memref<8x19x512x512xf32, #tpu.memory_space<hbm>> -> memref<1x1x8x256xf32, #tpu.memory_space<hbm>>
      %dma_wait3A_661 = tpu.memref_squeeze %dma_wait3A_660 : memref<1x1x8x256xf32, #tpu.memory_space<hbm>> -> memref<8x256xf32, #tpu.memory_space<hbm>>
      tpu.wait_dma2 semaphore(%arg12 : memref<!tpu.dma_semaphore, #tpu.memory_space<semaphore_mem>>) src(%dma_wait3A_661 : memref<8x256xf32, #tpu.memory_space<hbm>>) dst(%dma_wait3A_657 : memref<8x256xf32, #tpu.memory_space<vmem>>)
      %dma_wait3A_662 = arith.constant 0 : i32
      %dma_wait3A_663 = arith.constant 0 : i32
      %dma_wait3A_664 = arith.constant 24 : i32
      %dma_wait3A_665 = arith.constant 0 : i32
      %dma_wait3A_666 = tpu.memref_slice %arg8[%dma_wait3A_664, %dma_wait3A_665] : memref<304x256xf32, #tpu.memory_space<vmem>> -> memref<8x256xf32, #tpu.memory_space<vmem>>
      %dma_wait3A_667 = arith.constant 0 : i32
      %dma_wait3A_668 = arith.constant 0 : i32
      %dma_wait3A_669 = tpu.memref_slice %arg2[%dma_wait3A_662, %dma_wait3A_663, %dma_wait3A_667, %dma_wait3A_668] : memref<8x19x512x512xf32, #tpu.memory_space<hbm>> -> memref<1x1x8x256xf32, #tpu.memory_space<hbm>>
      %dma_wait3A_670 = tpu.memref_squeeze %dma_wait3A_669 : memref<1x1x8x256xf32, #tpu.memory_space<hbm>> -> memref<8x256xf32, #tpu.memory_space<hbm>>
      %dma_wait3A_671 = arith.constant 24 : i32
      %dma_wait3A_672 = arith.constant 0 : i32
      %dma_wait3A_673 = tpu.memref_slice %arg8[%dma_wait3A_671, %dma_wait3A_672] : memref<304x256xf32, #tpu.memory_space<vmem>> -> memref<8x256xf32, #tpu.memory_space<vmem>>
      %dma_wait3A_674 = arith.constant 0 : i32
      %dma_wait3A_675 = arith.constant 0 : i32
      %dma_wait3A_676 = tpu.memref_slice %arg2[%dma_wait3A_662, %dma_wait3A_663, %dma_wait3A_674, %dma_wait3A_675] : memref<8x19x512x512xf32, #tpu.memory_space<hbm>> -> memref<1x1x8x256xf32, #tpu.memory_space<hbm>>
      %dma_wait3A_677 = tpu.memref_squeeze %dma_wait3A_676 : memref<1x1x8x256xf32, #tpu.memory_space<hbm>> -> memref<8x256xf32, #tpu.memory_space<hbm>>
      tpu.wait_dma2 semaphore(%arg12 : memref<!tpu.dma_semaphore, #tpu.memory_space<semaphore_mem>>) src(%dma_wait3A_677 : memref<8x256xf32, #tpu.memory_space<hbm>>) dst(%dma_wait3A_673 : memref<8x256xf32, #tpu.memory_space<vmem>>)
      %dma_wait3A_678 = arith.constant 0 : i32
      %dma_wait3A_679 = arith.constant 0 : i32
      %dma_wait3A_680 = arith.constant 32 : i32
      %dma_wait3A_681 = arith.constant 0 : i32
      %dma_wait3A_682 = tpu.memref_slice %arg8[%dma_wait3A_680, %dma_wait3A_681] : memref<304x256xf32, #tpu.memory_space<vmem>> -> memref<8x256xf32, #tpu.memory_space<vmem>>
      %dma_wait3A_683 = arith.constant 0 : i32
      %dma_wait3A_684 = arith.constant 0 : i32
      %dma_wait3A_685 = tpu.memref_slice %arg2[%dma_wait3A_678, %dma_wait3A_679, %dma_wait3A_683, %dma_wait3A_684] : memref<8x19x512x512xf32, #tpu.memory_space<hbm>> -> memref<1x1x8x256xf32, #tpu.memory_space<hbm>>
      %dma_wait3A_686 = tpu.memref_squeeze %dma_wait3A_685 : memref<1x1x8x256xf32, #tpu.memory_space<hbm>> -> memref<8x256xf32, #tpu.memory_space<hbm>>
      %dma_wait3A_687 = arith.constant 32 : i32
      %dma_wait3A_688 = arith.constant 0 : i32
      %dma_wait3A_689 = tpu.memref_slice %arg8[%dma_wait3A_687, %dma_wait3A_688] : memref<304x256xf32, #tpu.memory_space<vmem>> -> memref<8x256xf32, #tpu.memory_space<vmem>>
      %dma_wait3A_690 = arith.constant 0 : i32
      %dma_wait3A_691 = arith.constant 0 : i32
      %dma_wait3A_692 = tpu.memref_slice %arg2[%dma_wait3A_678, %dma_wait3A_679, %dma_wait3A_690, %dma_wait3A_691] : memref<8x19x512x512xf32, #tpu.memory_space<hbm>> -> memref<1x1x8x256xf32, #tpu.memory_space<hbm>>
      %dma_wait3A_693 = tpu.memref_squeeze %dma_wait3A_692 : memref<1x1x8x256xf32, #tpu.memory_space<hbm>> -> memref<8x256xf32, #tpu.memory_space<hbm>>
      tpu.wait_dma2 semaphore(%arg12 : memref<!tpu.dma_semaphore, #tpu.memory_space<semaphore_mem>>) src(%dma_wait3A_693 : memref<8x256xf32, #tpu.memory_space<hbm>>) dst(%dma_wait3A_689 : memref<8x256xf32, #tpu.memory_space<vmem>>)
      %dma_wait3A_694 = arith.constant 0 : i32
      %dma_wait3A_695 = arith.constant 0 : i32
      %dma_wait3A_696 = arith.constant 40 : i32
      %dma_wait3A_697 = arith.constant 0 : i32
      %dma_wait3A_698 = tpu.memref_slice %arg8[%dma_wait3A_696, %dma_wait3A_697] : memref<304x256xf32, #tpu.memory_space<vmem>> -> memref<8x256xf32, #tpu.memory_space<vmem>>
      %dma_wait3A_699 = arith.constant 0 : i32
      %dma_wait3A_700 = arith.constant 0 : i32
      %dma_wait3A_701 = tpu.memref_slice %arg2[%dma_wait3A_694, %dma_wait3A_695, %dma_wait3A_699, %dma_wait3A_700] : memref<8x19x512x512xf32, #tpu.memory_space<hbm>> -> memref<1x1x8x256xf32, #tpu.memory_space<hbm>>
      %dma_wait3A_702 = tpu.memref_squeeze %dma_wait3A_701 : memref<1x1x8x256xf32, #tpu.memory_space<hbm>> -> memref<8x256xf32, #tpu.memory_space<hbm>>
      %dma_wait3A_703 = arith.constant 40 : i32
      %dma_wait3A_704 = arith.constant 0 : i32
      %dma_wait3A_705 = tpu.memref_slice %arg8[%dma_wait3A_703, %dma_wait3A_704] : memref<304x256xf32, #tpu.memory_space<vmem>> -> memref<8x256xf32, #tpu.memory_space<vmem>>
      %dma_wait3A_706 = arith.constant 0 : i32
      %dma_wait3A_707 = arith.constant 0 : i32
      %dma_wait3A_708 = tpu.memref_slice %arg2[%dma_wait3A_694, %dma_wait3A_695, %dma_wait3A_706, %dma_wait3A_707] : memref<8x19x512x512xf32, #tpu.memory_space<hbm>> -> memref<1x1x8x256xf32, #tpu.memory_space<hbm>>
      %dma_wait3A_709 = tpu.memref_squeeze %dma_wait3A_708 : memref<1x1x8x256xf32, #tpu.memory_space<hbm>> -> memref<8x256xf32, #tpu.memory_space<hbm>>
      tpu.wait_dma2 semaphore(%arg12 : memref<!tpu.dma_semaphore, #tpu.memory_space<semaphore_mem>>) src(%dma_wait3A_709 : memref<8x256xf32, #tpu.memory_space<hbm>>) dst(%dma_wait3A_705 : memref<8x256xf32, #tpu.memory_space<vmem>>)
      %dma_wait3A_710 = arith.constant 0 : i32
      %dma_wait3A_711 = arith.constant 0 : i32
      %dma_wait3A_712 = arith.constant 48 : i32
      %dma_wait3A_713 = arith.constant 0 : i32
      %dma_wait3A_714 = tpu.memref_slice %arg8[%dma_wait3A_712, %dma_wait3A_713] : memref<304x256xf32, #tpu.memory_space<vmem>> -> memref<8x256xf32, #tpu.memory_space<vmem>>
      %dma_wait3A_715 = arith.constant 0 : i32
      %dma_wait3A_716 = arith.constant 0 : i32
      %dma_wait3A_717 = tpu.memref_slice %arg2[%dma_wait3A_710, %dma_wait3A_711, %dma_wait3A_715, %dma_wait3A_716] : memref<8x19x512x512xf32, #tpu.memory_space<hbm>> -> memref<1x1x8x256xf32, #tpu.memory_space<hbm>>
      %dma_wait3A_718 = tpu.memref_squeeze %dma_wait3A_717 : memref<1x1x8x256xf32, #tpu.memory_space<hbm>> -> memref<8x256xf32, #tpu.memory_space<hbm>>
      %dma_wait3A_719 = arith.constant 48 : i32
      %dma_wait3A_720 = arith.constant 0 : i32
      %dma_wait3A_721 = tpu.memref_slice %arg8[%dma_wait3A_719, %dma_wait3A_720] : memref<304x256xf32, #tpu.memory_space<vmem>> -> memref<8x256xf32, #tpu.memory_space<vmem>>
      %dma_wait3A_722 = arith.constant 0 : i32
      %dma_wait3A_723 = arith.constant 0 : i32
      %dma_wait3A_724 = tpu.memref_slice %arg2[%dma_wait3A_710, %dma_wait3A_711, %dma_wait3A_722, %dma_wait3A_723] : memref<8x19x512x512xf32, #tpu.memory_space<hbm>> -> memref<1x1x8x256xf32, #tpu.memory_space<hbm>>
      %dma_wait3A_725 = tpu.memref_squeeze %dma_wait3A_724 : memref<1x1x8x256xf32, #tpu.memory_space<hbm>> -> memref<8x256xf32, #tpu.memory_space<hbm>>
      tpu.wait_dma2 semaphore(%arg12 : memref<!tpu.dma_semaphore, #tpu.memory_space<semaphore_mem>>) src(%dma_wait3A_725 : memref<8x256xf32, #tpu.memory_space<hbm>>) dst(%dma_wait3A_721 : memref<8x256xf32, #tpu.memory_space<vmem>>)
      %dma_wait3A_726 = arith.constant 0 : i32
      %dma_wait3A_727 = arith.constant 0 : i32
      %dma_wait3A_728 = arith.constant 56 : i32
      %dma_wait3A_729 = arith.constant 0 : i32
      %dma_wait3A_730 = tpu.memref_slice %arg8[%dma_wait3A_728, %dma_wait3A_729] : memref<304x256xf32, #tpu.memory_space<vmem>> -> memref<8x256xf32, #tpu.memory_space<vmem>>
      %dma_wait3A_731 = arith.constant 0 : i32
      %dma_wait3A_732 = arith.constant 0 : i32
      %dma_wait3A_733 = tpu.memref_slice %arg2[%dma_wait3A_726, %dma_wait3A_727, %dma_wait3A_731, %dma_wait3A_732] : memref<8x19x512x512xf32, #tpu.memory_space<hbm>> -> memref<1x1x8x256xf32, #tpu.memory_space<hbm>>
      %dma_wait3A_734 = tpu.memref_squeeze %dma_wait3A_733 : memref<1x1x8x256xf32, #tpu.memory_space<hbm>> -> memref<8x256xf32, #tpu.memory_space<hbm>>
      %dma_wait3A_735 = arith.constant 56 : i32
      %dma_wait3A_736 = arith.constant 0 : i32
      %dma_wait3A_737 = tpu.memref_slice %arg8[%dma_wait3A_735, %dma_wait3A_736] : memref<304x256xf32, #tpu.memory_space<vmem>> -> memref<8x256xf32, #tpu.memory_space<vmem>>
      %dma_wait3A_738 = arith.constant 0 : i32
      %dma_wait3A_739 = arith.constant 0 : i32
      %dma_wait3A_740 = tpu.memref_slice %arg2[%dma_wait3A_726, %dma_wait3A_727, %dma_wait3A_738, %dma_wait3A_739] : memref<8x19x512x512xf32, #tpu.memory_space<hbm>> -> memref<1x1x8x256xf32, #tpu.memory_space<hbm>>
      %dma_wait3A_741 = tpu.memref_squeeze %dma_wait3A_740 : memref<1x1x8x256xf32, #tpu.memory_space<hbm>> -> memref<8x256xf32, #tpu.memory_space<hbm>>
      tpu.wait_dma2 semaphore(%arg12 : memref<!tpu.dma_semaphore, #tpu.memory_space<semaphore_mem>>) src(%dma_wait3A_741 : memref<8x256xf32, #tpu.memory_space<hbm>>) dst(%dma_wait3A_737 : memref<8x256xf32, #tpu.memory_space<vmem>>)
      %dma_wait3A_742 = arith.constant 0 : i32
      %dma_wait3A_743 = arith.constant 0 : i32
      %dma_wait3A_744 = arith.constant 64 : i32
      %dma_wait3A_745 = arith.constant 0 : i32
      %dma_wait3A_746 = tpu.memref_slice %arg8[%dma_wait3A_744, %dma_wait3A_745] : memref<304x256xf32, #tpu.memory_space<vmem>> -> memref<8x256xf32, #tpu.memory_space<vmem>>
      %dma_wait3A_747 = arith.constant 0 : i32
      %dma_wait3A_748 = arith.constant 0 : i32
      %dma_wait3A_749 = tpu.memref_slice %arg2[%dma_wait3A_742, %dma_wait3A_743, %dma_wait3A_747, %dma_wait3A_748] : memref<8x19x512x512xf32, #tpu.memory_space<hbm>> -> memref<1x1x8x256xf32, #tpu.memory_space<hbm>>
      %dma_wait3A_750 = tpu.memref_squeeze %dma_wait3A_749 : memref<1x1x8x256xf32, #tpu.memory_space<hbm>> -> memref<8x256xf32, #tpu.memory_space<hbm>>
      %dma_wait3A_751 = arith.constant 64 : i32
      %dma_wait3A_752 = arith.constant 0 : i32
      %dma_wait3A_753 = tpu.memref_slice %arg8[%dma_wait3A_751, %dma_wait3A_752] : memref<304x256xf32, #tpu.memory_space<vmem>> -> memref<8x256xf32, #tpu.memory_space<vmem>>
      %dma_wait3A_754 = arith.constant 0 : i32
      %dma_wait3A_755 = arith.constant 0 : i32
      %dma_wait3A_756 = tpu.memref_slice %arg2[%dma_wait3A_742, %dma_wait3A_743, %dma_wait3A_754, %dma_wait3A_755] : memref<8x19x512x512xf32, #tpu.memory_space<hbm>> -> memref<1x1x8x256xf32, #tpu.memory_space<hbm>>
      %dma_wait3A_757 = tpu.memref_squeeze %dma_wait3A_756 : memref<1x1x8x256xf32, #tpu.memory_space<hbm>> -> memref<8x256xf32, #tpu.memory_space<hbm>>
      tpu.wait_dma2 semaphore(%arg12 : memref<!tpu.dma_semaphore, #tpu.memory_space<semaphore_mem>>) src(%dma_wait3A_757 : memref<8x256xf32, #tpu.memory_space<hbm>>) dst(%dma_wait3A_753 : memref<8x256xf32, #tpu.memory_space<vmem>>)
      %dma_wait3A_758 = arith.constant 0 : i32
      %dma_wait3A_759 = arith.constant 0 : i32
      %dma_wait3A_760 = arith.constant 72 : i32
      %dma_wait3A_761 = arith.constant 0 : i32
      %dma_wait3A_762 = tpu.memref_slice %arg8[%dma_wait3A_760, %dma_wait3A_761] : memref<304x256xf32, #tpu.memory_space<vmem>> -> memref<8x256xf32, #tpu.memory_space<vmem>>
      %dma_wait3A_763 = arith.constant 0 : i32
      %dma_wait3A_764 = arith.constant 0 : i32
      %dma_wait3A_765 = tpu.memref_slice %arg2[%dma_wait3A_758, %dma_wait3A_759, %dma_wait3A_763, %dma_wait3A_764] : memref<8x19x512x512xf32, #tpu.memory_space<hbm>> -> memref<1x1x8x256xf32, #tpu.memory_space<hbm>>
      %dma_wait3A_766 = tpu.memref_squeeze %dma_wait3A_765 : memref<1x1x8x256xf32, #tpu.memory_space<hbm>> -> memref<8x256xf32, #tpu.memory_space<hbm>>
      %dma_wait3A_767 = arith.constant 72 : i32
      %dma_wait3A_768 = arith.constant 0 : i32
      %dma_wait3A_769 = tpu.memref_slice %arg8[%dma_wait3A_767, %dma_wait3A_768] : memref<304x256xf32, #tpu.memory_space<vmem>> -> memref<8x256xf32, #tpu.memory_space<vmem>>
      %dma_wait3A_770 = arith.constant 0 : i32
      %dma_wait3A_771 = arith.constant 0 : i32
      %dma_wait3A_772 = tpu.memref_slice %arg2[%dma_wait3A_758, %dma_wait3A_759, %dma_wait3A_770, %dma_wait3A_771] : memref<8x19x512x512xf32, #tpu.memory_space<hbm>> -> memref<1x1x8x256xf32, #tpu.memory_space<hbm>>
      %dma_wait3A_773 = tpu.memref_squeeze %dma_wait3A_772 : memref<1x1x8x256xf32, #tpu.memory_space<hbm>> -> memref<8x256xf32, #tpu.memory_space<hbm>>
      tpu.wait_dma2 semaphore(%arg12 : memref<!tpu.dma_semaphore, #tpu.memory_space<semaphore_mem>>) src(%dma_wait3A_773 : memref<8x256xf32, #tpu.memory_space<hbm>>) dst(%dma_wait3A_769 : memref<8x256xf32, #tpu.memory_space<vmem>>)
      %dma_wait3A_774 = arith.constant 0 : i32
      %dma_wait3A_775 = arith.constant 0 : i32
      %dma_wait3A_776 = arith.constant 80 : i32
      %dma_wait3A_777 = arith.constant 0 : i32
      %dma_wait3A_778 = tpu.memref_slice %arg8[%dma_wait3A_776, %dma_wait3A_777] : memref<304x256xf32, #tpu.memory_space<vmem>> -> memref<8x256xf32, #tpu.memory_space<vmem>>
      %dma_wait3A_779 = arith.constant 0 : i32
      %dma_wait3A_780 = arith.constant 0 : i32
      %dma_wait3A_781 = tpu.memref_slice %arg2[%dma_wait3A_774, %dma_wait3A_775, %dma_wait3A_779, %dma_wait3A_780] : memref<8x19x512x512xf32, #tpu.memory_space<hbm>> -> memref<1x1x8x256xf32, #tpu.memory_space<hbm>>
      %dma_wait3A_782 = tpu.memref_squeeze %dma_wait3A_781 : memref<1x1x8x256xf32, #tpu.memory_space<hbm>> -> memref<8x256xf32, #tpu.memory_space<hbm>>
      %dma_wait3A_783 = arith.constant 80 : i32
      %dma_wait3A_784 = arith.constant 0 : i32
      %dma_wait3A_785 = tpu.memref_slice %arg8[%dma_wait3A_783, %dma_wait3A_784] : memref<304x256xf32, #tpu.memory_space<vmem>> -> memref<8x256xf32, #tpu.memory_space<vmem>>
      %dma_wait3A_786 = arith.constant 0 : i32
      %dma_wait3A_787 = arith.constant 0 : i32
      %dma_wait3A_788 = tpu.memref_slice %arg2[%dma_wait3A_774, %dma_wait3A_775, %dma_wait3A_786, %dma_wait3A_787] : memref<8x19x512x512xf32, #tpu.memory_space<hbm>> -> memref<1x1x8x256xf32, #tpu.memory_space<hbm>>
      %dma_wait3A_789 = tpu.memref_squeeze %dma_wait3A_788 : memref<1x1x8x256xf32, #tpu.memory_space<hbm>> -> memref<8x256xf32, #tpu.memory_space<hbm>>
      tpu.wait_dma2 semaphore(%arg12 : memref<!tpu.dma_semaphore, #tpu.memory_space<semaphore_mem>>) src(%dma_wait3A_789 : memref<8x256xf32, #tpu.memory_space<hbm>>) dst(%dma_wait3A_785 : memref<8x256xf32, #tpu.memory_space<vmem>>)
      %dma_wait3A_790 = arith.constant 0 : i32
      %dma_wait3A_791 = arith.constant 0 : i32
      %dma_wait3A_792 = arith.constant 88 : i32
      %dma_wait3A_793 = arith.constant 0 : i32
      %dma_wait3A_794 = tpu.memref_slice %arg8[%dma_wait3A_792, %dma_wait3A_793] : memref<304x256xf32, #tpu.memory_space<vmem>> -> memref<8x256xf32, #tpu.memory_space<vmem>>
      %dma_wait3A_795 = arith.constant 0 : i32
      %dma_wait3A_796 = arith.constant 0 : i32
      %dma_wait3A_797 = tpu.memref_slice %arg2[%dma_wait3A_790, %dma_wait3A_791, %dma_wait3A_795, %dma_wait3A_796] : memref<8x19x512x512xf32, #tpu.memory_space<hbm>> -> memref<1x1x8x256xf32, #tpu.memory_space<hbm>>
      %dma_wait3A_798 = tpu.memref_squeeze %dma_wait3A_797 : memref<1x1x8x256xf32, #tpu.memory_space<hbm>> -> memref<8x256xf32, #tpu.memory_space<hbm>>
      %dma_wait3A_799 = arith.constant 88 : i32
      %dma_wait3A_800 = arith.constant 0 : i32
      %dma_wait3A_801 = tpu.memref_slice %arg8[%dma_wait3A_799, %dma_wait3A_800] : memref<304x256xf32, #tpu.memory_space<vmem>> -> memref<8x256xf32, #tpu.memory_space<vmem>>
      %dma_wait3A_802 = arith.constant 0 : i32
      %dma_wait3A_803 = arith.constant 0 : i32
      %dma_wait3A_804 = tpu.memref_slice %arg2[%dma_wait3A_790, %dma_wait3A_791, %dma_wait3A_802, %dma_wait3A_803] : memref<8x19x512x512xf32, #tpu.memory_space<hbm>> -> memref<1x1x8x256xf32, #tpu.memory_space<hbm>>
      %dma_wait3A_805 = tpu.memref_squeeze %dma_wait3A_804 : memref<1x1x8x256xf32, #tpu.memory_space<hbm>> -> memref<8x256xf32, #tpu.memory_space<hbm>>
      tpu.wait_dma2 semaphore(%arg12 : memref<!tpu.dma_semaphore, #tpu.memory_space<semaphore_mem>>) src(%dma_wait3A_805 : memref<8x256xf32, #tpu.memory_space<hbm>>) dst(%dma_wait3A_801 : memref<8x256xf32, #tpu.memory_space<vmem>>)
      %dma_wait3A_806 = arith.constant 0 : i32
      %dma_wait3A_807 = arith.constant 0 : i32
      %dma_wait3A_808 = arith.constant 96 : i32
      %dma_wait3A_809 = arith.constant 0 : i32
      %dma_wait3A_810 = tpu.memref_slice %arg8[%dma_wait3A_808, %dma_wait3A_809] : memref<304x256xf32, #tpu.memory_space<vmem>> -> memref<8x256xf32, #tpu.memory_space<vmem>>
      %dma_wait3A_811 = arith.constant 0 : i32
      %dma_wait3A_812 = arith.constant 0 : i32
      %dma_wait3A_813 = tpu.memref_slice %arg2[%dma_wait3A_806, %dma_wait3A_807, %dma_wait3A_811, %dma_wait3A_812] : memref<8x19x512x512xf32, #tpu.memory_space<hbm>> -> memref<1x1x8x256xf32, #tpu.memory_space<hbm>>
      %dma_wait3A_814 = tpu.memref_squeeze %dma_wait3A_813 : memref<1x1x8x256xf32, #tpu.memory_space<hbm>> -> memref<8x256xf32, #tpu.memory_space<hbm>>
      %dma_wait3A_815 = arith.constant 96 : i32
      %dma_wait3A_816 = arith.constant 0 : i32
      %dma_wait3A_817 = tpu.memref_slice %arg8[%dma_wait3A_815, %dma_wait3A_816] : memref<304x256xf32, #tpu.memory_space<vmem>> -> memref<8x256xf32, #tpu.memory_space<vmem>>
      %dma_wait3A_818 = arith.constant 0 : i32
      %dma_wait3A_819 = arith.constant 0 : i32
      %dma_wait3A_820 = tpu.memref_slice %arg2[%dma_wait3A_806, %dma_wait3A_807, %dma_wait3A_818, %dma_wait3A_819] : memref<8x19x512x512xf32, #tpu.memory_space<hbm>> -> memref<1x1x8x256xf32, #tpu.memory_space<hbm>>
      %dma_wait3A_821 = tpu.memref_squeeze %dma_wait3A_820 : memref<1x1x8x256xf32, #tpu.memory_space<hbm>> -> memref<8x256xf32, #tpu.memory_space<hbm>>
      tpu.wait_dma2 semaphore(%arg12 : memref<!tpu.dma_semaphore, #tpu.memory_space<semaphore_mem>>) src(%dma_wait3A_821 : memref<8x256xf32, #tpu.memory_space<hbm>>) dst(%dma_wait3A_817 : memref<8x256xf32, #tpu.memory_space<vmem>>)
      %dma_wait3A_822 = arith.constant 0 : i32
      %dma_wait3A_823 = arith.constant 0 : i32
      %dma_wait3A_824 = arith.constant 104 : i32
      %dma_wait3A_825 = arith.constant 0 : i32
      %dma_wait3A_826 = tpu.memref_slice %arg8[%dma_wait3A_824, %dma_wait3A_825] : memref<304x256xf32, #tpu.memory_space<vmem>> -> memref<8x256xf32, #tpu.memory_space<vmem>>
      %dma_wait3A_827 = arith.constant 0 : i32
      %dma_wait3A_828 = arith.constant 0 : i32
      %dma_wait3A_829 = tpu.memref_slice %arg2[%dma_wait3A_822, %dma_wait3A_823, %dma_wait3A_827, %dma_wait3A_828] : memref<8x19x512x512xf32, #tpu.memory_space<hbm>> -> memref<1x1x8x256xf32, #tpu.memory_space<hbm>>
      %dma_wait3A_830 = tpu.memref_squeeze %dma_wait3A_829 : memref<1x1x8x256xf32, #tpu.memory_space<hbm>> -> memref<8x256xf32, #tpu.memory_space<hbm>>
      %dma_wait3A_831 = arith.constant 104 : i32
      %dma_wait3A_832 = arith.constant 0 : i32
      %dma_wait3A_833 = tpu.memref_slice %arg8[%dma_wait3A_831, %dma_wait3A_832] : memref<304x256xf32, #tpu.memory_space<vmem>> -> memref<8x256xf32, #tpu.memory_space<vmem>>
      %dma_wait3A_834 = arith.constant 0 : i32
      %dma_wait3A_835 = arith.constant 0 : i32
      %dma_wait3A_836 = tpu.memref_slice %arg2[%dma_wait3A_822, %dma_wait3A_823, %dma_wait3A_834, %dma_wait3A_835] : memref<8x19x512x512xf32, #tpu.memory_space<hbm>> -> memref<1x1x8x256xf32, #tpu.memory_space<hbm>>
      %dma_wait3A_837 = tpu.memref_squeeze %dma_wait3A_836 : memref<1x1x8x256xf32, #tpu.memory_space<hbm>> -> memref<8x256xf32, #tpu.memory_space<hbm>>
      tpu.wait_dma2 semaphore(%arg12 : memref<!tpu.dma_semaphore, #tpu.memory_space<semaphore_mem>>) src(%dma_wait3A_837 : memref<8x256xf32, #tpu.memory_space<hbm>>) dst(%dma_wait3A_833 : memref<8x256xf32, #tpu.memory_space<vmem>>)
      %dma_wait3A_838 = arith.constant 0 : i32
      %dma_wait3A_839 = arith.constant 0 : i32
      %dma_wait3A_840 = arith.constant 112 : i32
      %dma_wait3A_841 = arith.constant 0 : i32
      %dma_wait3A_842 = tpu.memref_slice %arg8[%dma_wait3A_840, %dma_wait3A_841] : memref<304x256xf32, #tpu.memory_space<vmem>> -> memref<8x256xf32, #tpu.memory_space<vmem>>
      %dma_wait3A_843 = arith.constant 0 : i32
      %dma_wait3A_844 = arith.constant 0 : i32
      %dma_wait3A_845 = tpu.memref_slice %arg2[%dma_wait3A_838, %dma_wait3A_839, %dma_wait3A_843, %dma_wait3A_844] : memref<8x19x512x512xf32, #tpu.memory_space<hbm>> -> memref<1x1x8x256xf32, #tpu.memory_space<hbm>>
      %dma_wait3A_846 = tpu.memref_squeeze %dma_wait3A_845 : memref<1x1x8x256xf32, #tpu.memory_space<hbm>> -> memref<8x256xf32, #tpu.memory_space<hbm>>
      %dma_wait3A_847 = arith.constant 112 : i32
      %dma_wait3A_848 = arith.constant 0 : i32
      %dma_wait3A_849 = tpu.memref_slice %arg8[%dma_wait3A_847, %dma_wait3A_848] : memref<304x256xf32, #tpu.memory_space<vmem>> -> memref<8x256xf32, #tpu.memory_space<vmem>>
      %dma_wait3A_850 = arith.constant 0 : i32
      %dma_wait3A_851 = arith.constant 0 : i32
      %dma_wait3A_852 = tpu.memref_slice %arg2[%dma_wait3A_838, %dma_wait3A_839, %dma_wait3A_850, %dma_wait3A_851] : memref<8x19x512x512xf32, #tpu.memory_space<hbm>> -> memref<1x1x8x256xf32, #tpu.memory_space<hbm>>
      %dma_wait3A_853 = tpu.memref_squeeze %dma_wait3A_852 : memref<1x1x8x256xf32, #tpu.memory_space<hbm>> -> memref<8x256xf32, #tpu.memory_space<hbm>>
      tpu.wait_dma2 semaphore(%arg12 : memref<!tpu.dma_semaphore, #tpu.memory_space<semaphore_mem>>) src(%dma_wait3A_853 : memref<8x256xf32, #tpu.memory_space<hbm>>) dst(%dma_wait3A_849 : memref<8x256xf32, #tpu.memory_space<vmem>>)
      %dma_wait3A_854 = arith.constant 0 : i32
      %dma_wait3A_855 = arith.constant 0 : i32
      %dma_wait3A_856 = arith.constant 120 : i32
      %dma_wait3A_857 = arith.constant 0 : i32
      %dma_wait3A_858 = tpu.memref_slice %arg8[%dma_wait3A_856, %dma_wait3A_857] : memref<304x256xf32, #tpu.memory_space<vmem>> -> memref<8x256xf32, #tpu.memory_space<vmem>>
      %dma_wait3A_859 = arith.constant 0 : i32
      %dma_wait3A_860 = arith.constant 0 : i32
      %dma_wait3A_861 = tpu.memref_slice %arg2[%dma_wait3A_854, %dma_wait3A_855, %dma_wait3A_859, %dma_wait3A_860] : memref<8x19x512x512xf32, #tpu.memory_space<hbm>> -> memref<1x1x8x256xf32, #tpu.memory_space<hbm>>
      %dma_wait3A_862 = tpu.memref_squeeze %dma_wait3A_861 : memref<1x1x8x256xf32, #tpu.memory_space<hbm>> -> memref<8x256xf32, #tpu.memory_space<hbm>>
      %dma_wait3A_863 = arith.constant 120 : i32
      %dma_wait3A_864 = arith.constant 0 : i32
      %dma_wait3A_865 = tpu.memref_slice %arg8[%dma_wait3A_863, %dma_wait3A_864] : memref<304x256xf32, #tpu.memory_space<vmem>> -> memref<8x256xf32, #tpu.memory_space<vmem>>
      %dma_wait3A_866 = arith.constant 0 : i32
      %dma_wait3A_867 = arith.constant 0 : i32
      %dma_wait3A_868 = tpu.memref_slice %arg2[%dma_wait3A_854, %dma_wait3A_855, %dma_wait3A_866, %dma_wait3A_867] : memref<8x19x512x512xf32, #tpu.memory_space<hbm>> -> memref<1x1x8x256xf32, #tpu.memory_space<hbm>>
      %dma_wait3A_869 = tpu.memref_squeeze %dma_wait3A_868 : memref<1x1x8x256xf32, #tpu.memory_space<hbm>> -> memref<8x256xf32, #tpu.memory_space<hbm>>
      tpu.wait_dma2 semaphore(%arg12 : memref<!tpu.dma_semaphore, #tpu.memory_space<semaphore_mem>>) src(%dma_wait3A_869 : memref<8x256xf32, #tpu.memory_space<hbm>>) dst(%dma_wait3A_865 : memref<8x256xf32, #tpu.memory_space<vmem>>)
      %dma_wait3A_870 = arith.constant 0 : i32
      %dma_wait3A_871 = arith.constant 0 : i32
      %dma_wait3A_872 = arith.constant 128 : i32
      %dma_wait3A_873 = arith.constant 0 : i32
      %dma_wait3A_874 = tpu.memref_slice %arg8[%dma_wait3A_872, %dma_wait3A_873] : memref<304x256xf32, #tpu.memory_space<vmem>> -> memref<8x256xf32, #tpu.memory_space<vmem>>
      %dma_wait3A_875 = arith.constant 0 : i32
      %dma_wait3A_876 = arith.constant 0 : i32
      %dma_wait3A_877 = tpu.memref_slice %arg2[%dma_wait3A_870, %dma_wait3A_871, %dma_wait3A_875, %dma_wait3A_876] : memref<8x19x512x512xf32, #tpu.memory_space<hbm>> -> memref<1x1x8x256xf32, #tpu.memory_space<hbm>>
      %dma_wait3A_878 = tpu.memref_squeeze %dma_wait3A_877 : memref<1x1x8x256xf32, #tpu.memory_space<hbm>> -> memref<8x256xf32, #tpu.memory_space<hbm>>
      %dma_wait3A_879 = arith.constant 128 : i32
      %dma_wait3A_880 = arith.constant 0 : i32
      %dma_wait3A_881 = tpu.memref_slice %arg8[%dma_wait3A_879, %dma_wait3A_880] : memref<304x256xf32, #tpu.memory_space<vmem>> -> memref<8x256xf32, #tpu.memory_space<vmem>>
      %dma_wait3A_882 = arith.constant 0 : i32
      %dma_wait3A_883 = arith.constant 0 : i32
      %dma_wait3A_884 = tpu.memref_slice %arg2[%dma_wait3A_870, %dma_wait3A_871, %dma_wait3A_882, %dma_wait3A_883] : memref<8x19x512x512xf32, #tpu.memory_space<hbm>> -> memref<1x1x8x256xf32, #tpu.memory_space<hbm>>
      %dma_wait3A_885 = tpu.memref_squeeze %dma_wait3A_884 : memref<1x1x8x256xf32, #tpu.memory_space<hbm>> -> memref<8x256xf32, #tpu.memory_space<hbm>>
      tpu.wait_dma2 semaphore(%arg12 : memref<!tpu.dma_semaphore, #tpu.memory_space<semaphore_mem>>) src(%dma_wait3A_885 : memref<8x256xf32, #tpu.memory_space<hbm>>) dst(%dma_wait3A_881 : memref<8x256xf32, #tpu.memory_space<vmem>>)
      %dma_wait3A_886 = arith.constant 0 : i32
      %dma_wait3A_887 = arith.constant 0 : i32
      %dma_wait3A_888 = arith.constant 136 : i32
      %dma_wait3A_889 = arith.constant 0 : i32
      %dma_wait3A_890 = tpu.memref_slice %arg8[%dma_wait3A_888, %dma_wait3A_889] : memref<304x256xf32, #tpu.memory_space<vmem>> -> memref<8x256xf32, #tpu.memory_space<vmem>>
      %dma_wait3A_891 = arith.constant 0 : i32
      %dma_wait3A_892 = arith.constant 0 : i32
      %dma_wait3A_893 = tpu.memref_slice %arg2[%dma_wait3A_886, %dma_wait3A_887, %dma_wait3A_891, %dma_wait3A_892] : memref<8x19x512x512xf32, #tpu.memory_space<hbm>> -> memref<1x1x8x256xf32, #tpu.memory_space<hbm>>
      %dma_wait3A_894 = tpu.memref_squeeze %dma_wait3A_893 : memref<1x1x8x256xf32, #tpu.memory_space<hbm>> -> memref<8x256xf32, #tpu.memory_space<hbm>>
      %dma_wait3A_895 = arith.constant 136 : i32
      %dma_wait3A_896 = arith.constant 0 : i32
      %dma_wait3A_897 = tpu.memref_slice %arg8[%dma_wait3A_895, %dma_wait3A_896] : memref<304x256xf32, #tpu.memory_space<vmem>> -> memref<8x256xf32, #tpu.memory_space<vmem>>
      %dma_wait3A_898 = arith.constant 0 : i32
      %dma_wait3A_899 = arith.constant 0 : i32
      %dma_wait3A_900 = tpu.memref_slice %arg2[%dma_wait3A_886, %dma_wait3A_887, %dma_wait3A_898, %dma_wait3A_899] : memref<8x19x512x512xf32, #tpu.memory_space<hbm>> -> memref<1x1x8x256xf32, #tpu.memory_space<hbm>>
      %dma_wait3A_901 = tpu.memref_squeeze %dma_wait3A_900 : memref<1x1x8x256xf32, #tpu.memory_space<hbm>> -> memref<8x256xf32, #tpu.memory_space<hbm>>
      tpu.wait_dma2 semaphore(%arg12 : memref<!tpu.dma_semaphore, #tpu.memory_space<semaphore_mem>>) src(%dma_wait3A_901 : memref<8x256xf32, #tpu.memory_space<hbm>>) dst(%dma_wait3A_897 : memref<8x256xf32, #tpu.memory_space<vmem>>)
      %dma_wait3A_902 = arith.constant 0 : i32
      %dma_wait3A_903 = arith.constant 0 : i32
      %dma_wait3A_904 = arith.constant 144 : i32
      %dma_wait3A_905 = arith.constant 0 : i32
      %dma_wait3A_906 = tpu.memref_slice %arg8[%dma_wait3A_904, %dma_wait3A_905] : memref<304x256xf32, #tpu.memory_space<vmem>> -> memref<8x256xf32, #tpu.memory_space<vmem>>
      %dma_wait3A_907 = arith.constant 0 : i32
      %dma_wait3A_908 = arith.constant 0 : i32
      %dma_wait3A_909 = tpu.memref_slice %arg2[%dma_wait3A_902, %dma_wait3A_903, %dma_wait3A_907, %dma_wait3A_908] : memref<8x19x512x512xf32, #tpu.memory_space<hbm>> -> memref<1x1x8x256xf32, #tpu.memory_space<hbm>>
      %dma_wait3A_910 = tpu.memref_squeeze %dma_wait3A_909 : memref<1x1x8x256xf32, #tpu.memory_space<hbm>> -> memref<8x256xf32, #tpu.memory_space<hbm>>
      %dma_wait3A_911 = arith.constant 144 : i32
      %dma_wait3A_912 = arith.constant 0 : i32
      %dma_wait3A_913 = tpu.memref_slice %arg8[%dma_wait3A_911, %dma_wait3A_912] : memref<304x256xf32, #tpu.memory_space<vmem>> -> memref<8x256xf32, #tpu.memory_space<vmem>>
      %dma_wait3A_914 = arith.constant 0 : i32
      %dma_wait3A_915 = arith.constant 0 : i32
      %dma_wait3A_916 = tpu.memref_slice %arg2[%dma_wait3A_902, %dma_wait3A_903, %dma_wait3A_914, %dma_wait3A_915] : memref<8x19x512x512xf32, #tpu.memory_space<hbm>> -> memref<1x1x8x256xf32, #tpu.memory_space<hbm>>
      %dma_wait3A_917 = tpu.memref_squeeze %dma_wait3A_916 : memref<1x1x8x256xf32, #tpu.memory_space<hbm>> -> memref<8x256xf32, #tpu.memory_space<hbm>>
      tpu.wait_dma2 semaphore(%arg12 : memref<!tpu.dma_semaphore, #tpu.memory_space<semaphore_mem>>) src(%dma_wait3A_917 : memref<8x256xf32, #tpu.memory_space<hbm>>) dst(%dma_wait3A_913 : memref<8x256xf32, #tpu.memory_space<vmem>>)
      %dma_wait3A_918 = arith.constant 0 : i32
      %dma_wait3A_919 = arith.constant 0 : i32
      %dma_wait3A_920 = arith.constant 0 : i32
      %dma_wait3A_921 = tpu.memref_slice %arg9[%dma_wait3A_919, %dma_wait3A_920] : memref<16x256xi32, #tpu.memory_space<vmem>> -> memref<8x256xi32, #tpu.memory_space<vmem>>
      %dma_wait3A_922 = arith.constant 0 : i32
      %dma_wait3A_923 = arith.constant 0 : i32
      %dma_wait3A_924 = tpu.memref_slice %arg3[%dma_wait3A_918, %dma_wait3A_922, %dma_wait3A_923] : memref<8x512x512xi32, #tpu.memory_space<hbm>> -> memref<1x8x256xi32, #tpu.memory_space<hbm>>
      %dma_wait3A_925 = tpu.memref_squeeze %dma_wait3A_924 : memref<1x8x256xi32, #tpu.memory_space<hbm>> -> memref<8x256xi32, #tpu.memory_space<hbm>>
      %dma_wait3A_926 = arith.constant 0 : i32
      %dma_wait3A_927 = arith.constant 0 : i32
      %dma_wait3A_928 = tpu.memref_slice %arg9[%dma_wait3A_926, %dma_wait3A_927] : memref<16x256xi32, #tpu.memory_space<vmem>> -> memref<8x256xi32, #tpu.memory_space<vmem>>
      %dma_wait3A_929 = arith.constant 0 : i32
      %dma_wait3A_930 = arith.constant 0 : i32
      %dma_wait3A_931 = tpu.memref_slice %arg3[%dma_wait3A_918, %dma_wait3A_929, %dma_wait3A_930] : memref<8x512x512xi32, #tpu.memory_space<hbm>> -> memref<1x8x256xi32, #tpu.memory_space<hbm>>
      %dma_wait3A_932 = tpu.memref_squeeze %dma_wait3A_931 : memref<1x8x256xi32, #tpu.memory_space<hbm>> -> memref<8x256xi32, #tpu.memory_space<hbm>>
      tpu.wait_dma2 semaphore(%arg12 : memref<!tpu.dma_semaphore, #tpu.memory_space<semaphore_mem>>) src(%dma_wait3A_932 : memref<8x256xi32, #tpu.memory_space<hbm>>) dst(%dma_wait3A_928 : memref<8x256xi32, #tpu.memory_space<vmem>>)
      %ge3A = arith.constant 2 : i32
      %ge3A_933 = arith.cmpi sge, %add3A_613, %ge3A : i32
      %convert_element_type3A = arith.extui %ge3A_933 : i1 to i32
      %cond3A = arith.constant 0 : i32
      %cond3A_934 = arith.cmpi ne, %convert_element_type3A, %cond3A : i32
      scf.if %cond3A_934 {
        %dma_wait3A_1399 = arith.constant 0 : i32
        %dma_wait3A_1400 = arith.constant 0 : i32
        %dma_wait3A_1401 = arith.constant 0 : i32
        %dma_wait3A_1402 = tpu.memref_slice %arg10[%dma_wait3A_1400, %dma_wait3A_1401] : memref<16x256xf32, #tpu.memory_space<vmem>> -> memref<8x256xf32, #tpu.memory_space<vmem>>
        %dma_wait3A_1403 = arith.constant 0 : i32
        %dma_wait3A_1404 = arith.constant 0 : i32
        %dma_wait3A_1405 = tpu.memref_slice %arg4[%dma_wait3A_1399, %dma_wait3A_1403, %dma_wait3A_1404] : memref<2x512x512xf32, #tpu.memory_space<hbm>> -> memref<1x8x256xf32, #tpu.memory_space<hbm>>
        %dma_wait3A_1406 = tpu.memref_squeeze %dma_wait3A_1405 : memref<1x8x256xf32, #tpu.memory_space<hbm>> -> memref<8x256xf32, #tpu.memory_space<hbm>>
        %dma_wait3A_1407 = arith.constant 0 : i32
        %dma_wait3A_1408 = arith.constant 0 : i32
        %dma_wait3A_1409 = tpu.memref_slice %arg4[%dma_wait3A_1399, %dma_wait3A_1407, %dma_wait3A_1408] : memref<2x512x512xf32, #tpu.memory_space<hbm>> -> memref<1x8x256xf32, #tpu.memory_space<hbm>>
        %dma_wait3A_1410 = tpu.memref_squeeze %dma_wait3A_1409 : memref<1x8x256xf32, #tpu.memory_space<hbm>> -> memref<8x256xf32, #tpu.memory_space<hbm>>
        %dma_wait3A_1411 = arith.constant 0 : i32
        %dma_wait3A_1412 = arith.constant 0 : i32
        %dma_wait3A_1413 = tpu.memref_slice %arg10[%dma_wait3A_1411, %dma_wait3A_1412] : memref<16x256xf32, #tpu.memory_space<vmem>> -> memref<8x256xf32, #tpu.memory_space<vmem>>
        tpu.wait_dma2 semaphore(%arg13 : memref<!tpu.dma_semaphore, #tpu.memory_space<semaphore_mem>>) src(%dma_wait3A_1413 : memref<8x256xf32, #tpu.memory_space<vmem>>) dst(%dma_wait3A_1410 : memref<8x256xf32, #tpu.memory_space<hbm>>)
      } else {
      }
      %scan3A_935 = arith.constant 0 : i32
      %scan3A_936 = arith.constant 64 : i32
      %scan3A_937 = arith.addi %scan3A_935, %scan3A_936 : i32
      %scan3A_938 = arith.constant 1 : i32
      %scan3A_939:3 = scf.for %scan3A_1399 = %scan3A_935 to %scan3A_937 step %scan3A_938 iter_args(%scan3A_1400 = %scan3A_607, %scan3A_1401 = %scan3A_608, %scan3A_1402 = %scan3A_609) -> (vector<16xf32>, vector<16xf32>, vector<16xf32>)  : i32 {
        %shift_right_arithmetic3A = arith.constant 3 : i32
        %shift_right_arithmetic3A_1403 = arith.shrsi %scan3A_1399, %shift_right_arithmetic3A : i32
        %and3A_1404 = arith.constant 7 : i32
        %and3A_1405 = arith.andi %scan3A_1399, %and3A_1404 : i32
        %mul3A_1406 = arith.constant 32 : i32
        %mul3A_1407 = arith.muli %and3A_1405, %mul3A_1406 : i32
        %multiple_of3A = tpu.assume_multiple %mul3A_1407, 16 : i32
        %add3A_1408 = arith.constant 0 : i32
        %add3A_1409 = arith.addi %add3A_1408, %shift_right_arithmetic3A_1403 : i32
        %get3A = arith.index_cast %add3A_1409 : i32 to index
        %get3A_1410 = arith.index_cast %multiple_of3A : i32 to index
        %get3A_1411 = tpu.vector_load %arg9[%get3A, %get3A_1410] {strides = array<i32>} : memref<16x256xi32, #tpu.memory_space<vmem>>, vector<1x16xi32>,
        %get3A_1412 = vector.shape_cast %get3A_1411 : vector<1x16xi32> to vector<16xi32>
        %ne3A_1413 = arith.constant 255 : i32
        %ne3A_1414 = vector.broadcast %ne3A_1413 : i32 to vector<16xi32>
        %ne3A_1415 = arith.cmpi ne, %get3A_1412, %ne3A_1414 : vector<16xi32>
        %max3A = arith.constant 0 : i32
        %max3A_1416 = vector.broadcast %max3A : i32 to vector<16xi32>
        %max3A_1417 = arith.maxsi %get3A_1412, %max3A_1416 : vector<16xi32>
        %min3A = arith.constant 18 : i32
        %min3A_1418 = vector.broadcast %min3A : i32 to vector<16xi32>
        %min3A_1419 = arith.minsi %max3A_1417, %min3A_1418 : vector<16xi32>
        %add3A_1420 = arith.constant 0 : i32
        %add3A_1421 = arith.addi %add3A_1420, %shift_right_arithmetic3A_1403 : i32
        %get3A_1422 = arith.index_cast %add3A_1421 : i32 to index
        %get3A_1423 = arith.index_cast %multiple_of3A : i32 to index
        %get3A_1424 = tpu.vector_load %arg8[%get3A_1422, %get3A_1423] {strides = array<i32>} : memref<304x256xf32, #tpu.memory_space<vmem>>, vector<1x16xf32>,
        %get3A_1425 = vector.shape_cast %get3A_1424 : vector<1x16xf32> to vector<16xf32>
        %add3A_1426 = arith.constant 8 : i32
        %add3A_1427 = arith.addi %add3A_1426, %shift_right_arithmetic3A_1403 : i32
        %get3A_1428 = arith.index_cast %add3A_1427 : i32 to index
        %get3A_1429 = arith.index_cast %multiple_of3A : i32 to index
        %get3A_1430 = tpu.vector_load %arg8[%get3A_1428, %get3A_1429] {strides = array<i32>} : memref<304x256xf32, #tpu.memory_space<vmem>>, vector<1x16xf32>,
        %get3A_1431 = vector.shape_cast %get3A_1430 : vector<1x16xf32> to vector<16xf32>
        %max3A_1432 = arith.maximumf %get3A_1425, %get3A_1431 : vector<16xf32>
        %eq3A_1433 = arith.constant 1 : i32
        %eq3A_1434 = vector.broadcast %eq3A_1433 : i32 to vector<16xi32>
        %eq3A_1435 = arith.cmpi eq, %min3A_1419, %eq3A_1434 : vector<16xi32>
        %select_n3A_1436 = arith.select %eq3A_1435, %get3A_1431, %get3A_1425 : vector<16xi1>, vector<16xf32>
        %add3A_1437 = arith.constant 16 : i32
        %add3A_1438 = arith.addi %add3A_1437, %shift_right_arithmetic3A_1403 : i32
        %get3A_1439 = arith.index_cast %add3A_1438 : i32 to index
        %get3A_1440 = arith.index_cast %multiple_of3A : i32 to index
        %get3A_1441 = tpu.vector_load %arg8[%get3A_1439, %get3A_1440] {strides = array<i32>} : memref<304x256xf32, #tpu.memory_space<vmem>>, vector<1x16xf32>,
        %get3A_1442 = vector.shape_cast %get3A_1441 : vector<1x16xf32> to vector<16xf32>
        %max3A_1443 = arith.maximumf %max3A_1432, %get3A_1442 : vector<16xf32>
        %eq3A_1444 = arith.constant 2 : i32
        %eq3A_1445 = vector.broadcast %eq3A_1444 : i32 to vector<16xi32>
        %eq3A_1446 = arith.cmpi eq, %min3A_1419, %eq3A_1445 : vector<16xi32>
        %select_n3A_1447 = arith.select %eq3A_1446, %get3A_1442, %select_n3A_1436 : vector<16xi1>, vector<16xf32>
        %add3A_1448 = arith.constant 24 : i32
        %add3A_1449 = arith.addi %add3A_1448, %shift_right_arithmetic3A_1403 : i32
        %get3A_1450 = arith.index_cast %add3A_1449 : i32 to index
        %get3A_1451 = arith.index_cast %multiple_of3A : i32 to index
        %get3A_1452 = tpu.vector_load %arg8[%get3A_1450, %get3A_1451] {strides = array<i32>} : memref<304x256xf32, #tpu.memory_space<vmem>>, vector<1x16xf32>,
        %get3A_1453 = vector.shape_cast %get3A_1452 : vector<1x16xf32> to vector<16xf32>
        %max3A_1454 = arith.maximumf %max3A_1443, %get3A_1453 : vector<16xf32>
        %eq3A_1455 = arith.constant 3 : i32
        %eq3A_1456 = vector.broadcast %eq3A_1455 : i32 to vector<16xi32>
        %eq3A_1457 = arith.cmpi eq, %min3A_1419, %eq3A_1456 : vector<16xi32>
        %select_n3A_1458 = arith.select %eq3A_1457, %get3A_1453, %select_n3A_1447 : vector<16xi1>, vector<16xf32>
        %add3A_1459 = arith.constant 32 : i32
        %add3A_1460 = arith.addi %add3A_1459, %shift_right_arithmetic3A_1403 : i32
        %get3A_1461 = arith.index_cast %add3A_1460 : i32 to index
        %get3A_1462 = arith.index_cast %multiple_of3A : i32 to index
        %get3A_1463 = tpu.vector_load %arg8[%get3A_1461, %get3A_1462] {strides = array<i32>} : memref<304x256xf32, #tpu.memory_space<vmem>>, vector<1x16xf32>,
        %get3A_1464 = vector.shape_cast %get3A_1463 : vector<1x16xf32> to vector<16xf32>
        %max3A_1465 = arith.maximumf %max3A_1454, %get3A_1464 : vector<16xf32>
        %eq3A_1466 = arith.constant 4 : i32
        %eq3A_1467 = vector.broadcast %eq3A_1466 : i32 to vector<16xi32>
        %eq3A_1468 = arith.cmpi eq, %min3A_1419, %eq3A_1467 : vector<16xi32>
        %select_n3A_1469 = arith.select %eq3A_1468, %get3A_1464, %select_n3A_1458 : vector<16xi1>, vector<16xf32>
        %add3A_1470 = arith.constant 40 : i32
        %add3A_1471 = arith.addi %add3A_1470, %shift_right_arithmetic3A_1403 : i32
        %get3A_1472 = arith.index_cast %add3A_1471 : i32 to index
        %get3A_1473 = arith.index_cast %multiple_of3A : i32 to index
        %get3A_1474 = tpu.vector_load %arg8[%get3A_1472, %get3A_1473] {strides = array<i32>} : memref<304x256xf32, #tpu.memory_space<vmem>>, vector<1x16xf32>,
        %get3A_1475 = vector.shape_cast %get3A_1474 : vector<1x16xf32> to vector<16xf32>
        %max3A_1476 = arith.maximumf %max3A_1465, %get3A_1475 : vector<16xf32>
        %eq3A_1477 = arith.constant 5 : i32
        %eq3A_1478 = vector.broadcast %eq3A_1477 : i32 to vector<16xi32>
        %eq3A_1479 = arith.cmpi eq, %min3A_1419, %eq3A_1478 : vector<16xi32>
        %select_n3A_1480 = arith.select %eq3A_1479, %get3A_1475, %select_n3A_1469 : vector<16xi1>, vector<16xf32>
        %add3A_1481 = arith.constant 48 : i32
        %add3A_1482 = arith.addi %add3A_1481, %shift_right_arithmetic3A_1403 : i32
        %get3A_1483 = arith.index_cast %add3A_1482 : i32 to index
        %get3A_1484 = arith.index_cast %multiple_of3A : i32 to index
        %get3A_1485 = tpu.vector_load %arg8[%get3A_1483, %get3A_1484] {strides = array<i32>} : memref<304x256xf32, #tpu.memory_space<vmem>>, vector<1x16xf32>,
        %get3A_1486 = vector.shape_cast %get3A_1485 : vector<1x16xf32> to vector<16xf32>
        %max3A_1487 = arith.maximumf %max3A_1476, %get3A_1486 : vector<16xf32>
        %eq3A_1488 = arith.constant 6 : i32
        %eq3A_1489 = vector.broadcast %eq3A_1488 : i32 to vector<16xi32>
        %eq3A_1490 = arith.cmpi eq, %min3A_1419, %eq3A_1489 : vector<16xi32>
        %select_n3A_1491 = arith.select %eq3A_1490, %get3A_1486, %select_n3A_1480 : vector<16xi1>, vector<16xf32>
        %add3A_1492 = arith.constant 56 : i32
        %add3A_1493 = arith.addi %add3A_1492, %shift_right_arithmetic3A_1403 : i32
        %get3A_1494 = arith.index_cast %add3A_1493 : i32 to index
        %get3A_1495 = arith.index_cast %multiple_of3A : i32 to index
        %get3A_1496 = tpu.vector_load %arg8[%get3A_1494, %get3A_1495] {strides = array<i32>} : memref<304x256xf32, #tpu.memory_space<vmem>>, vector<1x16xf32>,
        %get3A_1497 = vector.shape_cast %get3A_1496 : vector<1x16xf32> to vector<16xf32>
        %max3A_1498 = arith.maximumf %max3A_1487, %get3A_1497 : vector<16xf32>
        %eq3A_1499 = arith.constant 7 : i32
        %eq3A_1500 = vector.broadcast %eq3A_1499 : i32 to vector<16xi32>
        %eq3A_1501 = arith.cmpi eq, %min3A_1419, %eq3A_1500 : vector<16xi32>
        %select_n3A_1502 = arith.select %eq3A_1501, %get3A_1497, %select_n3A_1491 : vector<16xi1>, vector<16xf32>
        %add3A_1503 = arith.constant 64 : i32
        %add3A_1504 = arith.addi %add3A_1503, %shift_right_arithmetic3A_1403 : i32
        %get3A_1505 = arith.index_cast %add3A_1504 : i32 to index
        %get3A_1506 = arith.index_cast %multiple_of3A : i32 to index
        %get3A_1507 = tpu.vector_load %arg8[%get3A_1505, %get3A_1506] {strides = array<i32>} : memref<304x256xf32, #tpu.memory_space<vmem>>, vector<1x16xf32>,
        %get3A_1508 = vector.shape_cast %get3A_1507 : vector<1x16xf32> to vector<16xf32>
        %max3A_1509 = arith.maximumf %max3A_1498, %get3A_1508 : vector<16xf32>
        %eq3A_1510 = arith.constant 8 : i32
        %eq3A_1511 = vector.broadcast %eq3A_1510 : i32 to vector<16xi32>
        %eq3A_1512 = arith.cmpi eq, %min3A_1419, %eq3A_1511 : vector<16xi32>
        %select_n3A_1513 = arith.select %eq3A_1512, %get3A_1508, %select_n3A_1502 : vector<16xi1>, vector<16xf32>
        %add3A_1514 = arith.constant 72 : i32
        %add3A_1515 = arith.addi %add3A_1514, %shift_right_arithmetic3A_1403 : i32
        %get3A_1516 = arith.index_cast %add3A_1515 : i32 to index
        %get3A_1517 = arith.index_cast %multiple_of3A : i32 to index
        %get3A_1518 = tpu.vector_load %arg8[%get3A_1516, %get3A_1517] {strides = array<i32>} : memref<304x256xf32, #tpu.memory_space<vmem>>, vector<1x16xf32>,
        %get3A_1519 = vector.shape_cast %get3A_1518 : vector<1x16xf32> to vector<16xf32>
        %max3A_1520 = arith.maximumf %max3A_1509, %get3A_1519 : vector<16xf32>
        %eq3A_1521 = arith.constant 9 : i32
        %eq3A_1522 = vector.broadcast %eq3A_1521 : i32 to vector<16xi32>
        %eq3A_1523 = arith.cmpi eq, %min3A_1419, %eq3A_1522 : vector<16xi32>
        %select_n3A_1524 = arith.select %eq3A_1523, %get3A_1519, %select_n3A_1513 : vector<16xi1>, vector<16xf32>
        %add3A_1525 = arith.constant 80 : i32
        %add3A_1526 = arith.addi %add3A_1525, %shift_right_arithmetic3A_1403 : i32
        %get3A_1527 = arith.index_cast %add3A_1526 : i32 to index
        %get3A_1528 = arith.index_cast %multiple_of3A : i32 to index
        %get3A_1529 = tpu.vector_load %arg8[%get3A_1527, %get3A_1528] {strides = array<i32>} : memref<304x256xf32, #tpu.memory_space<vmem>>, vector<1x16xf32>,
        %get3A_1530 = vector.shape_cast %get3A_1529 : vector<1x16xf32> to vector<16xf32>
        %max3A_1531 = arith.maximumf %max3A_1520, %get3A_1530 : vector<16xf32>
        %eq3A_1532 = arith.constant 10 : i32
        %eq3A_1533 = vector.broadcast %eq3A_1532 : i32 to vector<16xi32>
        %eq3A_1534 = arith.cmpi eq, %min3A_1419, %eq3A_1533 : vector<16xi32>
        %select_n3A_1535 = arith.select %eq3A_1534, %get3A_1530, %select_n3A_1524 : vector<16xi1>, vector<16xf32>
        %add3A_1536 = arith.constant 88 : i32
        %add3A_1537 = arith.addi %add3A_1536, %shift_right_arithmetic3A_1403 : i32
        %get3A_1538 = arith.index_cast %add3A_1537 : i32 to index
        %get3A_1539 = arith.index_cast %multiple_of3A : i32 to index
        %get3A_1540 = tpu.vector_load %arg8[%get3A_1538, %get3A_1539] {strides = array<i32>} : memref<304x256xf32, #tpu.memory_space<vmem>>, vector<1x16xf32>,
        %get3A_1541 = vector.shape_cast %get3A_1540 : vector<1x16xf32> to vector<16xf32>
        %max3A_1542 = arith.maximumf %max3A_1531, %get3A_1541 : vector<16xf32>
        %eq3A_1543 = arith.constant 11 : i32
        %eq3A_1544 = vector.broadcast %eq3A_1543 : i32 to vector<16xi32>
        %eq3A_1545 = arith.cmpi eq, %min3A_1419, %eq3A_1544 : vector<16xi32>
        %select_n3A_1546 = arith.select %eq3A_1545, %get3A_1541, %select_n3A_1535 : vector<16xi1>, vector<16xf32>
        %add3A_1547 = arith.constant 96 : i32
        %add3A_1548 = arith.addi %add3A_1547, %shift_right_arithmetic3A_1403 : i32
        %get3A_1549 = arith.index_cast %add3A_1548 : i32 to index
        %get3A_1550 = arith.index_cast %multiple_of3A : i32 to index
        %get3A_1551 = tpu.vector_load %arg8[%get3A_1549, %get3A_1550] {strides = array<i32>} : memref<304x256xf32, #tpu.memory_space<vmem>>, vector<1x16xf32>,
        %get3A_1552 = vector.shape_cast %get3A_1551 : vector<1x16xf32> to vector<16xf32>
        %max3A_1553 = arith.maximumf %max3A_1542, %get3A_1552 : vector<16xf32>
        %eq3A_1554 = arith.constant 12 : i32
        %eq3A_1555 = vector.broadcast %eq3A_1554 : i32 to vector<16xi32>
        %eq3A_1556 = arith.cmpi eq, %min3A_1419, %eq3A_1555 : vector<16xi32>
        %select_n3A_1557 = arith.select %eq3A_1556, %get3A_1552, %select_n3A_1546 : vector<16xi1>, vector<16xf32>
        %add3A_1558 = arith.constant 104 : i32
        %add3A_1559 = arith.addi %add3A_1558, %shift_right_arithmetic3A_1403 : i32
        %get3A_1560 = arith.index_cast %add3A_1559 : i32 to index
        %get3A_1561 = arith.index_cast %multiple_of3A : i32 to index
        %get3A_1562 = tpu.vector_load %arg8[%get3A_1560, %get3A_1561] {strides = array<i32>} : memref<304x256xf32, #tpu.memory_space<vmem>>, vector<1x16xf32>,
        %get3A_1563 = vector.shape_cast %get3A_1562 : vector<1x16xf32> to vector<16xf32>
        %max3A_1564 = arith.maximumf %max3A_1553, %get3A_1563 : vector<16xf32>
        %eq3A_1565 = arith.constant 13 : i32
        %eq3A_1566 = vector.broadcast %eq3A_1565 : i32 to vector<16xi32>
        %eq3A_1567 = arith.cmpi eq, %min3A_1419, %eq3A_1566 : vector<16xi32>
        %select_n3A_1568 = arith.select %eq3A_1567, %get3A_1563, %select_n3A_1557 : vector<16xi1>, vector<16xf32>
        %add3A_1569 = arith.constant 112 : i32
        %add3A_1570 = arith.addi %add3A_1569, %shift_right_arithmetic3A_1403 : i32
        %get3A_1571 = arith.index_cast %add3A_1570 : i32 to index
        %get3A_1572 = arith.index_cast %multiple_of3A : i32 to index
        %get3A_1573 = tpu.vector_load %arg8[%get3A_1571, %get3A_1572] {strides = array<i32>} : memref<304x256xf32, #tpu.memory_space<vmem>>, vector<1x16xf32>,
        %get3A_1574 = vector.shape_cast %get3A_1573 : vector<1x16xf32> to vector<16xf32>
        %max3A_1575 = arith.maximumf %max3A_1564, %get3A_1574 : vector<16xf32>
        %eq3A_1576 = arith.constant 14 : i32
        %eq3A_1577 = vector.broadcast %eq3A_1576 : i32 to vector<16xi32>
        %eq3A_1578 = arith.cmpi eq, %min3A_1419, %eq3A_1577 : vector<16xi32>
        %select_n3A_1579 = arith.select %eq3A_1578, %get3A_1574, %select_n3A_1568 : vector<16xi1>, vector<16xf32>
        %add3A_1580 = arith.constant 120 : i32
        %add3A_1581 = arith.addi %add3A_1580, %shift_right_arithmetic3A_1403 : i32
        %get3A_1582 = arith.index_cast %add3A_1581 : i32 to index
        %get3A_1583 = arith.index_cast %multiple_of3A : i32 to index
        %get3A_1584 = tpu.vector_load %arg8[%get3A_1582, %get3A_1583] {strides = array<i32>} : memref<304x256xf32, #tpu.memory_space<vmem>>, vector<1x16xf32>,
        %get3A_1585 = vector.shape_cast %get3A_1584 : vector<1x16xf32> to vector<16xf32>
        %max3A_1586 = arith.maximumf %max3A_1575, %get3A_1585 : vector<16xf32>
        %eq3A_1587 = arith.constant 15 : i32
        %eq3A_1588 = vector.broadcast %eq3A_1587 : i32 to vector<16xi32>
        %eq3A_1589 = arith.cmpi eq, %min3A_1419, %eq3A_1588 : vector<16xi32>
        %select_n3A_1590 = arith.select %eq3A_1589, %get3A_1585, %select_n3A_1579 : vector<16xi1>, vector<16xf32>
        %add3A_1591 = arith.constant 128 : i32
        %add3A_1592 = arith.addi %add3A_1591, %shift_right_arithmetic3A_1403 : i32
        %get3A_1593 = arith.index_cast %add3A_1592 : i32 to index
        %get3A_1594 = arith.index_cast %multiple_of3A : i32 to index
        %get3A_1595 = tpu.vector_load %arg8[%get3A_1593, %get3A_1594] {strides = array<i32>} : memref<304x256xf32, #tpu.memory_space<vmem>>, vector<1x16xf32>,
        %get3A_1596 = vector.shape_cast %get3A_1595 : vector<1x16xf32> to vector<16xf32>
        %max3A_1597 = arith.maximumf %max3A_1586, %get3A_1596 : vector<16xf32>
        %eq3A_1598 = arith.constant 16 : i32
        %eq3A_1599 = vector.broadcast %eq3A_1598 : i32 to vector<16xi32>
        %eq3A_1600 = arith.cmpi eq, %min3A_1419, %eq3A_1599 : vector<16xi32>
        %select_n3A_1601 = arith.select %eq3A_1600, %get3A_1596, %select_n3A_1590 : vector<16xi1>, vector<16xf32>
        %add3A_1602 = arith.constant 136 : i32
        %add3A_1603 = arith.addi %add3A_1602, %shift_right_arithmetic3A_1403 : i32
        %get3A_1604 = arith.index_cast %add3A_1603 : i32 to index
        %get3A_1605 = arith.index_cast %multiple_of3A : i32 to index
        %get3A_1606 = tpu.vector_load %arg8[%get3A_1604, %get3A_1605] {strides = array<i32>} : memref<304x256xf32, #tpu.memory_space<vmem>>, vector<1x16xf32>,
        %get3A_1607 = vector.shape_cast %get3A_1606 : vector<1x16xf32> to vector<16xf32>
        %max3A_1608 = arith.maximumf %max3A_1597, %get3A_1607 : vector<16xf32>
        %eq3A_1609 = arith.constant 17 : i32
        %eq3A_1610 = vector.broadcast %eq3A_1609 : i32 to vector<16xi32>
        %eq3A_1611 = arith.cmpi eq, %min3A_1419, %eq3A_1610 : vector<16xi32>
        %select_n3A_1612 = arith.select %eq3A_1611, %get3A_1607, %select_n3A_1601 : vector<16xi1>, vector<16xf32>
        %add3A_1613 = arith.constant 144 : i32
        %add3A_1614 = arith.addi %add3A_1613, %shift_right_arithmetic3A_1403 : i32
        %get3A_1615 = arith.index_cast %add3A_1614 : i32 to index
        %get3A_1616 = arith.index_cast %multiple_of3A : i32 to index
        %get3A_1617 = tpu.vector_load %arg8[%get3A_1615, %get3A_1616] {strides = array<i32>} : memref<304x256xf32, #tpu.memory_space<vmem>>, vector<1x16xf32>,
        %get3A_1618 = vector.shape_cast %get3A_1617 : vector<1x16xf32> to vector<16xf32>
        %max3A_1619 = arith.maximumf %max3A_1608, %get3A_1618 : vector<16xf32>
        %eq3A_1620 = arith.constant 18 : i32
        %eq3A_1621 = vector.broadcast %eq3A_1620 : i32 to vector<16xi32>
        %eq3A_1622 = arith.cmpi eq, %min3A_1419, %eq3A_1621 : vector<16xi32>
        %select_n3A_1623 = arith.select %eq3A_1622, %get3A_1618, %select_n3A_1612 : vector<16xi1>, vector<16xf32>
        %add3A_1624 = arith.constant 0 : i32
        %add3A_1625 = arith.addi %add3A_1624, %shift_right_arithmetic3A_1403 : i32
        %get3A_1626 = arith.index_cast %add3A_1625 : i32 to index
        %get3A_1627 = arith.index_cast %multiple_of3A : i32 to index
        %get3A_1628 = tpu.vector_load %arg8[%get3A_1626, %get3A_1627] {strides = array<i32>} : memref<304x256xf32, #tpu.memory_space<vmem>>, vector<1x16xf32>,
        %get3A_1629 = vector.shape_cast %get3A_1628 : vector<1x16xf32> to vector<16xf32>
        %sub3A_1630 = arith.subf %get3A_1629, %max3A_1619 : vector<16xf32>
        %exp3A = math.exp %sub3A_1630 : vector<16xf32>
        %add3A_1631 = arith.constant 8 : i32
        %add3A_1632 = arith.addi %add3A_1631, %shift_right_arithmetic3A_1403 : i32
        %get3A_1633 = arith.index_cast %add3A_1632 : i32 to index
        %get3A_1634 = arith.index_cast %multiple_of3A : i32 to index
        %get3A_1635 = tpu.vector_load %arg8[%get3A_1633, %get3A_1634] {strides = array<i32>} : memref<304x256xf32, #tpu.memory_space<vmem>>, vector<1x16xf32>,
        %get3A_1636 = vector.shape_cast %get3A_1635 : vector<1x16xf32> to vector<16xf32>
        %sub3A_1637 = arith.subf %get3A_1636, %max3A_1619 : vector<16xf32>
        %exp3A_1638 = math.exp %sub3A_1637 : vector<16xf32>
        %add3A_1639 = arith.constant 16 : i32
        %add3A_1640 = arith.addi %add3A_1639, %shift_right_arithmetic3A_1403 : i32
        %get3A_1641 = arith.index_cast %add3A_1640 : i32 to index
        %get3A_1642 = arith.index_cast %multiple_of3A : i32 to index
        %get3A_1643 = tpu.vector_load %arg8[%get3A_1641, %get3A_1642] {strides = array<i32>} : memref<304x256xf32, #tpu.memory_space<vmem>>, vector<1x16xf32>,
        %get3A_1644 = vector.shape_cast %get3A_1643 : vector<1x16xf32> to vector<16xf32>
        %sub3A_1645 = arith.subf %get3A_1644, %max3A_1619 : vector<16xf32>
        %exp3A_1646 = math.exp %sub3A_1645 : vector<16xf32>
        %add3A_1647 = arith.constant 24 : i32
        %add3A_1648 = arith.addi %add3A_1647, %shift_right_arithmetic3A_1403 : i32
        %get3A_1649 = arith.index_cast %add3A_1648 : i32 to index
        %get3A_1650 = arith.index_cast %multiple_of3A : i32 to index
        %get3A_1651 = tpu.vector_load %arg8[%get3A_1649, %get3A_1650] {strides = array<i32>} : memref<304x256xf32, #tpu.memory_space<vmem>>, vector<1x16xf32>,
        %get3A_1652 = vector.shape_cast %get3A_1651 : vector<1x16xf32> to vector<16xf32>
        %sub3A_1653 = arith.subf %get3A_1652, %max3A_1619 : vector<16xf32>
        %exp3A_1654 = math.exp %sub3A_1653 : vector<16xf32>
        %add3A_1655 = arith.constant 32 : i32
        %add3A_1656 = arith.addi %add3A_1655, %shift_right_arithmetic3A_1403 : i32
        %get3A_1657 = arith.index_cast %add3A_1656 : i32 to index
        %get3A_1658 = arith.index_cast %multiple_of3A : i32 to index
        %get3A_1659 = tpu.vector_load %arg8[%get3A_1657, %get3A_1658] {strides = array<i32>} : memref<304x256xf32, #tpu.memory_space<vmem>>, vector<1x16xf32>,
        %get3A_1660 = vector.shape_cast %get3A_1659 : vector<1x16xf32> to vector<16xf32>
        %sub3A_1661 = arith.subf %get3A_1660, %max3A_1619 : vector<16xf32>
        %exp3A_1662 = math.exp %sub3A_1661 : vector<16xf32>
        %add3A_1663 = arith.constant 40 : i32
        %add3A_1664 = arith.addi %add3A_1663, %shift_right_arithmetic3A_1403 : i32
        %get3A_1665 = arith.index_cast %add3A_1664 : i32 to index
        %get3A_1666 = arith.index_cast %multiple_of3A : i32 to index
        %get3A_1667 = tpu.vector_load %arg8[%get3A_1665, %get3A_1666] {strides = array<i32>} : memref<304x256xf32, #tpu.memory_space<vmem>>, vector<1x16xf32>,
        %get3A_1668 = vector.shape_cast %get3A_1667 : vector<1x16xf32> to vector<16xf32>
        %sub3A_1669 = arith.subf %get3A_1668, %max3A_1619 : vector<16xf32>
        %exp3A_1670 = math.exp %sub3A_1669 : vector<16xf32>
        %add3A_1671 = arith.constant 48 : i32
        %add3A_1672 = arith.addi %add3A_1671, %shift_right_arithmetic3A_1403 : i32
        %get3A_1673 = arith.index_cast %add3A_1672 : i32 to index
        %get3A_1674 = arith.index_cast %multiple_of3A : i32 to index
        %get3A_1675 = tpu.vector_load %arg8[%get3A_1673, %get3A_1674] {strides = array<i32>} : memref<304x256xf32, #tpu.memory_space<vmem>>, vector<1x16xf32>,
        %get3A_1676 = vector.shape_cast %get3A_1675 : vector<1x16xf32> to vector<16xf32>
        %sub3A_1677 = arith.subf %get3A_1676, %max3A_1619 : vector<16xf32>
        %exp3A_1678 = math.exp %sub3A_1677 : vector<16xf32>
        %add3A_1679 = arith.constant 56 : i32
        %add3A_1680 = arith.addi %add3A_1679, %shift_right_arithmetic3A_1403 : i32
        %get3A_1681 = arith.index_cast %add3A_1680 : i32 to index
        %get3A_1682 = arith.index_cast %multiple_of3A : i32 to index
        %get3A_1683 = tpu.vector_load %arg8[%get3A_1681, %get3A_1682] {strides = array<i32>} : memref<304x256xf32, #tpu.memory_space<vmem>>, vector<1x16xf32>,
        %get3A_1684 = vector.shape_cast %get3A_1683 : vector<1x16xf32> to vector<16xf32>
        %sub3A_1685 = arith.subf %get3A_1684, %max3A_1619 : vector<16xf32>
        %exp3A_1686 = math.exp %sub3A_1685 : vector<16xf32>
        %add3A_1687 = arith.constant 64 : i32
        %add3A_1688 = arith.addi %add3A_1687, %shift_right_arithmetic3A_1403 : i32
        %get3A_1689 = arith.index_cast %add3A_1688 : i32 to index
        %get3A_1690 = arith.index_cast %multiple_of3A : i32 to index
        %get3A_1691 = tpu.vector_load %arg8[%get3A_1689, %get3A_1690] {strides = array<i32>} : memref<304x256xf32, #tpu.memory_space<vmem>>, vector<1x16xf32>,
        %get3A_1692 = vector.shape_cast %get3A_1691 : vector<1x16xf32> to vector<16xf32>
        %sub3A_1693 = arith.subf %get3A_1692, %max3A_1619 : vector<16xf32>
        %exp3A_1694 = math.exp %sub3A_1693 : vector<16xf32>
        %add3A_1695 = arith.constant 72 : i32
        %add3A_1696 = arith.addi %add3A_1695, %shift_right_arithmetic3A_1403 : i32
        %get3A_1697 = arith.index_cast %add3A_1696 : i32 to index
        %get3A_1698 = arith.index_cast %multiple_of3A : i32 to index
        %get3A_1699 = tpu.vector_load %arg8[%get3A_1697, %get3A_1698] {strides = array<i32>} : memref<304x256xf32, #tpu.memory_space<vmem>>, vector<1x16xf32>,
        %get3A_1700 = vector.shape_cast %get3A_1699 : vector<1x16xf32> to vector<16xf32>
        %sub3A_1701 = arith.subf %get3A_1700, %max3A_1619 : vector<16xf32>
        %exp3A_1702 = math.exp %sub3A_1701 : vector<16xf32>
        %add3A_1703 = arith.constant 80 : i32
        %add3A_1704 = arith.addi %add3A_1703, %shift_right_arithmetic3A_1403 : i32
        %get3A_1705 = arith.index_cast %add3A_1704 : i32 to index
        %get3A_1706 = arith.index_cast %multiple_of3A : i32 to index
        %get3A_1707 = tpu.vector_load %arg8[%get3A_1705, %get3A_1706] {strides = array<i32>} : memref<304x256xf32, #tpu.memory_space<vmem>>, vector<1x16xf32>,
        %get3A_1708 = vector.shape_cast %get3A_1707 : vector<1x16xf32> to vector<16xf32>
        %sub3A_1709 = arith.subf %get3A_1708, %max3A_1619 : vector<16xf32>
        %exp3A_1710 = math.exp %sub3A_1709 : vector<16xf32>
        %add3A_1711 = arith.constant 88 : i32
        %add3A_1712 = arith.addi %add3A_1711, %shift_right_arithmetic3A_1403 : i32
        %get3A_1713 = arith.index_cast %add3A_1712 : i32 to index
        %get3A_1714 = arith.index_cast %multiple_of3A : i32 to index
        %get3A_1715 = tpu.vector_load %arg8[%get3A_1713, %get3A_1714] {strides = array<i32>} : memref<304x256xf32, #tpu.memory_space<vmem>>, vector<1x16xf32>,
        %get3A_1716 = vector.shape_cast %get3A_1715 : vector<1x16xf32> to vector<16xf32>
        %sub3A_1717 = arith.subf %get3A_1716, %max3A_1619 : vector<16xf32>
        %exp3A_1718 = math.exp %sub3A_1717 : vector<16xf32>
        %add3A_1719 = arith.constant 96 : i32
        %add3A_1720 = arith.addi %add3A_1719, %shift_right_arithmetic3A_1403 : i32
        %get3A_1721 = arith.index_cast %add3A_1720 : i32 to index
        %get3A_1722 = arith.index_cast %multiple_of3A : i32 to index
        %get3A_1723 = tpu.vector_load %arg8[%get3A_1721, %get3A_1722] {strides = array<i32>} : memref<304x256xf32, #tpu.memory_space<vmem>>, vector<1x16xf32>,
        %get3A_1724 = vector.shape_cast %get3A_1723 : vector<1x16xf32> to vector<16xf32>
        %sub3A_1725 = arith.subf %get3A_1724, %max3A_1619 : vector<16xf32>
        %exp3A_1726 = math.exp %sub3A_1725 : vector<16xf32>
        %add3A_1727 = arith.constant 104 : i32
        %add3A_1728 = arith.addi %add3A_1727, %shift_right_arithmetic3A_1403 : i32
        %get3A_1729 = arith.index_cast %add3A_1728 : i32 to index
        %get3A_1730 = arith.index_cast %multiple_of3A : i32 to index
        %get3A_1731 = tpu.vector_load %arg8[%get3A_1729, %get3A_1730] {strides = array<i32>} : memref<304x256xf32, #tpu.memory_space<vmem>>, vector<1x16xf32>,
        %get3A_1732 = vector.shape_cast %get3A_1731 : vector<1x16xf32> to vector<16xf32>
        %sub3A_1733 = arith.subf %get3A_1732, %max3A_1619 : vector<16xf32>
        %exp3A_1734 = math.exp %sub3A_1733 : vector<16xf32>
        %add3A_1735 = arith.constant 112 : i32
        %add3A_1736 = arith.addi %add3A_1735, %shift_right_arithmetic3A_1403 : i32
        %get3A_1737 = arith.index_cast %add3A_1736 : i32 to index
        %get3A_1738 = arith.index_cast %multiple_of3A : i32 to index
        %get3A_1739 = tpu.vector_load %arg8[%get3A_1737, %get3A_1738] {strides = array<i32>} : memref<304x256xf32, #tpu.memory_space<vmem>>, vector<1x16xf32>,
        %get3A_1740 = vector.shape_cast %get3A_1739 : vector<1x16xf32> to vector<16xf32>
        %sub3A_1741 = arith.subf %get3A_1740, %max3A_1619 : vector<16xf32>
        %exp3A_1742 = math.exp %sub3A_1741 : vector<16xf32>
        %add3A_1743 = arith.constant 120 : i32
        %add3A_1744 = arith.addi %add3A_1743, %shift_right_arithmetic3A_1403 : i32
        %get3A_1745 = arith.index_cast %add3A_1744 : i32 to index
        %get3A_1746 = arith.index_cast %multiple_of3A : i32 to index
        %get3A_1747 = tpu.vector_load %arg8[%get3A_1745, %get3A_1746] {strides = array<i32>} : memref<304x256xf32, #tpu.memory_space<vmem>>, vector<1x16xf32>,
        %get3A_1748 = vector.shape_cast %get3A_1747 : vector<1x16xf32> to vector<16xf32>
        %sub3A_1749 = arith.subf %get3A_1748, %max3A_1619 : vector<16xf32>
        %exp3A_1750 = math.exp %sub3A_1749 : vector<16xf32>
        %add3A_1751 = arith.constant 128 : i32
        %add3A_1752 = arith.addi %add3A_1751, %shift_right_arithmetic3A_1403 : i32
        %get3A_1753 = arith.index_cast %add3A_1752 : i32 to index
        %get3A_1754 = arith.index_cast %multiple_of3A : i32 to index
        %get3A_1755 = tpu.vector_load %arg8[%get3A_1753, %get3A_1754] {strides = array<i32>} : memref<304x256xf32, #tpu.memory_space<vmem>>, vector<1x16xf32>,
        %get3A_1756 = vector.shape_cast %get3A_1755 : vector<1x16xf32> to vector<16xf32>
        %sub3A_1757 = arith.subf %get3A_1756, %max3A_1619 : vector<16xf32>
        %exp3A_1758 = math.exp %sub3A_1757 : vector<16xf32>
        %add3A_1759 = arith.constant 136 : i32
        %add3A_1760 = arith.addi %add3A_1759, %shift_right_arithmetic3A_1403 : i32
        %get3A_1761 = arith.index_cast %add3A_1760 : i32 to index
        %get3A_1762 = arith.index_cast %multiple_of3A : i32 to index
        %get3A_1763 = tpu.vector_load %arg8[%get3A_1761, %get3A_1762] {strides = array<i32>} : memref<304x256xf32, #tpu.memory_space<vmem>>, vector<1x16xf32>,
        %get3A_1764 = vector.shape_cast %get3A_1763 : vector<1x16xf32> to vector<16xf32>
        %sub3A_1765 = arith.subf %get3A_1764, %max3A_1619 : vector<16xf32>
        %exp3A_1766 = math.exp %sub3A_1765 : vector<16xf32>
        %add3A_1767 = arith.constant 144 : i32
        %add3A_1768 = arith.addi %add3A_1767, %shift_right_arithmetic3A_1403 : i32
        %get3A_1769 = arith.index_cast %add3A_1768 : i32 to index
        %get3A_1770 = arith.index_cast %multiple_of3A : i32 to index
        %get3A_1771 = tpu.vector_load %arg8[%get3A_1769, %get3A_1770] {strides = array<i32>} : memref<304x256xf32, #tpu.memory_space<vmem>>, vector<1x16xf32>,
        %get3A_1772 = vector.shape_cast %get3A_1771 : vector<1x16xf32> to vector<16xf32>
        %sub3A_1773 = arith.subf %get3A_1772, %max3A_1619 : vector<16xf32>
        %exp3A_1774 = math.exp %sub3A_1773 : vector<16xf32>
        %add3A_1775 = arith.addf %exp3A, %exp3A_1638 : vector<16xf32>
        %add3A_1776 = arith.addf %exp3A_1646, %exp3A_1654 : vector<16xf32>
        %add3A_1777 = arith.addf %exp3A_1662, %exp3A_1670 : vector<16xf32>
        %add3A_1778 = arith.addf %exp3A_1678, %exp3A_1686 : vector<16xf32>
        %add3A_1779 = arith.addf %exp3A_1694, %exp3A_1702 : vector<16xf32>
        %add3A_1780 = arith.addf %exp3A_1710, %exp3A_1718 : vector<16xf32>
        %add3A_1781 = arith.addf %exp3A_1726, %exp3A_1734 : vector<16xf32>
        %add3A_1782 = arith.addf %exp3A_1742, %exp3A_1750 : vector<16xf32>
        %add3A_1783 = arith.addf %exp3A_1758, %exp3A_1766 : vector<16xf32>
        %add3A_1784 = arith.addf %add3A_1775, %add3A_1776 : vector<16xf32>
        %add3A_1785 = arith.addf %add3A_1777, %add3A_1778 : vector<16xf32>
        %add3A_1786 = arith.addf %add3A_1779, %add3A_1780 : vector<16xf32>
        %add3A_1787 = arith.addf %add3A_1781, %add3A_1782 : vector<16xf32>
        %add3A_1788 = arith.addf %add3A_1783, %exp3A_1774 : vector<16xf32>
        %add3A_1789 = arith.addf %add3A_1784, %add3A_1785 : vector<16xf32>
        %add3A_1790 = arith.addf %add3A_1786, %add3A_1787 : vector<16xf32>
        %add3A_1791 = arith.addf %add3A_1789, %add3A_1790 : vector<16xf32>
        %add3A_1792 = arith.addf %add3A_1791, %add3A_1788 : vector<16xf32>
        %bitcast_convert_type3A = tpu.bitcast %add3A_1792 : vector<16xf32> -> vector<16xi32>
        %shift_right_arithmetic3A_1793 = arith.constant 23 : i32
        %shift_right_arithmetic3A_1794 = vector.broadcast %shift_right_arithmetic3A_1793 : i32 to vector<16xi32>
        %shift_right_arithmetic3A_1795 = arith.shrsi %bitcast_convert_type3A, %shift_right_arithmetic3A_1794 : vector<16xi32>
        %sub3A_1796 = arith.constant 127 : i32
        %sub3A_1797 = vector.broadcast %sub3A_1796 : i32 to vector<16xi32>
        %sub3A_1798 = arith.subi %shift_right_arithmetic3A_1795, %sub3A_1797 : vector<16xi32>
        %and3A_1799 = arith.constant 8388607 : i32
        %and3A_1800 = vector.broadcast %and3A_1799 : i32 to vector<16xi32>
        %and3A_1801 = arith.andi %bitcast_convert_type3A, %and3A_1800 : vector<16xi32>
        %or3A = arith.constant 1065353216 : i32
        %or3A_1802 = vector.broadcast %or3A : i32 to vector<16xi32>
        %or3A_1803 = arith.ori %and3A_1801, %or3A_1802 : vector<16xi32>
        %bitcast_convert_type3A_1804 = tpu.bitcast %or3A_1803 : vector<16xi32> -> vector<16xf32>
        %gt3A = arith.constant 1.41421354 : f32
        %gt3A_1805 = vector.broadcast %gt3A : f32 to vector<16xf32>
        %gt3A_1806 = arith.cmpf ogt, %bitcast_convert_type3A_1804, %gt3A_1805 : vector<16xf32>
        %mul3A_1807 = arith.constant 5.000000e-01 : f32
        %mul3A_1808 = vector.broadcast %mul3A_1807 : f32 to vector<16xf32>
        %mul3A_1809 = arith.mulf %bitcast_convert_type3A_1804, %mul3A_1808 : vector<16xf32>
        %select_n3A_1810 = arith.select %gt3A_1806, %mul3A_1809, %bitcast_convert_type3A_1804 : vector<16xi1>, vector<16xf32>
        %jit3A_1811 = arith.constant 1 : i32
        %jit3A_1812 = arith.constant 0 : i32
        %broadcast_in_dim3A_1813 = vector.broadcast %jit3A_1811 : i32 to vector<16xi32>
        %broadcast_in_dim3A_1814 = vector.broadcast %jit3A_1812 : i32 to vector<16xi32>
        %select_n3A_1815 = arith.select %gt3A_1806, %broadcast_in_dim3A_1813, %broadcast_in_dim3A_1814 : vector<16xi1>, vector<16xi32>
        %add3A_1816 = arith.addi %sub3A_1798, %select_n3A_1815 : vector<16xi32>
        %convert_element_type3A_1817 = arith.sitofp %add3A_1816 : vector<16xi32> to vector<16xf32>
        %sub3A_1818 = arith.constant 1.000000e+00 : f32
        %sub3A_1819 = vector.broadcast %sub3A_1818 : f32 to vector<16xf32>
        %sub3A_1820 = arith.subf %select_n3A_1810, %sub3A_1819 : vector<16xf32>
        %mul3A_1821 = arith.mulf %sub3A_1820, %sub3A_1820 : vector<16xf32>
        %mul3A_1822 = arith.mulf %mul3A_1821, %mul3A_1821 : vector<16xf32>
        %mul3A_1823 = arith.constant -0.24999994 : f32
        %mul3A_1824 = vector.broadcast %mul3A_1823 : f32 to vector<16xf32>
        %mul3A_1825 = arith.mulf %mul3A_1824, %sub3A_1820 : vector<16xf32>
        %add3A_1826 = arith.constant 0.333333313 : f32
        %add3A_1827 = vector.broadcast %add3A_1826 : f32 to vector<16xf32>
        %add3A_1828 = arith.addf %mul3A_1825, %add3A_1827 : vector<16xf32>
        %mul3A_1829 = arith.constant -0.166680574 : f32
        %mul3A_1830 = vector.broadcast %mul3A_1829 : f32 to vector<16xf32>
        %mul3A_1831 = arith.mulf %mul3A_1830, %sub3A_1820 : vector<16xf32>
        %add3A_1832 = arith.constant 0.200007141 : f32
        %add3A_1833 = vector.broadcast %add3A_1832 : f32 to vector<16xf32>
        %add3A_1834 = arith.addf %mul3A_1831, %add3A_1833 : vector<16xf32>
        %mul3A_1835 = arith.constant -0.12420141 : f32
        %mul3A_1836 = vector.broadcast %mul3A_1835 : f32 to vector<16xf32>
        %mul3A_1837 = arith.mulf %mul3A_1836, %sub3A_1820 : vector<16xf32>
        %add3A_1838 = arith.constant 0.142493233 : f32
        %add3A_1839 = vector.broadcast %add3A_1838 : f32 to vector<16xf32>
        %add3A_1840 = arith.addf %mul3A_1837, %add3A_1839 : vector<16xf32>
        %mul3A_1841 = arith.constant -0.115146101 : f32
        %mul3A_1842 = vector.broadcast %mul3A_1841 : f32 to vector<16xf32>
        %mul3A_1843 = arith.mulf %mul3A_1842, %sub3A_1820 : vector<16xf32>
        %add3A_1844 = arith.constant 0.116769984 : f32
        %add3A_1845 = vector.broadcast %add3A_1844 : f32 to vector<16xf32>
        %add3A_1846 = arith.addf %mul3A_1843, %add3A_1845 : vector<16xf32>
        %mul3A_1847 = arith.mulf %add3A_1834, %mul3A_1821 : vector<16xf32>
        %add3A_1848 = arith.addf %mul3A_1847, %add3A_1828 : vector<16xf32>
        %mul3A_1849 = arith.mulf %add3A_1846, %mul3A_1821 : vector<16xf32>
        %add3A_1850 = arith.addf %mul3A_1849, %add3A_1840 : vector<16xf32>
        %mul3A_1851 = arith.constant 0.0703768358 : f32
        %mul3A_1852 = vector.broadcast %mul3A_1851 : f32 to vector<16xf32>
        %mul3A_1853 = arith.mulf %mul3A_1852, %mul3A_1822 : vector<16xf32>
        %add3A_1854 = arith.addf %mul3A_1853, %add3A_1850 : vector<16xf32>
        %mul3A_1855 = arith.mulf %add3A_1854, %mul3A_1822 : vector<16xf32>
        %add3A_1856 = arith.addf %mul3A_1855, %add3A_1848 : vector<16xf32>
        %mul3A_1857 = arith.mulf %sub3A_1820, %mul3A_1821 : vector<16xf32>
        %mul3A_1858 = arith.mulf %mul3A_1857, %add3A_1856 : vector<16xf32>
        %mul3A_1859 = arith.constant 5.000000e-01 : f32
        %mul3A_1860 = vector.broadcast %mul3A_1859 : f32 to vector<16xf32>
        %mul3A_1861 = arith.mulf %mul3A_1860, %mul3A_1821 : vector<16xf32>
        %sub3A_1862 = arith.subf %mul3A_1858, %mul3A_1861 : vector<16xf32>
        %add3A_1863 = arith.addf %sub3A_1820, %sub3A_1862 : vector<16xf32>
        %mul3A_1864 = arith.constant 0.693147182 : f32
        %mul3A_1865 = vector.broadcast %mul3A_1864 : f32 to vector<16xf32>
        %mul3A_1866 = arith.mulf %convert_element_type3A_1817, %mul3A_1865 : vector<16xf32>
        %add3A_1867 = arith.addf %add3A_1863, %mul3A_1866 : vector<16xf32>
        %sub3A_1868 = arith.subf %select_n3A_1623, %max3A_1619 : vector<16xf32>
        %sub3A_1869 = arith.subf %add3A_1867, %sub3A_1868 : vector<16xf32>
        %jit3A_1870 = arith.constant 0.000000e+00 : f32
        %broadcast_in_dim3A_1871 = vector.broadcast %jit3A_1870 : f32 to vector<16xf32>
        %select_n3A_1872 = arith.select %ne3A_1415, %sub3A_1869, %broadcast_in_dim3A_1871 : vector<16xi1>, vector<16xf32>
        %gt3A_1873 = arith.constant 0.356674939 : f32
        %gt3A_1874 = vector.broadcast %gt3A_1873 : f32 to vector<16xf32>
        %gt3A_1875 = arith.cmpf ogt, %select_n3A_1872, %gt3A_1874 : vector<16xf32>
        %jit3A_1876 = arith.constant 1.000000e+00 : f32
        %jit3A_1877 = arith.constant 0.000000e+00 : f32
        %broadcast_in_dim3A_1878 = vector.broadcast %jit3A_1876 : f32 to vector<16xf32>
        %broadcast_in_dim3A_1879 = vector.broadcast %jit3A_1877 : f32 to vector<16xf32>
        %select_n3A_1880 = arith.select %gt3A_1875, %broadcast_in_dim3A_1878, %broadcast_in_dim3A_1879 : vector<16xi1>, vector<16xf32>
        %add3A_1881 = arith.addf %scan3A_1400, %select_n3A_1880 : vector<16xf32>
        %jit3A_1882 = arith.constant 0.000000e+00 : f32
        %broadcast_in_dim3A_1883 = vector.broadcast %jit3A_1882 : f32 to vector<16xf32>
        %select_n3A_1884 = arith.select %gt3A_1875, %select_n3A_1872, %broadcast_in_dim3A_1883 : vector<16xi1>, vector<16xf32>
        %add3A_1885 = arith.addf %scan3A_1401, %select_n3A_1884 : vector<16xf32>
        %jit3A_1886 = arith.constant 1.000000e+00 : f32
        %jit3A_1887 = arith.constant 0.000000e+00 : f32
        %broadcast_in_dim3A_1888 = vector.broadcast %jit3A_1886 : f32 to vector<16xf32>
        %broadcast_in_dim3A_1889 = vector.broadcast %jit3A_1887 : f32 to vector<16xf32>
        %select_n3A_1890 = arith.select %ne3A_1415, %broadcast_in_dim3A_1888, %broadcast_in_dim3A_1889 : vector<16xi1>, vector<16xf32>
        %add3A_1891 = arith.addf %scan3A_1402, %select_n3A_1890 : vector<16xf32>
        %add3A_1892 = arith.constant 0 : i32
        %add3A_1893 = arith.addi %add3A_1892, %shift_right_arithmetic3A_1403 : i32
        %swap3A_1894 = arith.index_cast %add3A_1893 : i32 to index
        %swap3A_1895 = arith.index_cast %multiple_of3A : i32 to index
        %swap3A_1896 = tpu.vector_load %arg10[%swap3A_1894, %swap3A_1895] {strides = array<i32>} : memref<16x256xf32, #tpu.memory_space<vmem>>, vector<1x16xf32>,
        %swap3A_1897 = vector.shape_cast %swap3A_1896 : vector<1x16xf32> to vector<16xf32>
        %swap3A_1898 = vector.shape_cast %select_n3A_1872 : vector<16xf32> to vector<1x16xf32>
        tpu.vector_store %arg10[%swap3A_1894, %swap3A_1895], %swap3A_1898 {strides = array<i32>} : memref<16x256xf32, #tpu.memory_space<vmem>>, vector<1x16xf32>,
        %add3A_1899 = arith.constant 16 : i32
        %add3A_1900 = arith.addi %mul3A_1407, %add3A_1899 : i32
        %multiple_of3A_1901 = tpu.assume_multiple %add3A_1900, 16 : i32
        %add3A_1902 = arith.constant 0 : i32
        %add3A_1903 = arith.addi %add3A_1902, %shift_right_arithmetic3A_1403 : i32
        %get3A_1904 = arith.index_cast %add3A_1903 : i32 to index
        %get3A_1905 = arith.index_cast %multiple_of3A_1901 : i32 to index
        %get3A_1906 = tpu.vector_load %arg9[%get3A_1904, %get3A_1905] {strides = array<i32>} : memref<16x256xi32, #tpu.memory_space<vmem>>, vector<1x16xi32>,
        %get3A_1907 = vector.shape_cast %get3A_1906 : vector<1x16xi32> to vector<16xi32>
        %ne3A_1908 = arith.constant 255 : i32
        %ne3A_1909 = vector.broadcast %ne3A_1908 : i32 to vector<16xi32>
        %ne3A_1910 = arith.cmpi ne, %get3A_1907, %ne3A_1909 : vector<16xi32>
        %max3A_1911 = arith.constant 0 : i32
        %max3A_1912 = vector.broadcast %max3A_1911 : i32 to vector<16xi32>
        %max3A_1913 = arith.maxsi %get3A_1907, %max3A_1912 : vector<16xi32>
        %min3A_1914 = arith.constant 18 : i32
        %min3A_1915 = vector.broadcast %min3A_1914 : i32 to vector<16xi32>
        %min3A_1916 = arith.minsi %max3A_1913, %min3A_1915 : vector<16xi32>
        %add3A_1917 = arith.constant 0 : i32
        %add3A_1918 = arith.addi %add3A_1917, %shift_right_arithmetic3A_1403 : i32
        %get3A_1919 = arith.index_cast %add3A_1918 : i32 to index
        %get3A_1920 = arith.index_cast %multiple_of3A_1901 : i32 to index
        %get3A_1921 = tpu.vector_load %arg8[%get3A_1919, %get3A_1920] {strides = array<i32>} : memref<304x256xf32, #tpu.memory_space<vmem>>, vector<1x16xf32>,
        %get3A_1922 = vector.shape_cast %get3A_1921 : vector<1x16xf32> to vector<16xf32>
        %add3A_1923 = arith.constant 8 : i32
        %add3A_1924 = arith.addi %add3A_1923, %shift_right_arithmetic3A_1403 : i32
        %get3A_1925 = arith.index_cast %add3A_1924 : i32 to index
        %get3A_1926 = arith.index_cast %multiple_of3A_1901 : i32 to index
        %get3A_1927 = tpu.vector_load %arg8[%get3A_1925, %get3A_1926] {strides = array<i32>} : memref<304x256xf32, #tpu.memory_space<vmem>>, vector<1x16xf32>,
        %get3A_1928 = vector.shape_cast %get3A_1927 : vector<1x16xf32> to vector<16xf32>
        %max3A_1929 = arith.maximumf %get3A_1922, %get3A_1928 : vector<16xf32>
        %eq3A_1930 = arith.constant 1 : i32
        %eq3A_1931 = vector.broadcast %eq3A_1930 : i32 to vector<16xi32>
        %eq3A_1932 = arith.cmpi eq, %min3A_1916, %eq3A_1931 : vector<16xi32>
        %select_n3A_1933 = arith.select %eq3A_1932, %get3A_1928, %get3A_1922 : vector<16xi1>, vector<16xf32>
        %add3A_1934 = arith.constant 16 : i32
        %add3A_1935 = arith.addi %add3A_1934, %shift_right_arithmetic3A_1403 : i32
        %get3A_1936 = arith.index_cast %add3A_1935 : i32 to index
        %get3A_1937 = arith.index_cast %multiple_of3A_1901 : i32 to index
        %get3A_1938 = tpu.vector_load %arg8[%get3A_1936, %get3A_1937] {strides = array<i32>} : memref<304x256xf32, #tpu.memory_space<vmem>>, vector<1x16xf32>,
        %get3A_1939 = vector.shape_cast %get3A_1938 : vector<1x16xf32> to vector<16xf32>
        %max3A_1940 = arith.maximumf %max3A_1929, %get3A_1939 : vector<16xf32>
        %eq3A_1941 = arith.constant 2 : i32
        %eq3A_1942 = vector.broadcast %eq3A_1941 : i32 to vector<16xi32>
        %eq3A_1943 = arith.cmpi eq, %min3A_1916, %eq3A_1942 : vector<16xi32>
        %select_n3A_1944 = arith.select %eq3A_1943, %get3A_1939, %select_n3A_1933 : vector<16xi1>, vector<16xf32>
        %add3A_1945 = arith.constant 24 : i32
        %add3A_1946 = arith.addi %add3A_1945, %shift_right_arithmetic3A_1403 : i32
        %get3A_1947 = arith.index_cast %add3A_1946 : i32 to index
        %get3A_1948 = arith.index_cast %multiple_of3A_1901 : i32 to index
        %get3A_1949 = tpu.vector_load %arg8[%get3A_1947, %get3A_1948] {strides = array<i32>} : memref<304x256xf32, #tpu.memory_space<vmem>>, vector<1x16xf32>,
        %get3A_1950 = vector.shape_cast %get3A_1949 : vector<1x16xf32> to vector<16xf32>
        %max3A_1951 = arith.maximumf %max3A_1940, %get3A_1950 : vector<16xf32>
        %eq3A_1952 = arith.constant 3 : i32
        %eq3A_1953 = vector.broadcast %eq3A_1952 : i32 to vector<16xi32>
        %eq3A_1954 = arith.cmpi eq, %min3A_1916, %eq3A_1953 : vector<16xi32>
        %select_n3A_1955 = arith.select %eq3A_1954, %get3A_1950, %select_n3A_1944 : vector<16xi1>, vector<16xf32>
        %add3A_1956 = arith.constant 32 : i32
        %add3A_1957 = arith.addi %add3A_1956, %shift_right_arithmetic3A_1403 : i32
        %get3A_1958 = arith.index_cast %add3A_1957 : i32 to index
        %get3A_1959 = arith.index_cast %multiple_of3A_1901 : i32 to index
        %get3A_1960 = tpu.vector_load %arg8[%get3A_1958, %get3A_1959] {strides = array<i32>} : memref<304x256xf32, #tpu.memory_space<vmem>>, vector<1x16xf32>,
        %get3A_1961 = vector.shape_cast %get3A_1960 : vector<1x16xf32> to vector<16xf32>
        %max3A_1962 = arith.maximumf %max3A_1951, %get3A_1961 : vector<16xf32>
        %eq3A_1963 = arith.constant 4 : i32
        %eq3A_1964 = vector.broadcast %eq3A_1963 : i32 to vector<16xi32>
        %eq3A_1965 = arith.cmpi eq, %min3A_1916, %eq3A_1964 : vector<16xi32>
        %select_n3A_1966 = arith.select %eq3A_1965, %get3A_1961, %select_n3A_1955 : vector<16xi1>, vector<16xf32>
        %add3A_1967 = arith.constant 40 : i32
        %add3A_1968 = arith.addi %add3A_1967, %shift_right_arithmetic3A_1403 : i32
        %get3A_1969 = arith.index_cast %add3A_1968 : i32 to index
        %get3A_1970 = arith.index_cast %multiple_of3A_1901 : i32 to index
        %get3A_1971 = tpu.vector_load %arg8[%get3A_1969, %get3A_1970] {strides = array<i32>} : memref<304x256xf32, #tpu.memory_space<vmem>>, vector<1x16xf32>,
        %get3A_1972 = vector.shape_cast %get3A_1971 : vector<1x16xf32> to vector<16xf32>
        %max3A_1973 = arith.maximumf %max3A_1962, %get3A_1972 : vector<16xf32>
        %eq3A_1974 = arith.constant 5 : i32
        %eq3A_1975 = vector.broadcast %eq3A_1974 : i32 to vector<16xi32>
        %eq3A_1976 = arith.cmpi eq, %min3A_1916, %eq3A_1975 : vector<16xi32>
        %select_n3A_1977 = arith.select %eq3A_1976, %get3A_1972, %select_n3A_1966 : vector<16xi1>, vector<16xf32>
        %add3A_1978 = arith.constant 48 : i32
        %add3A_1979 = arith.addi %add3A_1978, %shift_right_arithmetic3A_1403 : i32
        %get3A_1980 = arith.index_cast %add3A_1979 : i32 to index
        %get3A_1981 = arith.index_cast %multiple_of3A_1901 : i32 to index
        %get3A_1982 = tpu.vector_load %arg8[%get3A_1980, %get3A_1981] {strides = array<i32>} : memref<304x256xf32, #tpu.memory_space<vmem>>, vector<1x16xf32>,
        %get3A_1983 = vector.shape_cast %get3A_1982 : vector<1x16xf32> to vector<16xf32>
        %max3A_1984 = arith.maximumf %max3A_1973, %get3A_1983 : vector<16xf32>
        %eq3A_1985 = arith.constant 6 : i32
        %eq3A_1986 = vector.broadcast %eq3A_1985 : i32 to vector<16xi32>
        %eq3A_1987 = arith.cmpi eq, %min3A_1916, %eq3A_1986 : vector<16xi32>
        %select_n3A_1988 = arith.select %eq3A_1987, %get3A_1983, %select_n3A_1977 : vector<16xi1>, vector<16xf32>
        %add3A_1989 = arith.constant 56 : i32
        %add3A_1990 = arith.addi %add3A_1989, %shift_right_arithmetic3A_1403 : i32
        %get3A_1991 = arith.index_cast %add3A_1990 : i32 to index
        %get3A_1992 = arith.index_cast %multiple_of3A_1901 : i32 to index
        %get3A_1993 = tpu.vector_load %arg8[%get3A_1991, %get3A_1992] {strides = array<i32>} : memref<304x256xf32, #tpu.memory_space<vmem>>, vector<1x16xf32>,
        %get3A_1994 = vector.shape_cast %get3A_1993 : vector<1x16xf32> to vector<16xf32>
        %max3A_1995 = arith.maximumf %max3A_1984, %get3A_1994 : vector<16xf32>
        %eq3A_1996 = arith.constant 7 : i32
        %eq3A_1997 = vector.broadcast %eq3A_1996 : i32 to vector<16xi32>
        %eq3A_1998 = arith.cmpi eq, %min3A_1916, %eq3A_1997 : vector<16xi32>
        %select_n3A_1999 = arith.select %eq3A_1998, %get3A_1994, %select_n3A_1988 : vector<16xi1>, vector<16xf32>
        %add3A_2000 = arith.constant 64 : i32
        %add3A_2001 = arith.addi %add3A_2000, %shift_right_arithmetic3A_1403 : i32
        %get3A_2002 = arith.index_cast %add3A_2001 : i32 to index
        %get3A_2003 = arith.index_cast %multiple_of3A_1901 : i32 to index
        %get3A_2004 = tpu.vector_load %arg8[%get3A_2002, %get3A_2003] {strides = array<i32>} : memref<304x256xf32, #tpu.memory_space<vmem>>, vector<1x16xf32>,
        %get3A_2005 = vector.shape_cast %get3A_2004 : vector<1x16xf32> to vector<16xf32>
        %max3A_2006 = arith.maximumf %max3A_1995, %get3A_2005 : vector<16xf32>
        %eq3A_2007 = arith.constant 8 : i32
        %eq3A_2008 = vector.broadcast %eq3A_2007 : i32 to vector<16xi32>
        %eq3A_2009 = arith.cmpi eq, %min3A_1916, %eq3A_2008 : vector<16xi32>
        %select_n3A_2010 = arith.select %eq3A_2009, %get3A_2005, %select_n3A_1999 : vector<16xi1>, vector<16xf32>
        %add3A_2011 = arith.constant 72 : i32
        %add3A_2012 = arith.addi %add3A_2011, %shift_right_arithmetic3A_1403 : i32
        %get3A_2013 = arith.index_cast %add3A_2012 : i32 to index
        %get3A_2014 = arith.index_cast %multiple_of3A_1901 : i32 to index
        %get3A_2015 = tpu.vector_load %arg8[%get3A_2013, %get3A_2014] {strides = array<i32>} : memref<304x256xf32, #tpu.memory_space<vmem>>, vector<1x16xf32>,
        %get3A_2016 = vector.shape_cast %get3A_2015 : vector<1x16xf32> to vector<16xf32>
        %max3A_2017 = arith.maximumf %max3A_2006, %get3A_2016 : vector<16xf32>
        %eq3A_2018 = arith.constant 9 : i32
        %eq3A_2019 = vector.broadcast %eq3A_2018 : i32 to vector<16xi32>
        %eq3A_2020 = arith.cmpi eq, %min3A_1916, %eq3A_2019 : vector<16xi32>
        %select_n3A_2021 = arith.select %eq3A_2020, %get3A_2016, %select_n3A_2010 : vector<16xi1>, vector<16xf32>
        %add3A_2022 = arith.constant 80 : i32
        %add3A_2023 = arith.addi %add3A_2022, %shift_right_arithmetic3A_1403 : i32
        %get3A_2024 = arith.index_cast %add3A_2023 : i32 to index
        %get3A_2025 = arith.index_cast %multiple_of3A_1901 : i32 to index
        %get3A_2026 = tpu.vector_load %arg8[%get3A_2024, %get3A_2025] {strides = array<i32>} : memref<304x256xf32, #tpu.memory_space<vmem>>, vector<1x16xf32>,
        %get3A_2027 = vector.shape_cast %get3A_2026 : vector<1x16xf32> to vector<16xf32>
        %max3A_2028 = arith.maximumf %max3A_2017, %get3A_2027 : vector<16xf32>
        %eq3A_2029 = arith.constant 10 : i32
        %eq3A_2030 = vector.broadcast %eq3A_2029 : i32 to vector<16xi32>
        %eq3A_2031 = arith.cmpi eq, %min3A_1916, %eq3A_2030 : vector<16xi32>
        %select_n3A_2032 = arith.select %eq3A_2031, %get3A_2027, %select_n3A_2021 : vector<16xi1>, vector<16xf32>
        %add3A_2033 = arith.constant 88 : i32
        %add3A_2034 = arith.addi %add3A_2033, %shift_right_arithmetic3A_1403 : i32
        %get3A_2035 = arith.index_cast %add3A_2034 : i32 to index
        %get3A_2036 = arith.index_cast %multiple_of3A_1901 : i32 to index
        %get3A_2037 = tpu.vector_load %arg8[%get3A_2035, %get3A_2036] {strides = array<i32>} : memref<304x256xf32, #tpu.memory_space<vmem>>, vector<1x16xf32>,
        %get3A_2038 = vector.shape_cast %get3A_2037 : vector<1x16xf32> to vector<16xf32>
        %max3A_2039 = arith.maximumf %max3A_2028, %get3A_2038 : vector<16xf32>
        %eq3A_2040 = arith.constant 11 : i32
        %eq3A_2041 = vector.broadcast %eq3A_2040 : i32 to vector<16xi32>
        %eq3A_2042 = arith.cmpi eq, %min3A_1916, %eq3A_2041 : vector<16xi32>
        %select_n3A_2043 = arith.select %eq3A_2042, %get3A_2038, %select_n3A_2032 : vector<16xi1>, vector<16xf32>
        %add3A_2044 = arith.constant 96 : i32
        %add3A_2045 = arith.addi %add3A_2044, %shift_right_arithmetic3A_1403 : i32
        %get3A_2046 = arith.index_cast %add3A_2045 : i32 to index
        %get3A_2047 = arith.index_cast %multiple_of3A_1901 : i32 to index
        %get3A_2048 = tpu.vector_load %arg8[%get3A_2046, %get3A_2047] {strides = array<i32>} : memref<304x256xf32, #tpu.memory_space<vmem>>, vector<1x16xf32>,
        %get3A_2049 = vector.shape_cast %get3A_2048 : vector<1x16xf32> to vector<16xf32>
        %max3A_2050 = arith.maximumf %max3A_2039, %get3A_2049 : vector<16xf32>
        %eq3A_2051 = arith.constant 12 : i32
        %eq3A_2052 = vector.broadcast %eq3A_2051 : i32 to vector<16xi32>
        %eq3A_2053 = arith.cmpi eq, %min3A_1916, %eq3A_2052 : vector<16xi32>
        %select_n3A_2054 = arith.select %eq3A_2053, %get3A_2049, %select_n3A_2043 : vector<16xi1>, vector<16xf32>
        %add3A_2055 = arith.constant 104 : i32
        %add3A_2056 = arith.addi %add3A_2055, %shift_right_arithmetic3A_1403 : i32
        %get3A_2057 = arith.index_cast %add3A_2056 : i32 to index
        %get3A_2058 = arith.index_cast %multiple_of3A_1901 : i32 to index
        %get3A_2059 = tpu.vector_load %arg8[%get3A_2057, %get3A_2058] {strides = array<i32>} : memref<304x256xf32, #tpu.memory_space<vmem>>, vector<1x16xf32>,
        %get3A_2060 = vector.shape_cast %get3A_2059 : vector<1x16xf32> to vector<16xf32>
        %max3A_2061 = arith.maximumf %max3A_2050, %get3A_2060 : vector<16xf32>
        %eq3A_2062 = arith.constant 13 : i32
        %eq3A_2063 = vector.broadcast %eq3A_2062 : i32 to vector<16xi32>
        %eq3A_2064 = arith.cmpi eq, %min3A_1916, %eq3A_2063 : vector<16xi32>
        %select_n3A_2065 = arith.select %eq3A_2064, %get3A_2060, %select_n3A_2054 : vector<16xi1>, vector<16xf32>
        %add3A_2066 = arith.constant 112 : i32
        %add3A_2067 = arith.addi %add3A_2066, %shift_right_arithmetic3A_1403 : i32
        %get3A_2068 = arith.index_cast %add3A_2067 : i32 to index
        %get3A_2069 = arith.index_cast %multiple_of3A_1901 : i32 to index
        %get3A_2070 = tpu.vector_load %arg8[%get3A_2068, %get3A_2069] {strides = array<i32>} : memref<304x256xf32, #tpu.memory_space<vmem>>, vector<1x16xf32>,
        %get3A_2071 = vector.shape_cast %get3A_2070 : vector<1x16xf32> to vector<16xf32>
        %max3A_2072 = arith.maximumf %max3A_2061, %get3A_2071 : vector<16xf32>
        %eq3A_2073 = arith.constant 14 : i32
        %eq3A_2074 = vector.broadcast %eq3A_2073 : i32 to vector<16xi32>
        %eq3A_2075 = arith.cmpi eq, %min3A_1916, %eq3A_2074 : vector<16xi32>
        %select_n3A_2076 = arith.select %eq3A_2075, %get3A_2071, %select_n3A_2065 : vector<16xi1>, vector<16xf32>
        %add3A_2077 = arith.constant 120 : i32
        %add3A_2078 = arith.addi %add3A_2077, %shift_right_arithmetic3A_1403 : i32
        %get3A_2079 = arith.index_cast %add3A_2078 : i32 to index
        %get3A_2080 = arith.index_cast %multiple_of3A_1901 : i32 to index
        %get3A_2081 = tpu.vector_load %arg8[%get3A_2079, %get3A_2080] {strides = array<i32>} : memref<304x256xf32, #tpu.memory_space<vmem>>, vector<1x16xf32>,
        %get3A_2082 = vector.shape_cast %get3A_2081 : vector<1x16xf32> to vector<16xf32>
        %max3A_2083 = arith.maximumf %max3A_2072, %get3A_2082 : vector<16xf32>
        %eq3A_2084 = arith.constant 15 : i32
        %eq3A_2085 = vector.broadcast %eq3A_2084 : i32 to vector<16xi32>
        %eq3A_2086 = arith.cmpi eq, %min3A_1916, %eq3A_2085 : vector<16xi32>
        %select_n3A_2087 = arith.select %eq3A_2086, %get3A_2082, %select_n3A_2076 : vector<16xi1>, vector<16xf32>
        %add3A_2088 = arith.constant 128 : i32
        %add3A_2089 = arith.addi %add3A_2088, %shift_right_arithmetic3A_1403 : i32
        %get3A_2090 = arith.index_cast %add3A_2089 : i32 to index
        %get3A_2091 = arith.index_cast %multiple_of3A_1901 : i32 to index
        %get3A_2092 = tpu.vector_load %arg8[%get3A_2090, %get3A_2091] {strides = array<i32>} : memref<304x256xf32, #tpu.memory_space<vmem>>, vector<1x16xf32>,
        %get3A_2093 = vector.shape_cast %get3A_2092 : vector<1x16xf32> to vector<16xf32>
        %max3A_2094 = arith.maximumf %max3A_2083, %get3A_2093 : vector<16xf32>
        %eq3A_2095 = arith.constant 16 : i32
        %eq3A_2096 = vector.broadcast %eq3A_2095 : i32 to vector<16xi32>
        %eq3A_2097 = arith.cmpi eq, %min3A_1916, %eq3A_2096 : vector<16xi32>
        %select_n3A_2098 = arith.select %eq3A_2097, %get3A_2093, %select_n3A_2087 : vector<16xi1>, vector<16xf32>
        %add3A_2099 = arith.constant 136 : i32
        %add3A_2100 = arith.addi %add3A_2099, %shift_right_arithmetic3A_1403 : i32
        %get3A_2101 = arith.index_cast %add3A_2100 : i32 to index
        %get3A_2102 = arith.index_cast %multiple_of3A_1901 : i32 to index
        %get3A_2103 = tpu.vector_load %arg8[%get3A_2101, %get3A_2102] {strides = array<i32>} : memref<304x256xf32, #tpu.memory_space<vmem>>, vector<1x16xf32>,
        %get3A_2104 = vector.shape_cast %get3A_2103 : vector<1x16xf32> to vector<16xf32>
        %max3A_2105 = arith.maximumf %max3A_2094, %get3A_2104 : vector<16xf32>
        %eq3A_2106 = arith.constant 17 : i32
        %eq3A_2107 = vector.broadcast %eq3A_2106 : i32 to vector<16xi32>
        %eq3A_2108 = arith.cmpi eq, %min3A_1916, %eq3A_2107 : vector<16xi32>
        %select_n3A_2109 = arith.select %eq3A_2108, %get3A_2104, %select_n3A_2098 : vector<16xi1>, vector<16xf32>
        %add3A_2110 = arith.constant 144 : i32
        %add3A_2111 = arith.addi %add3A_2110, %shift_right_arithmetic3A_1403 : i32
        %get3A_2112 = arith.index_cast %add3A_2111 : i32 to index
        %get3A_2113 = arith.index_cast %multiple_of3A_1901 : i32 to index
        %get3A_2114 = tpu.vector_load %arg8[%get3A_2112, %get3A_2113] {strides = array<i32>} : memref<304x256xf32, #tpu.memory_space<vmem>>, vector<1x16xf32>,
        %get3A_2115 = vector.shape_cast %get3A_2114 : vector<1x16xf32> to vector<16xf32>
        %max3A_2116 = arith.maximumf %max3A_2105, %get3A_2115 : vector<16xf32>
        %eq3A_2117 = arith.constant 18 : i32
        %eq3A_2118 = vector.broadcast %eq3A_2117 : i32 to vector<16xi32>
        %eq3A_2119 = arith.cmpi eq, %min3A_1916, %eq3A_2118 : vector<16xi32>
        %select_n3A_2120 = arith.select %eq3A_2119, %get3A_2115, %select_n3A_2109 : vector<16xi1>, vector<16xf32>
        %add3A_2121 = arith.constant 0 : i32
        %add3A_2122 = arith.addi %add3A_2121, %shift_right_arithmetic3A_1403 : i32
        %get3A_2123 = arith.index_cast %add3A_2122 : i32 to index
        %get3A_2124 = arith.index_cast %multiple_of3A_1901 : i32 to index
        %get3A_2125 = tpu.vector_load %arg8[%get3A_2123, %get3A_2124] {strides = array<i32>} : memref<304x256xf32, #tpu.memory_space<vmem>>, vector<1x16xf32>,
        %get3A_2126 = vector.shape_cast %get3A_2125 : vector<1x16xf32> to vector<16xf32>
        %sub3A_2127 = arith.subf %get3A_2126, %max3A_2116 : vector<16xf32>
        %exp3A_2128 = math.exp %sub3A_2127 : vector<16xf32>
        %add3A_2129 = arith.constant 8 : i32
        %add3A_2130 = arith.addi %add3A_2129, %shift_right_arithmetic3A_1403 : i32
        %get3A_2131 = arith.index_cast %add3A_2130 : i32 to index
        %get3A_2132 = arith.index_cast %multiple_of3A_1901 : i32 to index
        %get3A_2133 = tpu.vector_load %arg8[%get3A_2131, %get3A_2132] {strides = array<i32>} : memref<304x256xf32, #tpu.memory_space<vmem>>, vector<1x16xf32>,
        %get3A_2134 = vector.shape_cast %get3A_2133 : vector<1x16xf32> to vector<16xf32>
        %sub3A_2135 = arith.subf %get3A_2134, %max3A_2116 : vector<16xf32>
        %exp3A_2136 = math.exp %sub3A_2135 : vector<16xf32>
        %add3A_2137 = arith.constant 16 : i32
        %add3A_2138 = arith.addi %add3A_2137, %shift_right_arithmetic3A_1403 : i32
        %get3A_2139 = arith.index_cast %add3A_2138 : i32 to index
        %get3A_2140 = arith.index_cast %multiple_of3A_1901 : i32 to index
        %get3A_2141 = tpu.vector_load %arg8[%get3A_2139, %get3A_2140] {strides = array<i32>} : memref<304x256xf32, #tpu.memory_space<vmem>>, vector<1x16xf32>,
        %get3A_2142 = vector.shape_cast %get3A_2141 : vector<1x16xf32> to vector<16xf32>
        %sub3A_2143 = arith.subf %get3A_2142, %max3A_2116 : vector<16xf32>
        %exp3A_2144 = math.exp %sub3A_2143 : vector<16xf32>
        %add3A_2145 = arith.constant 24 : i32
        %add3A_2146 = arith.addi %add3A_2145, %shift_right_arithmetic3A_1403 : i32
        %get3A_2147 = arith.index_cast %add3A_2146 : i32 to index
        %get3A_2148 = arith.index_cast %multiple_of3A_1901 : i32 to index
        %get3A_2149 = tpu.vector_load %arg8[%get3A_2147, %get3A_2148] {strides = array<i32>} : memref<304x256xf32, #tpu.memory_space<vmem>>, vector<1x16xf32>,
        %get3A_2150 = vector.shape_cast %get3A_2149 : vector<1x16xf32> to vector<16xf32>
        %sub3A_2151 = arith.subf %get3A_2150, %max3A_2116 : vector<16xf32>
        %exp3A_2152 = math.exp %sub3A_2151 : vector<16xf32>
        %add3A_2153 = arith.constant 32 : i32
        %add3A_2154 = arith.addi %add3A_2153, %shift_right_arithmetic3A_1403 : i32
        %get3A_2155 = arith.index_cast %add3A_2154 : i32 to index
        %get3A_2156 = arith.index_cast %multiple_of3A_1901 : i32 to index
        %get3A_2157 = tpu.vector_load %arg8[%get3A_2155, %get3A_2156] {strides = array<i32>} : memref<304x256xf32, #tpu.memory_space<vmem>>, vector<1x16xf32>,
        %get3A_2158 = vector.shape_cast %get3A_2157 : vector<1x16xf32> to vector<16xf32>
        %sub3A_2159 = arith.subf %get3A_2158, %max3A_2116 : vector<16xf32>
        %exp3A_2160 = math.exp %sub3A_2159 : vector<16xf32>
        %add3A_2161 = arith.constant 40 : i32
        %add3A_2162 = arith.addi %add3A_2161, %shift_right_arithmetic3A_1403 : i32
        %get3A_2163 = arith.index_cast %add3A_2162 : i32 to index
        %get3A_2164 = arith.index_cast %multiple_of3A_1901 : i32 to index
        %get3A_2165 = tpu.vector_load %arg8[%get3A_2163, %get3A_2164] {strides = array<i32>} : memref<304x256xf32, #tpu.memory_space<vmem>>, vector<1x16xf32>,
        %get3A_2166 = vector.shape_cast %get3A_2165 : vector<1x16xf32> to vector<16xf32>
        %sub3A_2167 = arith.subf %get3A_2166, %max3A_2116 : vector<16xf32>
        %exp3A_2168 = math.exp %sub3A_2167 : vector<16xf32>
        %add3A_2169 = arith.constant 48 : i32
        %add3A_2170 = arith.addi %add3A_2169, %shift_right_arithmetic3A_1403 : i32
        %get3A_2171 = arith.index_cast %add3A_2170 : i32 to index
        %get3A_2172 = arith.index_cast %multiple_of3A_1901 : i32 to index
        %get3A_2173 = tpu.vector_load %arg8[%get3A_2171, %get3A_2172] {strides = array<i32>} : memref<304x256xf32, #tpu.memory_space<vmem>>, vector<1x16xf32>,
        %get3A_2174 = vector.shape_cast %get3A_2173 : vector<1x16xf32> to vector<16xf32>
        %sub3A_2175 = arith.subf %get3A_2174, %max3A_2116 : vector<16xf32>
        %exp3A_2176 = math.exp %sub3A_2175 : vector<16xf32>
        %add3A_2177 = arith.constant 56 : i32
        %add3A_2178 = arith.addi %add3A_2177, %shift_right_arithmetic3A_1403 : i32
        %get3A_2179 = arith.index_cast %add3A_2178 : i32 to index
        %get3A_2180 = arith.index_cast %multiple_of3A_1901 : i32 to index
        %get3A_2181 = tpu.vector_load %arg8[%get3A_2179, %get3A_2180] {strides = array<i32>} : memref<304x256xf32, #tpu.memory_space<vmem>>, vector<1x16xf32>,
        %get3A_2182 = vector.shape_cast %get3A_2181 : vector<1x16xf32> to vector<16xf32>
        %sub3A_2183 = arith.subf %get3A_2182, %max3A_2116 : vector<16xf32>
        %exp3A_2184 = math.exp %sub3A_2183 : vector<16xf32>
        %add3A_2185 = arith.constant 64 : i32
        %add3A_2186 = arith.addi %add3A_2185, %shift_right_arithmetic3A_1403 : i32
        %get3A_2187 = arith.index_cast %add3A_2186 : i32 to index
        %get3A_2188 = arith.index_cast %multiple_of3A_1901 : i32 to index
        %get3A_2189 = tpu.vector_load %arg8[%get3A_2187, %get3A_2188] {strides = array<i32>} : memref<304x256xf32, #tpu.memory_space<vmem>>, vector<1x16xf32>,
        %get3A_2190 = vector.shape_cast %get3A_2189 : vector<1x16xf32> to vector<16xf32>
        %sub3A_2191 = arith.subf %get3A_2190, %max3A_2116 : vector<16xf32>
        %exp3A_2192 = math.exp %sub3A_2191 : vector<16xf32>
        %add3A_2193 = arith.constant 72 : i32
        %add3A_2194 = arith.addi %add3A_2193, %shift_right_arithmetic3A_1403 : i32
        %get3A_2195 = arith.index_cast %add3A_2194 : i32 to index
        %get3A_2196 = arith.index_cast %multiple_of3A_1901 : i32 to index
        %get3A_2197 = tpu.vector_load %arg8[%get3A_2195, %get3A_2196] {strides = array<i32>} : memref<304x256xf32, #tpu.memory_space<vmem>>, vector<1x16xf32>,
        %get3A_2198 = vector.shape_cast %get3A_2197 : vector<1x16xf32> to vector<16xf32>
        %sub3A_2199 = arith.subf %get3A_2198, %max3A_2116 : vector<16xf32>
        %exp3A_2200 = math.exp %sub3A_2199 : vector<16xf32>
        %add3A_2201 = arith.constant 80 : i32
        %add3A_2202 = arith.addi %add3A_2201, %shift_right_arithmetic3A_1403 : i32
        %get3A_2203 = arith.index_cast %add3A_2202 : i32 to index
        %get3A_2204 = arith.index_cast %multiple_of3A_1901 : i32 to index
        %get3A_2205 = tpu.vector_load %arg8[%get3A_2203, %get3A_2204] {strides = array<i32>} : memref<304x256xf32, #tpu.memory_space<vmem>>, vector<1x16xf32>,
        %get3A_2206 = vector.shape_cast %get3A_2205 : vector<1x16xf32> to vector<16xf32>
        %sub3A_2207 = arith.subf %get3A_2206, %max3A_2116 : vector<16xf32>
        %exp3A_2208 = math.exp %sub3A_2207 : vector<16xf32>
        %add3A_2209 = arith.constant 88 : i32
        %add3A_2210 = arith.addi %add3A_2209, %shift_right_arithmetic3A_1403 : i32
        %get3A_2211 = arith.index_cast %add3A_2210 : i32 to index
        %get3A_2212 = arith.index_cast %multiple_of3A_1901 : i32 to index
        %get3A_2213 = tpu.vector_load %arg8[%get3A_2211, %get3A_2212] {strides = array<i32>} : memref<304x256xf32, #tpu.memory_space<vmem>>, vector<1x16xf32>,
        %get3A_2214 = vector.shape_cast %get3A_2213 : vector<1x16xf32> to vector<16xf32>
        %sub3A_2215 = arith.subf %get3A_2214, %max3A_2116 : vector<16xf32>
        %exp3A_2216 = math.exp %sub3A_2215 : vector<16xf32>
        %add3A_2217 = arith.constant 96 : i32
        %add3A_2218 = arith.addi %add3A_2217, %shift_right_arithmetic3A_1403 : i32
        %get3A_2219 = arith.index_cast %add3A_2218 : i32 to index
        %get3A_2220 = arith.index_cast %multiple_of3A_1901 : i32 to index
        %get3A_2221 = tpu.vector_load %arg8[%get3A_2219, %get3A_2220] {strides = array<i32>} : memref<304x256xf32, #tpu.memory_space<vmem>>, vector<1x16xf32>,
        %get3A_2222 = vector.shape_cast %get3A_2221 : vector<1x16xf32> to vector<16xf32>
        %sub3A_2223 = arith.subf %get3A_2222, %max3A_2116 : vector<16xf32>
        %exp3A_2224 = math.exp %sub3A_2223 : vector<16xf32>
        %add3A_2225 = arith.constant 104 : i32
        %add3A_2226 = arith.addi %add3A_2225, %shift_right_arithmetic3A_1403 : i32
        %get3A_2227 = arith.index_cast %add3A_2226 : i32 to index
        %get3A_2228 = arith.index_cast %multiple_of3A_1901 : i32 to index
        %get3A_2229 = tpu.vector_load %arg8[%get3A_2227, %get3A_2228] {strides = array<i32>} : memref<304x256xf32, #tpu.memory_space<vmem>>, vector<1x16xf32>,
        %get3A_2230 = vector.shape_cast %get3A_2229 : vector<1x16xf32> to vector<16xf32>
        %sub3A_2231 = arith.subf %get3A_2230, %max3A_2116 : vector<16xf32>
        %exp3A_2232 = math.exp %sub3A_2231 : vector<16xf32>
        %add3A_2233 = arith.constant 112 : i32
        %add3A_2234 = arith.addi %add3A_2233, %shift_right_arithmetic3A_1403 : i32
        %get3A_2235 = arith.index_cast %add3A_2234 : i32 to index
        %get3A_2236 = arith.index_cast %multiple_of3A_1901 : i32 to index
        %get3A_2237 = tpu.vector_load %arg8[%get3A_2235, %get3A_2236] {strides = array<i32>} : memref<304x256xf32, #tpu.memory_space<vmem>>, vector<1x16xf32>,
        %get3A_2238 = vector.shape_cast %get3A_2237 : vector<1x16xf32> to vector<16xf32>
        %sub3A_2239 = arith.subf %get3A_2238, %max3A_2116 : vector<16xf32>
        %exp3A_2240 = math.exp %sub3A_2239 : vector<16xf32>
        %add3A_2241 = arith.constant 120 : i32
        %add3A_2242 = arith.addi %add3A_2241, %shift_right_arithmetic3A_1403 : i32
        %get3A_2243 = arith.index_cast %add3A_2242 : i32 to index
        %get3A_2244 = arith.index_cast %multiple_of3A_1901 : i32 to index
        %get3A_2245 = tpu.vector_load %arg8[%get3A_2243, %get3A_2244] {strides = array<i32>} : memref<304x256xf32, #tpu.memory_space<vmem>>, vector<1x16xf32>,
        %get3A_2246 = vector.shape_cast %get3A_2245 : vector<1x16xf32> to vector<16xf32>
        %sub3A_2247 = arith.subf %get3A_2246, %max3A_2116 : vector<16xf32>
        %exp3A_2248 = math.exp %sub3A_2247 : vector<16xf32>
        %add3A_2249 = arith.constant 128 : i32
        %add3A_2250 = arith.addi %add3A_2249, %shift_right_arithmetic3A_1403 : i32
        %get3A_2251 = arith.index_cast %add3A_2250 : i32 to index
        %get3A_2252 = arith.index_cast %multiple_of3A_1901 : i32 to index
        %get3A_2253 = tpu.vector_load %arg8[%get3A_2251, %get3A_2252] {strides = array<i32>} : memref<304x256xf32, #tpu.memory_space<vmem>>, vector<1x16xf32>,
        %get3A_2254 = vector.shape_cast %get3A_2253 : vector<1x16xf32> to vector<16xf32>
        %sub3A_2255 = arith.subf %get3A_2254, %max3A_2116 : vector<16xf32>
        %exp3A_2256 = math.exp %sub3A_2255 : vector<16xf32>
        %add3A_2257 = arith.constant 136 : i32
        %add3A_2258 = arith.addi %add3A_2257, %shift_right_arithmetic3A_1403 : i32
        %get3A_2259 = arith.index_cast %add3A_2258 : i32 to index
        %get3A_2260 = arith.index_cast %multiple_of3A_1901 : i32 to index
        %get3A_2261 = tpu.vector_load %arg8[%get3A_2259, %get3A_2260] {strides = array<i32>} : memref<304x256xf32, #tpu.memory_space<vmem>>, vector<1x16xf32>,
        %get3A_2262 = vector.shape_cast %get3A_2261 : vector<1x16xf32> to vector<16xf32>
        %sub3A_2263 = arith.subf %get3A_2262, %max3A_2116 : vector<16xf32>
        %exp3A_2264 = math.exp %sub3A_2263 : vector<16xf32>
        %add3A_2265 = arith.constant 144 : i32
        %add3A_2266 = arith.addi %add3A_2265, %shift_right_arithmetic3A_1403 : i32
        %get3A_2267 = arith.index_cast %add3A_2266 : i32 to index
        %get3A_2268 = arith.index_cast %multiple_of3A_1901 : i32 to index
        %get3A_2269 = tpu.vector_load %arg8[%get3A_2267, %get3A_2268] {strides = array<i32>} : memref<304x256xf32, #tpu.memory_space<vmem>>, vector<1x16xf32>,
        %get3A_2270 = vector.shape_cast %get3A_2269 : vector<1x16xf32> to vector<16xf32>
        %sub3A_2271 = arith.subf %get3A_2270, %max3A_2116 : vector<16xf32>
        %exp3A_2272 = math.exp %sub3A_2271 : vector<16xf32>
        %add3A_2273 = arith.addf %exp3A_2128, %exp3A_2136 : vector<16xf32>
        %add3A_2274 = arith.addf %exp3A_2144, %exp3A_2152 : vector<16xf32>
        %add3A_2275 = arith.addf %exp3A_2160, %exp3A_2168 : vector<16xf32>
        %add3A_2276 = arith.addf %exp3A_2176, %exp3A_2184 : vector<16xf32>
        %add3A_2277 = arith.addf %exp3A_2192, %exp3A_2200 : vector<16xf32>
        %add3A_2278 = arith.addf %exp3A_2208, %exp3A_2216 : vector<16xf32>
        %add3A_2279 = arith.addf %exp3A_2224, %exp3A_2232 : vector<16xf32>
        %add3A_2280 = arith.addf %exp3A_2240, %exp3A_2248 : vector<16xf32>
        %add3A_2281 = arith.addf %exp3A_2256, %exp3A_2264 : vector<16xf32>
        %add3A_2282 = arith.addf %add3A_2273, %add3A_2274 : vector<16xf32>
        %add3A_2283 = arith.addf %add3A_2275, %add3A_2276 : vector<16xf32>
        %add3A_2284 = arith.addf %add3A_2277, %add3A_2278 : vector<16xf32>
        %add3A_2285 = arith.addf %add3A_2279, %add3A_2280 : vector<16xf32>
        %add3A_2286 = arith.addf %add3A_2281, %exp3A_2272 : vector<16xf32>
        %add3A_2287 = arith.addf %add3A_2282, %add3A_2283 : vector<16xf32>
        %add3A_2288 = arith.addf %add3A_2284, %add3A_2285 : vector<16xf32>
        %add3A_2289 = arith.addf %add3A_2287, %add3A_2288 : vector<16xf32>
        %add3A_2290 = arith.addf %add3A_2289, %add3A_2286 : vector<16xf32>
        %bitcast_convert_type3A_2291 = tpu.bitcast %add3A_2290 : vector<16xf32> -> vector<16xi32>
        %shift_right_arithmetic3A_2292 = arith.constant 23 : i32
        %shift_right_arithmetic3A_2293 = vector.broadcast %shift_right_arithmetic3A_2292 : i32 to vector<16xi32>
        %shift_right_arithmetic3A_2294 = arith.shrsi %bitcast_convert_type3A_2291, %shift_right_arithmetic3A_2293 : vector<16xi32>
        %sub3A_2295 = arith.constant 127 : i32
        %sub3A_2296 = vector.broadcast %sub3A_2295 : i32 to vector<16xi32>
        %sub3A_2297 = arith.subi %shift_right_arithmetic3A_2294, %sub3A_2296 : vector<16xi32>
        %and3A_2298 = arith.constant 8388607 : i32
        %and3A_2299 = vector.broadcast %and3A_2298 : i32 to vector<16xi32>
        %and3A_2300 = arith.andi %bitcast_convert_type3A_2291, %and3A_2299 : vector<16xi32>
        %or3A_2301 = arith.constant 1065353216 : i32
        %or3A_2302 = vector.broadcast %or3A_2301 : i32 to vector<16xi32>
        %or3A_2303 = arith.ori %and3A_2300, %or3A_2302 : vector<16xi32>
        %bitcast_convert_type3A_2304 = tpu.bitcast %or3A_2303 : vector<16xi32> -> vector<16xf32>
        %gt3A_2305 = arith.constant 1.41421354 : f32
        %gt3A_2306 = vector.broadcast %gt3A_2305 : f32 to vector<16xf32>
        %gt3A_2307 = arith.cmpf ogt, %bitcast_convert_type3A_2304, %gt3A_2306 : vector<16xf32>
        %mul3A_2308 = arith.constant 5.000000e-01 : f32
        %mul3A_2309 = vector.broadcast %mul3A_2308 : f32 to vector<16xf32>
        %mul3A_2310 = arith.mulf %bitcast_convert_type3A_2304, %mul3A_2309 : vector<16xf32>
        %select_n3A_2311 = arith.select %gt3A_2307, %mul3A_2310, %bitcast_convert_type3A_2304 : vector<16xi1>, vector<16xf32>
        %jit3A_2312 = arith.constant 1 : i32
        %jit3A_2313 = arith.constant 0 : i32
        %broadcast_in_dim3A_2314 = vector.broadcast %jit3A_2312 : i32 to vector<16xi32>
        %broadcast_in_dim3A_2315 = vector.broadcast %jit3A_2313 : i32 to vector<16xi32>
        %select_n3A_2316 = arith.select %gt3A_2307, %broadcast_in_dim3A_2314, %broadcast_in_dim3A_2315 : vector<16xi1>, vector<16xi32>
        %add3A_2317 = arith.addi %sub3A_2297, %select_n3A_2316 : vector<16xi32>
        %convert_element_type3A_2318 = arith.sitofp %add3A_2317 : vector<16xi32> to vector<16xf32>
        %sub3A_2319 = arith.constant 1.000000e+00 : f32
        %sub3A_2320 = vector.broadcast %sub3A_2319 : f32 to vector<16xf32>
        %sub3A_2321 = arith.subf %select_n3A_2311, %sub3A_2320 : vector<16xf32>
        %mul3A_2322 = arith.mulf %sub3A_2321, %sub3A_2321 : vector<16xf32>
        %mul3A_2323 = arith.mulf %mul3A_2322, %mul3A_2322 : vector<16xf32>
        %mul3A_2324 = arith.constant -0.24999994 : f32
        %mul3A_2325 = vector.broadcast %mul3A_2324 : f32 to vector<16xf32>
        %mul3A_2326 = arith.mulf %mul3A_2325, %sub3A_2321 : vector<16xf32>
        %add3A_2327 = arith.constant 0.333333313 : f32
        %add3A_2328 = vector.broadcast %add3A_2327 : f32 to vector<16xf32>
        %add3A_2329 = arith.addf %mul3A_2326, %add3A_2328 : vector<16xf32>
        %mul3A_2330 = arith.constant -0.166680574 : f32
        %mul3A_2331 = vector.broadcast %mul3A_2330 : f32 to vector<16xf32>
        %mul3A_2332 = arith.mulf %mul3A_2331, %sub3A_2321 : vector<16xf32>
        %add3A_2333 = arith.constant 0.200007141 : f32
        %add3A_2334 = vector.broadcast %add3A_2333 : f32 to vector<16xf32>
        %add3A_2335 = arith.addf %mul3A_2332, %add3A_2334 : vector<16xf32>
        %mul3A_2336 = arith.constant -0.12420141 : f32
        %mul3A_2337 = vector.broadcast %mul3A_2336 : f32 to vector<16xf32>
        %mul3A_2338 = arith.mulf %mul3A_2337, %sub3A_2321 : vector<16xf32>
        %add3A_2339 = arith.constant 0.142493233 : f32
        %add3A_2340 = vector.broadcast %add3A_2339 : f32 to vector<16xf32>
        %add3A_2341 = arith.addf %mul3A_2338, %add3A_2340 : vector<16xf32>
        %mul3A_2342 = arith.constant -0.115146101 : f32
        %mul3A_2343 = vector.broadcast %mul3A_2342 : f32 to vector<16xf32>
        %mul3A_2344 = arith.mulf %mul3A_2343, %sub3A_2321 : vector<16xf32>
        %add3A_2345 = arith.constant 0.116769984 : f32
        %add3A_2346 = vector.broadcast %add3A_2345 : f32 to vector<16xf32>
        %add3A_2347 = arith.addf %mul3A_2344, %add3A_2346 : vector<16xf32>
        %mul3A_2348 = arith.mulf %add3A_2335, %mul3A_2322 : vector<16xf32>
        %add3A_2349 = arith.addf %mul3A_2348, %add3A_2329 : vector<16xf32>
        %mul3A_2350 = arith.mulf %add3A_2347, %mul3A_2322 : vector<16xf32>
        %add3A_2351 = arith.addf %mul3A_2350, %add3A_2341 : vector<16xf32>
        %mul3A_2352 = arith.constant 0.0703768358 : f32
        %mul3A_2353 = vector.broadcast %mul3A_2352 : f32 to vector<16xf32>
        %mul3A_2354 = arith.mulf %mul3A_2353, %mul3A_2323 : vector<16xf32>
        %add3A_2355 = arith.addf %mul3A_2354, %add3A_2351 : vector<16xf32>
        %mul3A_2356 = arith.mulf %add3A_2355, %mul3A_2323 : vector<16xf32>
        %add3A_2357 = arith.addf %mul3A_2356, %add3A_2349 : vector<16xf32>
        %mul3A_2358 = arith.mulf %sub3A_2321, %mul3A_2322 : vector<16xf32>
        %mul3A_2359 = arith.mulf %mul3A_2358, %add3A_2357 : vector<16xf32>
        %mul3A_2360 = arith.constant 5.000000e-01 : f32
        %mul3A_2361 = vector.broadcast %mul3A_2360 : f32 to vector<16xf32>
        %mul3A_2362 = arith.mulf %mul3A_2361, %mul3A_2322 : vector<16xf32>
        %sub3A_2363 = arith.subf %mul3A_2359, %mul3A_2362 : vector<16xf32>
        %add3A_2364 = arith.addf %sub3A_2321, %sub3A_2363 : vector<16xf32>
        %mul3A_2365 = arith.constant 0.693147182 : f32
        %mul3A_2366 = vector.broadcast %mul3A_2365 : f32 to vector<16xf32>
        %mul3A_2367 = arith.mulf %convert_element_type3A_2318, %mul3A_2366 : vector<16xf32>
        %add3A_2368 = arith.addf %add3A_2364, %mul3A_2367 : vector<16xf32>
        %sub3A_2369 = arith.subf %select_n3A_2120, %max3A_2116 : vector<16xf32>
        %sub3A_2370 = arith.subf %add3A_2368, %sub3A_2369 : vector<16xf32>
        %jit3A_2371 = arith.constant 0.000000e+00 : f32
        %broadcast_in_dim3A_2372 = vector.broadcast %jit3A_2371 : f32 to vector<16xf32>
        %select_n3A_2373 = arith.select %ne3A_1910, %sub3A_2370, %broadcast_in_dim3A_2372 : vector<16xi1>, vector<16xf32>
        %gt3A_2374 = arith.constant 0.356674939 : f32
        %gt3A_2375 = vector.broadcast %gt3A_2374 : f32 to vector<16xf32>
        %gt3A_2376 = arith.cmpf ogt, %select_n3A_2373, %gt3A_2375 : vector<16xf32>
        %jit3A_2377 = arith.constant 1.000000e+00 : f32
        %jit3A_2378 = arith.constant 0.000000e+00 : f32
        %broadcast_in_dim3A_2379 = vector.broadcast %jit3A_2377 : f32 to vector<16xf32>
        %broadcast_in_dim3A_2380 = vector.broadcast %jit3A_2378 : f32 to vector<16xf32>
        %select_n3A_2381 = arith.select %gt3A_2376, %broadcast_in_dim3A_2379, %broadcast_in_dim3A_2380 : vector<16xi1>, vector<16xf32>
        %add3A_2382 = arith.addf %add3A_1881, %select_n3A_2381 : vector<16xf32>
        %jit3A_2383 = arith.constant 0.000000e+00 : f32
        %broadcast_in_dim3A_2384 = vector.broadcast %jit3A_2383 : f32 to vector<16xf32>
        %select_n3A_2385 = arith.select %gt3A_2376, %select_n3A_2373, %broadcast_in_dim3A_2384 : vector<16xi1>, vector<16xf32>
        %add3A_2386 = arith.addf %add3A_1885, %select_n3A_2385 : vector<16xf32>
        %jit3A_2387 = arith.constant 1.000000e+00 : f32
        %jit3A_2388 = arith.constant 0.000000e+00 : f32
        %broadcast_in_dim3A_2389 = vector.broadcast %jit3A_2387 : f32 to vector<16xf32>
        %broadcast_in_dim3A_2390 = vector.broadcast %jit3A_2388 : f32 to vector<16xf32>
        %select_n3A_2391 = arith.select %ne3A_1910, %broadcast_in_dim3A_2389, %broadcast_in_dim3A_2390 : vector<16xi1>, vector<16xf32>
        %add3A_2392 = arith.addf %add3A_1891, %select_n3A_2391 : vector<16xf32>
        %add3A_2393 = arith.constant 0 : i32
        %add3A_2394 = arith.addi %add3A_2393, %shift_right_arithmetic3A_1403 : i32
        %swap3A_2395 = arith.index_cast %add3A_2394 : i32 to index
        %swap3A_2396 = arith.index_cast %multiple_of3A_1901 : i32 to index
        %swap3A_2397 = tpu.vector_load %arg10[%swap3A_2395, %swap3A_2396] {strides = array<i32>} : memref<16x256xf32, #tpu.memory_space<vmem>>, vector<1x16xf32>,
        %swap3A_2398 = vector.shape_cast %swap3A_2397 : vector<1x16xf32> to vector<16xf32>
        %swap3A_2399 = vector.shape_cast %select_n3A_2373 : vector<16xf32> to vector<1x16xf32>
        tpu.vector_store %arg10[%swap3A_2395, %swap3A_2396], %swap3A_2399 {strides = array<i32>} : memref<16x256xf32, #tpu.memory_space<vmem>>, vector<1x16xf32>,
        scf.yield %add3A_2382, %add3A_2386, %add3A_2392 : vector<16xf32>, vector<16xf32>, vector<16xf32>
      }
      %scan3A_940 = arith.constant 64 : i32
      %jit3A_941 = arith.constant 2 : i32
      %div3A_942 = arith.divsi %add3A_613, %jit3A_941 : i32
      %sign3A_943 = arith.constant 0 : i32
      %sign3A_944 = arith.cmpi sgt, %add3A_613, %sign3A_943 : i32
      %sign3A_945 = arith.extui %sign3A_944 : i1 to i32
      %sign3A_946 = arith.constant 0 : i32
      %sign3A_947 = arith.cmpi slt, %add3A_613, %sign3A_946 : i32
      %sign3A_948 = arith.extui %sign3A_947 : i1 to i32
      %sign3A_949 = arith.subi %sign3A_945, %sign3A_948 : i32
      %sign3A_950 = arith.constant 0 : i32
      %sign3A_951 = arith.cmpi sgt, %jit3A_941, %sign3A_950 : i32
      %sign3A_952 = arith.extui %sign3A_951 : i1 to i32
      %sign3A_953 = arith.constant 0 : i32
      %sign3A_954 = arith.cmpi slt, %jit3A_941, %sign3A_953 : i32
      %sign3A_955 = arith.extui %sign3A_954 : i1 to i32
      %sign3A_956 = arith.subi %sign3A_952, %sign3A_955 : i32
      %ne3A_957 = arith.cmpi ne, %sign3A_949, %sign3A_956 : i32
      %rem3A_958 = arith.remsi %add3A_613, %jit3A_941 : i32
      %ne3A_959 = arith.constant 0 : i32
      %ne3A_960 = arith.cmpi ne, %rem3A_958, %ne3A_959 : i32
      %and3A_961 = arith.andi %ne3A_957, %ne3A_960 : i1
      %sub3A_962 = arith.constant 1 : i32
      %sub3A_963 = arith.subi %div3A_942, %sub3A_962 : i32
      %select_n3A_964 = arith.select %and3A_961, %sub3A_963, %div3A_942 : i32
      %jit3A_965 = arith.constant 2 : i32
      %eq3A_966 = arith.constant 0 : i32
      %eq3A_967 = arith.cmpi eq, %jit3A_965, %eq3A_966 : i32
      %jit3A_968 = arith.constant 1 : i32
      %select_n3A_969 = arith.select %eq3A_967, %jit3A_968, %jit3A_965 : i32
      %rem3A_970 = arith.remsi %add3A_613, %select_n3A_969 : i32
      %ne3A_971 = arith.constant 0 : i32
      %ne3A_972 = arith.cmpi ne, %rem3A_970, %ne3A_971 : i32
      %lt3A_973 = arith.constant 0 : i32
      %lt3A_974 = arith.cmpi slt, %rem3A_970, %lt3A_973 : i32
      %lt3A_975 = arith.constant 0 : i32
      %lt3A_976 = arith.cmpi slt, %select_n3A_969, %lt3A_975 : i32
      %ne3A_977 = arith.xori %lt3A_974, %lt3A_976 : i1
      %and3A_978 = arith.andi %ne3A_977, %ne3A_972 : i1
      %add3A_979 = arith.addi %rem3A_970, %select_n3A_969 : i32
      %select_n3A_980 = arith.select %and3A_978, %add3A_979, %rem3A_970 : i32
      %mul3A_981 = arith.constant 8 : i32
      %mul3A_982 = arith.muli %select_n3A_964, %mul3A_981 : i32
      %add3A_983 = arith.addi %mul3A_32, %mul3A_982 : i32
      %mul3A_984 = arith.constant 256 : i32
      %mul3A_985 = arith.muli %select_n3A_980, %mul3A_984 : i32
      %dma_start3A_986 = arith.constant 0 : i32
      %dma_start3A_987 = arith.constant 0 : i32
      %dma_start3A_988 = tpu.memref_slice %arg10[%dma_start3A_986, %dma_start3A_987] : memref<16x256xf32, #tpu.memory_space<vmem>> -> memref<8x256xf32, #tpu.memory_space<vmem>>
      %dma_start3A_989 = tpu.memref_slice %arg4[%select_n3A, %add3A_983, %mul3A_985] : memref<2x512x512xf32, #tpu.memory_space<hbm>> -> memref<1x8x256xf32, #tpu.memory_space<hbm>>
      %dma_start3A_990 = tpu.memref_squeeze %dma_start3A_989 : memref<1x8x256xf32, #tpu.memory_space<hbm>> -> memref<8x256xf32, #tpu.memory_space<hbm>>
      %dma_start3A_991 = tpu.memref_slice %arg4[%select_n3A, %add3A_983, %mul3A_985] : memref<2x512x512xf32, #tpu.memory_space<hbm>> -> memref<1x8x256xf32, #tpu.memory_space<hbm>>
      %dma_start3A_992 = tpu.memref_squeeze %dma_start3A_991 : memref<1x8x256xf32, #tpu.memory_space<hbm>> -> memref<8x256xf32, #tpu.memory_space<hbm>>
      %dma_start3A_993 = arith.constant 0 : i32
      %dma_start3A_994 = arith.constant 0 : i32
      %dma_start3A_995 = tpu.memref_slice %arg10[%dma_start3A_993, %dma_start3A_994] : memref<16x256xf32, #tpu.memory_space<vmem>> -> memref<8x256xf32, #tpu.memory_space<vmem>>
      tpu.enqueue_dma source(%dma_start3A_995 : memref<8x256xf32, #tpu.memory_space<vmem>>) target(%dma_start3A_992 : memref<8x256xf32, #tpu.memory_space<hbm>>) target_semaphore(%arg13 : memref<!tpu.dma_semaphore, #tpu.memory_space<semaphore_mem>>)
      %add3A_996 = arith.constant 2 : i32
      %add3A_997 = arith.addi %add3A_613, %add3A_996 : i32
      %lt3A_998 = arith.constant 8 : i32
      %lt3A_999 = arith.cmpi slt, %add3A_997, %lt3A_998 : i32
      %convert_element_type3A_1000 = arith.extui %lt3A_999 : i1 to i32
      %cond3A_1001 = arith.constant 0 : i32
      %cond3A_1002 = arith.cmpi ne, %convert_element_type3A_1000, %cond3A_1001 : i32
      scf.if %cond3A_1002 {
        %add3A_1399 = arith.constant 2 : i32
        %add3A_1400 = arith.addi %add3A_613, %add3A_1399 : i32
        %jit3A_1401 = arith.constant 2 : i32
        %div3A_1402 = arith.divsi %add3A_1400, %jit3A_1401 : i32
        %sign3A_1403 = arith.constant 0 : i32
        %sign3A_1404 = arith.cmpi sgt, %add3A_1400, %sign3A_1403 : i32
        %sign3A_1405 = arith.extui %sign3A_1404 : i1 to i32
        %sign3A_1406 = arith.constant 0 : i32
        %sign3A_1407 = arith.cmpi slt, %add3A_1400, %sign3A_1406 : i32
        %sign3A_1408 = arith.extui %sign3A_1407 : i1 to i32
        %sign3A_1409 = arith.subi %sign3A_1405, %sign3A_1408 : i32
        %sign3A_1410 = arith.constant 0 : i32
        %sign3A_1411 = arith.cmpi sgt, %jit3A_1401, %sign3A_1410 : i32
        %sign3A_1412 = arith.extui %sign3A_1411 : i1 to i32
        %sign3A_1413 = arith.constant 0 : i32
        %sign3A_1414 = arith.cmpi slt, %jit3A_1401, %sign3A_1413 : i32
        %sign3A_1415 = arith.extui %sign3A_1414 : i1 to i32
        %sign3A_1416 = arith.subi %sign3A_1412, %sign3A_1415 : i32
        %ne3A_1417 = arith.cmpi ne, %sign3A_1409, %sign3A_1416 : i32
        %rem3A_1418 = arith.remsi %add3A_1400, %jit3A_1401 : i32
        %ne3A_1419 = arith.constant 0 : i32
        %ne3A_1420 = arith.cmpi ne, %rem3A_1418, %ne3A_1419 : i32
        %and3A_1421 = arith.andi %ne3A_1417, %ne3A_1420 : i1
        %sub3A_1422 = arith.constant 1 : i32
        %sub3A_1423 = arith.subi %div3A_1402, %sub3A_1422 : i32
        %select_n3A_1424 = arith.select %and3A_1421, %sub3A_1423, %div3A_1402 : i32
        %jit3A_1425 = arith.constant 2 : i32
        %eq3A_1426 = arith.constant 0 : i32
        %eq3A_1427 = arith.cmpi eq, %jit3A_1425, %eq3A_1426 : i32
        %jit3A_1428 = arith.constant 1 : i32
        %select_n3A_1429 = arith.select %eq3A_1427, %jit3A_1428, %jit3A_1425 : i32
        %rem3A_1430 = arith.remsi %add3A_1400, %select_n3A_1429 : i32
        %ne3A_1431 = arith.constant 0 : i32
        %ne3A_1432 = arith.cmpi ne, %rem3A_1430, %ne3A_1431 : i32
        %lt3A_1433 = arith.constant 0 : i32
        %lt3A_1434 = arith.cmpi slt, %rem3A_1430, %lt3A_1433 : i32
        %lt3A_1435 = arith.constant 0 : i32
        %lt3A_1436 = arith.cmpi slt, %select_n3A_1429, %lt3A_1435 : i32
        %ne3A_1437 = arith.xori %lt3A_1434, %lt3A_1436 : i1
        %and3A_1438 = arith.andi %ne3A_1437, %ne3A_1432 : i1
        %add3A_1439 = arith.addi %rem3A_1430, %select_n3A_1429 : i32
        %select_n3A_1440 = arith.select %and3A_1438, %add3A_1439, %rem3A_1430 : i32
        %mul3A_1441 = arith.constant 8 : i32
        %mul3A_1442 = arith.muli %select_n3A_1424, %mul3A_1441 : i32
        %add3A_1443 = arith.addi %mul3A_32, %mul3A_1442 : i32
        %mul3A_1444 = arith.constant 256 : i32
        %mul3A_1445 = arith.muli %select_n3A_1440, %mul3A_1444 : i32
        %dma_start3A_1446 = arith.constant 0 : i32
        %dma_start3A_1447 = arith.constant 0 : i32
        %dma_start3A_1448 = arith.constant 0 : i32
        %dma_start3A_1449 = tpu.memref_slice %arg8[%dma_start3A_1447, %dma_start3A_1448] : memref<304x256xf32, #tpu.memory_space<vmem>> -> memref<8x256xf32, #tpu.memory_space<vmem>>
        %dma_start3A_1450 = tpu.memref_slice %arg2[%select_n3A, %dma_start3A_1446, %add3A_1443, %mul3A_1445] : memref<8x19x512x512xf32, #tpu.memory_space<hbm>> -> memref<1x1x8x256xf32, #tpu.memory_space<hbm>>
        %dma_start3A_1451 = tpu.memref_squeeze %dma_start3A_1450 : memref<1x1x8x256xf32, #tpu.memory_space<hbm>> -> memref<8x256xf32, #tpu.memory_space<hbm>>
        %dma_start3A_1452 = arith.constant 0 : i32
        %dma_start3A_1453 = arith.constant 0 : i32
        %dma_start3A_1454 = tpu.memref_slice %arg8[%dma_start3A_1452, %dma_start3A_1453] : memref<304x256xf32, #tpu.memory_space<vmem>> -> memref<8x256xf32, #tpu.memory_space<vmem>>
        %dma_start3A_1455 = tpu.memref_slice %arg2[%select_n3A, %dma_start3A_1446, %add3A_1443, %mul3A_1445] : memref<8x19x512x512xf32, #tpu.memory_space<hbm>> -> memref<1x1x8x256xf32, #tpu.memory_space<hbm>>
        %dma_start3A_1456 = tpu.memref_squeeze %dma_start3A_1455 : memref<1x1x8x256xf32, #tpu.memory_space<hbm>> -> memref<8x256xf32, #tpu.memory_space<hbm>>
        tpu.enqueue_dma source(%dma_start3A_1456 : memref<8x256xf32, #tpu.memory_space<hbm>>) target(%dma_start3A_1454 : memref<8x256xf32, #tpu.memory_space<vmem>>) target_semaphore(%arg12 : memref<!tpu.dma_semaphore, #tpu.memory_space<semaphore_mem>>)
        %dma_start3A_1457 = arith.constant 1 : i32
        %dma_start3A_1458 = arith.constant 8 : i32
        %dma_start3A_1459 = arith.constant 0 : i32
        %dma_start3A_1460 = tpu.memref_slice %arg8[%dma_start3A_1458, %dma_start3A_1459] : memref<304x256xf32, #tpu.memory_space<vmem>> -> memref<8x256xf32, #tpu.memory_space<vmem>>
        %dma_start3A_1461 = tpu.memref_slice %arg2[%select_n3A, %dma_start3A_1457, %add3A_1443, %mul3A_1445] : memref<8x19x512x512xf32, #tpu.memory_space<hbm>> -> memref<1x1x8x256xf32, #tpu.memory_space<hbm>>
        %dma_start3A_1462 = tpu.memref_squeeze %dma_start3A_1461 : memref<1x1x8x256xf32, #tpu.memory_space<hbm>> -> memref<8x256xf32, #tpu.memory_space<hbm>>
        %dma_start3A_1463 = arith.constant 8 : i32
        %dma_start3A_1464 = arith.constant 0 : i32
        %dma_start3A_1465 = tpu.memref_slice %arg8[%dma_start3A_1463, %dma_start3A_1464] : memref<304x256xf32, #tpu.memory_space<vmem>> -> memref<8x256xf32, #tpu.memory_space<vmem>>
        %dma_start3A_1466 = tpu.memref_slice %arg2[%select_n3A, %dma_start3A_1457, %add3A_1443, %mul3A_1445] : memref<8x19x512x512xf32, #tpu.memory_space<hbm>> -> memref<1x1x8x256xf32, #tpu.memory_space<hbm>>
        %dma_start3A_1467 = tpu.memref_squeeze %dma_start3A_1466 : memref<1x1x8x256xf32, #tpu.memory_space<hbm>> -> memref<8x256xf32, #tpu.memory_space<hbm>>
        tpu.enqueue_dma source(%dma_start3A_1467 : memref<8x256xf32, #tpu.memory_space<hbm>>) target(%dma_start3A_1465 : memref<8x256xf32, #tpu.memory_space<vmem>>) target_semaphore(%arg12 : memref<!tpu.dma_semaphore, #tpu.memory_space<semaphore_mem>>)
        %dma_start3A_1468 = arith.constant 2 : i32
        %dma_start3A_1469 = arith.constant 16 : i32
        %dma_start3A_1470 = arith.constant 0 : i32
        %dma_start3A_1471 = tpu.memref_slice %arg8[%dma_start3A_1469, %dma_start3A_1470] : memref<304x256xf32, #tpu.memory_space<vmem>> -> memref<8x256xf32, #tpu.memory_space<vmem>>
        %dma_start3A_1472 = tpu.memref_slice %arg2[%select_n3A, %dma_start3A_1468, %add3A_1443, %mul3A_1445] : memref<8x19x512x512xf32, #tpu.memory_space<hbm>> -> memref<1x1x8x256xf32, #tpu.memory_space<hbm>>
        %dma_start3A_1473 = tpu.memref_squeeze %dma_start3A_1472 : memref<1x1x8x256xf32, #tpu.memory_space<hbm>> -> memref<8x256xf32, #tpu.memory_space<hbm>>
        %dma_start3A_1474 = arith.constant 16 : i32
        %dma_start3A_1475 = arith.constant 0 : i32
        %dma_start3A_1476 = tpu.memref_slice %arg8[%dma_start3A_1474, %dma_start3A_1475] : memref<304x256xf32, #tpu.memory_space<vmem>> -> memref<8x256xf32, #tpu.memory_space<vmem>>
        %dma_start3A_1477 = tpu.memref_slice %arg2[%select_n3A, %dma_start3A_1468, %add3A_1443, %mul3A_1445] : memref<8x19x512x512xf32, #tpu.memory_space<hbm>> -> memref<1x1x8x256xf32, #tpu.memory_space<hbm>>
        %dma_start3A_1478 = tpu.memref_squeeze %dma_start3A_1477 : memref<1x1x8x256xf32, #tpu.memory_space<hbm>> -> memref<8x256xf32, #tpu.memory_space<hbm>>
        tpu.enqueue_dma source(%dma_start3A_1478 : memref<8x256xf32, #tpu.memory_space<hbm>>) target(%dma_start3A_1476 : memref<8x256xf32, #tpu.memory_space<vmem>>) target_semaphore(%arg12 : memref<!tpu.dma_semaphore, #tpu.memory_space<semaphore_mem>>)
        %dma_start3A_1479 = arith.constant 3 : i32
        %dma_start3A_1480 = arith.constant 24 : i32
        %dma_start3A_1481 = arith.constant 0 : i32
        %dma_start3A_1482 = tpu.memref_slice %arg8[%dma_start3A_1480, %dma_start3A_1481] : memref<304x256xf32, #tpu.memory_space<vmem>> -> memref<8x256xf32, #tpu.memory_space<vmem>>
        %dma_start3A_1483 = tpu.memref_slice %arg2[%select_n3A, %dma_start3A_1479, %add3A_1443, %mul3A_1445] : memref<8x19x512x512xf32, #tpu.memory_space<hbm>> -> memref<1x1x8x256xf32, #tpu.memory_space<hbm>>
        %dma_start3A_1484 = tpu.memref_squeeze %dma_start3A_1483 : memref<1x1x8x256xf32, #tpu.memory_space<hbm>> -> memref<8x256xf32, #tpu.memory_space<hbm>>
        %dma_start3A_1485 = arith.constant 24 : i32
        %dma_start3A_1486 = arith.constant 0 : i32
        %dma_start3A_1487 = tpu.memref_slice %arg8[%dma_start3A_1485, %dma_start3A_1486] : memref<304x256xf32, #tpu.memory_space<vmem>> -> memref<8x256xf32, #tpu.memory_space<vmem>>
        %dma_start3A_1488 = tpu.memref_slice %arg2[%select_n3A, %dma_start3A_1479, %add3A_1443, %mul3A_1445] : memref<8x19x512x512xf32, #tpu.memory_space<hbm>> -> memref<1x1x8x256xf32, #tpu.memory_space<hbm>>
        %dma_start3A_1489 = tpu.memref_squeeze %dma_start3A_1488 : memref<1x1x8x256xf32, #tpu.memory_space<hbm>> -> memref<8x256xf32, #tpu.memory_space<hbm>>
        tpu.enqueue_dma source(%dma_start3A_1489 : memref<8x256xf32, #tpu.memory_space<hbm>>) target(%dma_start3A_1487 : memref<8x256xf32, #tpu.memory_space<vmem>>) target_semaphore(%arg12 : memref<!tpu.dma_semaphore, #tpu.memory_space<semaphore_mem>>)
        %dma_start3A_1490 = arith.constant 4 : i32
        %dma_start3A_1491 = arith.constant 32 : i32
        %dma_start3A_1492 = arith.constant 0 : i32
        %dma_start3A_1493 = tpu.memref_slice %arg8[%dma_start3A_1491, %dma_start3A_1492] : memref<304x256xf32, #tpu.memory_space<vmem>> -> memref<8x256xf32, #tpu.memory_space<vmem>>
        %dma_start3A_1494 = tpu.memref_slice %arg2[%select_n3A, %dma_start3A_1490, %add3A_1443, %mul3A_1445] : memref<8x19x512x512xf32, #tpu.memory_space<hbm>> -> memref<1x1x8x256xf32, #tpu.memory_space<hbm>>
        %dma_start3A_1495 = tpu.memref_squeeze %dma_start3A_1494 : memref<1x1x8x256xf32, #tpu.memory_space<hbm>> -> memref<8x256xf32, #tpu.memory_space<hbm>>
        %dma_start3A_1496 = arith.constant 32 : i32
        %dma_start3A_1497 = arith.constant 0 : i32
        %dma_start3A_1498 = tpu.memref_slice %arg8[%dma_start3A_1496, %dma_start3A_1497] : memref<304x256xf32, #tpu.memory_space<vmem>> -> memref<8x256xf32, #tpu.memory_space<vmem>>
        %dma_start3A_1499 = tpu.memref_slice %arg2[%select_n3A, %dma_start3A_1490, %add3A_1443, %mul3A_1445] : memref<8x19x512x512xf32, #tpu.memory_space<hbm>> -> memref<1x1x8x256xf32, #tpu.memory_space<hbm>>
        %dma_start3A_1500 = tpu.memref_squeeze %dma_start3A_1499 : memref<1x1x8x256xf32, #tpu.memory_space<hbm>> -> memref<8x256xf32, #tpu.memory_space<hbm>>
        tpu.enqueue_dma source(%dma_start3A_1500 : memref<8x256xf32, #tpu.memory_space<hbm>>) target(%dma_start3A_1498 : memref<8x256xf32, #tpu.memory_space<vmem>>) target_semaphore(%arg12 : memref<!tpu.dma_semaphore, #tpu.memory_space<semaphore_mem>>)
        %dma_start3A_1501 = arith.constant 5 : i32
        %dma_start3A_1502 = arith.constant 40 : i32
        %dma_start3A_1503 = arith.constant 0 : i32
        %dma_start3A_1504 = tpu.memref_slice %arg8[%dma_start3A_1502, %dma_start3A_1503] : memref<304x256xf32, #tpu.memory_space<vmem>> -> memref<8x256xf32, #tpu.memory_space<vmem>>
        %dma_start3A_1505 = tpu.memref_slice %arg2[%select_n3A, %dma_start3A_1501, %add3A_1443, %mul3A_1445] : memref<8x19x512x512xf32, #tpu.memory_space<hbm>> -> memref<1x1x8x256xf32, #tpu.memory_space<hbm>>
        %dma_start3A_1506 = tpu.memref_squeeze %dma_start3A_1505 : memref<1x1x8x256xf32, #tpu.memory_space<hbm>> -> memref<8x256xf32, #tpu.memory_space<hbm>>
        %dma_start3A_1507 = arith.constant 40 : i32
        %dma_start3A_1508 = arith.constant 0 : i32
        %dma_start3A_1509 = tpu.memref_slice %arg8[%dma_start3A_1507, %dma_start3A_1508] : memref<304x256xf32, #tpu.memory_space<vmem>> -> memref<8x256xf32, #tpu.memory_space<vmem>>
        %dma_start3A_1510 = tpu.memref_slice %arg2[%select_n3A, %dma_start3A_1501, %add3A_1443, %mul3A_1445] : memref<8x19x512x512xf32, #tpu.memory_space<hbm>> -> memref<1x1x8x256xf32, #tpu.memory_space<hbm>>
        %dma_start3A_1511 = tpu.memref_squeeze %dma_start3A_1510 : memref<1x1x8x256xf32, #tpu.memory_space<hbm>> -> memref<8x256xf32, #tpu.memory_space<hbm>>
        tpu.enqueue_dma source(%dma_start3A_1511 : memref<8x256xf32, #tpu.memory_space<hbm>>) target(%dma_start3A_1509 : memref<8x256xf32, #tpu.memory_space<vmem>>) target_semaphore(%arg12 : memref<!tpu.dma_semaphore, #tpu.memory_space<semaphore_mem>>)
        %dma_start3A_1512 = arith.constant 6 : i32
        %dma_start3A_1513 = arith.constant 48 : i32
        %dma_start3A_1514 = arith.constant 0 : i32
        %dma_start3A_1515 = tpu.memref_slice %arg8[%dma_start3A_1513, %dma_start3A_1514] : memref<304x256xf32, #tpu.memory_space<vmem>> -> memref<8x256xf32, #tpu.memory_space<vmem>>
        %dma_start3A_1516 = tpu.memref_slice %arg2[%select_n3A, %dma_start3A_1512, %add3A_1443, %mul3A_1445] : memref<8x19x512x512xf32, #tpu.memory_space<hbm>> -> memref<1x1x8x256xf32, #tpu.memory_space<hbm>>
        %dma_start3A_1517 = tpu.memref_squeeze %dma_start3A_1516 : memref<1x1x8x256xf32, #tpu.memory_space<hbm>> -> memref<8x256xf32, #tpu.memory_space<hbm>>
        %dma_start3A_1518 = arith.constant 48 : i32
        %dma_start3A_1519 = arith.constant 0 : i32
        %dma_start3A_1520 = tpu.memref_slice %arg8[%dma_start3A_1518, %dma_start3A_1519] : memref<304x256xf32, #tpu.memory_space<vmem>> -> memref<8x256xf32, #tpu.memory_space<vmem>>
        %dma_start3A_1521 = tpu.memref_slice %arg2[%select_n3A, %dma_start3A_1512, %add3A_1443, %mul3A_1445] : memref<8x19x512x512xf32, #tpu.memory_space<hbm>> -> memref<1x1x8x256xf32, #tpu.memory_space<hbm>>
        %dma_start3A_1522 = tpu.memref_squeeze %dma_start3A_1521 : memref<1x1x8x256xf32, #tpu.memory_space<hbm>> -> memref<8x256xf32, #tpu.memory_space<hbm>>
        tpu.enqueue_dma source(%dma_start3A_1522 : memref<8x256xf32, #tpu.memory_space<hbm>>) target(%dma_start3A_1520 : memref<8x256xf32, #tpu.memory_space<vmem>>) target_semaphore(%arg12 : memref<!tpu.dma_semaphore, #tpu.memory_space<semaphore_mem>>)
        %dma_start3A_1523 = arith.constant 7 : i32
        %dma_start3A_1524 = arith.constant 56 : i32
        %dma_start3A_1525 = arith.constant 0 : i32
        %dma_start3A_1526 = tpu.memref_slice %arg8[%dma_start3A_1524, %dma_start3A_1525] : memref<304x256xf32, #tpu.memory_space<vmem>> -> memref<8x256xf32, #tpu.memory_space<vmem>>
        %dma_start3A_1527 = tpu.memref_slice %arg2[%select_n3A, %dma_start3A_1523, %add3A_1443, %mul3A_1445] : memref<8x19x512x512xf32, #tpu.memory_space<hbm>> -> memref<1x1x8x256xf32, #tpu.memory_space<hbm>>
        %dma_start3A_1528 = tpu.memref_squeeze %dma_start3A_1527 : memref<1x1x8x256xf32, #tpu.memory_space<hbm>> -> memref<8x256xf32, #tpu.memory_space<hbm>>
        %dma_start3A_1529 = arith.constant 56 : i32
        %dma_start3A_1530 = arith.constant 0 : i32
        %dma_start3A_1531 = tpu.memref_slice %arg8[%dma_start3A_1529, %dma_start3A_1530] : memref<304x256xf32, #tpu.memory_space<vmem>> -> memref<8x256xf32, #tpu.memory_space<vmem>>
        %dma_start3A_1532 = tpu.memref_slice %arg2[%select_n3A, %dma_start3A_1523, %add3A_1443, %mul3A_1445] : memref<8x19x512x512xf32, #tpu.memory_space<hbm>> -> memref<1x1x8x256xf32, #tpu.memory_space<hbm>>
        %dma_start3A_1533 = tpu.memref_squeeze %dma_start3A_1532 : memref<1x1x8x256xf32, #tpu.memory_space<hbm>> -> memref<8x256xf32, #tpu.memory_space<hbm>>
        tpu.enqueue_dma source(%dma_start3A_1533 : memref<8x256xf32, #tpu.memory_space<hbm>>) target(%dma_start3A_1531 : memref<8x256xf32, #tpu.memory_space<vmem>>) target_semaphore(%arg12 : memref<!tpu.dma_semaphore, #tpu.memory_space<semaphore_mem>>)
        %dma_start3A_1534 = arith.constant 8 : i32
        %dma_start3A_1535 = arith.constant 64 : i32
        %dma_start3A_1536 = arith.constant 0 : i32
        %dma_start3A_1537 = tpu.memref_slice %arg8[%dma_start3A_1535, %dma_start3A_1536] : memref<304x256xf32, #tpu.memory_space<vmem>> -> memref<8x256xf32, #tpu.memory_space<vmem>>
        %dma_start3A_1538 = tpu.memref_slice %arg2[%select_n3A, %dma_start3A_1534, %add3A_1443, %mul3A_1445] : memref<8x19x512x512xf32, #tpu.memory_space<hbm>> -> memref<1x1x8x256xf32, #tpu.memory_space<hbm>>
        %dma_start3A_1539 = tpu.memref_squeeze %dma_start3A_1538 : memref<1x1x8x256xf32, #tpu.memory_space<hbm>> -> memref<8x256xf32, #tpu.memory_space<hbm>>
        %dma_start3A_1540 = arith.constant 64 : i32
        %dma_start3A_1541 = arith.constant 0 : i32
        %dma_start3A_1542 = tpu.memref_slice %arg8[%dma_start3A_1540, %dma_start3A_1541] : memref<304x256xf32, #tpu.memory_space<vmem>> -> memref<8x256xf32, #tpu.memory_space<vmem>>
        %dma_start3A_1543 = tpu.memref_slice %arg2[%select_n3A, %dma_start3A_1534, %add3A_1443, %mul3A_1445] : memref<8x19x512x512xf32, #tpu.memory_space<hbm>> -> memref<1x1x8x256xf32, #tpu.memory_space<hbm>>
        %dma_start3A_1544 = tpu.memref_squeeze %dma_start3A_1543 : memref<1x1x8x256xf32, #tpu.memory_space<hbm>> -> memref<8x256xf32, #tpu.memory_space<hbm>>
        tpu.enqueue_dma source(%dma_start3A_1544 : memref<8x256xf32, #tpu.memory_space<hbm>>) target(%dma_start3A_1542 : memref<8x256xf32, #tpu.memory_space<vmem>>) target_semaphore(%arg12 : memref<!tpu.dma_semaphore, #tpu.memory_space<semaphore_mem>>)
        %dma_start3A_1545 = arith.constant 9 : i32
        %dma_start3A_1546 = arith.constant 72 : i32
        %dma_start3A_1547 = arith.constant 0 : i32
        %dma_start3A_1548 = tpu.memref_slice %arg8[%dma_start3A_1546, %dma_start3A_1547] : memref<304x256xf32, #tpu.memory_space<vmem>> -> memref<8x256xf32, #tpu.memory_space<vmem>>
        %dma_start3A_1549 = tpu.memref_slice %arg2[%select_n3A, %dma_start3A_1545, %add3A_1443, %mul3A_1445] : memref<8x19x512x512xf32, #tpu.memory_space<hbm>> -> memref<1x1x8x256xf32, #tpu.memory_space<hbm>>
        %dma_start3A_1550 = tpu.memref_squeeze %dma_start3A_1549 : memref<1x1x8x256xf32, #tpu.memory_space<hbm>> -> memref<8x256xf32, #tpu.memory_space<hbm>>
        %dma_start3A_1551 = arith.constant 72 : i32
        %dma_start3A_1552 = arith.constant 0 : i32
        %dma_start3A_1553 = tpu.memref_slice %arg8[%dma_start3A_1551, %dma_start3A_1552] : memref<304x256xf32, #tpu.memory_space<vmem>> -> memref<8x256xf32, #tpu.memory_space<vmem>>
        %dma_start3A_1554 = tpu.memref_slice %arg2[%select_n3A, %dma_start3A_1545, %add3A_1443, %mul3A_1445] : memref<8x19x512x512xf32, #tpu.memory_space<hbm>> -> memref<1x1x8x256xf32, #tpu.memory_space<hbm>>
        %dma_start3A_1555 = tpu.memref_squeeze %dma_start3A_1554 : memref<1x1x8x256xf32, #tpu.memory_space<hbm>> -> memref<8x256xf32, #tpu.memory_space<hbm>>
        tpu.enqueue_dma source(%dma_start3A_1555 : memref<8x256xf32, #tpu.memory_space<hbm>>) target(%dma_start3A_1553 : memref<8x256xf32, #tpu.memory_space<vmem>>) target_semaphore(%arg12 : memref<!tpu.dma_semaphore, #tpu.memory_space<semaphore_mem>>)
        %dma_start3A_1556 = arith.constant 10 : i32
        %dma_start3A_1557 = arith.constant 80 : i32
        %dma_start3A_1558 = arith.constant 0 : i32
        %dma_start3A_1559 = tpu.memref_slice %arg8[%dma_start3A_1557, %dma_start3A_1558] : memref<304x256xf32, #tpu.memory_space<vmem>> -> memref<8x256xf32, #tpu.memory_space<vmem>>
        %dma_start3A_1560 = tpu.memref_slice %arg2[%select_n3A, %dma_start3A_1556, %add3A_1443, %mul3A_1445] : memref<8x19x512x512xf32, #tpu.memory_space<hbm>> -> memref<1x1x8x256xf32, #tpu.memory_space<hbm>>
        %dma_start3A_1561 = tpu.memref_squeeze %dma_start3A_1560 : memref<1x1x8x256xf32, #tpu.memory_space<hbm>> -> memref<8x256xf32, #tpu.memory_space<hbm>>
        %dma_start3A_1562 = arith.constant 80 : i32
        %dma_start3A_1563 = arith.constant 0 : i32
        %dma_start3A_1564 = tpu.memref_slice %arg8[%dma_start3A_1562, %dma_start3A_1563] : memref<304x256xf32, #tpu.memory_space<vmem>> -> memref<8x256xf32, #tpu.memory_space<vmem>>
        %dma_start3A_1565 = tpu.memref_slice %arg2[%select_n3A, %dma_start3A_1556, %add3A_1443, %mul3A_1445] : memref<8x19x512x512xf32, #tpu.memory_space<hbm>> -> memref<1x1x8x256xf32, #tpu.memory_space<hbm>>
        %dma_start3A_1566 = tpu.memref_squeeze %dma_start3A_1565 : memref<1x1x8x256xf32, #tpu.memory_space<hbm>> -> memref<8x256xf32, #tpu.memory_space<hbm>>
        tpu.enqueue_dma source(%dma_start3A_1566 : memref<8x256xf32, #tpu.memory_space<hbm>>) target(%dma_start3A_1564 : memref<8x256xf32, #tpu.memory_space<vmem>>) target_semaphore(%arg12 : memref<!tpu.dma_semaphore, #tpu.memory_space<semaphore_mem>>)
        %dma_start3A_1567 = arith.constant 11 : i32
        %dma_start3A_1568 = arith.constant 88 : i32
        %dma_start3A_1569 = arith.constant 0 : i32
        %dma_start3A_1570 = tpu.memref_slice %arg8[%dma_start3A_1568, %dma_start3A_1569] : memref<304x256xf32, #tpu.memory_space<vmem>> -> memref<8x256xf32, #tpu.memory_space<vmem>>
        %dma_start3A_1571 = tpu.memref_slice %arg2[%select_n3A, %dma_start3A_1567, %add3A_1443, %mul3A_1445] : memref<8x19x512x512xf32, #tpu.memory_space<hbm>> -> memref<1x1x8x256xf32, #tpu.memory_space<hbm>>
        %dma_start3A_1572 = tpu.memref_squeeze %dma_start3A_1571 : memref<1x1x8x256xf32, #tpu.memory_space<hbm>> -> memref<8x256xf32, #tpu.memory_space<hbm>>
        %dma_start3A_1573 = arith.constant 88 : i32
        %dma_start3A_1574 = arith.constant 0 : i32
        %dma_start3A_1575 = tpu.memref_slice %arg8[%dma_start3A_1573, %dma_start3A_1574] : memref<304x256xf32, #tpu.memory_space<vmem>> -> memref<8x256xf32, #tpu.memory_space<vmem>>
        %dma_start3A_1576 = tpu.memref_slice %arg2[%select_n3A, %dma_start3A_1567, %add3A_1443, %mul3A_1445] : memref<8x19x512x512xf32, #tpu.memory_space<hbm>> -> memref<1x1x8x256xf32, #tpu.memory_space<hbm>>
        %dma_start3A_1577 = tpu.memref_squeeze %dma_start3A_1576 : memref<1x1x8x256xf32, #tpu.memory_space<hbm>> -> memref<8x256xf32, #tpu.memory_space<hbm>>
        tpu.enqueue_dma source(%dma_start3A_1577 : memref<8x256xf32, #tpu.memory_space<hbm>>) target(%dma_start3A_1575 : memref<8x256xf32, #tpu.memory_space<vmem>>) target_semaphore(%arg12 : memref<!tpu.dma_semaphore, #tpu.memory_space<semaphore_mem>>)
        %dma_start3A_1578 = arith.constant 12 : i32
        %dma_start3A_1579 = arith.constant 96 : i32
        %dma_start3A_1580 = arith.constant 0 : i32
        %dma_start3A_1581 = tpu.memref_slice %arg8[%dma_start3A_1579, %dma_start3A_1580] : memref<304x256xf32, #tpu.memory_space<vmem>> -> memref<8x256xf32, #tpu.memory_space<vmem>>
        %dma_start3A_1582 = tpu.memref_slice %arg2[%select_n3A, %dma_start3A_1578, %add3A_1443, %mul3A_1445] : memref<8x19x512x512xf32, #tpu.memory_space<hbm>> -> memref<1x1x8x256xf32, #tpu.memory_space<hbm>>
        %dma_start3A_1583 = tpu.memref_squeeze %dma_start3A_1582 : memref<1x1x8x256xf32, #tpu.memory_space<hbm>> -> memref<8x256xf32, #tpu.memory_space<hbm>>
        %dma_start3A_1584 = arith.constant 96 : i32
        %dma_start3A_1585 = arith.constant 0 : i32
        %dma_start3A_1586 = tpu.memref_slice %arg8[%dma_start3A_1584, %dma_start3A_1585] : memref<304x256xf32, #tpu.memory_space<vmem>> -> memref<8x256xf32, #tpu.memory_space<vmem>>
        %dma_start3A_1587 = tpu.memref_slice %arg2[%select_n3A, %dma_start3A_1578, %add3A_1443, %mul3A_1445] : memref<8x19x512x512xf32, #tpu.memory_space<hbm>> -> memref<1x1x8x256xf32, #tpu.memory_space<hbm>>
        %dma_start3A_1588 = tpu.memref_squeeze %dma_start3A_1587 : memref<1x1x8x256xf32, #tpu.memory_space<hbm>> -> memref<8x256xf32, #tpu.memory_space<hbm>>
        tpu.enqueue_dma source(%dma_start3A_1588 : memref<8x256xf32, #tpu.memory_space<hbm>>) target(%dma_start3A_1586 : memref<8x256xf32, #tpu.memory_space<vmem>>) target_semaphore(%arg12 : memref<!tpu.dma_semaphore, #tpu.memory_space<semaphore_mem>>)
        %dma_start3A_1589 = arith.constant 13 : i32
        %dma_start3A_1590 = arith.constant 104 : i32
        %dma_start3A_1591 = arith.constant 0 : i32
        %dma_start3A_1592 = tpu.memref_slice %arg8[%dma_start3A_1590, %dma_start3A_1591] : memref<304x256xf32, #tpu.memory_space<vmem>> -> memref<8x256xf32, #tpu.memory_space<vmem>>
        %dma_start3A_1593 = tpu.memref_slice %arg2[%select_n3A, %dma_start3A_1589, %add3A_1443, %mul3A_1445] : memref<8x19x512x512xf32, #tpu.memory_space<hbm>> -> memref<1x1x8x256xf32, #tpu.memory_space<hbm>>
        %dma_start3A_1594 = tpu.memref_squeeze %dma_start3A_1593 : memref<1x1x8x256xf32, #tpu.memory_space<hbm>> -> memref<8x256xf32, #tpu.memory_space<hbm>>
        %dma_start3A_1595 = arith.constant 104 : i32
        %dma_start3A_1596 = arith.constant 0 : i32
        %dma_start3A_1597 = tpu.memref_slice %arg8[%dma_start3A_1595, %dma_start3A_1596] : memref<304x256xf32, #tpu.memory_space<vmem>> -> memref<8x256xf32, #tpu.memory_space<vmem>>
        %dma_start3A_1598 = tpu.memref_slice %arg2[%select_n3A, %dma_start3A_1589, %add3A_1443, %mul3A_1445] : memref<8x19x512x512xf32, #tpu.memory_space<hbm>> -> memref<1x1x8x256xf32, #tpu.memory_space<hbm>>
        %dma_start3A_1599 = tpu.memref_squeeze %dma_start3A_1598 : memref<1x1x8x256xf32, #tpu.memory_space<hbm>> -> memref<8x256xf32, #tpu.memory_space<hbm>>
        tpu.enqueue_dma source(%dma_start3A_1599 : memref<8x256xf32, #tpu.memory_space<hbm>>) target(%dma_start3A_1597 : memref<8x256xf32, #tpu.memory_space<vmem>>) target_semaphore(%arg12 : memref<!tpu.dma_semaphore, #tpu.memory_space<semaphore_mem>>)
        %dma_start3A_1600 = arith.constant 14 : i32
        %dma_start3A_1601 = arith.constant 112 : i32
        %dma_start3A_1602 = arith.constant 0 : i32
        %dma_start3A_1603 = tpu.memref_slice %arg8[%dma_start3A_1601, %dma_start3A_1602] : memref<304x256xf32, #tpu.memory_space<vmem>> -> memref<8x256xf32, #tpu.memory_space<vmem>>
        %dma_start3A_1604 = tpu.memref_slice %arg2[%select_n3A, %dma_start3A_1600, %add3A_1443, %mul3A_1445] : memref<8x19x512x512xf32, #tpu.memory_space<hbm>> -> memref<1x1x8x256xf32, #tpu.memory_space<hbm>>
        %dma_start3A_1605 = tpu.memref_squeeze %dma_start3A_1604 : memref<1x1x8x256xf32, #tpu.memory_space<hbm>> -> memref<8x256xf32, #tpu.memory_space<hbm>>
        %dma_start3A_1606 = arith.constant 112 : i32
        %dma_start3A_1607 = arith.constant 0 : i32
        %dma_start3A_1608 = tpu.memref_slice %arg8[%dma_start3A_1606, %dma_start3A_1607] : memref<304x256xf32, #tpu.memory_space<vmem>> -> memref<8x256xf32, #tpu.memory_space<vmem>>
        %dma_start3A_1609 = tpu.memref_slice %arg2[%select_n3A, %dma_start3A_1600, %add3A_1443, %mul3A_1445] : memref<8x19x512x512xf32, #tpu.memory_space<hbm>> -> memref<1x1x8x256xf32, #tpu.memory_space<hbm>>
        %dma_start3A_1610 = tpu.memref_squeeze %dma_start3A_1609 : memref<1x1x8x256xf32, #tpu.memory_space<hbm>> -> memref<8x256xf32, #tpu.memory_space<hbm>>
        tpu.enqueue_dma source(%dma_start3A_1610 : memref<8x256xf32, #tpu.memory_space<hbm>>) target(%dma_start3A_1608 : memref<8x256xf32, #tpu.memory_space<vmem>>) target_semaphore(%arg12 : memref<!tpu.dma_semaphore, #tpu.memory_space<semaphore_mem>>)
        %dma_start3A_1611 = arith.constant 15 : i32
        %dma_start3A_1612 = arith.constant 120 : i32
        %dma_start3A_1613 = arith.constant 0 : i32
        %dma_start3A_1614 = tpu.memref_slice %arg8[%dma_start3A_1612, %dma_start3A_1613] : memref<304x256xf32, #tpu.memory_space<vmem>> -> memref<8x256xf32, #tpu.memory_space<vmem>>
        %dma_start3A_1615 = tpu.memref_slice %arg2[%select_n3A, %dma_start3A_1611, %add3A_1443, %mul3A_1445] : memref<8x19x512x512xf32, #tpu.memory_space<hbm>> -> memref<1x1x8x256xf32, #tpu.memory_space<hbm>>
        %dma_start3A_1616 = tpu.memref_squeeze %dma_start3A_1615 : memref<1x1x8x256xf32, #tpu.memory_space<hbm>> -> memref<8x256xf32, #tpu.memory_space<hbm>>
        %dma_start3A_1617 = arith.constant 120 : i32
        %dma_start3A_1618 = arith.constant 0 : i32
        %dma_start3A_1619 = tpu.memref_slice %arg8[%dma_start3A_1617, %dma_start3A_1618] : memref<304x256xf32, #tpu.memory_space<vmem>> -> memref<8x256xf32, #tpu.memory_space<vmem>>
        %dma_start3A_1620 = tpu.memref_slice %arg2[%select_n3A, %dma_start3A_1611, %add3A_1443, %mul3A_1445] : memref<8x19x512x512xf32, #tpu.memory_space<hbm>> -> memref<1x1x8x256xf32, #tpu.memory_space<hbm>>
        %dma_start3A_1621 = tpu.memref_squeeze %dma_start3A_1620 : memref<1x1x8x256xf32, #tpu.memory_space<hbm>> -> memref<8x256xf32, #tpu.memory_space<hbm>>
        tpu.enqueue_dma source(%dma_start3A_1621 : memref<8x256xf32, #tpu.memory_space<hbm>>) target(%dma_start3A_1619 : memref<8x256xf32, #tpu.memory_space<vmem>>) target_semaphore(%arg12 : memref<!tpu.dma_semaphore, #tpu.memory_space<semaphore_mem>>)
        %dma_start3A_1622 = arith.constant 16 : i32
        %dma_start3A_1623 = arith.constant 128 : i32
        %dma_start3A_1624 = arith.constant 0 : i32
        %dma_start3A_1625 = tpu.memref_slice %arg8[%dma_start3A_1623, %dma_start3A_1624] : memref<304x256xf32, #tpu.memory_space<vmem>> -> memref<8x256xf32, #tpu.memory_space<vmem>>
        %dma_start3A_1626 = tpu.memref_slice %arg2[%select_n3A, %dma_start3A_1622, %add3A_1443, %mul3A_1445] : memref<8x19x512x512xf32, #tpu.memory_space<hbm>> -> memref<1x1x8x256xf32, #tpu.memory_space<hbm>>
        %dma_start3A_1627 = tpu.memref_squeeze %dma_start3A_1626 : memref<1x1x8x256xf32, #tpu.memory_space<hbm>> -> memref<8x256xf32, #tpu.memory_space<hbm>>
        %dma_start3A_1628 = arith.constant 128 : i32
        %dma_start3A_1629 = arith.constant 0 : i32
        %dma_start3A_1630 = tpu.memref_slice %arg8[%dma_start3A_1628, %dma_start3A_1629] : memref<304x256xf32, #tpu.memory_space<vmem>> -> memref<8x256xf32, #tpu.memory_space<vmem>>
        %dma_start3A_1631 = tpu.memref_slice %arg2[%select_n3A, %dma_start3A_1622, %add3A_1443, %mul3A_1445] : memref<8x19x512x512xf32, #tpu.memory_space<hbm>> -> memref<1x1x8x256xf32, #tpu.memory_space<hbm>>
        %dma_start3A_1632 = tpu.memref_squeeze %dma_start3A_1631 : memref<1x1x8x256xf32, #tpu.memory_space<hbm>> -> memref<8x256xf32, #tpu.memory_space<hbm>>
        tpu.enqueue_dma source(%dma_start3A_1632 : memref<8x256xf32, #tpu.memory_space<hbm>>) target(%dma_start3A_1630 : memref<8x256xf32, #tpu.memory_space<vmem>>) target_semaphore(%arg12 : memref<!tpu.dma_semaphore, #tpu.memory_space<semaphore_mem>>)
        %dma_start3A_1633 = arith.constant 17 : i32
        %dma_start3A_1634 = arith.constant 136 : i32
        %dma_start3A_1635 = arith.constant 0 : i32
        %dma_start3A_1636 = tpu.memref_slice %arg8[%dma_start3A_1634, %dma_start3A_1635] : memref<304x256xf32, #tpu.memory_space<vmem>> -> memref<8x256xf32, #tpu.memory_space<vmem>>
        %dma_start3A_1637 = tpu.memref_slice %arg2[%select_n3A, %dma_start3A_1633, %add3A_1443, %mul3A_1445] : memref<8x19x512x512xf32, #tpu.memory_space<hbm>> -> memref<1x1x8x256xf32, #tpu.memory_space<hbm>>
        %dma_start3A_1638 = tpu.memref_squeeze %dma_start3A_1637 : memref<1x1x8x256xf32, #tpu.memory_space<hbm>> -> memref<8x256xf32, #tpu.memory_space<hbm>>
        %dma_start3A_1639 = arith.constant 136 : i32
        %dma_start3A_1640 = arith.constant 0 : i32
        %dma_start3A_1641 = tpu.memref_slice %arg8[%dma_start3A_1639, %dma_start3A_1640] : memref<304x256xf32, #tpu.memory_space<vmem>> -> memref<8x256xf32, #tpu.memory_space<vmem>>
        %dma_start3A_1642 = tpu.memref_slice %arg2[%select_n3A, %dma_start3A_1633, %add3A_1443, %mul3A_1445] : memref<8x19x512x512xf32, #tpu.memory_space<hbm>> -> memref<1x1x8x256xf32, #tpu.memory_space<hbm>>
        %dma_start3A_1643 = tpu.memref_squeeze %dma_start3A_1642 : memref<1x1x8x256xf32, #tpu.memory_space<hbm>> -> memref<8x256xf32, #tpu.memory_space<hbm>>
        tpu.enqueue_dma source(%dma_start3A_1643 : memref<8x256xf32, #tpu.memory_space<hbm>>) target(%dma_start3A_1641 : memref<8x256xf32, #tpu.memory_space<vmem>>) target_semaphore(%arg12 : memref<!tpu.dma_semaphore, #tpu.memory_space<semaphore_mem>>)
        %dma_start3A_1644 = arith.constant 18 : i32
        %dma_start3A_1645 = arith.constant 144 : i32
        %dma_start3A_1646 = arith.constant 0 : i32
        %dma_start3A_1647 = tpu.memref_slice %arg8[%dma_start3A_1645, %dma_start3A_1646] : memref<304x256xf32, #tpu.memory_space<vmem>> -> memref<8x256xf32, #tpu.memory_space<vmem>>
        %dma_start3A_1648 = tpu.memref_slice %arg2[%select_n3A, %dma_start3A_1644, %add3A_1443, %mul3A_1445] : memref<8x19x512x512xf32, #tpu.memory_space<hbm>> -> memref<1x1x8x256xf32, #tpu.memory_space<hbm>>
        %dma_start3A_1649 = tpu.memref_squeeze %dma_start3A_1648 : memref<1x1x8x256xf32, #tpu.memory_space<hbm>> -> memref<8x256xf32, #tpu.memory_space<hbm>>
        %dma_start3A_1650 = arith.constant 144 : i32
        %dma_start3A_1651 = arith.constant 0 : i32
        %dma_start3A_1652 = tpu.memref_slice %arg8[%dma_start3A_1650, %dma_start3A_1651] : memref<304x256xf32, #tpu.memory_space<vmem>> -> memref<8x256xf32, #tpu.memory_space<vmem>>
        %dma_start3A_1653 = tpu.memref_slice %arg2[%select_n3A, %dma_start3A_1644, %add3A_1443, %mul3A_1445] : memref<8x19x512x512xf32, #tpu.memory_space<hbm>> -> memref<1x1x8x256xf32, #tpu.memory_space<hbm>>
        %dma_start3A_1654 = tpu.memref_squeeze %dma_start3A_1653 : memref<1x1x8x256xf32, #tpu.memory_space<hbm>> -> memref<8x256xf32, #tpu.memory_space<hbm>>
        tpu.enqueue_dma source(%dma_start3A_1654 : memref<8x256xf32, #tpu.memory_space<hbm>>) target(%dma_start3A_1652 : memref<8x256xf32, #tpu.memory_space<vmem>>) target_semaphore(%arg12 : memref<!tpu.dma_semaphore, #tpu.memory_space<semaphore_mem>>)
        %dma_start3A_1655 = arith.constant 0 : i32
        %dma_start3A_1656 = arith.constant 0 : i32
        %dma_start3A_1657 = tpu.memref_slice %arg9[%dma_start3A_1655, %dma_start3A_1656] : memref<16x256xi32, #tpu.memory_space<vmem>> -> memref<8x256xi32, #tpu.memory_space<vmem>>
        %dma_start3A_1658 = tpu.memref_slice %arg3[%select_n3A, %add3A_1443, %mul3A_1445] : memref<8x512x512xi32, #tpu.memory_space<hbm>> -> memref<1x8x256xi32, #tpu.memory_space<hbm>>
        %dma_start3A_1659 = tpu.memref_squeeze %dma_start3A_1658 : memref<1x8x256xi32, #tpu.memory_space<hbm>> -> memref<8x256xi32, #tpu.memory_space<hbm>>
        %dma_start3A_1660 = arith.constant 0 : i32
        %dma_start3A_1661 = arith.constant 0 : i32
        %dma_start3A_1662 = tpu.memref_slice %arg9[%dma_start3A_1660, %dma_start3A_1661] : memref<16x256xi32, #tpu.memory_space<vmem>> -> memref<8x256xi32, #tpu.memory_space<vmem>>
        %dma_start3A_1663 = tpu.memref_slice %arg3[%select_n3A, %add3A_1443, %mul3A_1445] : memref<8x512x512xi32, #tpu.memory_space<hbm>> -> memref<1x8x256xi32, #tpu.memory_space<hbm>>
        %dma_start3A_1664 = tpu.memref_squeeze %dma_start3A_1663 : memref<1x8x256xi32, #tpu.memory_space<hbm>> -> memref<8x256xi32, #tpu.memory_space<hbm>>
        tpu.enqueue_dma source(%dma_start3A_1664 : memref<8x256xi32, #tpu.memory_space<hbm>>) target(%dma_start3A_1662 : memref<8x256xi32, #tpu.memory_space<vmem>>) target_semaphore(%arg12 : memref<!tpu.dma_semaphore, #tpu.memory_space<semaphore_mem>>)
      } else {
      }
      %mul3A_1003 = arith.constant 2 : i32
      %mul3A_1004 = arith.muli %scan3A_606, %mul3A_1003 : i32
      %add3A_1005 = arith.constant 1 : i32
      %add3A_1006 = arith.addi %mul3A_1004, %add3A_1005 : i32
      %dma_wait3A_1007 = arith.constant 0 : i32
      %dma_wait3A_1008 = arith.constant 0 : i32
      %dma_wait3A_1009 = arith.constant 152 : i32
      %dma_wait3A_1010 = arith.constant 0 : i32
      %dma_wait3A_1011 = tpu.memref_slice %arg8[%dma_wait3A_1009, %dma_wait3A_1010] : memref<304x256xf32, #tpu.memory_space<vmem>> -> memref<8x256xf32, #tpu.memory_space<vmem>>
      %dma_wait3A_1012 = arith.constant 0 : i32
      %dma_wait3A_1013 = arith.constant 0 : i32
      %dma_wait3A_1014 = tpu.memref_slice %arg2[%dma_wait3A_1007, %dma_wait3A_1008, %dma_wait3A_1012, %dma_wait3A_1013] : memref<8x19x512x512xf32, #tpu.memory_space<hbm>> -> memref<1x1x8x256xf32, #tpu.memory_space<hbm>>
      %dma_wait3A_1015 = tpu.memref_squeeze %dma_wait3A_1014 : memref<1x1x8x256xf32, #tpu.memory_space<hbm>> -> memref<8x256xf32, #tpu.memory_space<hbm>>
      %dma_wait3A_1016 = arith.constant 152 : i32
      %dma_wait3A_1017 = arith.constant 0 : i32
      %dma_wait3A_1018 = tpu.memref_slice %arg8[%dma_wait3A_1016, %dma_wait3A_1017] : memref<304x256xf32, #tpu.memory_space<vmem>> -> memref<8x256xf32, #tpu.memory_space<vmem>>
      %dma_wait3A_1019 = arith.constant 0 : i32
      %dma_wait3A_1020 = arith.constant 0 : i32
      %dma_wait3A_1021 = tpu.memref_slice %arg2[%dma_wait3A_1007, %dma_wait3A_1008, %dma_wait3A_1019, %dma_wait3A_1020] : memref<8x19x512x512xf32, #tpu.memory_space<hbm>> -> memref<1x1x8x256xf32, #tpu.memory_space<hbm>>
      %dma_wait3A_1022 = tpu.memref_squeeze %dma_wait3A_1021 : memref<1x1x8x256xf32, #tpu.memory_space<hbm>> -> memref<8x256xf32, #tpu.memory_space<hbm>>
      tpu.wait_dma2 semaphore(%arg12 : memref<!tpu.dma_semaphore, #tpu.memory_space<semaphore_mem>>) src(%dma_wait3A_1022 : memref<8x256xf32, #tpu.memory_space<hbm>>) dst(%dma_wait3A_1018 : memref<8x256xf32, #tpu.memory_space<vmem>>)
      %dma_wait3A_1023 = arith.constant 0 : i32
      %dma_wait3A_1024 = arith.constant 0 : i32
      %dma_wait3A_1025 = arith.constant 160 : i32
      %dma_wait3A_1026 = arith.constant 0 : i32
      %dma_wait3A_1027 = tpu.memref_slice %arg8[%dma_wait3A_1025, %dma_wait3A_1026] : memref<304x256xf32, #tpu.memory_space<vmem>> -> memref<8x256xf32, #tpu.memory_space<vmem>>
      %dma_wait3A_1028 = arith.constant 0 : i32
      %dma_wait3A_1029 = arith.constant 0 : i32
      %dma_wait3A_1030 = tpu.memref_slice %arg2[%dma_wait3A_1023, %dma_wait3A_1024, %dma_wait3A_1028, %dma_wait3A_1029] : memref<8x19x512x512xf32, #tpu.memory_space<hbm>> -> memref<1x1x8x256xf32, #tpu.memory_space<hbm>>
      %dma_wait3A_1031 = tpu.memref_squeeze %dma_wait3A_1030 : memref<1x1x8x256xf32, #tpu.memory_space<hbm>> -> memref<8x256xf32, #tpu.memory_space<hbm>>
      %dma_wait3A_1032 = arith.constant 160 : i32
      %dma_wait3A_1033 = arith.constant 0 : i32
      %dma_wait3A_1034 = tpu.memref_slice %arg8[%dma_wait3A_1032, %dma_wait3A_1033] : memref<304x256xf32, #tpu.memory_space<vmem>> -> memref<8x256xf32, #tpu.memory_space<vmem>>
      %dma_wait3A_1035 = arith.constant 0 : i32
      %dma_wait3A_1036 = arith.constant 0 : i32
      %dma_wait3A_1037 = tpu.memref_slice %arg2[%dma_wait3A_1023, %dma_wait3A_1024, %dma_wait3A_1035, %dma_wait3A_1036] : memref<8x19x512x512xf32, #tpu.memory_space<hbm>> -> memref<1x1x8x256xf32, #tpu.memory_space<hbm>>
      %dma_wait3A_1038 = tpu.memref_squeeze %dma_wait3A_1037 : memref<1x1x8x256xf32, #tpu.memory_space<hbm>> -> memref<8x256xf32, #tpu.memory_space<hbm>>
      tpu.wait_dma2 semaphore(%arg12 : memref<!tpu.dma_semaphore, #tpu.memory_space<semaphore_mem>>) src(%dma_wait3A_1038 : memref<8x256xf32, #tpu.memory_space<hbm>>) dst(%dma_wait3A_1034 : memref<8x256xf32, #tpu.memory_space<vmem>>)
      %dma_wait3A_1039 = arith.constant 0 : i32
      %dma_wait3A_1040 = arith.constant 0 : i32
      %dma_wait3A_1041 = arith.constant 168 : i32
      %dma_wait3A_1042 = arith.constant 0 : i32
      %dma_wait3A_1043 = tpu.memref_slice %arg8[%dma_wait3A_1041, %dma_wait3A_1042] : memref<304x256xf32, #tpu.memory_space<vmem>> -> memref<8x256xf32, #tpu.memory_space<vmem>>
      %dma_wait3A_1044 = arith.constant 0 : i32
      %dma_wait3A_1045 = arith.constant 0 : i32
      %dma_wait3A_1046 = tpu.memref_slice %arg2[%dma_wait3A_1039, %dma_wait3A_1040, %dma_wait3A_1044, %dma_wait3A_1045] : memref<8x19x512x512xf32, #tpu.memory_space<hbm>> -> memref<1x1x8x256xf32, #tpu.memory_space<hbm>>
      %dma_wait3A_1047 = tpu.memref_squeeze %dma_wait3A_1046 : memref<1x1x8x256xf32, #tpu.memory_space<hbm>> -> memref<8x256xf32, #tpu.memory_space<hbm>>
      %dma_wait3A_1048 = arith.constant 168 : i32
      %dma_wait3A_1049 = arith.constant 0 : i32
      %dma_wait3A_1050 = tpu.memref_slice %arg8[%dma_wait3A_1048, %dma_wait3A_1049] : memref<304x256xf32, #tpu.memory_space<vmem>> -> memref<8x256xf32, #tpu.memory_space<vmem>>
      %dma_wait3A_1051 = arith.constant 0 : i32
      %dma_wait3A_1052 = arith.constant 0 : i32
      %dma_wait3A_1053 = tpu.memref_slice %arg2[%dma_wait3A_1039, %dma_wait3A_1040, %dma_wait3A_1051, %dma_wait3A_1052] : memref<8x19x512x512xf32, #tpu.memory_space<hbm>> -> memref<1x1x8x256xf32, #tpu.memory_space<hbm>>
      %dma_wait3A_1054 = tpu.memref_squeeze %dma_wait3A_1053 : memref<1x1x8x256xf32, #tpu.memory_space<hbm>> -> memref<8x256xf32, #tpu.memory_space<hbm>>
      tpu.wait_dma2 semaphore(%arg12 : memref<!tpu.dma_semaphore, #tpu.memory_space<semaphore_mem>>) src(%dma_wait3A_1054 : memref<8x256xf32, #tpu.memory_space<hbm>>) dst(%dma_wait3A_1050 : memref<8x256xf32, #tpu.memory_space<vmem>>)
      %dma_wait3A_1055 = arith.constant 0 : i32
      %dma_wait3A_1056 = arith.constant 0 : i32
      %dma_wait3A_1057 = arith.constant 176 : i32
      %dma_wait3A_1058 = arith.constant 0 : i32
      %dma_wait3A_1059 = tpu.memref_slice %arg8[%dma_wait3A_1057, %dma_wait3A_1058] : memref<304x256xf32, #tpu.memory_space<vmem>> -> memref<8x256xf32, #tpu.memory_space<vmem>>
      %dma_wait3A_1060 = arith.constant 0 : i32
      %dma_wait3A_1061 = arith.constant 0 : i32
      %dma_wait3A_1062 = tpu.memref_slice %arg2[%dma_wait3A_1055, %dma_wait3A_1056, %dma_wait3A_1060, %dma_wait3A_1061] : memref<8x19x512x512xf32, #tpu.memory_space<hbm>> -> memref<1x1x8x256xf32, #tpu.memory_space<hbm>>
      %dma_wait3A_1063 = tpu.memref_squeeze %dma_wait3A_1062 : memref<1x1x8x256xf32, #tpu.memory_space<hbm>> -> memref<8x256xf32, #tpu.memory_space<hbm>>
      %dma_wait3A_1064 = arith.constant 176 : i32
      %dma_wait3A_1065 = arith.constant 0 : i32
      %dma_wait3A_1066 = tpu.memref_slice %arg8[%dma_wait3A_1064, %dma_wait3A_1065] : memref<304x256xf32, #tpu.memory_space<vmem>> -> memref<8x256xf32, #tpu.memory_space<vmem>>
      %dma_wait3A_1067 = arith.constant 0 : i32
      %dma_wait3A_1068 = arith.constant 0 : i32
      %dma_wait3A_1069 = tpu.memref_slice %arg2[%dma_wait3A_1055, %dma_wait3A_1056, %dma_wait3A_1067, %dma_wait3A_1068] : memref<8x19x512x512xf32, #tpu.memory_space<hbm>> -> memref<1x1x8x256xf32, #tpu.memory_space<hbm>>
      %dma_wait3A_1070 = tpu.memref_squeeze %dma_wait3A_1069 : memref<1x1x8x256xf32, #tpu.memory_space<hbm>> -> memref<8x256xf32, #tpu.memory_space<hbm>>
      tpu.wait_dma2 semaphore(%arg12 : memref<!tpu.dma_semaphore, #tpu.memory_space<semaphore_mem>>) src(%dma_wait3A_1070 : memref<8x256xf32, #tpu.memory_space<hbm>>) dst(%dma_wait3A_1066 : memref<8x256xf32, #tpu.memory_space<vmem>>)
      %dma_wait3A_1071 = arith.constant 0 : i32
      %dma_wait3A_1072 = arith.constant 0 : i32
      %dma_wait3A_1073 = arith.constant 184 : i32
      %dma_wait3A_1074 = arith.constant 0 : i32
      %dma_wait3A_1075 = tpu.memref_slice %arg8[%dma_wait3A_1073, %dma_wait3A_1074] : memref<304x256xf32, #tpu.memory_space<vmem>> -> memref<8x256xf32, #tpu.memory_space<vmem>>
      %dma_wait3A_1076 = arith.constant 0 : i32
      %dma_wait3A_1077 = arith.constant 0 : i32
      %dma_wait3A_1078 = tpu.memref_slice %arg2[%dma_wait3A_1071, %dma_wait3A_1072, %dma_wait3A_1076, %dma_wait3A_1077] : memref<8x19x512x512xf32, #tpu.memory_space<hbm>> -> memref<1x1x8x256xf32, #tpu.memory_space<hbm>>
      %dma_wait3A_1079 = tpu.memref_squeeze %dma_wait3A_1078 : memref<1x1x8x256xf32, #tpu.memory_space<hbm>> -> memref<8x256xf32, #tpu.memory_space<hbm>>
      %dma_wait3A_1080 = arith.constant 184 : i32
      %dma_wait3A_1081 = arith.constant 0 : i32
      %dma_wait3A_1082 = tpu.memref_slice %arg8[%dma_wait3A_1080, %dma_wait3A_1081] : memref<304x256xf32, #tpu.memory_space<vmem>> -> memref<8x256xf32, #tpu.memory_space<vmem>>
      %dma_wait3A_1083 = arith.constant 0 : i32
      %dma_wait3A_1084 = arith.constant 0 : i32
      %dma_wait3A_1085 = tpu.memref_slice %arg2[%dma_wait3A_1071, %dma_wait3A_1072, %dma_wait3A_1083, %dma_wait3A_1084] : memref<8x19x512x512xf32, #tpu.memory_space<hbm>> -> memref<1x1x8x256xf32, #tpu.memory_space<hbm>>
      %dma_wait3A_1086 = tpu.memref_squeeze %dma_wait3A_1085 : memref<1x1x8x256xf32, #tpu.memory_space<hbm>> -> memref<8x256xf32, #tpu.memory_space<hbm>>
      tpu.wait_dma2 semaphore(%arg12 : memref<!tpu.dma_semaphore, #tpu.memory_space<semaphore_mem>>) src(%dma_wait3A_1086 : memref<8x256xf32, #tpu.memory_space<hbm>>) dst(%dma_wait3A_1082 : memref<8x256xf32, #tpu.memory_space<vmem>>)
      %dma_wait3A_1087 = arith.constant 0 : i32
      %dma_wait3A_1088 = arith.constant 0 : i32
      %dma_wait3A_1089 = arith.constant 192 : i32
      %dma_wait3A_1090 = arith.constant 0 : i32
      %dma_wait3A_1091 = tpu.memref_slice %arg8[%dma_wait3A_1089, %dma_wait3A_1090] : memref<304x256xf32, #tpu.memory_space<vmem>> -> memref<8x256xf32, #tpu.memory_space<vmem>>
      %dma_wait3A_1092 = arith.constant 0 : i32
      %dma_wait3A_1093 = arith.constant 0 : i32
      %dma_wait3A_1094 = tpu.memref_slice %arg2[%dma_wait3A_1087, %dma_wait3A_1088, %dma_wait3A_1092, %dma_wait3A_1093] : memref<8x19x512x512xf32, #tpu.memory_space<hbm>> -> memref<1x1x8x256xf32, #tpu.memory_space<hbm>>
      %dma_wait3A_1095 = tpu.memref_squeeze %dma_wait3A_1094 : memref<1x1x8x256xf32, #tpu.memory_space<hbm>> -> memref<8x256xf32, #tpu.memory_space<hbm>>
      %dma_wait3A_1096 = arith.constant 192 : i32
      %dma_wait3A_1097 = arith.constant 0 : i32
      %dma_wait3A_1098 = tpu.memref_slice %arg8[%dma_wait3A_1096, %dma_wait3A_1097] : memref<304x256xf32, #tpu.memory_space<vmem>> -> memref<8x256xf32, #tpu.memory_space<vmem>>
      %dma_wait3A_1099 = arith.constant 0 : i32
      %dma_wait3A_1100 = arith.constant 0 : i32
      %dma_wait3A_1101 = tpu.memref_slice %arg2[%dma_wait3A_1087, %dma_wait3A_1088, %dma_wait3A_1099, %dma_wait3A_1100] : memref<8x19x512x512xf32, #tpu.memory_space<hbm>> -> memref<1x1x8x256xf32, #tpu.memory_space<hbm>>
      %dma_wait3A_1102 = tpu.memref_squeeze %dma_wait3A_1101 : memref<1x1x8x256xf32, #tpu.memory_space<hbm>> -> memref<8x256xf32, #tpu.memory_space<hbm>>
      tpu.wait_dma2 semaphore(%arg12 : memref<!tpu.dma_semaphore, #tpu.memory_space<semaphore_mem>>) src(%dma_wait3A_1102 : memref<8x256xf32, #tpu.memory_space<hbm>>) dst(%dma_wait3A_1098 : memref<8x256xf32, #tpu.memory_space<vmem>>)
      %dma_wait3A_1103 = arith.constant 0 : i32
      %dma_wait3A_1104 = arith.constant 0 : i32
      %dma_wait3A_1105 = arith.constant 200 : i32
      %dma_wait3A_1106 = arith.constant 0 : i32
      %dma_wait3A_1107 = tpu.memref_slice %arg8[%dma_wait3A_1105, %dma_wait3A_1106] : memref<304x256xf32, #tpu.memory_space<vmem>> -> memref<8x256xf32, #tpu.memory_space<vmem>>
      %dma_wait3A_1108 = arith.constant 0 : i32
      %dma_wait3A_1109 = arith.constant 0 : i32
      %dma_wait3A_1110 = tpu.memref_slice %arg2[%dma_wait3A_1103, %dma_wait3A_1104, %dma_wait3A_1108, %dma_wait3A_1109] : memref<8x19x512x512xf32, #tpu.memory_space<hbm>> -> memref<1x1x8x256xf32, #tpu.memory_space<hbm>>
      %dma_wait3A_1111 = tpu.memref_squeeze %dma_wait3A_1110 : memref<1x1x8x256xf32, #tpu.memory_space<hbm>> -> memref<8x256xf32, #tpu.memory_space<hbm>>
      %dma_wait3A_1112 = arith.constant 200 : i32
      %dma_wait3A_1113 = arith.constant 0 : i32
      %dma_wait3A_1114 = tpu.memref_slice %arg8[%dma_wait3A_1112, %dma_wait3A_1113] : memref<304x256xf32, #tpu.memory_space<vmem>> -> memref<8x256xf32, #tpu.memory_space<vmem>>
      %dma_wait3A_1115 = arith.constant 0 : i32
      %dma_wait3A_1116 = arith.constant 0 : i32
      %dma_wait3A_1117 = tpu.memref_slice %arg2[%dma_wait3A_1103, %dma_wait3A_1104, %dma_wait3A_1115, %dma_wait3A_1116] : memref<8x19x512x512xf32, #tpu.memory_space<hbm>> -> memref<1x1x8x256xf32, #tpu.memory_space<hbm>>
      %dma_wait3A_1118 = tpu.memref_squeeze %dma_wait3A_1117 : memref<1x1x8x256xf32, #tpu.memory_space<hbm>> -> memref<8x256xf32, #tpu.memory_space<hbm>>
      tpu.wait_dma2 semaphore(%arg12 : memref<!tpu.dma_semaphore, #tpu.memory_space<semaphore_mem>>) src(%dma_wait3A_1118 : memref<8x256xf32, #tpu.memory_space<hbm>>) dst(%dma_wait3A_1114 : memref<8x256xf32, #tpu.memory_space<vmem>>)
      %dma_wait3A_1119 = arith.constant 0 : i32
      %dma_wait3A_1120 = arith.constant 0 : i32
      %dma_wait3A_1121 = arith.constant 208 : i32
      %dma_wait3A_1122 = arith.constant 0 : i32
      %dma_wait3A_1123 = tpu.memref_slice %arg8[%dma_wait3A_1121, %dma_wait3A_1122] : memref<304x256xf32, #tpu.memory_space<vmem>> -> memref<8x256xf32, #tpu.memory_space<vmem>>
      %dma_wait3A_1124 = arith.constant 0 : i32
      %dma_wait3A_1125 = arith.constant 0 : i32
      %dma_wait3A_1126 = tpu.memref_slice %arg2[%dma_wait3A_1119, %dma_wait3A_1120, %dma_wait3A_1124, %dma_wait3A_1125] : memref<8x19x512x512xf32, #tpu.memory_space<hbm>> -> memref<1x1x8x256xf32, #tpu.memory_space<hbm>>
      %dma_wait3A_1127 = tpu.memref_squeeze %dma_wait3A_1126 : memref<1x1x8x256xf32, #tpu.memory_space<hbm>> -> memref<8x256xf32, #tpu.memory_space<hbm>>
      %dma_wait3A_1128 = arith.constant 208 : i32
      %dma_wait3A_1129 = arith.constant 0 : i32
      %dma_wait3A_1130 = tpu.memref_slice %arg8[%dma_wait3A_1128, %dma_wait3A_1129] : memref<304x256xf32, #tpu.memory_space<vmem>> -> memref<8x256xf32, #tpu.memory_space<vmem>>
      %dma_wait3A_1131 = arith.constant 0 : i32
      %dma_wait3A_1132 = arith.constant 0 : i32
      %dma_wait3A_1133 = tpu.memref_slice %arg2[%dma_wait3A_1119, %dma_wait3A_1120, %dma_wait3A_1131, %dma_wait3A_1132] : memref<8x19x512x512xf32, #tpu.memory_space<hbm>> -> memref<1x1x8x256xf32, #tpu.memory_space<hbm>>
      %dma_wait3A_1134 = tpu.memref_squeeze %dma_wait3A_1133 : memref<1x1x8x256xf32, #tpu.memory_space<hbm>> -> memref<8x256xf32, #tpu.memory_space<hbm>>
      tpu.wait_dma2 semaphore(%arg12 : memref<!tpu.dma_semaphore, #tpu.memory_space<semaphore_mem>>) src(%dma_wait3A_1134 : memref<8x256xf32, #tpu.memory_space<hbm>>) dst(%dma_wait3A_1130 : memref<8x256xf32, #tpu.memory_space<vmem>>)
      %dma_wait3A_1135 = arith.constant 0 : i32
      %dma_wait3A_1136 = arith.constant 0 : i32
      %dma_wait3A_1137 = arith.constant 216 : i32
      %dma_wait3A_1138 = arith.constant 0 : i32
      %dma_wait3A_1139 = tpu.memref_slice %arg8[%dma_wait3A_1137, %dma_wait3A_1138] : memref<304x256xf32, #tpu.memory_space<vmem>> -> memref<8x256xf32, #tpu.memory_space<vmem>>
      %dma_wait3A_1140 = arith.constant 0 : i32
      %dma_wait3A_1141 = arith.constant 0 : i32
      %dma_wait3A_1142 = tpu.memref_slice %arg2[%dma_wait3A_1135, %dma_wait3A_1136, %dma_wait3A_1140, %dma_wait3A_1141] : memref<8x19x512x512xf32, #tpu.memory_space<hbm>> -> memref<1x1x8x256xf32, #tpu.memory_space<hbm>>
      %dma_wait3A_1143 = tpu.memref_squeeze %dma_wait3A_1142 : memref<1x1x8x256xf32, #tpu.memory_space<hbm>> -> memref<8x256xf32, #tpu.memory_space<hbm>>
      %dma_wait3A_1144 = arith.constant 216 : i32
      %dma_wait3A_1145 = arith.constant 0 : i32
      %dma_wait3A_1146 = tpu.memref_slice %arg8[%dma_wait3A_1144, %dma_wait3A_1145] : memref<304x256xf32, #tpu.memory_space<vmem>> -> memref<8x256xf32, #tpu.memory_space<vmem>>
      %dma_wait3A_1147 = arith.constant 0 : i32
      %dma_wait3A_1148 = arith.constant 0 : i32
      %dma_wait3A_1149 = tpu.memref_slice %arg2[%dma_wait3A_1135, %dma_wait3A_1136, %dma_wait3A_1147, %dma_wait3A_1148] : memref<8x19x512x512xf32, #tpu.memory_space<hbm>> -> memref<1x1x8x256xf32, #tpu.memory_space<hbm>>
      %dma_wait3A_1150 = tpu.memref_squeeze %dma_wait3A_1149 : memref<1x1x8x256xf32, #tpu.memory_space<hbm>> -> memref<8x256xf32, #tpu.memory_space<hbm>>
      tpu.wait_dma2 semaphore(%arg12 : memref<!tpu.dma_semaphore, #tpu.memory_space<semaphore_mem>>) src(%dma_wait3A_1150 : memref<8x256xf32, #tpu.memory_space<hbm>>) dst(%dma_wait3A_1146 : memref<8x256xf32, #tpu.memory_space<vmem>>)
      %dma_wait3A_1151 = arith.constant 0 : i32
      %dma_wait3A_1152 = arith.constant 0 : i32
      %dma_wait3A_1153 = arith.constant 224 : i32
      %dma_wait3A_1154 = arith.constant 0 : i32
      %dma_wait3A_1155 = tpu.memref_slice %arg8[%dma_wait3A_1153, %dma_wait3A_1154] : memref<304x256xf32, #tpu.memory_space<vmem>> -> memref<8x256xf32, #tpu.memory_space<vmem>>
      %dma_wait3A_1156 = arith.constant 0 : i32
      %dma_wait3A_1157 = arith.constant 0 : i32
      %dma_wait3A_1158 = tpu.memref_slice %arg2[%dma_wait3A_1151, %dma_wait3A_1152, %dma_wait3A_1156, %dma_wait3A_1157] : memref<8x19x512x512xf32, #tpu.memory_space<hbm>> -> memref<1x1x8x256xf32, #tpu.memory_space<hbm>>
      %dma_wait3A_1159 = tpu.memref_squeeze %dma_wait3A_1158 : memref<1x1x8x256xf32, #tpu.memory_space<hbm>> -> memref<8x256xf32, #tpu.memory_space<hbm>>
      %dma_wait3A_1160 = arith.constant 224 : i32
      %dma_wait3A_1161 = arith.constant 0 : i32
      %dma_wait3A_1162 = tpu.memref_slice %arg8[%dma_wait3A_1160, %dma_wait3A_1161] : memref<304x256xf32, #tpu.memory_space<vmem>> -> memref<8x256xf32, #tpu.memory_space<vmem>>
      %dma_wait3A_1163 = arith.constant 0 : i32
      %dma_wait3A_1164 = arith.constant 0 : i32
      %dma_wait3A_1165 = tpu.memref_slice %arg2[%dma_wait3A_1151, %dma_wait3A_1152, %dma_wait3A_1163, %dma_wait3A_1164] : memref<8x19x512x512xf32, #tpu.memory_space<hbm>> -> memref<1x1x8x256xf32, #tpu.memory_space<hbm>>
      %dma_wait3A_1166 = tpu.memref_squeeze %dma_wait3A_1165 : memref<1x1x8x256xf32, #tpu.memory_space<hbm>> -> memref<8x256xf32, #tpu.memory_space<hbm>>
      tpu.wait_dma2 semaphore(%arg12 : memref<!tpu.dma_semaphore, #tpu.memory_space<semaphore_mem>>) src(%dma_wait3A_1166 : memref<8x256xf32, #tpu.memory_space<hbm>>) dst(%dma_wait3A_1162 : memref<8x256xf32, #tpu.memory_space<vmem>>)
      %dma_wait3A_1167 = arith.constant 0 : i32
      %dma_wait3A_1168 = arith.constant 0 : i32
      %dma_wait3A_1169 = arith.constant 232 : i32
      %dma_wait3A_1170 = arith.constant 0 : i32
      %dma_wait3A_1171 = tpu.memref_slice %arg8[%dma_wait3A_1169, %dma_wait3A_1170] : memref<304x256xf32, #tpu.memory_space<vmem>> -> memref<8x256xf32, #tpu.memory_space<vmem>>
      %dma_wait3A_1172 = arith.constant 0 : i32
      %dma_wait3A_1173 = arith.constant 0 : i32
      %dma_wait3A_1174 = tpu.memref_slice %arg2[%dma_wait3A_1167, %dma_wait3A_1168, %dma_wait3A_1172, %dma_wait3A_1173] : memref<8x19x512x512xf32, #tpu.memory_space<hbm>> -> memref<1x1x8x256xf32, #tpu.memory_space<hbm>>
      %dma_wait3A_1175 = tpu.memref_squeeze %dma_wait3A_1174 : memref<1x1x8x256xf32, #tpu.memory_space<hbm>> -> memref<8x256xf32, #tpu.memory_space<hbm>>
      %dma_wait3A_1176 = arith.constant 232 : i32
      %dma_wait3A_1177 = arith.constant 0 : i32
      %dma_wait3A_1178 = tpu.memref_slice %arg8[%dma_wait3A_1176, %dma_wait3A_1177] : memref<304x256xf32, #tpu.memory_space<vmem>> -> memref<8x256xf32, #tpu.memory_space<vmem>>
      %dma_wait3A_1179 = arith.constant 0 : i32
      %dma_wait3A_1180 = arith.constant 0 : i32
      %dma_wait3A_1181 = tpu.memref_slice %arg2[%dma_wait3A_1167, %dma_wait3A_1168, %dma_wait3A_1179, %dma_wait3A_1180] : memref<8x19x512x512xf32, #tpu.memory_space<hbm>> -> memref<1x1x8x256xf32, #tpu.memory_space<hbm>>
      %dma_wait3A_1182 = tpu.memref_squeeze %dma_wait3A_1181 : memref<1x1x8x256xf32, #tpu.memory_space<hbm>> -> memref<8x256xf32, #tpu.memory_space<hbm>>
      tpu.wait_dma2 semaphore(%arg12 : memref<!tpu.dma_semaphore, #tpu.memory_space<semaphore_mem>>) src(%dma_wait3A_1182 : memref<8x256xf32, #tpu.memory_space<hbm>>) dst(%dma_wait3A_1178 : memref<8x256xf32, #tpu.memory_space<vmem>>)
      %dma_wait3A_1183 = arith.constant 0 : i32
      %dma_wait3A_1184 = arith.constant 0 : i32
      %dma_wait3A_1185 = arith.constant 240 : i32
      %dma_wait3A_1186 = arith.constant 0 : i32
      %dma_wait3A_1187 = tpu.memref_slice %arg8[%dma_wait3A_1185, %dma_wait3A_1186] : memref<304x256xf32, #tpu.memory_space<vmem>> -> memref<8x256xf32, #tpu.memory_space<vmem>>
      %dma_wait3A_1188 = arith.constant 0 : i32
      %dma_wait3A_1189 = arith.constant 0 : i32
      %dma_wait3A_1190 = tpu.memref_slice %arg2[%dma_wait3A_1183, %dma_wait3A_1184, %dma_wait3A_1188, %dma_wait3A_1189] : memref<8x19x512x512xf32, #tpu.memory_space<hbm>> -> memref<1x1x8x256xf32, #tpu.memory_space<hbm>>
      %dma_wait3A_1191 = tpu.memref_squeeze %dma_wait3A_1190 : memref<1x1x8x256xf32, #tpu.memory_space<hbm>> -> memref<8x256xf32, #tpu.memory_space<hbm>>
      %dma_wait3A_1192 = arith.constant 240 : i32
      %dma_wait3A_1193 = arith.constant 0 : i32
      %dma_wait3A_1194 = tpu.memref_slice %arg8[%dma_wait3A_1192, %dma_wait3A_1193] : memref<304x256xf32, #tpu.memory_space<vmem>> -> memref<8x256xf32, #tpu.memory_space<vmem>>
      %dma_wait3A_1195 = arith.constant 0 : i32
      %dma_wait3A_1196 = arith.constant 0 : i32
      %dma_wait3A_1197 = tpu.memref_slice %arg2[%dma_wait3A_1183, %dma_wait3A_1184, %dma_wait3A_1195, %dma_wait3A_1196] : memref<8x19x512x512xf32, #tpu.memory_space<hbm>> -> memref<1x1x8x256xf32, #tpu.memory_space<hbm>>
      %dma_wait3A_1198 = tpu.memref_squeeze %dma_wait3A_1197 : memref<1x1x8x256xf32, #tpu.memory_space<hbm>> -> memref<8x256xf32, #tpu.memory_space<hbm>>
      tpu.wait_dma2 semaphore(%arg12 : memref<!tpu.dma_semaphore, #tpu.memory_space<semaphore_mem>>) src(%dma_wait3A_1198 : memref<8x256xf32, #tpu.memory_space<hbm>>) dst(%dma_wait3A_1194 : memref<8x256xf32, #tpu.memory_space<vmem>>)
      %dma_wait3A_1199 = arith.constant 0 : i32
      %dma_wait3A_1200 = arith.constant 0 : i32
      %dma_wait3A_1201 = arith.constant 248 : i32
      %dma_wait3A_1202 = arith.constant 0 : i32
      %dma_wait3A_1203 = tpu.memref_slice %arg8[%dma_wait3A_1201, %dma_wait3A_1202] : memref<304x256xf32, #tpu.memory_space<vmem>> -> memref<8x256xf32, #tpu.memory_space<vmem>>
      %dma_wait3A_1204 = arith.constant 0 : i32
      %dma_wait3A_1205 = arith.constant 0 : i32
      %dma_wait3A_1206 = tpu.memref_slice %arg2[%dma_wait3A_1199, %dma_wait3A_1200, %dma_wait3A_1204, %dma_wait3A_1205] : memref<8x19x512x512xf32, #tpu.memory_space<hbm>> -> memref<1x1x8x256xf32, #tpu.memory_space<hbm>>
      %dma_wait3A_1207 = tpu.memref_squeeze %dma_wait3A_1206 : memref<1x1x8x256xf32, #tpu.memory_space<hbm>> -> memref<8x256xf32, #tpu.memory_space<hbm>>
      %dma_wait3A_1208 = arith.constant 248 : i32
      %dma_wait3A_1209 = arith.constant 0 : i32
      %dma_wait3A_1210 = tpu.memref_slice %arg8[%dma_wait3A_1208, %dma_wait3A_1209] : memref<304x256xf32, #tpu.memory_space<vmem>> -> memref<8x256xf32, #tpu.memory_space<vmem>>
      %dma_wait3A_1211 = arith.constant 0 : i32
      %dma_wait3A_1212 = arith.constant 0 : i32
      %dma_wait3A_1213 = tpu.memref_slice %arg2[%dma_wait3A_1199, %dma_wait3A_1200, %dma_wait3A_1211, %dma_wait3A_1212] : memref<8x19x512x512xf32, #tpu.memory_space<hbm>> -> memref<1x1x8x256xf32, #tpu.memory_space<hbm>>
      %dma_wait3A_1214 = tpu.memref_squeeze %dma_wait3A_1213 : memref<1x1x8x256xf32, #tpu.memory_space<hbm>> -> memref<8x256xf32, #tpu.memory_space<hbm>>
      tpu.wait_dma2 semaphore(%arg12 : memref<!tpu.dma_semaphore, #tpu.memory_space<semaphore_mem>>) src(%dma_wait3A_1214 : memref<8x256xf32, #tpu.memory_space<hbm>>) dst(%dma_wait3A_1210 : memref<8x256xf32, #tpu.memory_space<vmem>>)
      %dma_wait3A_1215 = arith.constant 0 : i32
      %dma_wait3A_1216 = arith.constant 0 : i32
      %dma_wait3A_1217 = arith.constant 256 : i32
      %dma_wait3A_1218 = arith.constant 0 : i32
      %dma_wait3A_1219 = tpu.memref_slice %arg8[%dma_wait3A_1217, %dma_wait3A_1218] : memref<304x256xf32, #tpu.memory_space<vmem>> -> memref<8x256xf32, #tpu.memory_space<vmem>>
      %dma_wait3A_1220 = arith.constant 0 : i32
      %dma_wait3A_1221 = arith.constant 0 : i32
      %dma_wait3A_1222 = tpu.memref_slice %arg2[%dma_wait3A_1215, %dma_wait3A_1216, %dma_wait3A_1220, %dma_wait3A_1221] : memref<8x19x512x512xf32, #tpu.memory_space<hbm>> -> memref<1x1x8x256xf32, #tpu.memory_space<hbm>>
      %dma_wait3A_1223 = tpu.memref_squeeze %dma_wait3A_1222 : memref<1x1x8x256xf32, #tpu.memory_space<hbm>> -> memref<8x256xf32, #tpu.memory_space<hbm>>
      %dma_wait3A_1224 = arith.constant 256 : i32
      %dma_wait3A_1225 = arith.constant 0 : i32
      %dma_wait3A_1226 = tpu.memref_slice %arg8[%dma_wait3A_1224, %dma_wait3A_1225] : memref<304x256xf32, #tpu.memory_space<vmem>> -> memref<8x256xf32, #tpu.memory_space<vmem>>
      %dma_wait3A_1227 = arith.constant 0 : i32
      %dma_wait3A_1228 = arith.constant 0 : i32
      %dma_wait3A_1229 = tpu.memref_slice %arg2[%dma_wait3A_1215, %dma_wait3A_1216, %dma_wait3A_1227, %dma_wait3A_1228] : memref<8x19x512x512xf32, #tpu.memory_space<hbm>> -> memref<1x1x8x256xf32, #tpu.memory_space<hbm>>
      %dma_wait3A_1230 = tpu.memref_squeeze %dma_wait3A_1229 : memref<1x1x8x256xf32, #tpu.memory_space<hbm>> -> memref<8x256xf32, #tpu.memory_space<hbm>>
      tpu.wait_dma2 semaphore(%arg12 : memref<!tpu.dma_semaphore, #tpu.memory_space<semaphore_mem>>) src(%dma_wait3A_1230 : memref<8x256xf32, #tpu.memory_space<hbm>>) dst(%dma_wait3A_1226 : memref<8x256xf32, #tpu.memory_space<vmem>>)
      %dma_wait3A_1231 = arith.constant 0 : i32
      %dma_wait3A_1232 = arith.constant 0 : i32
      %dma_wait3A_1233 = arith.constant 264 : i32
      %dma_wait3A_1234 = arith.constant 0 : i32
      %dma_wait3A_1235 = tpu.memref_slice %arg8[%dma_wait3A_1233, %dma_wait3A_1234] : memref<304x256xf32, #tpu.memory_space<vmem>> -> memref<8x256xf32, #tpu.memory_space<vmem>>
      %dma_wait3A_1236 = arith.constant 0 : i32
      %dma_wait3A_1237 = arith.constant 0 : i32
      %dma_wait3A_1238 = tpu.memref_slice %arg2[%dma_wait3A_1231, %dma_wait3A_1232, %dma_wait3A_1236, %dma_wait3A_1237] : memref<8x19x512x512xf32, #tpu.memory_space<hbm>> -> memref<1x1x8x256xf32, #tpu.memory_space<hbm>>
      %dma_wait3A_1239 = tpu.memref_squeeze %dma_wait3A_1238 : memref<1x1x8x256xf32, #tpu.memory_space<hbm>> -> memref<8x256xf32, #tpu.memory_space<hbm>>
      %dma_wait3A_1240 = arith.constant 264 : i32
      %dma_wait3A_1241 = arith.constant 0 : i32
      %dma_wait3A_1242 = tpu.memref_slice %arg8[%dma_wait3A_1240, %dma_wait3A_1241] : memref<304x256xf32, #tpu.memory_space<vmem>> -> memref<8x256xf32, #tpu.memory_space<vmem>>
      %dma_wait3A_1243 = arith.constant 0 : i32
      %dma_wait3A_1244 = arith.constant 0 : i32
      %dma_wait3A_1245 = tpu.memref_slice %arg2[%dma_wait3A_1231, %dma_wait3A_1232, %dma_wait3A_1243, %dma_wait3A_1244] : memref<8x19x512x512xf32, #tpu.memory_space<hbm>> -> memref<1x1x8x256xf32, #tpu.memory_space<hbm>>
      %dma_wait3A_1246 = tpu.memref_squeeze %dma_wait3A_1245 : memref<1x1x8x256xf32, #tpu.memory_space<hbm>> -> memref<8x256xf32, #tpu.memory_space<hbm>>
      tpu.wait_dma2 semaphore(%arg12 : memref<!tpu.dma_semaphore, #tpu.memory_space<semaphore_mem>>) src(%dma_wait3A_1246 : memref<8x256xf32, #tpu.memory_space<hbm>>) dst(%dma_wait3A_1242 : memref<8x256xf32, #tpu.memory_space<vmem>>)
      %dma_wait3A_1247 = arith.constant 0 : i32
      %dma_wait3A_1248 = arith.constant 0 : i32
      %dma_wait3A_1249 = arith.constant 272 : i32
      %dma_wait3A_1250 = arith.constant 0 : i32
      %dma_wait3A_1251 = tpu.memref_slice %arg8[%dma_wait3A_1249, %dma_wait3A_1250] : memref<304x256xf32, #tpu.memory_space<vmem>> -> memref<8x256xf32, #tpu.memory_space<vmem>>
      %dma_wait3A_1252 = arith.constant 0 : i32
      %dma_wait3A_1253 = arith.constant 0 : i32
      %dma_wait3A_1254 = tpu.memref_slice %arg2[%dma_wait3A_1247, %dma_wait3A_1248, %dma_wait3A_1252, %dma_wait3A_1253] : memref<8x19x512x512xf32, #tpu.memory_space<hbm>> -> memref<1x1x8x256xf32, #tpu.memory_space<hbm>>
      %dma_wait3A_1255 = tpu.memref_squeeze %dma_wait3A_1254 : memref<1x1x8x256xf32, #tpu.memory_space<hbm>> -> memref<8x256xf32, #tpu.memory_space<hbm>>
      %dma_wait3A_1256 = arith.constant 272 : i32
      %dma_wait3A_1257 = arith.constant 0 : i32
      %dma_wait3A_1258 = tpu.memref_slice %arg8[%dma_wait3A_1256, %dma_wait3A_1257] : memref<304x256xf32, #tpu.memory_space<vmem>> -> memref<8x256xf32, #tpu.memory_space<vmem>>
      %dma_wait3A_1259 = arith.constant 0 : i32
      %dma_wait3A_1260 = arith.constant 0 : i32
      %dma_wait3A_1261 = tpu.memref_slice %arg2[%dma_wait3A_1247, %dma_wait3A_1248, %dma_wait3A_1259, %dma_wait3A_1260] : memref<8x19x512x512xf32, #tpu.memory_space<hbm>> -> memref<1x1x8x256xf32, #tpu.memory_space<hbm>>
      %dma_wait3A_1262 = tpu.memref_squeeze %dma_wait3A_1261 : memref<1x1x8x256xf32, #tpu.memory_space<hbm>> -> memref<8x256xf32, #tpu.memory_space<hbm>>
      tpu.wait_dma2 semaphore(%arg12 : memref<!tpu.dma_semaphore, #tpu.memory_space<semaphore_mem>>) src(%dma_wait3A_1262 : memref<8x256xf32, #tpu.memory_space<hbm>>) dst(%dma_wait3A_1258 : memref<8x256xf32, #tpu.memory_space<vmem>>)
      %dma_wait3A_1263 = arith.constant 0 : i32
      %dma_wait3A_1264 = arith.constant 0 : i32
      %dma_wait3A_1265 = arith.constant 280 : i32
      %dma_wait3A_1266 = arith.constant 0 : i32
      %dma_wait3A_1267 = tpu.memref_slice %arg8[%dma_wait3A_1265, %dma_wait3A_1266] : memref<304x256xf32, #tpu.memory_space<vmem>> -> memref<8x256xf32, #tpu.memory_space<vmem>>
      %dma_wait3A_1268 = arith.constant 0 : i32
      %dma_wait3A_1269 = arith.constant 0 : i32
      %dma_wait3A_1270 = tpu.memref_slice %arg2[%dma_wait3A_1263, %dma_wait3A_1264, %dma_wait3A_1268, %dma_wait3A_1269] : memref<8x19x512x512xf32, #tpu.memory_space<hbm>> -> memref<1x1x8x256xf32, #tpu.memory_space<hbm>>
      %dma_wait3A_1271 = tpu.memref_squeeze %dma_wait3A_1270 : memref<1x1x8x256xf32, #tpu.memory_space<hbm>> -> memref<8x256xf32, #tpu.memory_space<hbm>>
      %dma_wait3A_1272 = arith.constant 280 : i32
      %dma_wait3A_1273 = arith.constant 0 : i32
      %dma_wait3A_1274 = tpu.memref_slice %arg8[%dma_wait3A_1272, %dma_wait3A_1273] : memref<304x256xf32, #tpu.memory_space<vmem>> -> memref<8x256xf32, #tpu.memory_space<vmem>>
      %dma_wait3A_1275 = arith.constant 0 : i32
      %dma_wait3A_1276 = arith.constant 0 : i32
      %dma_wait3A_1277 = tpu.memref_slice %arg2[%dma_wait3A_1263, %dma_wait3A_1264, %dma_wait3A_1275, %dma_wait3A_1276] : memref<8x19x512x512xf32, #tpu.memory_space<hbm>> -> memref<1x1x8x256xf32, #tpu.memory_space<hbm>>
      %dma_wait3A_1278 = tpu.memref_squeeze %dma_wait3A_1277 : memref<1x1x8x256xf32, #tpu.memory_space<hbm>> -> memref<8x256xf32, #tpu.memory_space<hbm>>
      tpu.wait_dma2 semaphore(%arg12 : memref<!tpu.dma_semaphore, #tpu.memory_space<semaphore_mem>>) src(%dma_wait3A_1278 : memref<8x256xf32, #tpu.memory_space<hbm>>) dst(%dma_wait3A_1274 : memref<8x256xf32, #tpu.memory_space<vmem>>)
      %dma_wait3A_1279 = arith.constant 0 : i32
      %dma_wait3A_1280 = arith.constant 0 : i32
      %dma_wait3A_1281 = arith.constant 288 : i32
      %dma_wait3A_1282 = arith.constant 0 : i32
      %dma_wait3A_1283 = tpu.memref_slice %arg8[%dma_wait3A_1281, %dma_wait3A_1282] : memref<304x256xf32, #tpu.memory_space<vmem>> -> memref<8x256xf32, #tpu.memory_space<vmem>>
      %dma_wait3A_1284 = arith.constant 0 : i32
      %dma_wait3A_1285 = arith.constant 0 : i32
      %dma_wait3A_1286 = tpu.memref_slice %arg2[%dma_wait3A_1279, %dma_wait3A_1280, %dma_wait3A_1284, %dma_wait3A_1285] : memref<8x19x512x512xf32, #tpu.memory_space<hbm>> -> memref<1x1x8x256xf32, #tpu.memory_space<hbm>>
      %dma_wait3A_1287 = tpu.memref_squeeze %dma_wait3A_1286 : memref<1x1x8x256xf32, #tpu.memory_space<hbm>> -> memref<8x256xf32, #tpu.memory_space<hbm>>
      %dma_wait3A_1288 = arith.constant 288 : i32
      %dma_wait3A_1289 = arith.constant 0 : i32
      %dma_wait3A_1290 = tpu.memref_slice %arg8[%dma_wait3A_1288, %dma_wait3A_1289] : memref<304x256xf32, #tpu.memory_space<vmem>> -> memref<8x256xf32, #tpu.memory_space<vmem>>
      %dma_wait3A_1291 = arith.constant 0 : i32
      %dma_wait3A_1292 = arith.constant 0 : i32
      %dma_wait3A_1293 = tpu.memref_slice %arg2[%dma_wait3A_1279, %dma_wait3A_1280, %dma_wait3A_1291, %dma_wait3A_1292] : memref<8x19x512x512xf32, #tpu.memory_space<hbm>> -> memref<1x1x8x256xf32, #tpu.memory_space<hbm>>
      %dma_wait3A_1294 = tpu.memref_squeeze %dma_wait3A_1293 : memref<1x1x8x256xf32, #tpu.memory_space<hbm>> -> memref<8x256xf32, #tpu.memory_space<hbm>>
      tpu.wait_dma2 semaphore(%arg12 : memref<!tpu.dma_semaphore, #tpu.memory_space<semaphore_mem>>) src(%dma_wait3A_1294 : memref<8x256xf32, #tpu.memory_space<hbm>>) dst(%dma_wait3A_1290 : memref<8x256xf32, #tpu.memory_space<vmem>>)
      %dma_wait3A_1295 = arith.constant 0 : i32
      %dma_wait3A_1296 = arith.constant 0 : i32
      %dma_wait3A_1297 = arith.constant 296 : i32
      %dma_wait3A_1298 = arith.constant 0 : i32
      %dma_wait3A_1299 = tpu.memref_slice %arg8[%dma_wait3A_1297, %dma_wait3A_1298] : memref<304x256xf32, #tpu.memory_space<vmem>> -> memref<8x256xf32, #tpu.memory_space<vmem>>
      %dma_wait3A_1300 = arith.constant 0 : i32
      %dma_wait3A_1301 = arith.constant 0 : i32
      %dma_wait3A_1302 = tpu.memref_slice %arg2[%dma_wait3A_1295, %dma_wait3A_1296, %dma_wait3A_1300, %dma_wait3A_1301] : memref<8x19x512x512xf32, #tpu.memory_space<hbm>> -> memref<1x1x8x256xf32, #tpu.memory_space<hbm>>
      %dma_wait3A_1303 = tpu.memref_squeeze %dma_wait3A_1302 : memref<1x1x8x256xf32, #tpu.memory_space<hbm>> -> memref<8x256xf32, #tpu.memory_space<hbm>>
      %dma_wait3A_1304 = arith.constant 296 : i32
      %dma_wait3A_1305 = arith.constant 0 : i32
      %dma_wait3A_1306 = tpu.memref_slice %arg8[%dma_wait3A_1304, %dma_wait3A_1305] : memref<304x256xf32, #tpu.memory_space<vmem>> -> memref<8x256xf32, #tpu.memory_space<vmem>>
      %dma_wait3A_1307 = arith.constant 0 : i32
      %dma_wait3A_1308 = arith.constant 0 : i32
      %dma_wait3A_1309 = tpu.memref_slice %arg2[%dma_wait3A_1295, %dma_wait3A_1296, %dma_wait3A_1307, %dma_wait3A_1308] : memref<8x19x512x512xf32, #tpu.memory_space<hbm>> -> memref<1x1x8x256xf32, #tpu.memory_space<hbm>>
      %dma_wait3A_1310 = tpu.memref_squeeze %dma_wait3A_1309 : memref<1x1x8x256xf32, #tpu.memory_space<hbm>> -> memref<8x256xf32, #tpu.memory_space<hbm>>
      tpu.wait_dma2 semaphore(%arg12 : memref<!tpu.dma_semaphore, #tpu.memory_space<semaphore_mem>>) src(%dma_wait3A_1310 : memref<8x256xf32, #tpu.memory_space<hbm>>) dst(%dma_wait3A_1306 : memref<8x256xf32, #tpu.memory_space<vmem>>)
      %dma_wait3A_1311 = arith.constant 0 : i32
      %dma_wait3A_1312 = arith.constant 8 : i32
      %dma_wait3A_1313 = arith.constant 0 : i32
      %dma_wait3A_1314 = tpu.memref_slice %arg9[%dma_wait3A_1312, %dma_wait3A_1313] : memref<16x256xi32, #tpu.memory_space<vmem>> -> memref<8x256xi32, #tpu.memory_space<vmem>>
      %dma_wait3A_1315 = arith.constant 0 : i32
      %dma_wait3A_1316 = arith.constant 0 : i32
      %dma_wait3A_1317 = tpu.memref_slice %arg3[%dma_wait3A_1311, %dma_wait3A_1315, %dma_wait3A_1316] : memref<8x512x512xi32, #tpu.memory_space<hbm>> -> memref<1x8x256xi32, #tpu.memory_space<hbm>>
      %dma_wait3A_1318 = tpu.memref_squeeze %dma_wait3A_1317 : memref<1x8x256xi32, #tpu.memory_space<hbm>> -> memref<8x256xi32, #tpu.memory_space<hbm>>
      %dma_wait3A_1319 = arith.constant 8 : i32
      %dma_wait3A_1320 = arith.constant 0 : i32
      %dma_wait3A_1321 = tpu.memref_slice %arg9[%dma_wait3A_1319, %dma_wait3A_1320] : memref<16x256xi32, #tpu.memory_space<vmem>> -> memref<8x256xi32, #tpu.memory_space<vmem>>
      %dma_wait3A_1322 = arith.constant 0 : i32
      %dma_wait3A_1323 = arith.constant 0 : i32
      %dma_wait3A_1324 = tpu.memref_slice %arg3[%dma_wait3A_1311, %dma_wait3A_1322, %dma_wait3A_1323] : memref<8x512x512xi32, #tpu.memory_space<hbm>> -> memref<1x8x256xi32, #tpu.memory_space<hbm>>
      %dma_wait3A_1325 = tpu.memref_squeeze %dma_wait3A_1324 : memref<1x8x256xi32, #tpu.memory_space<hbm>> -> memref<8x256xi32, #tpu.memory_space<hbm>>
      tpu.wait_dma2 semaphore(%arg12 : memref<!tpu.dma_semaphore, #tpu.memory_space<semaphore_mem>>) src(%dma_wait3A_1325 : memref<8x256xi32, #tpu.memory_space<hbm>>) dst(%dma_wait3A_1321 : memref<8x256xi32, #tpu.memory_space<vmem>>)
      %ge3A_1326 = arith.constant 2 : i32
      %ge3A_1327 = arith.cmpi sge, %add3A_1006, %ge3A_1326 : i32
      %convert_element_type3A_1328 = arith.extui %ge3A_1327 : i1 to i32
      %cond3A_1329 = arith.constant 0 : i32
      %cond3A_1330 = arith.cmpi ne, %convert_element_type3A_1328, %cond3A_1329 : i32
      scf.if %cond3A_1330 {
        %dma_wait3A_1399 = arith.constant 0 : i32
        %dma_wait3A_1400 = arith.constant 8 : i32
        %dma_wait3A_1401 = arith.constant 0 : i32
        %dma_wait3A_1402 = tpu.memref_slice %arg10[%dma_wait3A_1400, %dma_wait3A_1401] : memref<16x256xf32, #tpu.memory_space<vmem>> -> memref<8x256xf32, #tpu.memory_space<vmem>>
        %dma_wait3A_1403 = arith.constant 0 : i32
        %dma_wait3A_1404 = arith.constant 0 : i32
        %dma_wait3A_1405 = tpu.memref_slice %arg4[%dma_wait3A_1399, %dma_wait3A_1403, %dma_wait3A_1404] : memref<2x512x512xf32, #tpu.memory_space<hbm>> -> memref<1x8x256xf32, #tpu.memory_space<hbm>>
        %dma_wait3A_1406 = tpu.memref_squeeze %dma_wait3A_1405 : memref<1x8x256xf32, #tpu.memory_space<hbm>> -> memref<8x256xf32, #tpu.memory_space<hbm>>
        %dma_wait3A_1407 = arith.constant 0 : i32
        %dma_wait3A_1408 = arith.constant 0 : i32
        %dma_wait3A_1409 = tpu.memref_slice %arg4[%dma_wait3A_1399, %dma_wait3A_1407, %dma_wait3A_1408] : memref<2x512x512xf32, #tpu.memory_space<hbm>> -> memref<1x8x256xf32, #tpu.memory_space<hbm>>
        %dma_wait3A_1410 = tpu.memref_squeeze %dma_wait3A_1409 : memref<1x8x256xf32, #tpu.memory_space<hbm>> -> memref<8x256xf32, #tpu.memory_space<hbm>>
        %dma_wait3A_1411 = arith.constant 8 : i32
        %dma_wait3A_1412 = arith.constant 0 : i32
        %dma_wait3A_1413 = tpu.memref_slice %arg10[%dma_wait3A_1411, %dma_wait3A_1412] : memref<16x256xf32, #tpu.memory_space<vmem>> -> memref<8x256xf32, #tpu.memory_space<vmem>>
        tpu.wait_dma2 semaphore(%arg13 : memref<!tpu.dma_semaphore, #tpu.memory_space<semaphore_mem>>) src(%dma_wait3A_1413 : memref<8x256xf32, #tpu.memory_space<vmem>>) dst(%dma_wait3A_1410 : memref<8x256xf32, #tpu.memory_space<hbm>>)
      } else {
      }
      %scan3A_1331 = arith.constant 0 : i32
      %scan3A_1332 = arith.constant 64 : i32
      %scan3A_1333 = arith.addi %scan3A_1331, %scan3A_1332 : i32
      %scan3A_1334 = arith.constant 1 : i32
      %scan3A_1335:3 = scf.for %scan3A_1399 = %scan3A_1331 to %scan3A_1333 step %scan3A_1334 iter_args(%scan3A_1400 = %scan3A_939#0, %scan3A_1401 = %scan3A_939#1, %scan3A_1402 = %scan3A_939#2) -> (vector<16xf32>, vector<16xf32>, vector<16xf32>)  : i32 {
        %shift_right_arithmetic3A = arith.constant 3 : i32
        %shift_right_arithmetic3A_1403 = arith.shrsi %scan3A_1399, %shift_right_arithmetic3A : i32
        %and3A_1404 = arith.constant 7 : i32
        %and3A_1405 = arith.andi %scan3A_1399, %and3A_1404 : i32
        %mul3A_1406 = arith.constant 32 : i32
        %mul3A_1407 = arith.muli %and3A_1405, %mul3A_1406 : i32
        %multiple_of3A = tpu.assume_multiple %mul3A_1407, 16 : i32
        %add3A_1408 = arith.constant 8 : i32
        %add3A_1409 = arith.addi %add3A_1408, %shift_right_arithmetic3A_1403 : i32
        %get3A = arith.index_cast %add3A_1409 : i32 to index
        %get3A_1410 = arith.index_cast %multiple_of3A : i32 to index
        %get3A_1411 = tpu.vector_load %arg9[%get3A, %get3A_1410] {strides = array<i32>} : memref<16x256xi32, #tpu.memory_space<vmem>>, vector<1x16xi32>,
        %get3A_1412 = vector.shape_cast %get3A_1411 : vector<1x16xi32> to vector<16xi32>
        %ne3A_1413 = arith.constant 255 : i32
        %ne3A_1414 = vector.broadcast %ne3A_1413 : i32 to vector<16xi32>
        %ne3A_1415 = arith.cmpi ne, %get3A_1412, %ne3A_1414 : vector<16xi32>
        %max3A = arith.constant 0 : i32
        %max3A_1416 = vector.broadcast %max3A : i32 to vector<16xi32>
        %max3A_1417 = arith.maxsi %get3A_1412, %max3A_1416 : vector<16xi32>
        %min3A = arith.constant 18 : i32
        %min3A_1418 = vector.broadcast %min3A : i32 to vector<16xi32>
        %min3A_1419 = arith.minsi %max3A_1417, %min3A_1418 : vector<16xi32>
        %add3A_1420 = arith.constant 152 : i32
        %add3A_1421 = arith.addi %add3A_1420, %shift_right_arithmetic3A_1403 : i32
        %get3A_1422 = arith.index_cast %add3A_1421 : i32 to index
        %get3A_1423 = arith.index_cast %multiple_of3A : i32 to index
        %get3A_1424 = tpu.vector_load %arg8[%get3A_1422, %get3A_1423] {strides = array<i32>} : memref<304x256xf32, #tpu.memory_space<vmem>>, vector<1x16xf32>,
        %get3A_1425 = vector.shape_cast %get3A_1424 : vector<1x16xf32> to vector<16xf32>
        %add3A_1426 = arith.constant 160 : i32
        %add3A_1427 = arith.addi %add3A_1426, %shift_right_arithmetic3A_1403 : i32
        %get3A_1428 = arith.index_cast %add3A_1427 : i32 to index
        %get3A_1429 = arith.index_cast %multiple_of3A : i32 to index
        %get3A_1430 = tpu.vector_load %arg8[%get3A_1428, %get3A_1429] {strides = array<i32>} : memref<304x256xf32, #tpu.memory_space<vmem>>, vector<1x16xf32>,
        %get3A_1431 = vector.shape_cast %get3A_1430 : vector<1x16xf32> to vector<16xf32>
        %max3A_1432 = arith.maximumf %get3A_1425, %get3A_1431 : vector<16xf32>
        %eq3A_1433 = arith.constant 1 : i32
        %eq3A_1434 = vector.broadcast %eq3A_1433 : i32 to vector<16xi32>
        %eq3A_1435 = arith.cmpi eq, %min3A_1419, %eq3A_1434 : vector<16xi32>
        %select_n3A_1436 = arith.select %eq3A_1435, %get3A_1431, %get3A_1425 : vector<16xi1>, vector<16xf32>
        %add3A_1437 = arith.constant 168 : i32
        %add3A_1438 = arith.addi %add3A_1437, %shift_right_arithmetic3A_1403 : i32
        %get3A_1439 = arith.index_cast %add3A_1438 : i32 to index
        %get3A_1440 = arith.index_cast %multiple_of3A : i32 to index
        %get3A_1441 = tpu.vector_load %arg8[%get3A_1439, %get3A_1440] {strides = array<i32>} : memref<304x256xf32, #tpu.memory_space<vmem>>, vector<1x16xf32>,
        %get3A_1442 = vector.shape_cast %get3A_1441 : vector<1x16xf32> to vector<16xf32>
        %max3A_1443 = arith.maximumf %max3A_1432, %get3A_1442 : vector<16xf32>
        %eq3A_1444 = arith.constant 2 : i32
        %eq3A_1445 = vector.broadcast %eq3A_1444 : i32 to vector<16xi32>
        %eq3A_1446 = arith.cmpi eq, %min3A_1419, %eq3A_1445 : vector<16xi32>
        %select_n3A_1447 = arith.select %eq3A_1446, %get3A_1442, %select_n3A_1436 : vector<16xi1>, vector<16xf32>
        %add3A_1448 = arith.constant 176 : i32
        %add3A_1449 = arith.addi %add3A_1448, %shift_right_arithmetic3A_1403 : i32
        %get3A_1450 = arith.index_cast %add3A_1449 : i32 to index
        %get3A_1451 = arith.index_cast %multiple_of3A : i32 to index
        %get3A_1452 = tpu.vector_load %arg8[%get3A_1450, %get3A_1451] {strides = array<i32>} : memref<304x256xf32, #tpu.memory_space<vmem>>, vector<1x16xf32>,
        %get3A_1453 = vector.shape_cast %get3A_1452 : vector<1x16xf32> to vector<16xf32>
        %max3A_1454 = arith.maximumf %max3A_1443, %get3A_1453 : vector<16xf32>
        %eq3A_1455 = arith.constant 3 : i32
        %eq3A_1456 = vector.broadcast %eq3A_1455 : i32 to vector<16xi32>
        %eq3A_1457 = arith.cmpi eq, %min3A_1419, %eq3A_1456 : vector<16xi32>
        %select_n3A_1458 = arith.select %eq3A_1457, %get3A_1453, %select_n3A_1447 : vector<16xi1>, vector<16xf32>
        %add3A_1459 = arith.constant 184 : i32
        %add3A_1460 = arith.addi %add3A_1459, %shift_right_arithmetic3A_1403 : i32
        %get3A_1461 = arith.index_cast %add3A_1460 : i32 to index
        %get3A_1462 = arith.index_cast %multiple_of3A : i32 to index
        %get3A_1463 = tpu.vector_load %arg8[%get3A_1461, %get3A_1462] {strides = array<i32>} : memref<304x256xf32, #tpu.memory_space<vmem>>, vector<1x16xf32>,
        %get3A_1464 = vector.shape_cast %get3A_1463 : vector<1x16xf32> to vector<16xf32>
        %max3A_1465 = arith.maximumf %max3A_1454, %get3A_1464 : vector<16xf32>
        %eq3A_1466 = arith.constant 4 : i32
        %eq3A_1467 = vector.broadcast %eq3A_1466 : i32 to vector<16xi32>
        %eq3A_1468 = arith.cmpi eq, %min3A_1419, %eq3A_1467 : vector<16xi32>
        %select_n3A_1469 = arith.select %eq3A_1468, %get3A_1464, %select_n3A_1458 : vector<16xi1>, vector<16xf32>
        %add3A_1470 = arith.constant 192 : i32
        %add3A_1471 = arith.addi %add3A_1470, %shift_right_arithmetic3A_1403 : i32
        %get3A_1472 = arith.index_cast %add3A_1471 : i32 to index
        %get3A_1473 = arith.index_cast %multiple_of3A : i32 to index
        %get3A_1474 = tpu.vector_load %arg8[%get3A_1472, %get3A_1473] {strides = array<i32>} : memref<304x256xf32, #tpu.memory_space<vmem>>, vector<1x16xf32>,
        %get3A_1475 = vector.shape_cast %get3A_1474 : vector<1x16xf32> to vector<16xf32>
        %max3A_1476 = arith.maximumf %max3A_1465, %get3A_1475 : vector<16xf32>
        %eq3A_1477 = arith.constant 5 : i32
        %eq3A_1478 = vector.broadcast %eq3A_1477 : i32 to vector<16xi32>
        %eq3A_1479 = arith.cmpi eq, %min3A_1419, %eq3A_1478 : vector<16xi32>
        %select_n3A_1480 = arith.select %eq3A_1479, %get3A_1475, %select_n3A_1469 : vector<16xi1>, vector<16xf32>
        %add3A_1481 = arith.constant 200 : i32
        %add3A_1482 = arith.addi %add3A_1481, %shift_right_arithmetic3A_1403 : i32
        %get3A_1483 = arith.index_cast %add3A_1482 : i32 to index
        %get3A_1484 = arith.index_cast %multiple_of3A : i32 to index
        %get3A_1485 = tpu.vector_load %arg8[%get3A_1483, %get3A_1484] {strides = array<i32>} : memref<304x256xf32, #tpu.memory_space<vmem>>, vector<1x16xf32>,
        %get3A_1486 = vector.shape_cast %get3A_1485 : vector<1x16xf32> to vector<16xf32>
        %max3A_1487 = arith.maximumf %max3A_1476, %get3A_1486 : vector<16xf32>
        %eq3A_1488 = arith.constant 6 : i32
        %eq3A_1489 = vector.broadcast %eq3A_1488 : i32 to vector<16xi32>
        %eq3A_1490 = arith.cmpi eq, %min3A_1419, %eq3A_1489 : vector<16xi32>
        %select_n3A_1491 = arith.select %eq3A_1490, %get3A_1486, %select_n3A_1480 : vector<16xi1>, vector<16xf32>
        %add3A_1492 = arith.constant 208 : i32
        %add3A_1493 = arith.addi %add3A_1492, %shift_right_arithmetic3A_1403 : i32
        %get3A_1494 = arith.index_cast %add3A_1493 : i32 to index
        %get3A_1495 = arith.index_cast %multiple_of3A : i32 to index
        %get3A_1496 = tpu.vector_load %arg8[%get3A_1494, %get3A_1495] {strides = array<i32>} : memref<304x256xf32, #tpu.memory_space<vmem>>, vector<1x16xf32>,
        %get3A_1497 = vector.shape_cast %get3A_1496 : vector<1x16xf32> to vector<16xf32>
        %max3A_1498 = arith.maximumf %max3A_1487, %get3A_1497 : vector<16xf32>
        %eq3A_1499 = arith.constant 7 : i32
        %eq3A_1500 = vector.broadcast %eq3A_1499 : i32 to vector<16xi32>
        %eq3A_1501 = arith.cmpi eq, %min3A_1419, %eq3A_1500 : vector<16xi32>
        %select_n3A_1502 = arith.select %eq3A_1501, %get3A_1497, %select_n3A_1491 : vector<16xi1>, vector<16xf32>
        %add3A_1503 = arith.constant 216 : i32
        %add3A_1504 = arith.addi %add3A_1503, %shift_right_arithmetic3A_1403 : i32
        %get3A_1505 = arith.index_cast %add3A_1504 : i32 to index
        %get3A_1506 = arith.index_cast %multiple_of3A : i32 to index
        %get3A_1507 = tpu.vector_load %arg8[%get3A_1505, %get3A_1506] {strides = array<i32>} : memref<304x256xf32, #tpu.memory_space<vmem>>, vector<1x16xf32>,
        %get3A_1508 = vector.shape_cast %get3A_1507 : vector<1x16xf32> to vector<16xf32>
        %max3A_1509 = arith.maximumf %max3A_1498, %get3A_1508 : vector<16xf32>
        %eq3A_1510 = arith.constant 8 : i32
        %eq3A_1511 = vector.broadcast %eq3A_1510 : i32 to vector<16xi32>
        %eq3A_1512 = arith.cmpi eq, %min3A_1419, %eq3A_1511 : vector<16xi32>
        %select_n3A_1513 = arith.select %eq3A_1512, %get3A_1508, %select_n3A_1502 : vector<16xi1>, vector<16xf32>
        %add3A_1514 = arith.constant 224 : i32
        %add3A_1515 = arith.addi %add3A_1514, %shift_right_arithmetic3A_1403 : i32
        %get3A_1516 = arith.index_cast %add3A_1515 : i32 to index
        %get3A_1517 = arith.index_cast %multiple_of3A : i32 to index
        %get3A_1518 = tpu.vector_load %arg8[%get3A_1516, %get3A_1517] {strides = array<i32>} : memref<304x256xf32, #tpu.memory_space<vmem>>, vector<1x16xf32>,
        %get3A_1519 = vector.shape_cast %get3A_1518 : vector<1x16xf32> to vector<16xf32>
        %max3A_1520 = arith.maximumf %max3A_1509, %get3A_1519 : vector<16xf32>
        %eq3A_1521 = arith.constant 9 : i32
        %eq3A_1522 = vector.broadcast %eq3A_1521 : i32 to vector<16xi32>
        %eq3A_1523 = arith.cmpi eq, %min3A_1419, %eq3A_1522 : vector<16xi32>
        %select_n3A_1524 = arith.select %eq3A_1523, %get3A_1519, %select_n3A_1513 : vector<16xi1>, vector<16xf32>
        %add3A_1525 = arith.constant 232 : i32
        %add3A_1526 = arith.addi %add3A_1525, %shift_right_arithmetic3A_1403 : i32
        %get3A_1527 = arith.index_cast %add3A_1526 : i32 to index
        %get3A_1528 = arith.index_cast %multiple_of3A : i32 to index
        %get3A_1529 = tpu.vector_load %arg8[%get3A_1527, %get3A_1528] {strides = array<i32>} : memref<304x256xf32, #tpu.memory_space<vmem>>, vector<1x16xf32>,
        %get3A_1530 = vector.shape_cast %get3A_1529 : vector<1x16xf32> to vector<16xf32>
        %max3A_1531 = arith.maximumf %max3A_1520, %get3A_1530 : vector<16xf32>
        %eq3A_1532 = arith.constant 10 : i32
        %eq3A_1533 = vector.broadcast %eq3A_1532 : i32 to vector<16xi32>
        %eq3A_1534 = arith.cmpi eq, %min3A_1419, %eq3A_1533 : vector<16xi32>
        %select_n3A_1535 = arith.select %eq3A_1534, %get3A_1530, %select_n3A_1524 : vector<16xi1>, vector<16xf32>
        %add3A_1536 = arith.constant 240 : i32
        %add3A_1537 = arith.addi %add3A_1536, %shift_right_arithmetic3A_1403 : i32
        %get3A_1538 = arith.index_cast %add3A_1537 : i32 to index
        %get3A_1539 = arith.index_cast %multiple_of3A : i32 to index
        %get3A_1540 = tpu.vector_load %arg8[%get3A_1538, %get3A_1539] {strides = array<i32>} : memref<304x256xf32, #tpu.memory_space<vmem>>, vector<1x16xf32>,
        %get3A_1541 = vector.shape_cast %get3A_1540 : vector<1x16xf32> to vector<16xf32>
        %max3A_1542 = arith.maximumf %max3A_1531, %get3A_1541 : vector<16xf32>
        %eq3A_1543 = arith.constant 11 : i32
        %eq3A_1544 = vector.broadcast %eq3A_1543 : i32 to vector<16xi32>
        %eq3A_1545 = arith.cmpi eq, %min3A_1419, %eq3A_1544 : vector<16xi32>
        %select_n3A_1546 = arith.select %eq3A_1545, %get3A_1541, %select_n3A_1535 : vector<16xi1>, vector<16xf32>
        %add3A_1547 = arith.constant 248 : i32
        %add3A_1548 = arith.addi %add3A_1547, %shift_right_arithmetic3A_1403 : i32
        %get3A_1549 = arith.index_cast %add3A_1548 : i32 to index
        %get3A_1550 = arith.index_cast %multiple_of3A : i32 to index
        %get3A_1551 = tpu.vector_load %arg8[%get3A_1549, %get3A_1550] {strides = array<i32>} : memref<304x256xf32, #tpu.memory_space<vmem>>, vector<1x16xf32>,
        %get3A_1552 = vector.shape_cast %get3A_1551 : vector<1x16xf32> to vector<16xf32>
        %max3A_1553 = arith.maximumf %max3A_1542, %get3A_1552 : vector<16xf32>
        %eq3A_1554 = arith.constant 12 : i32
        %eq3A_1555 = vector.broadcast %eq3A_1554 : i32 to vector<16xi32>
        %eq3A_1556 = arith.cmpi eq, %min3A_1419, %eq3A_1555 : vector<16xi32>
        %select_n3A_1557 = arith.select %eq3A_1556, %get3A_1552, %select_n3A_1546 : vector<16xi1>, vector<16xf32>
        %add3A_1558 = arith.constant 256 : i32
        %add3A_1559 = arith.addi %add3A_1558, %shift_right_arithmetic3A_1403 : i32
        %get3A_1560 = arith.index_cast %add3A_1559 : i32 to index
        %get3A_1561 = arith.index_cast %multiple_of3A : i32 to index
        %get3A_1562 = tpu.vector_load %arg8[%get3A_1560, %get3A_1561] {strides = array<i32>} : memref<304x256xf32, #tpu.memory_space<vmem>>, vector<1x16xf32>,
        %get3A_1563 = vector.shape_cast %get3A_1562 : vector<1x16xf32> to vector<16xf32>
        %max3A_1564 = arith.maximumf %max3A_1553, %get3A_1563 : vector<16xf32>
        %eq3A_1565 = arith.constant 13 : i32
        %eq3A_1566 = vector.broadcast %eq3A_1565 : i32 to vector<16xi32>
        %eq3A_1567 = arith.cmpi eq, %min3A_1419, %eq3A_1566 : vector<16xi32>
        %select_n3A_1568 = arith.select %eq3A_1567, %get3A_1563, %select_n3A_1557 : vector<16xi1>, vector<16xf32>
        %add3A_1569 = arith.constant 264 : i32
        %add3A_1570 = arith.addi %add3A_1569, %shift_right_arithmetic3A_1403 : i32
        %get3A_1571 = arith.index_cast %add3A_1570 : i32 to index
        %get3A_1572 = arith.index_cast %multiple_of3A : i32 to index
        %get3A_1573 = tpu.vector_load %arg8[%get3A_1571, %get3A_1572] {strides = array<i32>} : memref<304x256xf32, #tpu.memory_space<vmem>>, vector<1x16xf32>,
        %get3A_1574 = vector.shape_cast %get3A_1573 : vector<1x16xf32> to vector<16xf32>
        %max3A_1575 = arith.maximumf %max3A_1564, %get3A_1574 : vector<16xf32>
        %eq3A_1576 = arith.constant 14 : i32
        %eq3A_1577 = vector.broadcast %eq3A_1576 : i32 to vector<16xi32>
        %eq3A_1578 = arith.cmpi eq, %min3A_1419, %eq3A_1577 : vector<16xi32>
        %select_n3A_1579 = arith.select %eq3A_1578, %get3A_1574, %select_n3A_1568 : vector<16xi1>, vector<16xf32>
        %add3A_1580 = arith.constant 272 : i32
        %add3A_1581 = arith.addi %add3A_1580, %shift_right_arithmetic3A_1403 : i32
        %get3A_1582 = arith.index_cast %add3A_1581 : i32 to index
        %get3A_1583 = arith.index_cast %multiple_of3A : i32 to index
        %get3A_1584 = tpu.vector_load %arg8[%get3A_1582, %get3A_1583] {strides = array<i32>} : memref<304x256xf32, #tpu.memory_space<vmem>>, vector<1x16xf32>,
        %get3A_1585 = vector.shape_cast %get3A_1584 : vector<1x16xf32> to vector<16xf32>
        %max3A_1586 = arith.maximumf %max3A_1575, %get3A_1585 : vector<16xf32>
        %eq3A_1587 = arith.constant 15 : i32
        %eq3A_1588 = vector.broadcast %eq3A_1587 : i32 to vector<16xi32>
        %eq3A_1589 = arith.cmpi eq, %min3A_1419, %eq3A_1588 : vector<16xi32>
        %select_n3A_1590 = arith.select %eq3A_1589, %get3A_1585, %select_n3A_1579 : vector<16xi1>, vector<16xf32>
        %add3A_1591 = arith.constant 280 : i32
        %add3A_1592 = arith.addi %add3A_1591, %shift_right_arithmetic3A_1403 : i32
        %get3A_1593 = arith.index_cast %add3A_1592 : i32 to index
        %get3A_1594 = arith.index_cast %multiple_of3A : i32 to index
        %get3A_1595 = tpu.vector_load %arg8[%get3A_1593, %get3A_1594] {strides = array<i32>} : memref<304x256xf32, #tpu.memory_space<vmem>>, vector<1x16xf32>,
        %get3A_1596 = vector.shape_cast %get3A_1595 : vector<1x16xf32> to vector<16xf32>
        %max3A_1597 = arith.maximumf %max3A_1586, %get3A_1596 : vector<16xf32>
        %eq3A_1598 = arith.constant 16 : i32
        %eq3A_1599 = vector.broadcast %eq3A_1598 : i32 to vector<16xi32>
        %eq3A_1600 = arith.cmpi eq, %min3A_1419, %eq3A_1599 : vector<16xi32>
        %select_n3A_1601 = arith.select %eq3A_1600, %get3A_1596, %select_n3A_1590 : vector<16xi1>, vector<16xf32>
        %add3A_1602 = arith.constant 288 : i32
        %add3A_1603 = arith.addi %add3A_1602, %shift_right_arithmetic3A_1403 : i32
        %get3A_1604 = arith.index_cast %add3A_1603 : i32 to index
        %get3A_1605 = arith.index_cast %multiple_of3A : i32 to index
        %get3A_1606 = tpu.vector_load %arg8[%get3A_1604, %get3A_1605] {strides = array<i32>} : memref<304x256xf32, #tpu.memory_space<vmem>>, vector<1x16xf32>,
        %get3A_1607 = vector.shape_cast %get3A_1606 : vector<1x16xf32> to vector<16xf32>
        %max3A_1608 = arith.maximumf %max3A_1597, %get3A_1607 : vector<16xf32>
        %eq3A_1609 = arith.constant 17 : i32
        %eq3A_1610 = vector.broadcast %eq3A_1609 : i32 to vector<16xi32>
        %eq3A_1611 = arith.cmpi eq, %min3A_1419, %eq3A_1610 : vector<16xi32>
        %select_n3A_1612 = arith.select %eq3A_1611, %get3A_1607, %select_n3A_1601 : vector<16xi1>, vector<16xf32>
        %add3A_1613 = arith.constant 296 : i32
        %add3A_1614 = arith.addi %add3A_1613, %shift_right_arithmetic3A_1403 : i32
        %get3A_1615 = arith.index_cast %add3A_1614 : i32 to index
        %get3A_1616 = arith.index_cast %multiple_of3A : i32 to index
        %get3A_1617 = tpu.vector_load %arg8[%get3A_1615, %get3A_1616] {strides = array<i32>} : memref<304x256xf32, #tpu.memory_space<vmem>>, vector<1x16xf32>,
        %get3A_1618 = vector.shape_cast %get3A_1617 : vector<1x16xf32> to vector<16xf32>
        %max3A_1619 = arith.maximumf %max3A_1608, %get3A_1618 : vector<16xf32>
        %eq3A_1620 = arith.constant 18 : i32
        %eq3A_1621 = vector.broadcast %eq3A_1620 : i32 to vector<16xi32>
        %eq3A_1622 = arith.cmpi eq, %min3A_1419, %eq3A_1621 : vector<16xi32>
        %select_n3A_1623 = arith.select %eq3A_1622, %get3A_1618, %select_n3A_1612 : vector<16xi1>, vector<16xf32>
        %add3A_1624 = arith.constant 152 : i32
        %add3A_1625 = arith.addi %add3A_1624, %shift_right_arithmetic3A_1403 : i32
        %get3A_1626 = arith.index_cast %add3A_1625 : i32 to index
        %get3A_1627 = arith.index_cast %multiple_of3A : i32 to index
        %get3A_1628 = tpu.vector_load %arg8[%get3A_1626, %get3A_1627] {strides = array<i32>} : memref<304x256xf32, #tpu.memory_space<vmem>>, vector<1x16xf32>,
        %get3A_1629 = vector.shape_cast %get3A_1628 : vector<1x16xf32> to vector<16xf32>
        %sub3A_1630 = arith.subf %get3A_1629, %max3A_1619 : vector<16xf32>
        %exp3A = math.exp %sub3A_1630 : vector<16xf32>
        %add3A_1631 = arith.constant 160 : i32
        %add3A_1632 = arith.addi %add3A_1631, %shift_right_arithmetic3A_1403 : i32
        %get3A_1633 = arith.index_cast %add3A_1632 : i32 to index
        %get3A_1634 = arith.index_cast %multiple_of3A : i32 to index
        %get3A_1635 = tpu.vector_load %arg8[%get3A_1633, %get3A_1634] {strides = array<i32>} : memref<304x256xf32, #tpu.memory_space<vmem>>, vector<1x16xf32>,
        %get3A_1636 = vector.shape_cast %get3A_1635 : vector<1x16xf32> to vector<16xf32>
        %sub3A_1637 = arith.subf %get3A_1636, %max3A_1619 : vector<16xf32>
        %exp3A_1638 = math.exp %sub3A_1637 : vector<16xf32>
        %add3A_1639 = arith.constant 168 : i32
        %add3A_1640 = arith.addi %add3A_1639, %shift_right_arithmetic3A_1403 : i32
        %get3A_1641 = arith.index_cast %add3A_1640 : i32 to index
        %get3A_1642 = arith.index_cast %multiple_of3A : i32 to index
        %get3A_1643 = tpu.vector_load %arg8[%get3A_1641, %get3A_1642] {strides = array<i32>} : memref<304x256xf32, #tpu.memory_space<vmem>>, vector<1x16xf32>,
        %get3A_1644 = vector.shape_cast %get3A_1643 : vector<1x16xf32> to vector<16xf32>
        %sub3A_1645 = arith.subf %get3A_1644, %max3A_1619 : vector<16xf32>
        %exp3A_1646 = math.exp %sub3A_1645 : vector<16xf32>
        %add3A_1647 = arith.constant 176 : i32
        %add3A_1648 = arith.addi %add3A_1647, %shift_right_arithmetic3A_1403 : i32
        %get3A_1649 = arith.index_cast %add3A_1648 : i32 to index
        %get3A_1650 = arith.index_cast %multiple_of3A : i32 to index
        %get3A_1651 = tpu.vector_load %arg8[%get3A_1649, %get3A_1650] {strides = array<i32>} : memref<304x256xf32, #tpu.memory_space<vmem>>, vector<1x16xf32>,
        %get3A_1652 = vector.shape_cast %get3A_1651 : vector<1x16xf32> to vector<16xf32>
        %sub3A_1653 = arith.subf %get3A_1652, %max3A_1619 : vector<16xf32>
        %exp3A_1654 = math.exp %sub3A_1653 : vector<16xf32>
        %add3A_1655 = arith.constant 184 : i32
        %add3A_1656 = arith.addi %add3A_1655, %shift_right_arithmetic3A_1403 : i32
        %get3A_1657 = arith.index_cast %add3A_1656 : i32 to index
        %get3A_1658 = arith.index_cast %multiple_of3A : i32 to index
        %get3A_1659 = tpu.vector_load %arg8[%get3A_1657, %get3A_1658] {strides = array<i32>} : memref<304x256xf32, #tpu.memory_space<vmem>>, vector<1x16xf32>,
        %get3A_1660 = vector.shape_cast %get3A_1659 : vector<1x16xf32> to vector<16xf32>
        %sub3A_1661 = arith.subf %get3A_1660, %max3A_1619 : vector<16xf32>
        %exp3A_1662 = math.exp %sub3A_1661 : vector<16xf32>
        %add3A_1663 = arith.constant 192 : i32
        %add3A_1664 = arith.addi %add3A_1663, %shift_right_arithmetic3A_1403 : i32
        %get3A_1665 = arith.index_cast %add3A_1664 : i32 to index
        %get3A_1666 = arith.index_cast %multiple_of3A : i32 to index
        %get3A_1667 = tpu.vector_load %arg8[%get3A_1665, %get3A_1666] {strides = array<i32>} : memref<304x256xf32, #tpu.memory_space<vmem>>, vector<1x16xf32>,
        %get3A_1668 = vector.shape_cast %get3A_1667 : vector<1x16xf32> to vector<16xf32>
        %sub3A_1669 = arith.subf %get3A_1668, %max3A_1619 : vector<16xf32>
        %exp3A_1670 = math.exp %sub3A_1669 : vector<16xf32>
        %add3A_1671 = arith.constant 200 : i32
        %add3A_1672 = arith.addi %add3A_1671, %shift_right_arithmetic3A_1403 : i32
        %get3A_1673 = arith.index_cast %add3A_1672 : i32 to index
        %get3A_1674 = arith.index_cast %multiple_of3A : i32 to index
        %get3A_1675 = tpu.vector_load %arg8[%get3A_1673, %get3A_1674] {strides = array<i32>} : memref<304x256xf32, #tpu.memory_space<vmem>>, vector<1x16xf32>,
        %get3A_1676 = vector.shape_cast %get3A_1675 : vector<1x16xf32> to vector<16xf32>
        %sub3A_1677 = arith.subf %get3A_1676, %max3A_1619 : vector<16xf32>
        %exp3A_1678 = math.exp %sub3A_1677 : vector<16xf32>
        %add3A_1679 = arith.constant 208 : i32
        %add3A_1680 = arith.addi %add3A_1679, %shift_right_arithmetic3A_1403 : i32
        %get3A_1681 = arith.index_cast %add3A_1680 : i32 to index
        %get3A_1682 = arith.index_cast %multiple_of3A : i32 to index
        %get3A_1683 = tpu.vector_load %arg8[%get3A_1681, %get3A_1682] {strides = array<i32>} : memref<304x256xf32, #tpu.memory_space<vmem>>, vector<1x16xf32>,
        %get3A_1684 = vector.shape_cast %get3A_1683 : vector<1x16xf32> to vector<16xf32>
        %sub3A_1685 = arith.subf %get3A_1684, %max3A_1619 : vector<16xf32>
        %exp3A_1686 = math.exp %sub3A_1685 : vector<16xf32>
        %add3A_1687 = arith.constant 216 : i32
        %add3A_1688 = arith.addi %add3A_1687, %shift_right_arithmetic3A_1403 : i32
        %get3A_1689 = arith.index_cast %add3A_1688 : i32 to index
        %get3A_1690 = arith.index_cast %multiple_of3A : i32 to index
        %get3A_1691 = tpu.vector_load %arg8[%get3A_1689, %get3A_1690] {strides = array<i32>} : memref<304x256xf32, #tpu.memory_space<vmem>>, vector<1x16xf32>,
        %get3A_1692 = vector.shape_cast %get3A_1691 : vector<1x16xf32> to vector<16xf32>
        %sub3A_1693 = arith.subf %get3A_1692, %max3A_1619 : vector<16xf32>
        %exp3A_1694 = math.exp %sub3A_1693 : vector<16xf32>
        %add3A_1695 = arith.constant 224 : i32
        %add3A_1696 = arith.addi %add3A_1695, %shift_right_arithmetic3A_1403 : i32
        %get3A_1697 = arith.index_cast %add3A_1696 : i32 to index
        %get3A_1698 = arith.index_cast %multiple_of3A : i32 to index
        %get3A_1699 = tpu.vector_load %arg8[%get3A_1697, %get3A_1698] {strides = array<i32>} : memref<304x256xf32, #tpu.memory_space<vmem>>, vector<1x16xf32>,
        %get3A_1700 = vector.shape_cast %get3A_1699 : vector<1x16xf32> to vector<16xf32>
        %sub3A_1701 = arith.subf %get3A_1700, %max3A_1619 : vector<16xf32>
        %exp3A_1702 = math.exp %sub3A_1701 : vector<16xf32>
        %add3A_1703 = arith.constant 232 : i32
        %add3A_1704 = arith.addi %add3A_1703, %shift_right_arithmetic3A_1403 : i32
        %get3A_1705 = arith.index_cast %add3A_1704 : i32 to index
        %get3A_1706 = arith.index_cast %multiple_of3A : i32 to index
        %get3A_1707 = tpu.vector_load %arg8[%get3A_1705, %get3A_1706] {strides = array<i32>} : memref<304x256xf32, #tpu.memory_space<vmem>>, vector<1x16xf32>,
        %get3A_1708 = vector.shape_cast %get3A_1707 : vector<1x16xf32> to vector<16xf32>
        %sub3A_1709 = arith.subf %get3A_1708, %max3A_1619 : vector<16xf32>
        %exp3A_1710 = math.exp %sub3A_1709 : vector<16xf32>
        %add3A_1711 = arith.constant 240 : i32
        %add3A_1712 = arith.addi %add3A_1711, %shift_right_arithmetic3A_1403 : i32
        %get3A_1713 = arith.index_cast %add3A_1712 : i32 to index
        %get3A_1714 = arith.index_cast %multiple_of3A : i32 to index
        %get3A_1715 = tpu.vector_load %arg8[%get3A_1713, %get3A_1714] {strides = array<i32>} : memref<304x256xf32, #tpu.memory_space<vmem>>, vector<1x16xf32>,
        %get3A_1716 = vector.shape_cast %get3A_1715 : vector<1x16xf32> to vector<16xf32>
        %sub3A_1717 = arith.subf %get3A_1716, %max3A_1619 : vector<16xf32>
        %exp3A_1718 = math.exp %sub3A_1717 : vector<16xf32>
        %add3A_1719 = arith.constant 248 : i32
        %add3A_1720 = arith.addi %add3A_1719, %shift_right_arithmetic3A_1403 : i32
        %get3A_1721 = arith.index_cast %add3A_1720 : i32 to index
        %get3A_1722 = arith.index_cast %multiple_of3A : i32 to index
        %get3A_1723 = tpu.vector_load %arg8[%get3A_1721, %get3A_1722] {strides = array<i32>} : memref<304x256xf32, #tpu.memory_space<vmem>>, vector<1x16xf32>,
        %get3A_1724 = vector.shape_cast %get3A_1723 : vector<1x16xf32> to vector<16xf32>
        %sub3A_1725 = arith.subf %get3A_1724, %max3A_1619 : vector<16xf32>
        %exp3A_1726 = math.exp %sub3A_1725 : vector<16xf32>
        %add3A_1727 = arith.constant 256 : i32
        %add3A_1728 = arith.addi %add3A_1727, %shift_right_arithmetic3A_1403 : i32
        %get3A_1729 = arith.index_cast %add3A_1728 : i32 to index
        %get3A_1730 = arith.index_cast %multiple_of3A : i32 to index
        %get3A_1731 = tpu.vector_load %arg8[%get3A_1729, %get3A_1730] {strides = array<i32>} : memref<304x256xf32, #tpu.memory_space<vmem>>, vector<1x16xf32>,
        %get3A_1732 = vector.shape_cast %get3A_1731 : vector<1x16xf32> to vector<16xf32>
        %sub3A_1733 = arith.subf %get3A_1732, %max3A_1619 : vector<16xf32>
        %exp3A_1734 = math.exp %sub3A_1733 : vector<16xf32>
        %add3A_1735 = arith.constant 264 : i32
        %add3A_1736 = arith.addi %add3A_1735, %shift_right_arithmetic3A_1403 : i32
        %get3A_1737 = arith.index_cast %add3A_1736 : i32 to index
        %get3A_1738 = arith.index_cast %multiple_of3A : i32 to index
        %get3A_1739 = tpu.vector_load %arg8[%get3A_1737, %get3A_1738] {strides = array<i32>} : memref<304x256xf32, #tpu.memory_space<vmem>>, vector<1x16xf32>,
        %get3A_1740 = vector.shape_cast %get3A_1739 : vector<1x16xf32> to vector<16xf32>
        %sub3A_1741 = arith.subf %get3A_1740, %max3A_1619 : vector<16xf32>
        %exp3A_1742 = math.exp %sub3A_1741 : vector<16xf32>
        %add3A_1743 = arith.constant 272 : i32
        %add3A_1744 = arith.addi %add3A_1743, %shift_right_arithmetic3A_1403 : i32
        %get3A_1745 = arith.index_cast %add3A_1744 : i32 to index
        %get3A_1746 = arith.index_cast %multiple_of3A : i32 to index
        %get3A_1747 = tpu.vector_load %arg8[%get3A_1745, %get3A_1746] {strides = array<i32>} : memref<304x256xf32, #tpu.memory_space<vmem>>, vector<1x16xf32>,
        %get3A_1748 = vector.shape_cast %get3A_1747 : vector<1x16xf32> to vector<16xf32>
        %sub3A_1749 = arith.subf %get3A_1748, %max3A_1619 : vector<16xf32>
        %exp3A_1750 = math.exp %sub3A_1749 : vector<16xf32>
        %add3A_1751 = arith.constant 280 : i32
        %add3A_1752 = arith.addi %add3A_1751, %shift_right_arithmetic3A_1403 : i32
        %get3A_1753 = arith.index_cast %add3A_1752 : i32 to index
        %get3A_1754 = arith.index_cast %multiple_of3A : i32 to index
        %get3A_1755 = tpu.vector_load %arg8[%get3A_1753, %get3A_1754] {strides = array<i32>} : memref<304x256xf32, #tpu.memory_space<vmem>>, vector<1x16xf32>,
        %get3A_1756 = vector.shape_cast %get3A_1755 : vector<1x16xf32> to vector<16xf32>
        %sub3A_1757 = arith.subf %get3A_1756, %max3A_1619 : vector<16xf32>
        %exp3A_1758 = math.exp %sub3A_1757 : vector<16xf32>
        %add3A_1759 = arith.constant 288 : i32
        %add3A_1760 = arith.addi %add3A_1759, %shift_right_arithmetic3A_1403 : i32
        %get3A_1761 = arith.index_cast %add3A_1760 : i32 to index
        %get3A_1762 = arith.index_cast %multiple_of3A : i32 to index
        %get3A_1763 = tpu.vector_load %arg8[%get3A_1761, %get3A_1762] {strides = array<i32>} : memref<304x256xf32, #tpu.memory_space<vmem>>, vector<1x16xf32>,
        %get3A_1764 = vector.shape_cast %get3A_1763 : vector<1x16xf32> to vector<16xf32>
        %sub3A_1765 = arith.subf %get3A_1764, %max3A_1619 : vector<16xf32>
        %exp3A_1766 = math.exp %sub3A_1765 : vector<16xf32>
        %add3A_1767 = arith.constant 296 : i32
        %add3A_1768 = arith.addi %add3A_1767, %shift_right_arithmetic3A_1403 : i32
        %get3A_1769 = arith.index_cast %add3A_1768 : i32 to index
        %get3A_1770 = arith.index_cast %multiple_of3A : i32 to index
        %get3A_1771 = tpu.vector_load %arg8[%get3A_1769, %get3A_1770] {strides = array<i32>} : memref<304x256xf32, #tpu.memory_space<vmem>>, vector<1x16xf32>,
        %get3A_1772 = vector.shape_cast %get3A_1771 : vector<1x16xf32> to vector<16xf32>
        %sub3A_1773 = arith.subf %get3A_1772, %max3A_1619 : vector<16xf32>
        %exp3A_1774 = math.exp %sub3A_1773 : vector<16xf32>
        %add3A_1775 = arith.addf %exp3A, %exp3A_1638 : vector<16xf32>
        %add3A_1776 = arith.addf %exp3A_1646, %exp3A_1654 : vector<16xf32>
        %add3A_1777 = arith.addf %exp3A_1662, %exp3A_1670 : vector<16xf32>
        %add3A_1778 = arith.addf %exp3A_1678, %exp3A_1686 : vector<16xf32>
        %add3A_1779 = arith.addf %exp3A_1694, %exp3A_1702 : vector<16xf32>
        %add3A_1780 = arith.addf %exp3A_1710, %exp3A_1718 : vector<16xf32>
        %add3A_1781 = arith.addf %exp3A_1726, %exp3A_1734 : vector<16xf32>
        %add3A_1782 = arith.addf %exp3A_1742, %exp3A_1750 : vector<16xf32>
        %add3A_1783 = arith.addf %exp3A_1758, %exp3A_1766 : vector<16xf32>
        %add3A_1784 = arith.addf %add3A_1775, %add3A_1776 : vector<16xf32>
        %add3A_1785 = arith.addf %add3A_1777, %add3A_1778 : vector<16xf32>
        %add3A_1786 = arith.addf %add3A_1779, %add3A_1780 : vector<16xf32>
        %add3A_1787 = arith.addf %add3A_1781, %add3A_1782 : vector<16xf32>
        %add3A_1788 = arith.addf %add3A_1783, %exp3A_1774 : vector<16xf32>
        %add3A_1789 = arith.addf %add3A_1784, %add3A_1785 : vector<16xf32>
        %add3A_1790 = arith.addf %add3A_1786, %add3A_1787 : vector<16xf32>
        %add3A_1791 = arith.addf %add3A_1789, %add3A_1790 : vector<16xf32>
        %add3A_1792 = arith.addf %add3A_1791, %add3A_1788 : vector<16xf32>
        %bitcast_convert_type3A = tpu.bitcast %add3A_1792 : vector<16xf32> -> vector<16xi32>
        %shift_right_arithmetic3A_1793 = arith.constant 23 : i32
        %shift_right_arithmetic3A_1794 = vector.broadcast %shift_right_arithmetic3A_1793 : i32 to vector<16xi32>
        %shift_right_arithmetic3A_1795 = arith.shrsi %bitcast_convert_type3A, %shift_right_arithmetic3A_1794 : vector<16xi32>
        %sub3A_1796 = arith.constant 127 : i32
        %sub3A_1797 = vector.broadcast %sub3A_1796 : i32 to vector<16xi32>
        %sub3A_1798 = arith.subi %shift_right_arithmetic3A_1795, %sub3A_1797 : vector<16xi32>
        %and3A_1799 = arith.constant 8388607 : i32
        %and3A_1800 = vector.broadcast %and3A_1799 : i32 to vector<16xi32>
        %and3A_1801 = arith.andi %bitcast_convert_type3A, %and3A_1800 : vector<16xi32>
        %or3A = arith.constant 1065353216 : i32
        %or3A_1802 = vector.broadcast %or3A : i32 to vector<16xi32>
        %or3A_1803 = arith.ori %and3A_1801, %or3A_1802 : vector<16xi32>
        %bitcast_convert_type3A_1804 = tpu.bitcast %or3A_1803 : vector<16xi32> -> vector<16xf32>
        %gt3A = arith.constant 1.41421354 : f32
        %gt3A_1805 = vector.broadcast %gt3A : f32 to vector<16xf32>
        %gt3A_1806 = arith.cmpf ogt, %bitcast_convert_type3A_1804, %gt3A_1805 : vector<16xf32>
        %mul3A_1807 = arith.constant 5.000000e-01 : f32
        %mul3A_1808 = vector.broadcast %mul3A_1807 : f32 to vector<16xf32>
        %mul3A_1809 = arith.mulf %bitcast_convert_type3A_1804, %mul3A_1808 : vector<16xf32>
        %select_n3A_1810 = arith.select %gt3A_1806, %mul3A_1809, %bitcast_convert_type3A_1804 : vector<16xi1>, vector<16xf32>
        %jit3A_1811 = arith.constant 1 : i32
        %jit3A_1812 = arith.constant 0 : i32
        %broadcast_in_dim3A_1813 = vector.broadcast %jit3A_1811 : i32 to vector<16xi32>
        %broadcast_in_dim3A_1814 = vector.broadcast %jit3A_1812 : i32 to vector<16xi32>
        %select_n3A_1815 = arith.select %gt3A_1806, %broadcast_in_dim3A_1813, %broadcast_in_dim3A_1814 : vector<16xi1>, vector<16xi32>
        %add3A_1816 = arith.addi %sub3A_1798, %select_n3A_1815 : vector<16xi32>
        %convert_element_type3A_1817 = arith.sitofp %add3A_1816 : vector<16xi32> to vector<16xf32>
        %sub3A_1818 = arith.constant 1.000000e+00 : f32
        %sub3A_1819 = vector.broadcast %sub3A_1818 : f32 to vector<16xf32>
        %sub3A_1820 = arith.subf %select_n3A_1810, %sub3A_1819 : vector<16xf32>
        %mul3A_1821 = arith.mulf %sub3A_1820, %sub3A_1820 : vector<16xf32>
        %mul3A_1822 = arith.mulf %mul3A_1821, %mul3A_1821 : vector<16xf32>
        %mul3A_1823 = arith.constant -0.24999994 : f32
        %mul3A_1824 = vector.broadcast %mul3A_1823 : f32 to vector<16xf32>
        %mul3A_1825 = arith.mulf %mul3A_1824, %sub3A_1820 : vector<16xf32>
        %add3A_1826 = arith.constant 0.333333313 : f32
        %add3A_1827 = vector.broadcast %add3A_1826 : f32 to vector<16xf32>
        %add3A_1828 = arith.addf %mul3A_1825, %add3A_1827 : vector<16xf32>
        %mul3A_1829 = arith.constant -0.166680574 : f32
        %mul3A_1830 = vector.broadcast %mul3A_1829 : f32 to vector<16xf32>
        %mul3A_1831 = arith.mulf %mul3A_1830, %sub3A_1820 : vector<16xf32>
        %add3A_1832 = arith.constant 0.200007141 : f32
        %add3A_1833 = vector.broadcast %add3A_1832 : f32 to vector<16xf32>
        %add3A_1834 = arith.addf %mul3A_1831, %add3A_1833 : vector<16xf32>
        %mul3A_1835 = arith.constant -0.12420141 : f32
        %mul3A_1836 = vector.broadcast %mul3A_1835 : f32 to vector<16xf32>
        %mul3A_1837 = arith.mulf %mul3A_1836, %sub3A_1820 : vector<16xf32>
        %add3A_1838 = arith.constant 0.142493233 : f32
        %add3A_1839 = vector.broadcast %add3A_1838 : f32 to vector<16xf32>
        %add3A_1840 = arith.addf %mul3A_1837, %add3A_1839 : vector<16xf32>
        %mul3A_1841 = arith.constant -0.115146101 : f32
        %mul3A_1842 = vector.broadcast %mul3A_1841 : f32 to vector<16xf32>
        %mul3A_1843 = arith.mulf %mul3A_1842, %sub3A_1820 : vector<16xf32>
        %add3A_1844 = arith.constant 0.116769984 : f32
        %add3A_1845 = vector.broadcast %add3A_1844 : f32 to vector<16xf32>
        %add3A_1846 = arith.addf %mul3A_1843, %add3A_1845 : vector<16xf32>
        %mul3A_1847 = arith.mulf %add3A_1834, %mul3A_1821 : vector<16xf32>
        %add3A_1848 = arith.addf %mul3A_1847, %add3A_1828 : vector<16xf32>
        %mul3A_1849 = arith.mulf %add3A_1846, %mul3A_1821 : vector<16xf32>
        %add3A_1850 = arith.addf %mul3A_1849, %add3A_1840 : vector<16xf32>
        %mul3A_1851 = arith.constant 0.0703768358 : f32
        %mul3A_1852 = vector.broadcast %mul3A_1851 : f32 to vector<16xf32>
        %mul3A_1853 = arith.mulf %mul3A_1852, %mul3A_1822 : vector<16xf32>
        %add3A_1854 = arith.addf %mul3A_1853, %add3A_1850 : vector<16xf32>
        %mul3A_1855 = arith.mulf %add3A_1854, %mul3A_1822 : vector<16xf32>
        %add3A_1856 = arith.addf %mul3A_1855, %add3A_1848 : vector<16xf32>
        %mul3A_1857 = arith.mulf %sub3A_1820, %mul3A_1821 : vector<16xf32>
        %mul3A_1858 = arith.mulf %mul3A_1857, %add3A_1856 : vector<16xf32>
        %mul3A_1859 = arith.constant 5.000000e-01 : f32
        %mul3A_1860 = vector.broadcast %mul3A_1859 : f32 to vector<16xf32>
        %mul3A_1861 = arith.mulf %mul3A_1860, %mul3A_1821 : vector<16xf32>
        %sub3A_1862 = arith.subf %mul3A_1858, %mul3A_1861 : vector<16xf32>
        %add3A_1863 = arith.addf %sub3A_1820, %sub3A_1862 : vector<16xf32>
        %mul3A_1864 = arith.constant 0.693147182 : f32
        %mul3A_1865 = vector.broadcast %mul3A_1864 : f32 to vector<16xf32>
        %mul3A_1866 = arith.mulf %convert_element_type3A_1817, %mul3A_1865 : vector<16xf32>
        %add3A_1867 = arith.addf %add3A_1863, %mul3A_1866 : vector<16xf32>
        %sub3A_1868 = arith.subf %select_n3A_1623, %max3A_1619 : vector<16xf32>
        %sub3A_1869 = arith.subf %add3A_1867, %sub3A_1868 : vector<16xf32>
        %jit3A_1870 = arith.constant 0.000000e+00 : f32
        %broadcast_in_dim3A_1871 = vector.broadcast %jit3A_1870 : f32 to vector<16xf32>
        %select_n3A_1872 = arith.select %ne3A_1415, %sub3A_1869, %broadcast_in_dim3A_1871 : vector<16xi1>, vector<16xf32>
        %gt3A_1873 = arith.constant 0.356674939 : f32
        %gt3A_1874 = vector.broadcast %gt3A_1873 : f32 to vector<16xf32>
        %gt3A_1875 = arith.cmpf ogt, %select_n3A_1872, %gt3A_1874 : vector<16xf32>
        %jit3A_1876 = arith.constant 1.000000e+00 : f32
        %jit3A_1877 = arith.constant 0.000000e+00 : f32
        %broadcast_in_dim3A_1878 = vector.broadcast %jit3A_1876 : f32 to vector<16xf32>
        %broadcast_in_dim3A_1879 = vector.broadcast %jit3A_1877 : f32 to vector<16xf32>
        %select_n3A_1880 = arith.select %gt3A_1875, %broadcast_in_dim3A_1878, %broadcast_in_dim3A_1879 : vector<16xi1>, vector<16xf32>
        %add3A_1881 = arith.addf %scan3A_1400, %select_n3A_1880 : vector<16xf32>
        %jit3A_1882 = arith.constant 0.000000e+00 : f32
        %broadcast_in_dim3A_1883 = vector.broadcast %jit3A_1882 : f32 to vector<16xf32>
        %select_n3A_1884 = arith.select %gt3A_1875, %select_n3A_1872, %broadcast_in_dim3A_1883 : vector<16xi1>, vector<16xf32>
        %add3A_1885 = arith.addf %scan3A_1401, %select_n3A_1884 : vector<16xf32>
        %jit3A_1886 = arith.constant 1.000000e+00 : f32
        %jit3A_1887 = arith.constant 0.000000e+00 : f32
        %broadcast_in_dim3A_1888 = vector.broadcast %jit3A_1886 : f32 to vector<16xf32>
        %broadcast_in_dim3A_1889 = vector.broadcast %jit3A_1887 : f32 to vector<16xf32>
        %select_n3A_1890 = arith.select %ne3A_1415, %broadcast_in_dim3A_1888, %broadcast_in_dim3A_1889 : vector<16xi1>, vector<16xf32>
        %add3A_1891 = arith.addf %scan3A_1402, %select_n3A_1890 : vector<16xf32>
        %add3A_1892 = arith.constant 8 : i32
        %add3A_1893 = arith.addi %add3A_1892, %shift_right_arithmetic3A_1403 : i32
        %swap3A_1894 = arith.index_cast %add3A_1893 : i32 to index
        %swap3A_1895 = arith.index_cast %multiple_of3A : i32 to index
        %swap3A_1896 = tpu.vector_load %arg10[%swap3A_1894, %swap3A_1895] {strides = array<i32>} : memref<16x256xf32, #tpu.memory_space<vmem>>, vector<1x16xf32>,
        %swap3A_1897 = vector.shape_cast %swap3A_1896 : vector<1x16xf32> to vector<16xf32>
        %swap3A_1898 = vector.shape_cast %select_n3A_1872 : vector<16xf32> to vector<1x16xf32>
        tpu.vector_store %arg10[%swap3A_1894, %swap3A_1895], %swap3A_1898 {strides = array<i32>} : memref<16x256xf32, #tpu.memory_space<vmem>>, vector<1x16xf32>,
        %add3A_1899 = arith.constant 16 : i32
        %add3A_1900 = arith.addi %mul3A_1407, %add3A_1899 : i32
        %multiple_of3A_1901 = tpu.assume_multiple %add3A_1900, 16 : i32
        %add3A_1902 = arith.constant 8 : i32
        %add3A_1903 = arith.addi %add3A_1902, %shift_right_arithmetic3A_1403 : i32
        %get3A_1904 = arith.index_cast %add3A_1903 : i32 to index
        %get3A_1905 = arith.index_cast %multiple_of3A_1901 : i32 to index
        %get3A_1906 = tpu.vector_load %arg9[%get3A_1904, %get3A_1905] {strides = array<i32>} : memref<16x256xi32, #tpu.memory_space<vmem>>, vector<1x16xi32>,
        %get3A_1907 = vector.shape_cast %get3A_1906 : vector<1x16xi32> to vector<16xi32>
        %ne3A_1908 = arith.constant 255 : i32
        %ne3A_1909 = vector.broadcast %ne3A_1908 : i32 to vector<16xi32>
        %ne3A_1910 = arith.cmpi ne, %get3A_1907, %ne3A_1909 : vector<16xi32>
        %max3A_1911 = arith.constant 0 : i32
        %max3A_1912 = vector.broadcast %max3A_1911 : i32 to vector<16xi32>
        %max3A_1913 = arith.maxsi %get3A_1907, %max3A_1912 : vector<16xi32>
        %min3A_1914 = arith.constant 18 : i32
        %min3A_1915 = vector.broadcast %min3A_1914 : i32 to vector<16xi32>
        %min3A_1916 = arith.minsi %max3A_1913, %min3A_1915 : vector<16xi32>
        %add3A_1917 = arith.constant 152 : i32
        %add3A_1918 = arith.addi %add3A_1917, %shift_right_arithmetic3A_1403 : i32
        %get3A_1919 = arith.index_cast %add3A_1918 : i32 to index
        %get3A_1920 = arith.index_cast %multiple_of3A_1901 : i32 to index
        %get3A_1921 = tpu.vector_load %arg8[%get3A_1919, %get3A_1920] {strides = array<i32>} : memref<304x256xf32, #tpu.memory_space<vmem>>, vector<1x16xf32>,
        %get3A_1922 = vector.shape_cast %get3A_1921 : vector<1x16xf32> to vector<16xf32>
        %add3A_1923 = arith.constant 160 : i32
        %add3A_1924 = arith.addi %add3A_1923, %shift_right_arithmetic3A_1403 : i32
        %get3A_1925 = arith.index_cast %add3A_1924 : i32 to index
        %get3A_1926 = arith.index_cast %multiple_of3A_1901 : i32 to index
        %get3A_1927 = tpu.vector_load %arg8[%get3A_1925, %get3A_1926] {strides = array<i32>} : memref<304x256xf32, #tpu.memory_space<vmem>>, vector<1x16xf32>,
        %get3A_1928 = vector.shape_cast %get3A_1927 : vector<1x16xf32> to vector<16xf32>
        %max3A_1929 = arith.maximumf %get3A_1922, %get3A_1928 : vector<16xf32>
        %eq3A_1930 = arith.constant 1 : i32
        %eq3A_1931 = vector.broadcast %eq3A_1930 : i32 to vector<16xi32>
        %eq3A_1932 = arith.cmpi eq, %min3A_1916, %eq3A_1931 : vector<16xi32>
        %select_n3A_1933 = arith.select %eq3A_1932, %get3A_1928, %get3A_1922 : vector<16xi1>, vector<16xf32>
        %add3A_1934 = arith.constant 168 : i32
        %add3A_1935 = arith.addi %add3A_1934, %shift_right_arithmetic3A_1403 : i32
        %get3A_1936 = arith.index_cast %add3A_1935 : i32 to index
        %get3A_1937 = arith.index_cast %multiple_of3A_1901 : i32 to index
        %get3A_1938 = tpu.vector_load %arg8[%get3A_1936, %get3A_1937] {strides = array<i32>} : memref<304x256xf32, #tpu.memory_space<vmem>>, vector<1x16xf32>,
        %get3A_1939 = vector.shape_cast %get3A_1938 : vector<1x16xf32> to vector<16xf32>
        %max3A_1940 = arith.maximumf %max3A_1929, %get3A_1939 : vector<16xf32>
        %eq3A_1941 = arith.constant 2 : i32
        %eq3A_1942 = vector.broadcast %eq3A_1941 : i32 to vector<16xi32>
        %eq3A_1943 = arith.cmpi eq, %min3A_1916, %eq3A_1942 : vector<16xi32>
        %select_n3A_1944 = arith.select %eq3A_1943, %get3A_1939, %select_n3A_1933 : vector<16xi1>, vector<16xf32>
        %add3A_1945 = arith.constant 176 : i32
        %add3A_1946 = arith.addi %add3A_1945, %shift_right_arithmetic3A_1403 : i32
        %get3A_1947 = arith.index_cast %add3A_1946 : i32 to index
        %get3A_1948 = arith.index_cast %multiple_of3A_1901 : i32 to index
        %get3A_1949 = tpu.vector_load %arg8[%get3A_1947, %get3A_1948] {strides = array<i32>} : memref<304x256xf32, #tpu.memory_space<vmem>>, vector<1x16xf32>,
        %get3A_1950 = vector.shape_cast %get3A_1949 : vector<1x16xf32> to vector<16xf32>
        %max3A_1951 = arith.maximumf %max3A_1940, %get3A_1950 : vector<16xf32>
        %eq3A_1952 = arith.constant 3 : i32
        %eq3A_1953 = vector.broadcast %eq3A_1952 : i32 to vector<16xi32>
        %eq3A_1954 = arith.cmpi eq, %min3A_1916, %eq3A_1953 : vector<16xi32>
        %select_n3A_1955 = arith.select %eq3A_1954, %get3A_1950, %select_n3A_1944 : vector<16xi1>, vector<16xf32>
        %add3A_1956 = arith.constant 184 : i32
        %add3A_1957 = arith.addi %add3A_1956, %shift_right_arithmetic3A_1403 : i32
        %get3A_1958 = arith.index_cast %add3A_1957 : i32 to index
        %get3A_1959 = arith.index_cast %multiple_of3A_1901 : i32 to index
        %get3A_1960 = tpu.vector_load %arg8[%get3A_1958, %get3A_1959] {strides = array<i32>} : memref<304x256xf32, #tpu.memory_space<vmem>>, vector<1x16xf32>,
        %get3A_1961 = vector.shape_cast %get3A_1960 : vector<1x16xf32> to vector<16xf32>
        %max3A_1962 = arith.maximumf %max3A_1951, %get3A_1961 : vector<16xf32>
        %eq3A_1963 = arith.constant 4 : i32
        %eq3A_1964 = vector.broadcast %eq3A_1963 : i32 to vector<16xi32>
        %eq3A_1965 = arith.cmpi eq, %min3A_1916, %eq3A_1964 : vector<16xi32>
        %select_n3A_1966 = arith.select %eq3A_1965, %get3A_1961, %select_n3A_1955 : vector<16xi1>, vector<16xf32>
        %add3A_1967 = arith.constant 192 : i32
        %add3A_1968 = arith.addi %add3A_1967, %shift_right_arithmetic3A_1403 : i32
        %get3A_1969 = arith.index_cast %add3A_1968 : i32 to index
        %get3A_1970 = arith.index_cast %multiple_of3A_1901 : i32 to index
        %get3A_1971 = tpu.vector_load %arg8[%get3A_1969, %get3A_1970] {strides = array<i32>} : memref<304x256xf32, #tpu.memory_space<vmem>>, vector<1x16xf32>,
        %get3A_1972 = vector.shape_cast %get3A_1971 : vector<1x16xf32> to vector<16xf32>
        %max3A_1973 = arith.maximumf %max3A_1962, %get3A_1972 : vector<16xf32>
        %eq3A_1974 = arith.constant 5 : i32
        %eq3A_1975 = vector.broadcast %eq3A_1974 : i32 to vector<16xi32>
        %eq3A_1976 = arith.cmpi eq, %min3A_1916, %eq3A_1975 : vector<16xi32>
        %select_n3A_1977 = arith.select %eq3A_1976, %get3A_1972, %select_n3A_1966 : vector<16xi1>, vector<16xf32>
        %add3A_1978 = arith.constant 200 : i32
        %add3A_1979 = arith.addi %add3A_1978, %shift_right_arithmetic3A_1403 : i32
        %get3A_1980 = arith.index_cast %add3A_1979 : i32 to index
        %get3A_1981 = arith.index_cast %multiple_of3A_1901 : i32 to index
        %get3A_1982 = tpu.vector_load %arg8[%get3A_1980, %get3A_1981] {strides = array<i32>} : memref<304x256xf32, #tpu.memory_space<vmem>>, vector<1x16xf32>,
        %get3A_1983 = vector.shape_cast %get3A_1982 : vector<1x16xf32> to vector<16xf32>
        %max3A_1984 = arith.maximumf %max3A_1973, %get3A_1983 : vector<16xf32>
        %eq3A_1985 = arith.constant 6 : i32
        %eq3A_1986 = vector.broadcast %eq3A_1985 : i32 to vector<16xi32>
        %eq3A_1987 = arith.cmpi eq, %min3A_1916, %eq3A_1986 : vector<16xi32>
        %select_n3A_1988 = arith.select %eq3A_1987, %get3A_1983, %select_n3A_1977 : vector<16xi1>, vector<16xf32>
        %add3A_1989 = arith.constant 208 : i32
        %add3A_1990 = arith.addi %add3A_1989, %shift_right_arithmetic3A_1403 : i32
        %get3A_1991 = arith.index_cast %add3A_1990 : i32 to index
        %get3A_1992 = arith.index_cast %multiple_of3A_1901 : i32 to index
        %get3A_1993 = tpu.vector_load %arg8[%get3A_1991, %get3A_1992] {strides = array<i32>} : memref<304x256xf32, #tpu.memory_space<vmem>>, vector<1x16xf32>,
        %get3A_1994 = vector.shape_cast %get3A_1993 : vector<1x16xf32> to vector<16xf32>
        %max3A_1995 = arith.maximumf %max3A_1984, %get3A_1994 : vector<16xf32>
        %eq3A_1996 = arith.constant 7 : i32
        %eq3A_1997 = vector.broadcast %eq3A_1996 : i32 to vector<16xi32>
        %eq3A_1998 = arith.cmpi eq, %min3A_1916, %eq3A_1997 : vector<16xi32>
        %select_n3A_1999 = arith.select %eq3A_1998, %get3A_1994, %select_n3A_1988 : vector<16xi1>, vector<16xf32>
        %add3A_2000 = arith.constant 216 : i32
        %add3A_2001 = arith.addi %add3A_2000, %shift_right_arithmetic3A_1403 : i32
        %get3A_2002 = arith.index_cast %add3A_2001 : i32 to index
        %get3A_2003 = arith.index_cast %multiple_of3A_1901 : i32 to index
        %get3A_2004 = tpu.vector_load %arg8[%get3A_2002, %get3A_2003] {strides = array<i32>} : memref<304x256xf32, #tpu.memory_space<vmem>>, vector<1x16xf32>,
        %get3A_2005 = vector.shape_cast %get3A_2004 : vector<1x16xf32> to vector<16xf32>
        %max3A_2006 = arith.maximumf %max3A_1995, %get3A_2005 : vector<16xf32>
        %eq3A_2007 = arith.constant 8 : i32
        %eq3A_2008 = vector.broadcast %eq3A_2007 : i32 to vector<16xi32>
        %eq3A_2009 = arith.cmpi eq, %min3A_1916, %eq3A_2008 : vector<16xi32>
        %select_n3A_2010 = arith.select %eq3A_2009, %get3A_2005, %select_n3A_1999 : vector<16xi1>, vector<16xf32>
        %add3A_2011 = arith.constant 224 : i32
        %add3A_2012 = arith.addi %add3A_2011, %shift_right_arithmetic3A_1403 : i32
        %get3A_2013 = arith.index_cast %add3A_2012 : i32 to index
        %get3A_2014 = arith.index_cast %multiple_of3A_1901 : i32 to index
        %get3A_2015 = tpu.vector_load %arg8[%get3A_2013, %get3A_2014] {strides = array<i32>} : memref<304x256xf32, #tpu.memory_space<vmem>>, vector<1x16xf32>,
        %get3A_2016 = vector.shape_cast %get3A_2015 : vector<1x16xf32> to vector<16xf32>
        %max3A_2017 = arith.maximumf %max3A_2006, %get3A_2016 : vector<16xf32>
        %eq3A_2018 = arith.constant 9 : i32
        %eq3A_2019 = vector.broadcast %eq3A_2018 : i32 to vector<16xi32>
        %eq3A_2020 = arith.cmpi eq, %min3A_1916, %eq3A_2019 : vector<16xi32>
        %select_n3A_2021 = arith.select %eq3A_2020, %get3A_2016, %select_n3A_2010 : vector<16xi1>, vector<16xf32>
        %add3A_2022 = arith.constant 232 : i32
        %add3A_2023 = arith.addi %add3A_2022, %shift_right_arithmetic3A_1403 : i32
        %get3A_2024 = arith.index_cast %add3A_2023 : i32 to index
        %get3A_2025 = arith.index_cast %multiple_of3A_1901 : i32 to index
        %get3A_2026 = tpu.vector_load %arg8[%get3A_2024, %get3A_2025] {strides = array<i32>} : memref<304x256xf32, #tpu.memory_space<vmem>>, vector<1x16xf32>,
        %get3A_2027 = vector.shape_cast %get3A_2026 : vector<1x16xf32> to vector<16xf32>
        %max3A_2028 = arith.maximumf %max3A_2017, %get3A_2027 : vector<16xf32>
        %eq3A_2029 = arith.constant 10 : i32
        %eq3A_2030 = vector.broadcast %eq3A_2029 : i32 to vector<16xi32>
        %eq3A_2031 = arith.cmpi eq, %min3A_1916, %eq3A_2030 : vector<16xi32>
        %select_n3A_2032 = arith.select %eq3A_2031, %get3A_2027, %select_n3A_2021 : vector<16xi1>, vector<16xf32>
        %add3A_2033 = arith.constant 240 : i32
        %add3A_2034 = arith.addi %add3A_2033, %shift_right_arithmetic3A_1403 : i32
        %get3A_2035 = arith.index_cast %add3A_2034 : i32 to index
        %get3A_2036 = arith.index_cast %multiple_of3A_1901 : i32 to index
        %get3A_2037 = tpu.vector_load %arg8[%get3A_2035, %get3A_2036] {strides = array<i32>} : memref<304x256xf32, #tpu.memory_space<vmem>>, vector<1x16xf32>,
        %get3A_2038 = vector.shape_cast %get3A_2037 : vector<1x16xf32> to vector<16xf32>
        %max3A_2039 = arith.maximumf %max3A_2028, %get3A_2038 : vector<16xf32>
        %eq3A_2040 = arith.constant 11 : i32
        %eq3A_2041 = vector.broadcast %eq3A_2040 : i32 to vector<16xi32>
        %eq3A_2042 = arith.cmpi eq, %min3A_1916, %eq3A_2041 : vector<16xi32>
        %select_n3A_2043 = arith.select %eq3A_2042, %get3A_2038, %select_n3A_2032 : vector<16xi1>, vector<16xf32>
        %add3A_2044 = arith.constant 248 : i32
        %add3A_2045 = arith.addi %add3A_2044, %shift_right_arithmetic3A_1403 : i32
        %get3A_2046 = arith.index_cast %add3A_2045 : i32 to index
        %get3A_2047 = arith.index_cast %multiple_of3A_1901 : i32 to index
        %get3A_2048 = tpu.vector_load %arg8[%get3A_2046, %get3A_2047] {strides = array<i32>} : memref<304x256xf32, #tpu.memory_space<vmem>>, vector<1x16xf32>,
        %get3A_2049 = vector.shape_cast %get3A_2048 : vector<1x16xf32> to vector<16xf32>
        %max3A_2050 = arith.maximumf %max3A_2039, %get3A_2049 : vector<16xf32>
        %eq3A_2051 = arith.constant 12 : i32
        %eq3A_2052 = vector.broadcast %eq3A_2051 : i32 to vector<16xi32>
        %eq3A_2053 = arith.cmpi eq, %min3A_1916, %eq3A_2052 : vector<16xi32>
        %select_n3A_2054 = arith.select %eq3A_2053, %get3A_2049, %select_n3A_2043 : vector<16xi1>, vector<16xf32>
        %add3A_2055 = arith.constant 256 : i32
        %add3A_2056 = arith.addi %add3A_2055, %shift_right_arithmetic3A_1403 : i32
        %get3A_2057 = arith.index_cast %add3A_2056 : i32 to index
        %get3A_2058 = arith.index_cast %multiple_of3A_1901 : i32 to index
        %get3A_2059 = tpu.vector_load %arg8[%get3A_2057, %get3A_2058] {strides = array<i32>} : memref<304x256xf32, #tpu.memory_space<vmem>>, vector<1x16xf32>,
        %get3A_2060 = vector.shape_cast %get3A_2059 : vector<1x16xf32> to vector<16xf32>
        %max3A_2061 = arith.maximumf %max3A_2050, %get3A_2060 : vector<16xf32>
        %eq3A_2062 = arith.constant 13 : i32
        %eq3A_2063 = vector.broadcast %eq3A_2062 : i32 to vector<16xi32>
        %eq3A_2064 = arith.cmpi eq, %min3A_1916, %eq3A_2063 : vector<16xi32>
        %select_n3A_2065 = arith.select %eq3A_2064, %get3A_2060, %select_n3A_2054 : vector<16xi1>, vector<16xf32>
        %add3A_2066 = arith.constant 264 : i32
        %add3A_2067 = arith.addi %add3A_2066, %shift_right_arithmetic3A_1403 : i32
        %get3A_2068 = arith.index_cast %add3A_2067 : i32 to index
        %get3A_2069 = arith.index_cast %multiple_of3A_1901 : i32 to index
        %get3A_2070 = tpu.vector_load %arg8[%get3A_2068, %get3A_2069] {strides = array<i32>} : memref<304x256xf32, #tpu.memory_space<vmem>>, vector<1x16xf32>,
        %get3A_2071 = vector.shape_cast %get3A_2070 : vector<1x16xf32> to vector<16xf32>
        %max3A_2072 = arith.maximumf %max3A_2061, %get3A_2071 : vector<16xf32>
        %eq3A_2073 = arith.constant 14 : i32
        %eq3A_2074 = vector.broadcast %eq3A_2073 : i32 to vector<16xi32>
        %eq3A_2075 = arith.cmpi eq, %min3A_1916, %eq3A_2074 : vector<16xi32>
        %select_n3A_2076 = arith.select %eq3A_2075, %get3A_2071, %select_n3A_2065 : vector<16xi1>, vector<16xf32>
        %add3A_2077 = arith.constant 272 : i32
        %add3A_2078 = arith.addi %add3A_2077, %shift_right_arithmetic3A_1403 : i32
        %get3A_2079 = arith.index_cast %add3A_2078 : i32 to index
        %get3A_2080 = arith.index_cast %multiple_of3A_1901 : i32 to index
        %get3A_2081 = tpu.vector_load %arg8[%get3A_2079, %get3A_2080] {strides = array<i32>} : memref<304x256xf32, #tpu.memory_space<vmem>>, vector<1x16xf32>,
        %get3A_2082 = vector.shape_cast %get3A_2081 : vector<1x16xf32> to vector<16xf32>
        %max3A_2083 = arith.maximumf %max3A_2072, %get3A_2082 : vector<16xf32>
        %eq3A_2084 = arith.constant 15 : i32
        %eq3A_2085 = vector.broadcast %eq3A_2084 : i32 to vector<16xi32>
        %eq3A_2086 = arith.cmpi eq, %min3A_1916, %eq3A_2085 : vector<16xi32>
        %select_n3A_2087 = arith.select %eq3A_2086, %get3A_2082, %select_n3A_2076 : vector<16xi1>, vector<16xf32>
        %add3A_2088 = arith.constant 280 : i32
        %add3A_2089 = arith.addi %add3A_2088, %shift_right_arithmetic3A_1403 : i32
        %get3A_2090 = arith.index_cast %add3A_2089 : i32 to index
        %get3A_2091 = arith.index_cast %multiple_of3A_1901 : i32 to index
        %get3A_2092 = tpu.vector_load %arg8[%get3A_2090, %get3A_2091] {strides = array<i32>} : memref<304x256xf32, #tpu.memory_space<vmem>>, vector<1x16xf32>,
        %get3A_2093 = vector.shape_cast %get3A_2092 : vector<1x16xf32> to vector<16xf32>
        %max3A_2094 = arith.maximumf %max3A_2083, %get3A_2093 : vector<16xf32>
        %eq3A_2095 = arith.constant 16 : i32
        %eq3A_2096 = vector.broadcast %eq3A_2095 : i32 to vector<16xi32>
        %eq3A_2097 = arith.cmpi eq, %min3A_1916, %eq3A_2096 : vector<16xi32>
        %select_n3A_2098 = arith.select %eq3A_2097, %get3A_2093, %select_n3A_2087 : vector<16xi1>, vector<16xf32>
        %add3A_2099 = arith.constant 288 : i32
        %add3A_2100 = arith.addi %add3A_2099, %shift_right_arithmetic3A_1403 : i32
        %get3A_2101 = arith.index_cast %add3A_2100 : i32 to index
        %get3A_2102 = arith.index_cast %multiple_of3A_1901 : i32 to index
        %get3A_2103 = tpu.vector_load %arg8[%get3A_2101, %get3A_2102] {strides = array<i32>} : memref<304x256xf32, #tpu.memory_space<vmem>>, vector<1x16xf32>,
        %get3A_2104 = vector.shape_cast %get3A_2103 : vector<1x16xf32> to vector<16xf32>
        %max3A_2105 = arith.maximumf %max3A_2094, %get3A_2104 : vector<16xf32>
        %eq3A_2106 = arith.constant 17 : i32
        %eq3A_2107 = vector.broadcast %eq3A_2106 : i32 to vector<16xi32>
        %eq3A_2108 = arith.cmpi eq, %min3A_1916, %eq3A_2107 : vector<16xi32>
        %select_n3A_2109 = arith.select %eq3A_2108, %get3A_2104, %select_n3A_2098 : vector<16xi1>, vector<16xf32>
        %add3A_2110 = arith.constant 296 : i32
        %add3A_2111 = arith.addi %add3A_2110, %shift_right_arithmetic3A_1403 : i32
        %get3A_2112 = arith.index_cast %add3A_2111 : i32 to index
        %get3A_2113 = arith.index_cast %multiple_of3A_1901 : i32 to index
        %get3A_2114 = tpu.vector_load %arg8[%get3A_2112, %get3A_2113] {strides = array<i32>} : memref<304x256xf32, #tpu.memory_space<vmem>>, vector<1x16xf32>,
        %get3A_2115 = vector.shape_cast %get3A_2114 : vector<1x16xf32> to vector<16xf32>
        %max3A_2116 = arith.maximumf %max3A_2105, %get3A_2115 : vector<16xf32>
        %eq3A_2117 = arith.constant 18 : i32
        %eq3A_2118 = vector.broadcast %eq3A_2117 : i32 to vector<16xi32>
        %eq3A_2119 = arith.cmpi eq, %min3A_1916, %eq3A_2118 : vector<16xi32>
        %select_n3A_2120 = arith.select %eq3A_2119, %get3A_2115, %select_n3A_2109 : vector<16xi1>, vector<16xf32>
        %add3A_2121 = arith.constant 152 : i32
        %add3A_2122 = arith.addi %add3A_2121, %shift_right_arithmetic3A_1403 : i32
        %get3A_2123 = arith.index_cast %add3A_2122 : i32 to index
        %get3A_2124 = arith.index_cast %multiple_of3A_1901 : i32 to index
        %get3A_2125 = tpu.vector_load %arg8[%get3A_2123, %get3A_2124] {strides = array<i32>} : memref<304x256xf32, #tpu.memory_space<vmem>>, vector<1x16xf32>,
        %get3A_2126 = vector.shape_cast %get3A_2125 : vector<1x16xf32> to vector<16xf32>
        %sub3A_2127 = arith.subf %get3A_2126, %max3A_2116 : vector<16xf32>
        %exp3A_2128 = math.exp %sub3A_2127 : vector<16xf32>
        %add3A_2129 = arith.constant 160 : i32
        %add3A_2130 = arith.addi %add3A_2129, %shift_right_arithmetic3A_1403 : i32
        %get3A_2131 = arith.index_cast %add3A_2130 : i32 to index
        %get3A_2132 = arith.index_cast %multiple_of3A_1901 : i32 to index
        %get3A_2133 = tpu.vector_load %arg8[%get3A_2131, %get3A_2132] {strides = array<i32>} : memref<304x256xf32, #tpu.memory_space<vmem>>, vector<1x16xf32>,
        %get3A_2134 = vector.shape_cast %get3A_2133 : vector<1x16xf32> to vector<16xf32>
        %sub3A_2135 = arith.subf %get3A_2134, %max3A_2116 : vector<16xf32>
        %exp3A_2136 = math.exp %sub3A_2135 : vector<16xf32>
        %add3A_2137 = arith.constant 168 : i32
        %add3A_2138 = arith.addi %add3A_2137, %shift_right_arithmetic3A_1403 : i32
        %get3A_2139 = arith.index_cast %add3A_2138 : i32 to index
        %get3A_2140 = arith.index_cast %multiple_of3A_1901 : i32 to index
        %get3A_2141 = tpu.vector_load %arg8[%get3A_2139, %get3A_2140] {strides = array<i32>} : memref<304x256xf32, #tpu.memory_space<vmem>>, vector<1x16xf32>,
        %get3A_2142 = vector.shape_cast %get3A_2141 : vector<1x16xf32> to vector<16xf32>
        %sub3A_2143 = arith.subf %get3A_2142, %max3A_2116 : vector<16xf32>
        %exp3A_2144 = math.exp %sub3A_2143 : vector<16xf32>
        %add3A_2145 = arith.constant 176 : i32
        %add3A_2146 = arith.addi %add3A_2145, %shift_right_arithmetic3A_1403 : i32
        %get3A_2147 = arith.index_cast %add3A_2146 : i32 to index
        %get3A_2148 = arith.index_cast %multiple_of3A_1901 : i32 to index
        %get3A_2149 = tpu.vector_load %arg8[%get3A_2147, %get3A_2148] {strides = array<i32>} : memref<304x256xf32, #tpu.memory_space<vmem>>, vector<1x16xf32>,
        %get3A_2150 = vector.shape_cast %get3A_2149 : vector<1x16xf32> to vector<16xf32>
        %sub3A_2151 = arith.subf %get3A_2150, %max3A_2116 : vector<16xf32>
        %exp3A_2152 = math.exp %sub3A_2151 : vector<16xf32>
        %add3A_2153 = arith.constant 184 : i32
        %add3A_2154 = arith.addi %add3A_2153, %shift_right_arithmetic3A_1403 : i32
        %get3A_2155 = arith.index_cast %add3A_2154 : i32 to index
        %get3A_2156 = arith.index_cast %multiple_of3A_1901 : i32 to index
        %get3A_2157 = tpu.vector_load %arg8[%get3A_2155, %get3A_2156] {strides = array<i32>} : memref<304x256xf32, #tpu.memory_space<vmem>>, vector<1x16xf32>,
        %get3A_2158 = vector.shape_cast %get3A_2157 : vector<1x16xf32> to vector<16xf32>
        %sub3A_2159 = arith.subf %get3A_2158, %max3A_2116 : vector<16xf32>
        %exp3A_2160 = math.exp %sub3A_2159 : vector<16xf32>
        %add3A_2161 = arith.constant 192 : i32
        %add3A_2162 = arith.addi %add3A_2161, %shift_right_arithmetic3A_1403 : i32
        %get3A_2163 = arith.index_cast %add3A_2162 : i32 to index
        %get3A_2164 = arith.index_cast %multiple_of3A_1901 : i32 to index
        %get3A_2165 = tpu.vector_load %arg8[%get3A_2163, %get3A_2164] {strides = array<i32>} : memref<304x256xf32, #tpu.memory_space<vmem>>, vector<1x16xf32>,
        %get3A_2166 = vector.shape_cast %get3A_2165 : vector<1x16xf32> to vector<16xf32>
        %sub3A_2167 = arith.subf %get3A_2166, %max3A_2116 : vector<16xf32>
        %exp3A_2168 = math.exp %sub3A_2167 : vector<16xf32>
        %add3A_2169 = arith.constant 200 : i32
        %add3A_2170 = arith.addi %add3A_2169, %shift_right_arithmetic3A_1403 : i32
        %get3A_2171 = arith.index_cast %add3A_2170 : i32 to index
        %get3A_2172 = arith.index_cast %multiple_of3A_1901 : i32 to index
        %get3A_2173 = tpu.vector_load %arg8[%get3A_2171, %get3A_2172] {strides = array<i32>} : memref<304x256xf32, #tpu.memory_space<vmem>>, vector<1x16xf32>,
        %get3A_2174 = vector.shape_cast %get3A_2173 : vector<1x16xf32> to vector<16xf32>
        %sub3A_2175 = arith.subf %get3A_2174, %max3A_2116 : vector<16xf32>
        %exp3A_2176 = math.exp %sub3A_2175 : vector<16xf32>
        %add3A_2177 = arith.constant 208 : i32
        %add3A_2178 = arith.addi %add3A_2177, %shift_right_arithmetic3A_1403 : i32
        %get3A_2179 = arith.index_cast %add3A_2178 : i32 to index
        %get3A_2180 = arith.index_cast %multiple_of3A_1901 : i32 to index
        %get3A_2181 = tpu.vector_load %arg8[%get3A_2179, %get3A_2180] {strides = array<i32>} : memref<304x256xf32, #tpu.memory_space<vmem>>, vector<1x16xf32>,
        %get3A_2182 = vector.shape_cast %get3A_2181 : vector<1x16xf32> to vector<16xf32>
        %sub3A_2183 = arith.subf %get3A_2182, %max3A_2116 : vector<16xf32>
        %exp3A_2184 = math.exp %sub3A_2183 : vector<16xf32>
        %add3A_2185 = arith.constant 216 : i32
        %add3A_2186 = arith.addi %add3A_2185, %shift_right_arithmetic3A_1403 : i32
        %get3A_2187 = arith.index_cast %add3A_2186 : i32 to index
        %get3A_2188 = arith.index_cast %multiple_of3A_1901 : i32 to index
        %get3A_2189 = tpu.vector_load %arg8[%get3A_2187, %get3A_2188] {strides = array<i32>} : memref<304x256xf32, #tpu.memory_space<vmem>>, vector<1x16xf32>,
        %get3A_2190 = vector.shape_cast %get3A_2189 : vector<1x16xf32> to vector<16xf32>
        %sub3A_2191 = arith.subf %get3A_2190, %max3A_2116 : vector<16xf32>
        %exp3A_2192 = math.exp %sub3A_2191 : vector<16xf32>
        %add3A_2193 = arith.constant 224 : i32
        %add3A_2194 = arith.addi %add3A_2193, %shift_right_arithmetic3A_1403 : i32
        %get3A_2195 = arith.index_cast %add3A_2194 : i32 to index
        %get3A_2196 = arith.index_cast %multiple_of3A_1901 : i32 to index
        %get3A_2197 = tpu.vector_load %arg8[%get3A_2195, %get3A_2196] {strides = array<i32>} : memref<304x256xf32, #tpu.memory_space<vmem>>, vector<1x16xf32>,
        %get3A_2198 = vector.shape_cast %get3A_2197 : vector<1x16xf32> to vector<16xf32>
        %sub3A_2199 = arith.subf %get3A_2198, %max3A_2116 : vector<16xf32>
        %exp3A_2200 = math.exp %sub3A_2199 : vector<16xf32>
        %add3A_2201 = arith.constant 232 : i32
        %add3A_2202 = arith.addi %add3A_2201, %shift_right_arithmetic3A_1403 : i32
        %get3A_2203 = arith.index_cast %add3A_2202 : i32 to index
        %get3A_2204 = arith.index_cast %multiple_of3A_1901 : i32 to index
        %get3A_2205 = tpu.vector_load %arg8[%get3A_2203, %get3A_2204] {strides = array<i32>} : memref<304x256xf32, #tpu.memory_space<vmem>>, vector<1x16xf32>,
        %get3A_2206 = vector.shape_cast %get3A_2205 : vector<1x16xf32> to vector<16xf32>
        %sub3A_2207 = arith.subf %get3A_2206, %max3A_2116 : vector<16xf32>
        %exp3A_2208 = math.exp %sub3A_2207 : vector<16xf32>
        %add3A_2209 = arith.constant 240 : i32
        %add3A_2210 = arith.addi %add3A_2209, %shift_right_arithmetic3A_1403 : i32
        %get3A_2211 = arith.index_cast %add3A_2210 : i32 to index
        %get3A_2212 = arith.index_cast %multiple_of3A_1901 : i32 to index
        %get3A_2213 = tpu.vector_load %arg8[%get3A_2211, %get3A_2212] {strides = array<i32>} : memref<304x256xf32, #tpu.memory_space<vmem>>, vector<1x16xf32>,
        %get3A_2214 = vector.shape_cast %get3A_2213 : vector<1x16xf32> to vector<16xf32>
        %sub3A_2215 = arith.subf %get3A_2214, %max3A_2116 : vector<16xf32>
        %exp3A_2216 = math.exp %sub3A_2215 : vector<16xf32>
        %add3A_2217 = arith.constant 248 : i32
        %add3A_2218 = arith.addi %add3A_2217, %shift_right_arithmetic3A_1403 : i32
        %get3A_2219 = arith.index_cast %add3A_2218 : i32 to index
        %get3A_2220 = arith.index_cast %multiple_of3A_1901 : i32 to index
        %get3A_2221 = tpu.vector_load %arg8[%get3A_2219, %get3A_2220] {strides = array<i32>} : memref<304x256xf32, #tpu.memory_space<vmem>>, vector<1x16xf32>,
        %get3A_2222 = vector.shape_cast %get3A_2221 : vector<1x16xf32> to vector<16xf32>
        %sub3A_2223 = arith.subf %get3A_2222, %max3A_2116 : vector<16xf32>
        %exp3A_2224 = math.exp %sub3A_2223 : vector<16xf32>
        %add3A_2225 = arith.constant 256 : i32
        %add3A_2226 = arith.addi %add3A_2225, %shift_right_arithmetic3A_1403 : i32
        %get3A_2227 = arith.index_cast %add3A_2226 : i32 to index
        %get3A_2228 = arith.index_cast %multiple_of3A_1901 : i32 to index
        %get3A_2229 = tpu.vector_load %arg8[%get3A_2227, %get3A_2228] {strides = array<i32>} : memref<304x256xf32, #tpu.memory_space<vmem>>, vector<1x16xf32>,
        %get3A_2230 = vector.shape_cast %get3A_2229 : vector<1x16xf32> to vector<16xf32>
        %sub3A_2231 = arith.subf %get3A_2230, %max3A_2116 : vector<16xf32>
        %exp3A_2232 = math.exp %sub3A_2231 : vector<16xf32>
        %add3A_2233 = arith.constant 264 : i32
        %add3A_2234 = arith.addi %add3A_2233, %shift_right_arithmetic3A_1403 : i32
        %get3A_2235 = arith.index_cast %add3A_2234 : i32 to index
        %get3A_2236 = arith.index_cast %multiple_of3A_1901 : i32 to index
        %get3A_2237 = tpu.vector_load %arg8[%get3A_2235, %get3A_2236] {strides = array<i32>} : memref<304x256xf32, #tpu.memory_space<vmem>>, vector<1x16xf32>,
        %get3A_2238 = vector.shape_cast %get3A_2237 : vector<1x16xf32> to vector<16xf32>
        %sub3A_2239 = arith.subf %get3A_2238, %max3A_2116 : vector<16xf32>
        %exp3A_2240 = math.exp %sub3A_2239 : vector<16xf32>
        %add3A_2241 = arith.constant 272 : i32
        %add3A_2242 = arith.addi %add3A_2241, %shift_right_arithmetic3A_1403 : i32
        %get3A_2243 = arith.index_cast %add3A_2242 : i32 to index
        %get3A_2244 = arith.index_cast %multiple_of3A_1901 : i32 to index
        %get3A_2245 = tpu.vector_load %arg8[%get3A_2243, %get3A_2244] {strides = array<i32>} : memref<304x256xf32, #tpu.memory_space<vmem>>, vector<1x16xf32>,
        %get3A_2246 = vector.shape_cast %get3A_2245 : vector<1x16xf32> to vector<16xf32>
        %sub3A_2247 = arith.subf %get3A_2246, %max3A_2116 : vector<16xf32>
        %exp3A_2248 = math.exp %sub3A_2247 : vector<16xf32>
        %add3A_2249 = arith.constant 280 : i32
        %add3A_2250 = arith.addi %add3A_2249, %shift_right_arithmetic3A_1403 : i32
        %get3A_2251 = arith.index_cast %add3A_2250 : i32 to index
        %get3A_2252 = arith.index_cast %multiple_of3A_1901 : i32 to index
        %get3A_2253 = tpu.vector_load %arg8[%get3A_2251, %get3A_2252] {strides = array<i32>} : memref<304x256xf32, #tpu.memory_space<vmem>>, vector<1x16xf32>,
        %get3A_2254 = vector.shape_cast %get3A_2253 : vector<1x16xf32> to vector<16xf32>
        %sub3A_2255 = arith.subf %get3A_2254, %max3A_2116 : vector<16xf32>
        %exp3A_2256 = math.exp %sub3A_2255 : vector<16xf32>
        %add3A_2257 = arith.constant 288 : i32
        %add3A_2258 = arith.addi %add3A_2257, %shift_right_arithmetic3A_1403 : i32
        %get3A_2259 = arith.index_cast %add3A_2258 : i32 to index
        %get3A_2260 = arith.index_cast %multiple_of3A_1901 : i32 to index
        %get3A_2261 = tpu.vector_load %arg8[%get3A_2259, %get3A_2260] {strides = array<i32>} : memref<304x256xf32, #tpu.memory_space<vmem>>, vector<1x16xf32>,
        %get3A_2262 = vector.shape_cast %get3A_2261 : vector<1x16xf32> to vector<16xf32>
        %sub3A_2263 = arith.subf %get3A_2262, %max3A_2116 : vector<16xf32>
        %exp3A_2264 = math.exp %sub3A_2263 : vector<16xf32>
        %add3A_2265 = arith.constant 296 : i32
        %add3A_2266 = arith.addi %add3A_2265, %shift_right_arithmetic3A_1403 : i32
        %get3A_2267 = arith.index_cast %add3A_2266 : i32 to index
        %get3A_2268 = arith.index_cast %multiple_of3A_1901 : i32 to index
        %get3A_2269 = tpu.vector_load %arg8[%get3A_2267, %get3A_2268] {strides = array<i32>} : memref<304x256xf32, #tpu.memory_space<vmem>>, vector<1x16xf32>,
        %get3A_2270 = vector.shape_cast %get3A_2269 : vector<1x16xf32> to vector<16xf32>
        %sub3A_2271 = arith.subf %get3A_2270, %max3A_2116 : vector<16xf32>
        %exp3A_2272 = math.exp %sub3A_2271 : vector<16xf32>
        %add3A_2273 = arith.addf %exp3A_2128, %exp3A_2136 : vector<16xf32>
        %add3A_2274 = arith.addf %exp3A_2144, %exp3A_2152 : vector<16xf32>
        %add3A_2275 = arith.addf %exp3A_2160, %exp3A_2168 : vector<16xf32>
        %add3A_2276 = arith.addf %exp3A_2176, %exp3A_2184 : vector<16xf32>
        %add3A_2277 = arith.addf %exp3A_2192, %exp3A_2200 : vector<16xf32>
        %add3A_2278 = arith.addf %exp3A_2208, %exp3A_2216 : vector<16xf32>
        %add3A_2279 = arith.addf %exp3A_2224, %exp3A_2232 : vector<16xf32>
        %add3A_2280 = arith.addf %exp3A_2240, %exp3A_2248 : vector<16xf32>
        %add3A_2281 = arith.addf %exp3A_2256, %exp3A_2264 : vector<16xf32>
        %add3A_2282 = arith.addf %add3A_2273, %add3A_2274 : vector<16xf32>
        %add3A_2283 = arith.addf %add3A_2275, %add3A_2276 : vector<16xf32>
        %add3A_2284 = arith.addf %add3A_2277, %add3A_2278 : vector<16xf32>
        %add3A_2285 = arith.addf %add3A_2279, %add3A_2280 : vector<16xf32>
        %add3A_2286 = arith.addf %add3A_2281, %exp3A_2272 : vector<16xf32>
        %add3A_2287 = arith.addf %add3A_2282, %add3A_2283 : vector<16xf32>
        %add3A_2288 = arith.addf %add3A_2284, %add3A_2285 : vector<16xf32>
        %add3A_2289 = arith.addf %add3A_2287, %add3A_2288 : vector<16xf32>
        %add3A_2290 = arith.addf %add3A_2289, %add3A_2286 : vector<16xf32>
        %bitcast_convert_type3A_2291 = tpu.bitcast %add3A_2290 : vector<16xf32> -> vector<16xi32>
        %shift_right_arithmetic3A_2292 = arith.constant 23 : i32
        %shift_right_arithmetic3A_2293 = vector.broadcast %shift_right_arithmetic3A_2292 : i32 to vector<16xi32>
        %shift_right_arithmetic3A_2294 = arith.shrsi %bitcast_convert_type3A_2291, %shift_right_arithmetic3A_2293 : vector<16xi32>
        %sub3A_2295 = arith.constant 127 : i32
        %sub3A_2296 = vector.broadcast %sub3A_2295 : i32 to vector<16xi32>
        %sub3A_2297 = arith.subi %shift_right_arithmetic3A_2294, %sub3A_2296 : vector<16xi32>
        %and3A_2298 = arith.constant 8388607 : i32
        %and3A_2299 = vector.broadcast %and3A_2298 : i32 to vector<16xi32>
        %and3A_2300 = arith.andi %bitcast_convert_type3A_2291, %and3A_2299 : vector<16xi32>
        %or3A_2301 = arith.constant 1065353216 : i32
        %or3A_2302 = vector.broadcast %or3A_2301 : i32 to vector<16xi32>
        %or3A_2303 = arith.ori %and3A_2300, %or3A_2302 : vector<16xi32>
        %bitcast_convert_type3A_2304 = tpu.bitcast %or3A_2303 : vector<16xi32> -> vector<16xf32>
        %gt3A_2305 = arith.constant 1.41421354 : f32
        %gt3A_2306 = vector.broadcast %gt3A_2305 : f32 to vector<16xf32>
        %gt3A_2307 = arith.cmpf ogt, %bitcast_convert_type3A_2304, %gt3A_2306 : vector<16xf32>
        %mul3A_2308 = arith.constant 5.000000e-01 : f32
        %mul3A_2309 = vector.broadcast %mul3A_2308 : f32 to vector<16xf32>
        %mul3A_2310 = arith.mulf %bitcast_convert_type3A_2304, %mul3A_2309 : vector<16xf32>
        %select_n3A_2311 = arith.select %gt3A_2307, %mul3A_2310, %bitcast_convert_type3A_2304 : vector<16xi1>, vector<16xf32>
        %jit3A_2312 = arith.constant 1 : i32
        %jit3A_2313 = arith.constant 0 : i32
        %broadcast_in_dim3A_2314 = vector.broadcast %jit3A_2312 : i32 to vector<16xi32>
        %broadcast_in_dim3A_2315 = vector.broadcast %jit3A_2313 : i32 to vector<16xi32>
        %select_n3A_2316 = arith.select %gt3A_2307, %broadcast_in_dim3A_2314, %broadcast_in_dim3A_2315 : vector<16xi1>, vector<16xi32>
        %add3A_2317 = arith.addi %sub3A_2297, %select_n3A_2316 : vector<16xi32>
        %convert_element_type3A_2318 = arith.sitofp %add3A_2317 : vector<16xi32> to vector<16xf32>
        %sub3A_2319 = arith.constant 1.000000e+00 : f32
        %sub3A_2320 = vector.broadcast %sub3A_2319 : f32 to vector<16xf32>
        %sub3A_2321 = arith.subf %select_n3A_2311, %sub3A_2320 : vector<16xf32>
        %mul3A_2322 = arith.mulf %sub3A_2321, %sub3A_2321 : vector<16xf32>
        %mul3A_2323 = arith.mulf %mul3A_2322, %mul3A_2322 : vector<16xf32>
        %mul3A_2324 = arith.constant -0.24999994 : f32
        %mul3A_2325 = vector.broadcast %mul3A_2324 : f32 to vector<16xf32>
        %mul3A_2326 = arith.mulf %mul3A_2325, %sub3A_2321 : vector<16xf32>
        %add3A_2327 = arith.constant 0.333333313 : f32
        %add3A_2328 = vector.broadcast %add3A_2327 : f32 to vector<16xf32>
        %add3A_2329 = arith.addf %mul3A_2326, %add3A_2328 : vector<16xf32>
        %mul3A_2330 = arith.constant -0.166680574 : f32
        %mul3A_2331 = vector.broadcast %mul3A_2330 : f32 to vector<16xf32>
        %mul3A_2332 = arith.mulf %mul3A_2331, %sub3A_2321 : vector<16xf32>
        %add3A_2333 = arith.constant 0.200007141 : f32
        %add3A_2334 = vector.broadcast %add3A_2333 : f32 to vector<16xf32>
        %add3A_2335 = arith.addf %mul3A_2332, %add3A_2334 : vector<16xf32>
        %mul3A_2336 = arith.constant -0.12420141 : f32
        %mul3A_2337 = vector.broadcast %mul3A_2336 : f32 to vector<16xf32>
        %mul3A_2338 = arith.mulf %mul3A_2337, %sub3A_2321 : vector<16xf32>
        %add3A_2339 = arith.constant 0.142493233 : f32
        %add3A_2340 = vector.broadcast %add3A_2339 : f32 to vector<16xf32>
        %add3A_2341 = arith.addf %mul3A_2338, %add3A_2340 : vector<16xf32>
        %mul3A_2342 = arith.constant -0.115146101 : f32
        %mul3A_2343 = vector.broadcast %mul3A_2342 : f32 to vector<16xf32>
        %mul3A_2344 = arith.mulf %mul3A_2343, %sub3A_2321 : vector<16xf32>
        %add3A_2345 = arith.constant 0.116769984 : f32
        %add3A_2346 = vector.broadcast %add3A_2345 : f32 to vector<16xf32>
        %add3A_2347 = arith.addf %mul3A_2344, %add3A_2346 : vector<16xf32>
        %mul3A_2348 = arith.mulf %add3A_2335, %mul3A_2322 : vector<16xf32>
        %add3A_2349 = arith.addf %mul3A_2348, %add3A_2329 : vector<16xf32>
        %mul3A_2350 = arith.mulf %add3A_2347, %mul3A_2322 : vector<16xf32>
        %add3A_2351 = arith.addf %mul3A_2350, %add3A_2341 : vector<16xf32>
        %mul3A_2352 = arith.constant 0.0703768358 : f32
        %mul3A_2353 = vector.broadcast %mul3A_2352 : f32 to vector<16xf32>
        %mul3A_2354 = arith.mulf %mul3A_2353, %mul3A_2323 : vector<16xf32>
        %add3A_2355 = arith.addf %mul3A_2354, %add3A_2351 : vector<16xf32>
        %mul3A_2356 = arith.mulf %add3A_2355, %mul3A_2323 : vector<16xf32>
        %add3A_2357 = arith.addf %mul3A_2356, %add3A_2349 : vector<16xf32>
        %mul3A_2358 = arith.mulf %sub3A_2321, %mul3A_2322 : vector<16xf32>
        %mul3A_2359 = arith.mulf %mul3A_2358, %add3A_2357 : vector<16xf32>
        %mul3A_2360 = arith.constant 5.000000e-01 : f32
        %mul3A_2361 = vector.broadcast %mul3A_2360 : f32 to vector<16xf32>
        %mul3A_2362 = arith.mulf %mul3A_2361, %mul3A_2322 : vector<16xf32>
        %sub3A_2363 = arith.subf %mul3A_2359, %mul3A_2362 : vector<16xf32>
        %add3A_2364 = arith.addf %sub3A_2321, %sub3A_2363 : vector<16xf32>
        %mul3A_2365 = arith.constant 0.693147182 : f32
        %mul3A_2366 = vector.broadcast %mul3A_2365 : f32 to vector<16xf32>
        %mul3A_2367 = arith.mulf %convert_element_type3A_2318, %mul3A_2366 : vector<16xf32>
        %add3A_2368 = arith.addf %add3A_2364, %mul3A_2367 : vector<16xf32>
        %sub3A_2369 = arith.subf %select_n3A_2120, %max3A_2116 : vector<16xf32>
        %sub3A_2370 = arith.subf %add3A_2368, %sub3A_2369 : vector<16xf32>
        %jit3A_2371 = arith.constant 0.000000e+00 : f32
        %broadcast_in_dim3A_2372 = vector.broadcast %jit3A_2371 : f32 to vector<16xf32>
        %select_n3A_2373 = arith.select %ne3A_1910, %sub3A_2370, %broadcast_in_dim3A_2372 : vector<16xi1>, vector<16xf32>
        %gt3A_2374 = arith.constant 0.356674939 : f32
        %gt3A_2375 = vector.broadcast %gt3A_2374 : f32 to vector<16xf32>
        %gt3A_2376 = arith.cmpf ogt, %select_n3A_2373, %gt3A_2375 : vector<16xf32>
        %jit3A_2377 = arith.constant 1.000000e+00 : f32
        %jit3A_2378 = arith.constant 0.000000e+00 : f32
        %broadcast_in_dim3A_2379 = vector.broadcast %jit3A_2377 : f32 to vector<16xf32>
        %broadcast_in_dim3A_2380 = vector.broadcast %jit3A_2378 : f32 to vector<16xf32>
        %select_n3A_2381 = arith.select %gt3A_2376, %broadcast_in_dim3A_2379, %broadcast_in_dim3A_2380 : vector<16xi1>, vector<16xf32>
        %add3A_2382 = arith.addf %add3A_1881, %select_n3A_2381 : vector<16xf32>
        %jit3A_2383 = arith.constant 0.000000e+00 : f32
        %broadcast_in_dim3A_2384 = vector.broadcast %jit3A_2383 : f32 to vector<16xf32>
        %select_n3A_2385 = arith.select %gt3A_2376, %select_n3A_2373, %broadcast_in_dim3A_2384 : vector<16xi1>, vector<16xf32>
        %add3A_2386 = arith.addf %add3A_1885, %select_n3A_2385 : vector<16xf32>
        %jit3A_2387 = arith.constant 1.000000e+00 : f32
        %jit3A_2388 = arith.constant 0.000000e+00 : f32
        %broadcast_in_dim3A_2389 = vector.broadcast %jit3A_2387 : f32 to vector<16xf32>
        %broadcast_in_dim3A_2390 = vector.broadcast %jit3A_2388 : f32 to vector<16xf32>
        %select_n3A_2391 = arith.select %ne3A_1910, %broadcast_in_dim3A_2389, %broadcast_in_dim3A_2390 : vector<16xi1>, vector<16xf32>
        %add3A_2392 = arith.addf %add3A_1891, %select_n3A_2391 : vector<16xf32>
        %add3A_2393 = arith.constant 8 : i32
        %add3A_2394 = arith.addi %add3A_2393, %shift_right_arithmetic3A_1403 : i32
        %swap3A_2395 = arith.index_cast %add3A_2394 : i32 to index
        %swap3A_2396 = arith.index_cast %multiple_of3A_1901 : i32 to index
        %swap3A_2397 = tpu.vector_load %arg10[%swap3A_2395, %swap3A_2396] {strides = array<i32>} : memref<16x256xf32, #tpu.memory_space<vmem>>, vector<1x16xf32>,
        %swap3A_2398 = vector.shape_cast %swap3A_2397 : vector<1x16xf32> to vector<16xf32>
        %swap3A_2399 = vector.shape_cast %select_n3A_2373 : vector<16xf32> to vector<1x16xf32>
        tpu.vector_store %arg10[%swap3A_2395, %swap3A_2396], %swap3A_2399 {strides = array<i32>} : memref<16x256xf32, #tpu.memory_space<vmem>>, vector<1x16xf32>,
        scf.yield %add3A_2382, %add3A_2386, %add3A_2392 : vector<16xf32>, vector<16xf32>, vector<16xf32>
      }
      %scan3A_1336 = arith.constant 64 : i32
      %jit3A_1337 = arith.constant 2 : i32
      %div3A_1338 = arith.divsi %add3A_1006, %jit3A_1337 : i32
      %sign3A_1339 = arith.constant 0 : i32
      %sign3A_1340 = arith.cmpi sgt, %add3A_1006, %sign3A_1339 : i32
      %sign3A_1341 = arith.extui %sign3A_1340 : i1 to i32
      %sign3A_1342 = arith.constant 0 : i32
      %sign3A_1343 = arith.cmpi slt, %add3A_1006, %sign3A_1342 : i32
      %sign3A_1344 = arith.extui %sign3A_1343 : i1 to i32
      %sign3A_1345 = arith.subi %sign3A_1341, %sign3A_1344 : i32
      %sign3A_1346 = arith.constant 0 : i32
      %sign3A_1347 = arith.cmpi sgt, %jit3A_1337, %sign3A_1346 : i32
      %sign3A_1348 = arith.extui %sign3A_1347 : i1 to i32
      %sign3A_1349 = arith.constant 0 : i32
      %sign3A_1350 = arith.cmpi slt, %jit3A_1337, %sign3A_1349 : i32
      %sign3A_1351 = arith.extui %sign3A_1350 : i1 to i32
      %sign3A_1352 = arith.subi %sign3A_1348, %sign3A_1351 : i32
      %ne3A_1353 = arith.cmpi ne, %sign3A_1345, %sign3A_1352 : i32
      %rem3A_1354 = arith.remsi %add3A_1006, %jit3A_1337 : i32
      %ne3A_1355 = arith.constant 0 : i32
      %ne3A_1356 = arith.cmpi ne, %rem3A_1354, %ne3A_1355 : i32
      %and3A_1357 = arith.andi %ne3A_1353, %ne3A_1356 : i1
      %sub3A_1358 = arith.constant 1 : i32
      %sub3A_1359 = arith.subi %div3A_1338, %sub3A_1358 : i32
      %select_n3A_1360 = arith.select %and3A_1357, %sub3A_1359, %div3A_1338 : i32
      %jit3A_1361 = arith.constant 2 : i32
      %eq3A_1362 = arith.constant 0 : i32
      %eq3A_1363 = arith.cmpi eq, %jit3A_1361, %eq3A_1362 : i32
      %jit3A_1364 = arith.constant 1 : i32
      %select_n3A_1365 = arith.select %eq3A_1363, %jit3A_1364, %jit3A_1361 : i32
      %rem3A_1366 = arith.remsi %add3A_1006, %select_n3A_1365 : i32
      %ne3A_1367 = arith.constant 0 : i32
      %ne3A_1368 = arith.cmpi ne, %rem3A_1366, %ne3A_1367 : i32
      %lt3A_1369 = arith.constant 0 : i32
      %lt3A_1370 = arith.cmpi slt, %rem3A_1366, %lt3A_1369 : i32
      %lt3A_1371 = arith.constant 0 : i32
      %lt3A_1372 = arith.cmpi slt, %select_n3A_1365, %lt3A_1371 : i32
      %ne3A_1373 = arith.xori %lt3A_1370, %lt3A_1372 : i1
      %and3A_1374 = arith.andi %ne3A_1373, %ne3A_1368 : i1
      %add3A_1375 = arith.addi %rem3A_1366, %select_n3A_1365 : i32
      %select_n3A_1376 = arith.select %and3A_1374, %add3A_1375, %rem3A_1366 : i32
      %mul3A_1377 = arith.constant 8 : i32
      %mul3A_1378 = arith.muli %select_n3A_1360, %mul3A_1377 : i32
      %add3A_1379 = arith.addi %mul3A_32, %mul3A_1378 : i32
      %mul3A_1380 = arith.constant 256 : i32
      %mul3A_1381 = arith.muli %select_n3A_1376, %mul3A_1380 : i32
      %dma_start3A_1382 = arith.constant 8 : i32
      %dma_start3A_1383 = arith.constant 0 : i32
      %dma_start3A_1384 = tpu.memref_slice %arg10[%dma_start3A_1382, %dma_start3A_1383] : memref<16x256xf32, #tpu.memory_space<vmem>> -> memref<8x256xf32, #tpu.memory_space<vmem>>
      %dma_start3A_1385 = tpu.memref_slice %arg4[%select_n3A, %add3A_1379, %mul3A_1381] : memref<2x512x512xf32, #tpu.memory_space<hbm>> -> memref<1x8x256xf32, #tpu.memory_space<hbm>>
      %dma_start3A_1386 = tpu.memref_squeeze %dma_start3A_1385 : memref<1x8x256xf32, #tpu.memory_space<hbm>> -> memref<8x256xf32, #tpu.memory_space<hbm>>
      %dma_start3A_1387 = tpu.memref_slice %arg4[%select_n3A, %add3A_1379, %mul3A_1381] : memref<2x512x512xf32, #tpu.memory_space<hbm>> -> memref<1x8x256xf32, #tpu.memory_space<hbm>>
      %dma_start3A_1388 = tpu.memref_squeeze %dma_start3A_1387 : memref<1x8x256xf32, #tpu.memory_space<hbm>> -> memref<8x256xf32, #tpu.memory_space<hbm>>
      %dma_start3A_1389 = arith.constant 8 : i32
      %dma_start3A_1390 = arith.constant 0 : i32
      %dma_start3A_1391 = tpu.memref_slice %arg10[%dma_start3A_1389, %dma_start3A_1390] : memref<16x256xf32, #tpu.memory_space<vmem>> -> memref<8x256xf32, #tpu.memory_space<vmem>>
      tpu.enqueue_dma source(%dma_start3A_1391 : memref<8x256xf32, #tpu.memory_space<vmem>>) target(%dma_start3A_1388 : memref<8x256xf32, #tpu.memory_space<hbm>>) target_semaphore(%arg13 : memref<!tpu.dma_semaphore, #tpu.memory_space<semaphore_mem>>)
      %add3A_1392 = arith.constant 2 : i32
      %add3A_1393 = arith.addi %add3A_1006, %add3A_1392 : i32
      %lt3A_1394 = arith.constant 8 : i32
      %lt3A_1395 = arith.cmpi slt, %add3A_1393, %lt3A_1394 : i32
      %convert_element_type3A_1396 = arith.extui %lt3A_1395 : i1 to i32
      %cond3A_1397 = arith.constant 0 : i32
      %cond3A_1398 = arith.cmpi ne, %convert_element_type3A_1396, %cond3A_1397 : i32
      scf.if %cond3A_1398 {
        %add3A_1399 = arith.constant 2 : i32
        %add3A_1400 = arith.addi %add3A_1006, %add3A_1399 : i32
        %jit3A_1401 = arith.constant 2 : i32
        %div3A_1402 = arith.divsi %add3A_1400, %jit3A_1401 : i32
        %sign3A_1403 = arith.constant 0 : i32
        %sign3A_1404 = arith.cmpi sgt, %add3A_1400, %sign3A_1403 : i32
        %sign3A_1405 = arith.extui %sign3A_1404 : i1 to i32
        %sign3A_1406 = arith.constant 0 : i32
        %sign3A_1407 = arith.cmpi slt, %add3A_1400, %sign3A_1406 : i32
        %sign3A_1408 = arith.extui %sign3A_1407 : i1 to i32
        %sign3A_1409 = arith.subi %sign3A_1405, %sign3A_1408 : i32
        %sign3A_1410 = arith.constant 0 : i32
        %sign3A_1411 = arith.cmpi sgt, %jit3A_1401, %sign3A_1410 : i32
        %sign3A_1412 = arith.extui %sign3A_1411 : i1 to i32
        %sign3A_1413 = arith.constant 0 : i32
        %sign3A_1414 = arith.cmpi slt, %jit3A_1401, %sign3A_1413 : i32
        %sign3A_1415 = arith.extui %sign3A_1414 : i1 to i32
        %sign3A_1416 = arith.subi %sign3A_1412, %sign3A_1415 : i32
        %ne3A_1417 = arith.cmpi ne, %sign3A_1409, %sign3A_1416 : i32
        %rem3A_1418 = arith.remsi %add3A_1400, %jit3A_1401 : i32
        %ne3A_1419 = arith.constant 0 : i32
        %ne3A_1420 = arith.cmpi ne, %rem3A_1418, %ne3A_1419 : i32
        %and3A_1421 = arith.andi %ne3A_1417, %ne3A_1420 : i1
        %sub3A_1422 = arith.constant 1 : i32
        %sub3A_1423 = arith.subi %div3A_1402, %sub3A_1422 : i32
        %select_n3A_1424 = arith.select %and3A_1421, %sub3A_1423, %div3A_1402 : i32
        %jit3A_1425 = arith.constant 2 : i32
        %eq3A_1426 = arith.constant 0 : i32
        %eq3A_1427 = arith.cmpi eq, %jit3A_1425, %eq3A_1426 : i32
        %jit3A_1428 = arith.constant 1 : i32
        %select_n3A_1429 = arith.select %eq3A_1427, %jit3A_1428, %jit3A_1425 : i32
        %rem3A_1430 = arith.remsi %add3A_1400, %select_n3A_1429 : i32
        %ne3A_1431 = arith.constant 0 : i32
        %ne3A_1432 = arith.cmpi ne, %rem3A_1430, %ne3A_1431 : i32
        %lt3A_1433 = arith.constant 0 : i32
        %lt3A_1434 = arith.cmpi slt, %rem3A_1430, %lt3A_1433 : i32
        %lt3A_1435 = arith.constant 0 : i32
        %lt3A_1436 = arith.cmpi slt, %select_n3A_1429, %lt3A_1435 : i32
        %ne3A_1437 = arith.xori %lt3A_1434, %lt3A_1436 : i1
        %and3A_1438 = arith.andi %ne3A_1437, %ne3A_1432 : i1
        %add3A_1439 = arith.addi %rem3A_1430, %select_n3A_1429 : i32
        %select_n3A_1440 = arith.select %and3A_1438, %add3A_1439, %rem3A_1430 : i32
        %mul3A_1441 = arith.constant 8 : i32
        %mul3A_1442 = arith.muli %select_n3A_1424, %mul3A_1441 : i32
        %add3A_1443 = arith.addi %mul3A_32, %mul3A_1442 : i32
        %mul3A_1444 = arith.constant 256 : i32
        %mul3A_1445 = arith.muli %select_n3A_1440, %mul3A_1444 : i32
        %dma_start3A_1446 = arith.constant 0 : i32
        %dma_start3A_1447 = arith.constant 152 : i32
        %dma_start3A_1448 = arith.constant 0 : i32
        %dma_start3A_1449 = tpu.memref_slice %arg8[%dma_start3A_1447, %dma_start3A_1448] : memref<304x256xf32, #tpu.memory_space<vmem>> -> memref<8x256xf32, #tpu.memory_space<vmem>>
        %dma_start3A_1450 = tpu.memref_slice %arg2[%select_n3A, %dma_start3A_1446, %add3A_1443, %mul3A_1445] : memref<8x19x512x512xf32, #tpu.memory_space<hbm>> -> memref<1x1x8x256xf32, #tpu.memory_space<hbm>>
        %dma_start3A_1451 = tpu.memref_squeeze %dma_start3A_1450 : memref<1x1x8x256xf32, #tpu.memory_space<hbm>> -> memref<8x256xf32, #tpu.memory_space<hbm>>
        %dma_start3A_1452 = arith.constant 152 : i32
        %dma_start3A_1453 = arith.constant 0 : i32
        %dma_start3A_1454 = tpu.memref_slice %arg8[%dma_start3A_1452, %dma_start3A_1453] : memref<304x256xf32, #tpu.memory_space<vmem>> -> memref<8x256xf32, #tpu.memory_space<vmem>>
        %dma_start3A_1455 = tpu.memref_slice %arg2[%select_n3A, %dma_start3A_1446, %add3A_1443, %mul3A_1445] : memref<8x19x512x512xf32, #tpu.memory_space<hbm>> -> memref<1x1x8x256xf32, #tpu.memory_space<hbm>>
        %dma_start3A_1456 = tpu.memref_squeeze %dma_start3A_1455 : memref<1x1x8x256xf32, #tpu.memory_space<hbm>> -> memref<8x256xf32, #tpu.memory_space<hbm>>
        tpu.enqueue_dma source(%dma_start3A_1456 : memref<8x256xf32, #tpu.memory_space<hbm>>) target(%dma_start3A_1454 : memref<8x256xf32, #tpu.memory_space<vmem>>) target_semaphore(%arg12 : memref<!tpu.dma_semaphore, #tpu.memory_space<semaphore_mem>>)
        %dma_start3A_1457 = arith.constant 1 : i32
        %dma_start3A_1458 = arith.constant 160 : i32
        %dma_start3A_1459 = arith.constant 0 : i32
        %dma_start3A_1460 = tpu.memref_slice %arg8[%dma_start3A_1458, %dma_start3A_1459] : memref<304x256xf32, #tpu.memory_space<vmem>> -> memref<8x256xf32, #tpu.memory_space<vmem>>
        %dma_start3A_1461 = tpu.memref_slice %arg2[%select_n3A, %dma_start3A_1457, %add3A_1443, %mul3A_1445] : memref<8x19x512x512xf32, #tpu.memory_space<hbm>> -> memref<1x1x8x256xf32, #tpu.memory_space<hbm>>
        %dma_start3A_1462 = tpu.memref_squeeze %dma_start3A_1461 : memref<1x1x8x256xf32, #tpu.memory_space<hbm>> -> memref<8x256xf32, #tpu.memory_space<hbm>>
        %dma_start3A_1463 = arith.constant 160 : i32
        %dma_start3A_1464 = arith.constant 0 : i32
        %dma_start3A_1465 = tpu.memref_slice %arg8[%dma_start3A_1463, %dma_start3A_1464] : memref<304x256xf32, #tpu.memory_space<vmem>> -> memref<8x256xf32, #tpu.memory_space<vmem>>
        %dma_start3A_1466 = tpu.memref_slice %arg2[%select_n3A, %dma_start3A_1457, %add3A_1443, %mul3A_1445] : memref<8x19x512x512xf32, #tpu.memory_space<hbm>> -> memref<1x1x8x256xf32, #tpu.memory_space<hbm>>
        %dma_start3A_1467 = tpu.memref_squeeze %dma_start3A_1466 : memref<1x1x8x256xf32, #tpu.memory_space<hbm>> -> memref<8x256xf32, #tpu.memory_space<hbm>>
        tpu.enqueue_dma source(%dma_start3A_1467 : memref<8x256xf32, #tpu.memory_space<hbm>>) target(%dma_start3A_1465 : memref<8x256xf32, #tpu.memory_space<vmem>>) target_semaphore(%arg12 : memref<!tpu.dma_semaphore, #tpu.memory_space<semaphore_mem>>)
        %dma_start3A_1468 = arith.constant 2 : i32
        %dma_start3A_1469 = arith.constant 168 : i32
        %dma_start3A_1470 = arith.constant 0 : i32
        %dma_start3A_1471 = tpu.memref_slice %arg8[%dma_start3A_1469, %dma_start3A_1470] : memref<304x256xf32, #tpu.memory_space<vmem>> -> memref<8x256xf32, #tpu.memory_space<vmem>>
        %dma_start3A_1472 = tpu.memref_slice %arg2[%select_n3A, %dma_start3A_1468, %add3A_1443, %mul3A_1445] : memref<8x19x512x512xf32, #tpu.memory_space<hbm>> -> memref<1x1x8x256xf32, #tpu.memory_space<hbm>>
        %dma_start3A_1473 = tpu.memref_squeeze %dma_start3A_1472 : memref<1x1x8x256xf32, #tpu.memory_space<hbm>> -> memref<8x256xf32, #tpu.memory_space<hbm>>
        %dma_start3A_1474 = arith.constant 168 : i32
        %dma_start3A_1475 = arith.constant 0 : i32
        %dma_start3A_1476 = tpu.memref_slice %arg8[%dma_start3A_1474, %dma_start3A_1475] : memref<304x256xf32, #tpu.memory_space<vmem>> -> memref<8x256xf32, #tpu.memory_space<vmem>>
        %dma_start3A_1477 = tpu.memref_slice %arg2[%select_n3A, %dma_start3A_1468, %add3A_1443, %mul3A_1445] : memref<8x19x512x512xf32, #tpu.memory_space<hbm>> -> memref<1x1x8x256xf32, #tpu.memory_space<hbm>>
        %dma_start3A_1478 = tpu.memref_squeeze %dma_start3A_1477 : memref<1x1x8x256xf32, #tpu.memory_space<hbm>> -> memref<8x256xf32, #tpu.memory_space<hbm>>
        tpu.enqueue_dma source(%dma_start3A_1478 : memref<8x256xf32, #tpu.memory_space<hbm>>) target(%dma_start3A_1476 : memref<8x256xf32, #tpu.memory_space<vmem>>) target_semaphore(%arg12 : memref<!tpu.dma_semaphore, #tpu.memory_space<semaphore_mem>>)
        %dma_start3A_1479 = arith.constant 3 : i32
        %dma_start3A_1480 = arith.constant 176 : i32
        %dma_start3A_1481 = arith.constant 0 : i32
        %dma_start3A_1482 = tpu.memref_slice %arg8[%dma_start3A_1480, %dma_start3A_1481] : memref<304x256xf32, #tpu.memory_space<vmem>> -> memref<8x256xf32, #tpu.memory_space<vmem>>
        %dma_start3A_1483 = tpu.memref_slice %arg2[%select_n3A, %dma_start3A_1479, %add3A_1443, %mul3A_1445] : memref<8x19x512x512xf32, #tpu.memory_space<hbm>> -> memref<1x1x8x256xf32, #tpu.memory_space<hbm>>
        %dma_start3A_1484 = tpu.memref_squeeze %dma_start3A_1483 : memref<1x1x8x256xf32, #tpu.memory_space<hbm>> -> memref<8x256xf32, #tpu.memory_space<hbm>>
        %dma_start3A_1485 = arith.constant 176 : i32
        %dma_start3A_1486 = arith.constant 0 : i32
        %dma_start3A_1487 = tpu.memref_slice %arg8[%dma_start3A_1485, %dma_start3A_1486] : memref<304x256xf32, #tpu.memory_space<vmem>> -> memref<8x256xf32, #tpu.memory_space<vmem>>
        %dma_start3A_1488 = tpu.memref_slice %arg2[%select_n3A, %dma_start3A_1479, %add3A_1443, %mul3A_1445] : memref<8x19x512x512xf32, #tpu.memory_space<hbm>> -> memref<1x1x8x256xf32, #tpu.memory_space<hbm>>
        %dma_start3A_1489 = tpu.memref_squeeze %dma_start3A_1488 : memref<1x1x8x256xf32, #tpu.memory_space<hbm>> -> memref<8x256xf32, #tpu.memory_space<hbm>>
        tpu.enqueue_dma source(%dma_start3A_1489 : memref<8x256xf32, #tpu.memory_space<hbm>>) target(%dma_start3A_1487 : memref<8x256xf32, #tpu.memory_space<vmem>>) target_semaphore(%arg12 : memref<!tpu.dma_semaphore, #tpu.memory_space<semaphore_mem>>)
        %dma_start3A_1490 = arith.constant 4 : i32
        %dma_start3A_1491 = arith.constant 184 : i32
        %dma_start3A_1492 = arith.constant 0 : i32
        %dma_start3A_1493 = tpu.memref_slice %arg8[%dma_start3A_1491, %dma_start3A_1492] : memref<304x256xf32, #tpu.memory_space<vmem>> -> memref<8x256xf32, #tpu.memory_space<vmem>>
        %dma_start3A_1494 = tpu.memref_slice %arg2[%select_n3A, %dma_start3A_1490, %add3A_1443, %mul3A_1445] : memref<8x19x512x512xf32, #tpu.memory_space<hbm>> -> memref<1x1x8x256xf32, #tpu.memory_space<hbm>>
        %dma_start3A_1495 = tpu.memref_squeeze %dma_start3A_1494 : memref<1x1x8x256xf32, #tpu.memory_space<hbm>> -> memref<8x256xf32, #tpu.memory_space<hbm>>
        %dma_start3A_1496 = arith.constant 184 : i32
        %dma_start3A_1497 = arith.constant 0 : i32
        %dma_start3A_1498 = tpu.memref_slice %arg8[%dma_start3A_1496, %dma_start3A_1497] : memref<304x256xf32, #tpu.memory_space<vmem>> -> memref<8x256xf32, #tpu.memory_space<vmem>>
        %dma_start3A_1499 = tpu.memref_slice %arg2[%select_n3A, %dma_start3A_1490, %add3A_1443, %mul3A_1445] : memref<8x19x512x512xf32, #tpu.memory_space<hbm>> -> memref<1x1x8x256xf32, #tpu.memory_space<hbm>>
        %dma_start3A_1500 = tpu.memref_squeeze %dma_start3A_1499 : memref<1x1x8x256xf32, #tpu.memory_space<hbm>> -> memref<8x256xf32, #tpu.memory_space<hbm>>
        tpu.enqueue_dma source(%dma_start3A_1500 : memref<8x256xf32, #tpu.memory_space<hbm>>) target(%dma_start3A_1498 : memref<8x256xf32, #tpu.memory_space<vmem>>) target_semaphore(%arg12 : memref<!tpu.dma_semaphore, #tpu.memory_space<semaphore_mem>>)
        %dma_start3A_1501 = arith.constant 5 : i32
        %dma_start3A_1502 = arith.constant 192 : i32
        %dma_start3A_1503 = arith.constant 0 : i32
        %dma_start3A_1504 = tpu.memref_slice %arg8[%dma_start3A_1502, %dma_start3A_1503] : memref<304x256xf32, #tpu.memory_space<vmem>> -> memref<8x256xf32, #tpu.memory_space<vmem>>
        %dma_start3A_1505 = tpu.memref_slice %arg2[%select_n3A, %dma_start3A_1501, %add3A_1443, %mul3A_1445] : memref<8x19x512x512xf32, #tpu.memory_space<hbm>> -> memref<1x1x8x256xf32, #tpu.memory_space<hbm>>
        %dma_start3A_1506 = tpu.memref_squeeze %dma_start3A_1505 : memref<1x1x8x256xf32, #tpu.memory_space<hbm>> -> memref<8x256xf32, #tpu.memory_space<hbm>>
        %dma_start3A_1507 = arith.constant 192 : i32
        %dma_start3A_1508 = arith.constant 0 : i32
        %dma_start3A_1509 = tpu.memref_slice %arg8[%dma_start3A_1507, %dma_start3A_1508] : memref<304x256xf32, #tpu.memory_space<vmem>> -> memref<8x256xf32, #tpu.memory_space<vmem>>
        %dma_start3A_1510 = tpu.memref_slice %arg2[%select_n3A, %dma_start3A_1501, %add3A_1443, %mul3A_1445] : memref<8x19x512x512xf32, #tpu.memory_space<hbm>> -> memref<1x1x8x256xf32, #tpu.memory_space<hbm>>
        %dma_start3A_1511 = tpu.memref_squeeze %dma_start3A_1510 : memref<1x1x8x256xf32, #tpu.memory_space<hbm>> -> memref<8x256xf32, #tpu.memory_space<hbm>>
        tpu.enqueue_dma source(%dma_start3A_1511 : memref<8x256xf32, #tpu.memory_space<hbm>>) target(%dma_start3A_1509 : memref<8x256xf32, #tpu.memory_space<vmem>>) target_semaphore(%arg12 : memref<!tpu.dma_semaphore, #tpu.memory_space<semaphore_mem>>)
        %dma_start3A_1512 = arith.constant 6 : i32
        %dma_start3A_1513 = arith.constant 200 : i32
        %dma_start3A_1514 = arith.constant 0 : i32
        %dma_start3A_1515 = tpu.memref_slice %arg8[%dma_start3A_1513, %dma_start3A_1514] : memref<304x256xf32, #tpu.memory_space<vmem>> -> memref<8x256xf32, #tpu.memory_space<vmem>>
        %dma_start3A_1516 = tpu.memref_slice %arg2[%select_n3A, %dma_start3A_1512, %add3A_1443, %mul3A_1445] : memref<8x19x512x512xf32, #tpu.memory_space<hbm>> -> memref<1x1x8x256xf32, #tpu.memory_space<hbm>>
        %dma_start3A_1517 = tpu.memref_squeeze %dma_start3A_1516 : memref<1x1x8x256xf32, #tpu.memory_space<hbm>> -> memref<8x256xf32, #tpu.memory_space<hbm>>
        %dma_start3A_1518 = arith.constant 200 : i32
        %dma_start3A_1519 = arith.constant 0 : i32
        %dma_start3A_1520 = tpu.memref_slice %arg8[%dma_start3A_1518, %dma_start3A_1519] : memref<304x256xf32, #tpu.memory_space<vmem>> -> memref<8x256xf32, #tpu.memory_space<vmem>>
        %dma_start3A_1521 = tpu.memref_slice %arg2[%select_n3A, %dma_start3A_1512, %add3A_1443, %mul3A_1445] : memref<8x19x512x512xf32, #tpu.memory_space<hbm>> -> memref<1x1x8x256xf32, #tpu.memory_space<hbm>>
        %dma_start3A_1522 = tpu.memref_squeeze %dma_start3A_1521 : memref<1x1x8x256xf32, #tpu.memory_space<hbm>> -> memref<8x256xf32, #tpu.memory_space<hbm>>
        tpu.enqueue_dma source(%dma_start3A_1522 : memref<8x256xf32, #tpu.memory_space<hbm>>) target(%dma_start3A_1520 : memref<8x256xf32, #tpu.memory_space<vmem>>) target_semaphore(%arg12 : memref<!tpu.dma_semaphore, #tpu.memory_space<semaphore_mem>>)
        %dma_start3A_1523 = arith.constant 7 : i32
        %dma_start3A_1524 = arith.constant 208 : i32
        %dma_start3A_1525 = arith.constant 0 : i32
        %dma_start3A_1526 = tpu.memref_slice %arg8[%dma_start3A_1524, %dma_start3A_1525] : memref<304x256xf32, #tpu.memory_space<vmem>> -> memref<8x256xf32, #tpu.memory_space<vmem>>
        %dma_start3A_1527 = tpu.memref_slice %arg2[%select_n3A, %dma_start3A_1523, %add3A_1443, %mul3A_1445] : memref<8x19x512x512xf32, #tpu.memory_space<hbm>> -> memref<1x1x8x256xf32, #tpu.memory_space<hbm>>
        %dma_start3A_1528 = tpu.memref_squeeze %dma_start3A_1527 : memref<1x1x8x256xf32, #tpu.memory_space<hbm>> -> memref<8x256xf32, #tpu.memory_space<hbm>>
        %dma_start3A_1529 = arith.constant 208 : i32
        %dma_start3A_1530 = arith.constant 0 : i32
        %dma_start3A_1531 = tpu.memref_slice %arg8[%dma_start3A_1529, %dma_start3A_1530] : memref<304x256xf32, #tpu.memory_space<vmem>> -> memref<8x256xf32, #tpu.memory_space<vmem>>
        %dma_start3A_1532 = tpu.memref_slice %arg2[%select_n3A, %dma_start3A_1523, %add3A_1443, %mul3A_1445] : memref<8x19x512x512xf32, #tpu.memory_space<hbm>> -> memref<1x1x8x256xf32, #tpu.memory_space<hbm>>
        %dma_start3A_1533 = tpu.memref_squeeze %dma_start3A_1532 : memref<1x1x8x256xf32, #tpu.memory_space<hbm>> -> memref<8x256xf32, #tpu.memory_space<hbm>>
        tpu.enqueue_dma source(%dma_start3A_1533 : memref<8x256xf32, #tpu.memory_space<hbm>>) target(%dma_start3A_1531 : memref<8x256xf32, #tpu.memory_space<vmem>>) target_semaphore(%arg12 : memref<!tpu.dma_semaphore, #tpu.memory_space<semaphore_mem>>)
        %dma_start3A_1534 = arith.constant 8 : i32
        %dma_start3A_1535 = arith.constant 216 : i32
        %dma_start3A_1536 = arith.constant 0 : i32
        %dma_start3A_1537 = tpu.memref_slice %arg8[%dma_start3A_1535, %dma_start3A_1536] : memref<304x256xf32, #tpu.memory_space<vmem>> -> memref<8x256xf32, #tpu.memory_space<vmem>>
        %dma_start3A_1538 = tpu.memref_slice %arg2[%select_n3A, %dma_start3A_1534, %add3A_1443, %mul3A_1445] : memref<8x19x512x512xf32, #tpu.memory_space<hbm>> -> memref<1x1x8x256xf32, #tpu.memory_space<hbm>>
        %dma_start3A_1539 = tpu.memref_squeeze %dma_start3A_1538 : memref<1x1x8x256xf32, #tpu.memory_space<hbm>> -> memref<8x256xf32, #tpu.memory_space<hbm>>
        %dma_start3A_1540 = arith.constant 216 : i32
        %dma_start3A_1541 = arith.constant 0 : i32
        %dma_start3A_1542 = tpu.memref_slice %arg8[%dma_start3A_1540, %dma_start3A_1541] : memref<304x256xf32, #tpu.memory_space<vmem>> -> memref<8x256xf32, #tpu.memory_space<vmem>>
        %dma_start3A_1543 = tpu.memref_slice %arg2[%select_n3A, %dma_start3A_1534, %add3A_1443, %mul3A_1445] : memref<8x19x512x512xf32, #tpu.memory_space<hbm>> -> memref<1x1x8x256xf32, #tpu.memory_space<hbm>>
        %dma_start3A_1544 = tpu.memref_squeeze %dma_start3A_1543 : memref<1x1x8x256xf32, #tpu.memory_space<hbm>> -> memref<8x256xf32, #tpu.memory_space<hbm>>
        tpu.enqueue_dma source(%dma_start3A_1544 : memref<8x256xf32, #tpu.memory_space<hbm>>) target(%dma_start3A_1542 : memref<8x256xf32, #tpu.memory_space<vmem>>) target_semaphore(%arg12 : memref<!tpu.dma_semaphore, #tpu.memory_space<semaphore_mem>>)
        %dma_start3A_1545 = arith.constant 9 : i32
        %dma_start3A_1546 = arith.constant 224 : i32
        %dma_start3A_1547 = arith.constant 0 : i32
        %dma_start3A_1548 = tpu.memref_slice %arg8[%dma_start3A_1546, %dma_start3A_1547] : memref<304x256xf32, #tpu.memory_space<vmem>> -> memref<8x256xf32, #tpu.memory_space<vmem>>
        %dma_start3A_1549 = tpu.memref_slice %arg2[%select_n3A, %dma_start3A_1545, %add3A_1443, %mul3A_1445] : memref<8x19x512x512xf32, #tpu.memory_space<hbm>> -> memref<1x1x8x256xf32, #tpu.memory_space<hbm>>
        %dma_start3A_1550 = tpu.memref_squeeze %dma_start3A_1549 : memref<1x1x8x256xf32, #tpu.memory_space<hbm>> -> memref<8x256xf32, #tpu.memory_space<hbm>>
        %dma_start3A_1551 = arith.constant 224 : i32
        %dma_start3A_1552 = arith.constant 0 : i32
        %dma_start3A_1553 = tpu.memref_slice %arg8[%dma_start3A_1551, %dma_start3A_1552] : memref<304x256xf32, #tpu.memory_space<vmem>> -> memref<8x256xf32, #tpu.memory_space<vmem>>
        %dma_start3A_1554 = tpu.memref_slice %arg2[%select_n3A, %dma_start3A_1545, %add3A_1443, %mul3A_1445] : memref<8x19x512x512xf32, #tpu.memory_space<hbm>> -> memref<1x1x8x256xf32, #tpu.memory_space<hbm>>
        %dma_start3A_1555 = tpu.memref_squeeze %dma_start3A_1554 : memref<1x1x8x256xf32, #tpu.memory_space<hbm>> -> memref<8x256xf32, #tpu.memory_space<hbm>>
        tpu.enqueue_dma source(%dma_start3A_1555 : memref<8x256xf32, #tpu.memory_space<hbm>>) target(%dma_start3A_1553 : memref<8x256xf32, #tpu.memory_space<vmem>>) target_semaphore(%arg12 : memref<!tpu.dma_semaphore, #tpu.memory_space<semaphore_mem>>)
        %dma_start3A_1556 = arith.constant 10 : i32
        %dma_start3A_1557 = arith.constant 232 : i32
        %dma_start3A_1558 = arith.constant 0 : i32
        %dma_start3A_1559 = tpu.memref_slice %arg8[%dma_start3A_1557, %dma_start3A_1558] : memref<304x256xf32, #tpu.memory_space<vmem>> -> memref<8x256xf32, #tpu.memory_space<vmem>>
        %dma_start3A_1560 = tpu.memref_slice %arg2[%select_n3A, %dma_start3A_1556, %add3A_1443, %mul3A_1445] : memref<8x19x512x512xf32, #tpu.memory_space<hbm>> -> memref<1x1x8x256xf32, #tpu.memory_space<hbm>>
        %dma_start3A_1561 = tpu.memref_squeeze %dma_start3A_1560 : memref<1x1x8x256xf32, #tpu.memory_space<hbm>> -> memref<8x256xf32, #tpu.memory_space<hbm>>
        %dma_start3A_1562 = arith.constant 232 : i32
        %dma_start3A_1563 = arith.constant 0 : i32
        %dma_start3A_1564 = tpu.memref_slice %arg8[%dma_start3A_1562, %dma_start3A_1563] : memref<304x256xf32, #tpu.memory_space<vmem>> -> memref<8x256xf32, #tpu.memory_space<vmem>>
        %dma_start3A_1565 = tpu.memref_slice %arg2[%select_n3A, %dma_start3A_1556, %add3A_1443, %mul3A_1445] : memref<8x19x512x512xf32, #tpu.memory_space<hbm>> -> memref<1x1x8x256xf32, #tpu.memory_space<hbm>>
        %dma_start3A_1566 = tpu.memref_squeeze %dma_start3A_1565 : memref<1x1x8x256xf32, #tpu.memory_space<hbm>> -> memref<8x256xf32, #tpu.memory_space<hbm>>
        tpu.enqueue_dma source(%dma_start3A_1566 : memref<8x256xf32, #tpu.memory_space<hbm>>) target(%dma_start3A_1564 : memref<8x256xf32, #tpu.memory_space<vmem>>) target_semaphore(%arg12 : memref<!tpu.dma_semaphore, #tpu.memory_space<semaphore_mem>>)
        %dma_start3A_1567 = arith.constant 11 : i32
        %dma_start3A_1568 = arith.constant 240 : i32
        %dma_start3A_1569 = arith.constant 0 : i32
        %dma_start3A_1570 = tpu.memref_slice %arg8[%dma_start3A_1568, %dma_start3A_1569] : memref<304x256xf32, #tpu.memory_space<vmem>> -> memref<8x256xf32, #tpu.memory_space<vmem>>
        %dma_start3A_1571 = tpu.memref_slice %arg2[%select_n3A, %dma_start3A_1567, %add3A_1443, %mul3A_1445] : memref<8x19x512x512xf32, #tpu.memory_space<hbm>> -> memref<1x1x8x256xf32, #tpu.memory_space<hbm>>
        %dma_start3A_1572 = tpu.memref_squeeze %dma_start3A_1571 : memref<1x1x8x256xf32, #tpu.memory_space<hbm>> -> memref<8x256xf32, #tpu.memory_space<hbm>>
        %dma_start3A_1573 = arith.constant 240 : i32
        %dma_start3A_1574 = arith.constant 0 : i32
        %dma_start3A_1575 = tpu.memref_slice %arg8[%dma_start3A_1573, %dma_start3A_1574] : memref<304x256xf32, #tpu.memory_space<vmem>> -> memref<8x256xf32, #tpu.memory_space<vmem>>
        %dma_start3A_1576 = tpu.memref_slice %arg2[%select_n3A, %dma_start3A_1567, %add3A_1443, %mul3A_1445] : memref<8x19x512x512xf32, #tpu.memory_space<hbm>> -> memref<1x1x8x256xf32, #tpu.memory_space<hbm>>
        %dma_start3A_1577 = tpu.memref_squeeze %dma_start3A_1576 : memref<1x1x8x256xf32, #tpu.memory_space<hbm>> -> memref<8x256xf32, #tpu.memory_space<hbm>>
        tpu.enqueue_dma source(%dma_start3A_1577 : memref<8x256xf32, #tpu.memory_space<hbm>>) target(%dma_start3A_1575 : memref<8x256xf32, #tpu.memory_space<vmem>>) target_semaphore(%arg12 : memref<!tpu.dma_semaphore, #tpu.memory_space<semaphore_mem>>)
        %dma_start3A_1578 = arith.constant 12 : i32
        %dma_start3A_1579 = arith.constant 248 : i32
        %dma_start3A_1580 = arith.constant 0 : i32
        %dma_start3A_1581 = tpu.memref_slice %arg8[%dma_start3A_1579, %dma_start3A_1580] : memref<304x256xf32, #tpu.memory_space<vmem>> -> memref<8x256xf32, #tpu.memory_space<vmem>>
        %dma_start3A_1582 = tpu.memref_slice %arg2[%select_n3A, %dma_start3A_1578, %add3A_1443, %mul3A_1445] : memref<8x19x512x512xf32, #tpu.memory_space<hbm>> -> memref<1x1x8x256xf32, #tpu.memory_space<hbm>>
        %dma_start3A_1583 = tpu.memref_squeeze %dma_start3A_1582 : memref<1x1x8x256xf32, #tpu.memory_space<hbm>> -> memref<8x256xf32, #tpu.memory_space<hbm>>
        %dma_start3A_1584 = arith.constant 248 : i32
        %dma_start3A_1585 = arith.constant 0 : i32
        %dma_start3A_1586 = tpu.memref_slice %arg8[%dma_start3A_1584, %dma_start3A_1585] : memref<304x256xf32, #tpu.memory_space<vmem>> -> memref<8x256xf32, #tpu.memory_space<vmem>>
        %dma_start3A_1587 = tpu.memref_slice %arg2[%select_n3A, %dma_start3A_1578, %add3A_1443, %mul3A_1445] : memref<8x19x512x512xf32, #tpu.memory_space<hbm>> -> memref<1x1x8x256xf32, #tpu.memory_space<hbm>>
        %dma_start3A_1588 = tpu.memref_squeeze %dma_start3A_1587 : memref<1x1x8x256xf32, #tpu.memory_space<hbm>> -> memref<8x256xf32, #tpu.memory_space<hbm>>
        tpu.enqueue_dma source(%dma_start3A_1588 : memref<8x256xf32, #tpu.memory_space<hbm>>) target(%dma_start3A_1586 : memref<8x256xf32, #tpu.memory_space<vmem>>) target_semaphore(%arg12 : memref<!tpu.dma_semaphore, #tpu.memory_space<semaphore_mem>>)
        %dma_start3A_1589 = arith.constant 13 : i32
        %dma_start3A_1590 = arith.constant 256 : i32
        %dma_start3A_1591 = arith.constant 0 : i32
        %dma_start3A_1592 = tpu.memref_slice %arg8[%dma_start3A_1590, %dma_start3A_1591] : memref<304x256xf32, #tpu.memory_space<vmem>> -> memref<8x256xf32, #tpu.memory_space<vmem>>
        %dma_start3A_1593 = tpu.memref_slice %arg2[%select_n3A, %dma_start3A_1589, %add3A_1443, %mul3A_1445] : memref<8x19x512x512xf32, #tpu.memory_space<hbm>> -> memref<1x1x8x256xf32, #tpu.memory_space<hbm>>
        %dma_start3A_1594 = tpu.memref_squeeze %dma_start3A_1593 : memref<1x1x8x256xf32, #tpu.memory_space<hbm>> -> memref<8x256xf32, #tpu.memory_space<hbm>>
        %dma_start3A_1595 = arith.constant 256 : i32
        %dma_start3A_1596 = arith.constant 0 : i32
        %dma_start3A_1597 = tpu.memref_slice %arg8[%dma_start3A_1595, %dma_start3A_1596] : memref<304x256xf32, #tpu.memory_space<vmem>> -> memref<8x256xf32, #tpu.memory_space<vmem>>
        %dma_start3A_1598 = tpu.memref_slice %arg2[%select_n3A, %dma_start3A_1589, %add3A_1443, %mul3A_1445] : memref<8x19x512x512xf32, #tpu.memory_space<hbm>> -> memref<1x1x8x256xf32, #tpu.memory_space<hbm>>
        %dma_start3A_1599 = tpu.memref_squeeze %dma_start3A_1598 : memref<1x1x8x256xf32, #tpu.memory_space<hbm>> -> memref<8x256xf32, #tpu.memory_space<hbm>>
        tpu.enqueue_dma source(%dma_start3A_1599 : memref<8x256xf32, #tpu.memory_space<hbm>>) target(%dma_start3A_1597 : memref<8x256xf32, #tpu.memory_space<vmem>>) target_semaphore(%arg12 : memref<!tpu.dma_semaphore, #tpu.memory_space<semaphore_mem>>)
        %dma_start3A_1600 = arith.constant 14 : i32
        %dma_start3A_1601 = arith.constant 264 : i32
        %dma_start3A_1602 = arith.constant 0 : i32
        %dma_start3A_1603 = tpu.memref_slice %arg8[%dma_start3A_1601, %dma_start3A_1602] : memref<304x256xf32, #tpu.memory_space<vmem>> -> memref<8x256xf32, #tpu.memory_space<vmem>>
        %dma_start3A_1604 = tpu.memref_slice %arg2[%select_n3A, %dma_start3A_1600, %add3A_1443, %mul3A_1445] : memref<8x19x512x512xf32, #tpu.memory_space<hbm>> -> memref<1x1x8x256xf32, #tpu.memory_space<hbm>>
        %dma_start3A_1605 = tpu.memref_squeeze %dma_start3A_1604 : memref<1x1x8x256xf32, #tpu.memory_space<hbm>> -> memref<8x256xf32, #tpu.memory_space<hbm>>
        %dma_start3A_1606 = arith.constant 264 : i32
        %dma_start3A_1607 = arith.constant 0 : i32
        %dma_start3A_1608 = tpu.memref_slice %arg8[%dma_start3A_1606, %dma_start3A_1607] : memref<304x256xf32, #tpu.memory_space<vmem>> -> memref<8x256xf32, #tpu.memory_space<vmem>>
        %dma_start3A_1609 = tpu.memref_slice %arg2[%select_n3A, %dma_start3A_1600, %add3A_1443, %mul3A_1445] : memref<8x19x512x512xf32, #tpu.memory_space<hbm>> -> memref<1x1x8x256xf32, #tpu.memory_space<hbm>>
        %dma_start3A_1610 = tpu.memref_squeeze %dma_start3A_1609 : memref<1x1x8x256xf32, #tpu.memory_space<hbm>> -> memref<8x256xf32, #tpu.memory_space<hbm>>
        tpu.enqueue_dma source(%dma_start3A_1610 : memref<8x256xf32, #tpu.memory_space<hbm>>) target(%dma_start3A_1608 : memref<8x256xf32, #tpu.memory_space<vmem>>) target_semaphore(%arg12 : memref<!tpu.dma_semaphore, #tpu.memory_space<semaphore_mem>>)
        %dma_start3A_1611 = arith.constant 15 : i32
        %dma_start3A_1612 = arith.constant 272 : i32
        %dma_start3A_1613 = arith.constant 0 : i32
        %dma_start3A_1614 = tpu.memref_slice %arg8[%dma_start3A_1612, %dma_start3A_1613] : memref<304x256xf32, #tpu.memory_space<vmem>> -> memref<8x256xf32, #tpu.memory_space<vmem>>
        %dma_start3A_1615 = tpu.memref_slice %arg2[%select_n3A, %dma_start3A_1611, %add3A_1443, %mul3A_1445] : memref<8x19x512x512xf32, #tpu.memory_space<hbm>> -> memref<1x1x8x256xf32, #tpu.memory_space<hbm>>
        %dma_start3A_1616 = tpu.memref_squeeze %dma_start3A_1615 : memref<1x1x8x256xf32, #tpu.memory_space<hbm>> -> memref<8x256xf32, #tpu.memory_space<hbm>>
        %dma_start3A_1617 = arith.constant 272 : i32
        %dma_start3A_1618 = arith.constant 0 : i32
        %dma_start3A_1619 = tpu.memref_slice %arg8[%dma_start3A_1617, %dma_start3A_1618] : memref<304x256xf32, #tpu.memory_space<vmem>> -> memref<8x256xf32, #tpu.memory_space<vmem>>
        %dma_start3A_1620 = tpu.memref_slice %arg2[%select_n3A, %dma_start3A_1611, %add3A_1443, %mul3A_1445] : memref<8x19x512x512xf32, #tpu.memory_space<hbm>> -> memref<1x1x8x256xf32, #tpu.memory_space<hbm>>
        %dma_start3A_1621 = tpu.memref_squeeze %dma_start3A_1620 : memref<1x1x8x256xf32, #tpu.memory_space<hbm>> -> memref<8x256xf32, #tpu.memory_space<hbm>>
        tpu.enqueue_dma source(%dma_start3A_1621 : memref<8x256xf32, #tpu.memory_space<hbm>>) target(%dma_start3A_1619 : memref<8x256xf32, #tpu.memory_space<vmem>>) target_semaphore(%arg12 : memref<!tpu.dma_semaphore, #tpu.memory_space<semaphore_mem>>)
        %dma_start3A_1622 = arith.constant 16 : i32
        %dma_start3A_1623 = arith.constant 280 : i32
        %dma_start3A_1624 = arith.constant 0 : i32
        %dma_start3A_1625 = tpu.memref_slice %arg8[%dma_start3A_1623, %dma_start3A_1624] : memref<304x256xf32, #tpu.memory_space<vmem>> -> memref<8x256xf32, #tpu.memory_space<vmem>>
        %dma_start3A_1626 = tpu.memref_slice %arg2[%select_n3A, %dma_start3A_1622, %add3A_1443, %mul3A_1445] : memref<8x19x512x512xf32, #tpu.memory_space<hbm>> -> memref<1x1x8x256xf32, #tpu.memory_space<hbm>>
        %dma_start3A_1627 = tpu.memref_squeeze %dma_start3A_1626 : memref<1x1x8x256xf32, #tpu.memory_space<hbm>> -> memref<8x256xf32, #tpu.memory_space<hbm>>
        %dma_start3A_1628 = arith.constant 280 : i32
        %dma_start3A_1629 = arith.constant 0 : i32
        %dma_start3A_1630 = tpu.memref_slice %arg8[%dma_start3A_1628, %dma_start3A_1629] : memref<304x256xf32, #tpu.memory_space<vmem>> -> memref<8x256xf32, #tpu.memory_space<vmem>>
        %dma_start3A_1631 = tpu.memref_slice %arg2[%select_n3A, %dma_start3A_1622, %add3A_1443, %mul3A_1445] : memref<8x19x512x512xf32, #tpu.memory_space<hbm>> -> memref<1x1x8x256xf32, #tpu.memory_space<hbm>>
        %dma_start3A_1632 = tpu.memref_squeeze %dma_start3A_1631 : memref<1x1x8x256xf32, #tpu.memory_space<hbm>> -> memref<8x256xf32, #tpu.memory_space<hbm>>
        tpu.enqueue_dma source(%dma_start3A_1632 : memref<8x256xf32, #tpu.memory_space<hbm>>) target(%dma_start3A_1630 : memref<8x256xf32, #tpu.memory_space<vmem>>) target_semaphore(%arg12 : memref<!tpu.dma_semaphore, #tpu.memory_space<semaphore_mem>>)
        %dma_start3A_1633 = arith.constant 17 : i32
        %dma_start3A_1634 = arith.constant 288 : i32
        %dma_start3A_1635 = arith.constant 0 : i32
        %dma_start3A_1636 = tpu.memref_slice %arg8[%dma_start3A_1634, %dma_start3A_1635] : memref<304x256xf32, #tpu.memory_space<vmem>> -> memref<8x256xf32, #tpu.memory_space<vmem>>
        %dma_start3A_1637 = tpu.memref_slice %arg2[%select_n3A, %dma_start3A_1633, %add3A_1443, %mul3A_1445] : memref<8x19x512x512xf32, #tpu.memory_space<hbm>> -> memref<1x1x8x256xf32, #tpu.memory_space<hbm>>
        %dma_start3A_1638 = tpu.memref_squeeze %dma_start3A_1637 : memref<1x1x8x256xf32, #tpu.memory_space<hbm>> -> memref<8x256xf32, #tpu.memory_space<hbm>>
        %dma_start3A_1639 = arith.constant 288 : i32
        %dma_start3A_1640 = arith.constant 0 : i32
        %dma_start3A_1641 = tpu.memref_slice %arg8[%dma_start3A_1639, %dma_start3A_1640] : memref<304x256xf32, #tpu.memory_space<vmem>> -> memref<8x256xf32, #tpu.memory_space<vmem>>
        %dma_start3A_1642 = tpu.memref_slice %arg2[%select_n3A, %dma_start3A_1633, %add3A_1443, %mul3A_1445] : memref<8x19x512x512xf32, #tpu.memory_space<hbm>> -> memref<1x1x8x256xf32, #tpu.memory_space<hbm>>
        %dma_start3A_1643 = tpu.memref_squeeze %dma_start3A_1642 : memref<1x1x8x256xf32, #tpu.memory_space<hbm>> -> memref<8x256xf32, #tpu.memory_space<hbm>>
        tpu.enqueue_dma source(%dma_start3A_1643 : memref<8x256xf32, #tpu.memory_space<hbm>>) target(%dma_start3A_1641 : memref<8x256xf32, #tpu.memory_space<vmem>>) target_semaphore(%arg12 : memref<!tpu.dma_semaphore, #tpu.memory_space<semaphore_mem>>)
        %dma_start3A_1644 = arith.constant 18 : i32
        %dma_start3A_1645 = arith.constant 296 : i32
        %dma_start3A_1646 = arith.constant 0 : i32
        %dma_start3A_1647 = tpu.memref_slice %arg8[%dma_start3A_1645, %dma_start3A_1646] : memref<304x256xf32, #tpu.memory_space<vmem>> -> memref<8x256xf32, #tpu.memory_space<vmem>>
        %dma_start3A_1648 = tpu.memref_slice %arg2[%select_n3A, %dma_start3A_1644, %add3A_1443, %mul3A_1445] : memref<8x19x512x512xf32, #tpu.memory_space<hbm>> -> memref<1x1x8x256xf32, #tpu.memory_space<hbm>>
        %dma_start3A_1649 = tpu.memref_squeeze %dma_start3A_1648 : memref<1x1x8x256xf32, #tpu.memory_space<hbm>> -> memref<8x256xf32, #tpu.memory_space<hbm>>
        %dma_start3A_1650 = arith.constant 296 : i32
        %dma_start3A_1651 = arith.constant 0 : i32
        %dma_start3A_1652 = tpu.memref_slice %arg8[%dma_start3A_1650, %dma_start3A_1651] : memref<304x256xf32, #tpu.memory_space<vmem>> -> memref<8x256xf32, #tpu.memory_space<vmem>>
        %dma_start3A_1653 = tpu.memref_slice %arg2[%select_n3A, %dma_start3A_1644, %add3A_1443, %mul3A_1445] : memref<8x19x512x512xf32, #tpu.memory_space<hbm>> -> memref<1x1x8x256xf32, #tpu.memory_space<hbm>>
        %dma_start3A_1654 = tpu.memref_squeeze %dma_start3A_1653 : memref<1x1x8x256xf32, #tpu.memory_space<hbm>> -> memref<8x256xf32, #tpu.memory_space<hbm>>
        tpu.enqueue_dma source(%dma_start3A_1654 : memref<8x256xf32, #tpu.memory_space<hbm>>) target(%dma_start3A_1652 : memref<8x256xf32, #tpu.memory_space<vmem>>) target_semaphore(%arg12 : memref<!tpu.dma_semaphore, #tpu.memory_space<semaphore_mem>>)
        %dma_start3A_1655 = arith.constant 8 : i32
        %dma_start3A_1656 = arith.constant 0 : i32
        %dma_start3A_1657 = tpu.memref_slice %arg9[%dma_start3A_1655, %dma_start3A_1656] : memref<16x256xi32, #tpu.memory_space<vmem>> -> memref<8x256xi32, #tpu.memory_space<vmem>>
        %dma_start3A_1658 = tpu.memref_slice %arg3[%select_n3A, %add3A_1443, %mul3A_1445] : memref<8x512x512xi32, #tpu.memory_space<hbm>> -> memref<1x8x256xi32, #tpu.memory_space<hbm>>
        %dma_start3A_1659 = tpu.memref_squeeze %dma_start3A_1658 : memref<1x8x256xi32, #tpu.memory_space<hbm>> -> memref<8x256xi32, #tpu.memory_space<hbm>>
        %dma_start3A_1660 = arith.constant 8 : i32
        %dma_start3A_1661 = arith.constant 0 : i32
        %dma_start3A_1662 = tpu.memref_slice %arg9[%dma_start3A_1660, %dma_start3A_1661] : memref<16x256xi32, #tpu.memory_space<vmem>> -> memref<8x256xi32, #tpu.memory_space<vmem>>
        %dma_start3A_1663 = tpu.memref_slice %arg3[%select_n3A, %add3A_1443, %mul3A_1445] : memref<8x512x512xi32, #tpu.memory_space<hbm>> -> memref<1x8x256xi32, #tpu.memory_space<hbm>>
        %dma_start3A_1664 = tpu.memref_squeeze %dma_start3A_1663 : memref<1x8x256xi32, #tpu.memory_space<hbm>> -> memref<8x256xi32, #tpu.memory_space<hbm>>
        tpu.enqueue_dma source(%dma_start3A_1664 : memref<8x256xi32, #tpu.memory_space<hbm>>) target(%dma_start3A_1662 : memref<8x256xi32, #tpu.memory_space<vmem>>) target_semaphore(%arg12 : memref<!tpu.dma_semaphore, #tpu.memory_space<semaphore_mem>>)
      } else {
      }
      scf.yield %scan3A_1335#0, %scan3A_1335#1, %scan3A_1335#2 : vector<16xf32>, vector<16xf32>, vector<16xf32>
    }
    %scan3A_559 = arith.constant 4 : i32
    %dma_wait3A = arith.constant 0 : i32
    %dma_wait3A_560 = arith.constant 0 : i32
    %dma_wait3A_561 = arith.constant 0 : i32
    %dma_wait3A_562 = tpu.memref_slice %arg10[%dma_wait3A_560, %dma_wait3A_561] : memref<16x256xf32, #tpu.memory_space<vmem>> -> memref<8x256xf32, #tpu.memory_space<vmem>>
    %dma_wait3A_563 = arith.constant 0 : i32
    %dma_wait3A_564 = arith.constant 0 : i32
    %dma_wait3A_565 = tpu.memref_slice %arg4[%dma_wait3A, %dma_wait3A_563, %dma_wait3A_564] : memref<2x512x512xf32, #tpu.memory_space<hbm>> -> memref<1x8x256xf32, #tpu.memory_space<hbm>>
    %dma_wait3A_566 = tpu.memref_squeeze %dma_wait3A_565 : memref<1x8x256xf32, #tpu.memory_space<hbm>> -> memref<8x256xf32, #tpu.memory_space<hbm>>
    %dma_wait3A_567 = arith.constant 0 : i32
    %dma_wait3A_568 = arith.constant 0 : i32
    %dma_wait3A_569 = tpu.memref_slice %arg4[%dma_wait3A, %dma_wait3A_567, %dma_wait3A_568] : memref<2x512x512xf32, #tpu.memory_space<hbm>> -> memref<1x8x256xf32, #tpu.memory_space<hbm>>
    %dma_wait3A_570 = tpu.memref_squeeze %dma_wait3A_569 : memref<1x8x256xf32, #tpu.memory_space<hbm>> -> memref<8x256xf32, #tpu.memory_space<hbm>>
    %dma_wait3A_571 = arith.constant 0 : i32
    %dma_wait3A_572 = arith.constant 0 : i32
    %dma_wait3A_573 = tpu.memref_slice %arg10[%dma_wait3A_571, %dma_wait3A_572] : memref<16x256xf32, #tpu.memory_space<vmem>> -> memref<8x256xf32, #tpu.memory_space<vmem>>
    tpu.wait_dma2 semaphore(%arg13 : memref<!tpu.dma_semaphore, #tpu.memory_space<semaphore_mem>>) src(%dma_wait3A_573 : memref<8x256xf32, #tpu.memory_space<vmem>>) dst(%dma_wait3A_570 : memref<8x256xf32, #tpu.memory_space<hbm>>)
    %dma_wait3A_574 = arith.constant 0 : i32
    %dma_wait3A_575 = arith.constant 8 : i32
    %dma_wait3A_576 = arith.constant 0 : i32
    %dma_wait3A_577 = tpu.memref_slice %arg10[%dma_wait3A_575, %dma_wait3A_576] : memref<16x256xf32, #tpu.memory_space<vmem>> -> memref<8x256xf32, #tpu.memory_space<vmem>>
    %dma_wait3A_578 = arith.constant 0 : i32
    %dma_wait3A_579 = arith.constant 0 : i32
    %dma_wait3A_580 = tpu.memref_slice %arg4[%dma_wait3A_574, %dma_wait3A_578, %dma_wait3A_579] : memref<2x512x512xf32, #tpu.memory_space<hbm>> -> memref<1x8x256xf32, #tpu.memory_space<hbm>>
    %dma_wait3A_581 = tpu.memref_squeeze %dma_wait3A_580 : memref<1x8x256xf32, #tpu.memory_space<hbm>> -> memref<8x256xf32, #tpu.memory_space<hbm>>
    %dma_wait3A_582 = arith.constant 0 : i32
    %dma_wait3A_583 = arith.constant 0 : i32
    %dma_wait3A_584 = tpu.memref_slice %arg4[%dma_wait3A_574, %dma_wait3A_582, %dma_wait3A_583] : memref<2x512x512xf32, #tpu.memory_space<hbm>> -> memref<1x8x256xf32, #tpu.memory_space<hbm>>
    %dma_wait3A_585 = tpu.memref_squeeze %dma_wait3A_584 : memref<1x8x256xf32, #tpu.memory_space<hbm>> -> memref<8x256xf32, #tpu.memory_space<hbm>>
    %dma_wait3A_586 = arith.constant 8 : i32
    %dma_wait3A_587 = arith.constant 0 : i32
    %dma_wait3A_588 = tpu.memref_slice %arg10[%dma_wait3A_586, %dma_wait3A_587] : memref<16x256xf32, #tpu.memory_space<vmem>> -> memref<8x256xf32, #tpu.memory_space<vmem>>
    tpu.wait_dma2 semaphore(%arg13 : memref<!tpu.dma_semaphore, #tpu.memory_space<semaphore_mem>>) src(%dma_wait3A_588 : memref<8x256xf32, #tpu.memory_space<vmem>>) dst(%dma_wait3A_585 : memref<8x256xf32, #tpu.memory_space<hbm>>)
    %swap3A = arith.constant 0 : index
    %swap3A_589 = tpu.vector_load %arg11[%swap3A] {strides = array<i32>} : memref<16xf32, #tpu.memory_space<vmem>>, vector<16xf32>,
    %swap3A_590 = vector.shape_cast %swap3A_589 : vector<16xf32> to vector<16xf32>
    %swap3A_591 = vector.shape_cast %scan3A_558#0 : vector<16xf32> to vector<16xf32>
    tpu.vector_store %arg11[%swap3A], %swap3A_591 {strides = array<i32>} : memref<16xf32, #tpu.memory_space<vmem>>, vector<16xf32>,
    %mul3A_592 = arith.constant 16 : i32
    %mul3A_593 = arith.muli %add3A, %mul3A_592 : i32
    "tpu.region"() ({
      %run_scoped3A = tpu.sem_alloc : memref<!tpu.dma_semaphore, #tpu.memory_space<semaphore_mem>>
      %dma_start3A_606 = tpu.memref_slice %arg5[%mul3A_593] : memref<512xf32, #tpu.memory_space<hbm>> -> memref<16xf32, #tpu.memory_space<hbm>>
      %dma_start3A_607 = tpu.memref_slice %arg5[%mul3A_593] : memref<512xf32, #tpu.memory_space<hbm>> -> memref<16xf32, #tpu.memory_space<hbm>>
      tpu.enqueue_dma source(%arg11 : memref<16xf32, #tpu.memory_space<vmem>>) target(%dma_start3A_607 : memref<16xf32, #tpu.memory_space<hbm>>) target_semaphore(%run_scoped3A : memref<!tpu.dma_semaphore, #tpu.memory_space<semaphore_mem>>)
      %dma_wait3A_608 = tpu.memref_slice %arg5[%mul3A_593] : memref<512xf32, #tpu.memory_space<hbm>> -> memref<16xf32, #tpu.memory_space<hbm>>
      %dma_wait3A_609 = tpu.memref_slice %arg5[%mul3A_593] : memref<512xf32, #tpu.memory_space<hbm>> -> memref<16xf32, #tpu.memory_space<hbm>>
      tpu.wait_dma2 semaphore(%run_scoped3A : memref<!tpu.dma_semaphore, #tpu.memory_space<semaphore_mem>>) src(%arg11 : memref<16xf32, #tpu.memory_space<vmem>>) dst(%dma_wait3A_609 : memref<16xf32, #tpu.memory_space<hbm>>)
      tpu.yield
    }) : () -> ()
    %swap3A_594 = arith.constant 0 : index
    %swap3A_595 = tpu.vector_load %arg11[%swap3A_594] {strides = array<i32>} : memref<16xf32, #tpu.memory_space<vmem>>, vector<16xf32>,
    %swap3A_596 = vector.shape_cast %swap3A_595 : vector<16xf32> to vector<16xf32>
    %swap3A_597 = vector.shape_cast %scan3A_558#1 : vector<16xf32> to vector<16xf32>
    tpu.vector_store %arg11[%swap3A_594], %swap3A_597 {strides = array<i32>} : memref<16xf32, #tpu.memory_space<vmem>>, vector<16xf32>,
    %mul3A_598 = arith.constant 16 : i32
    %mul3A_599 = arith.muli %add3A, %mul3A_598 : i32
    "tpu.region"() ({
      %run_scoped3A = tpu.sem_alloc : memref<!tpu.dma_semaphore, #tpu.memory_space<semaphore_mem>>
      %dma_start3A_606 = tpu.memref_slice %arg6[%mul3A_599] : memref<512xf32, #tpu.memory_space<hbm>> -> memref<16xf32, #tpu.memory_space<hbm>>
      %dma_start3A_607 = tpu.memref_slice %arg6[%mul3A_599] : memref<512xf32, #tpu.memory_space<hbm>> -> memref<16xf32, #tpu.memory_space<hbm>>
      tpu.enqueue_dma source(%arg11 : memref<16xf32, #tpu.memory_space<vmem>>) target(%dma_start3A_607 : memref<16xf32, #tpu.memory_space<hbm>>) target_semaphore(%run_scoped3A : memref<!tpu.dma_semaphore, #tpu.memory_space<semaphore_mem>>)
      %dma_wait3A_608 = tpu.memref_slice %arg6[%mul3A_599] : memref<512xf32, #tpu.memory_space<hbm>> -> memref<16xf32, #tpu.memory_space<hbm>>
      %dma_wait3A_609 = tpu.memref_slice %arg6[%mul3A_599] : memref<512xf32, #tpu.memory_space<hbm>> -> memref<16xf32, #tpu.memory_space<hbm>>
      tpu.wait_dma2 semaphore(%run_scoped3A : memref<!tpu.dma_semaphore, #tpu.memory_space<semaphore_mem>>) src(%arg11 : memref<16xf32, #tpu.memory_space<vmem>>) dst(%dma_wait3A_609 : memref<16xf32, #tpu.memory_space<hbm>>)
      tpu.yield
    }) : () -> ()
    %swap3A_600 = arith.constant 0 : index
    %swap3A_601 = tpu.vector_load %arg11[%swap3A_600] {strides = array<i32>} : memref<16xf32, #tpu.memory_space<vmem>>, vector<16xf32>,
    %swap3A_602 = vector.shape_cast %swap3A_601 : vector<16xf32> to vector<16xf32>
    %swap3A_603 = vector.shape_cast %scan3A_558#2 : vector<16xf32> to vector<16xf32>
    tpu.vector_store %arg11[%swap3A_600], %swap3A_603 {strides = array<i32>} : memref<16xf32, #tpu.memory_space<vmem>>, vector<16xf32>,
    %mul3A_604 = arith.constant 16 : i32
    %mul3A_605 = arith.muli %add3A, %mul3A_604 : i32
    "tpu.region"() ({
      %run_scoped3A = tpu.sem_alloc : memref<!tpu.dma_semaphore, #tpu.memory_space<semaphore_mem>>
      %dma_start3A_606 = tpu.memref_slice %arg7[%mul3A_605] : memref<512xf32, #tpu.memory_space<hbm>> -> memref<16xf32, #tpu.memory_space<hbm>>
      %dma_start3A_607 = tpu.memref_slice %arg7[%mul3A_605] : memref<512xf32, #tpu.memory_space<hbm>> -> memref<16xf32, #tpu.memory_space<hbm>>
      tpu.enqueue_dma source(%arg11 : memref<16xf32, #tpu.memory_space<vmem>>) target(%dma_start3A_607 : memref<16xf32, #tpu.memory_space<hbm>>) target_semaphore(%run_scoped3A : memref<!tpu.dma_semaphore, #tpu.memory_space<semaphore_mem>>)
      %dma_wait3A_608 = tpu.memref_slice %arg7[%mul3A_605] : memref<512xf32, #tpu.memory_space<hbm>> -> memref<16xf32, #tpu.memory_space<hbm>>
      %dma_wait3A_609 = tpu.memref_slice %arg7[%mul3A_605] : memref<512xf32, #tpu.memory_space<hbm>> -> memref<16xf32, #tpu.memory_space<hbm>>
      tpu.wait_dma2 semaphore(%run_scoped3A : memref<!tpu.dma_semaphore, #tpu.memory_space<semaphore_mem>>) src(%arg11 : memref<16xf32, #tpu.memory_space<vmem>>) dst(%dma_wait3A_609 : memref<16xf32, #tpu.memory_space<hbm>>)
      tpu.yield
    }) : () -> ()
    return
  }
}

module attributes {stable_mosaic.version = 14 : i64} {
  func.func @_tc_body(%arg0: i32, %arg1: i32, %arg2: memref<1x19x128x512xf32, #tpu.memory_space<vmem>>, %arg3: memref<1x128x512xi32, #tpu.memory_space<vmem>>, %arg4: memref<1x128x512xf32, #tpu.memory_space<vmem>>, %arg5: memref<1x1x3xf32, #tpu.memory_space<smem>>) attributes {dimension_semantics = [#tpu.dimension_semantics<arbitrary>, #tpu.dimension_semantics<arbitrary>], iteration_bounds = array<i64: 6, 4>, scalar_prefetch = 0 : i64, scratch_operands = 0 : i64, tpu.core_type = #tpu.core_type<tc>, window_params = [{transform_indices = @transform_0, window_bounds = array<i64: 1, 19, 128, 512>}, {transform_indices = @transform_1, window_bounds = array<i64: 1, 128, 512>}, {transform_indices = @transform_2, window_bounds = array<i64: 1, 128, 512>}, {transform_indices = @transform_3, window_bounds = array<i64: 1, 1, 3>}]} {
    %get3A = arith.constant 0 : index
    %get3A_0 = arith.constant 0 : index
    %get3A_1 = arith.constant 0 : index
    %get3A_2 = arith.constant 0 : index
    %get3A_3 = vector.load %arg2[%get3A, %get3A_0, %get3A_1, %get3A_2] : memref<1x19x128x512xf32, #tpu.memory_space<vmem>>, vector<1x19x128x512xf32>
    %get3A_4 = vector.shape_cast %get3A_3 : vector<1x19x128x512xf32> to vector<19x128x512xf32>
    %get3A_5 = arith.constant 0 : index
    %get3A_6 = arith.constant 0 : index
    %get3A_7 = arith.constant 0 : index
    %get3A_8 = vector.load %arg3[%get3A_5, %get3A_6, %get3A_7] : memref<1x128x512xi32, #tpu.memory_space<vmem>>, vector<1x128x512xi32>
    %get3A_9 = vector.shape_cast %get3A_8 : vector<1x128x512xi32> to vector<128x512xi32>
    %reduce_max3A = arith.constant dense<0xFF800000> : vector<128x512xf32>
    %reduce_max3A_10 = vector.multi_reduction <maximumf>, %get3A_4, %reduce_max3A [0] : vector<19x128x512xf32> to vector<128x512xf32>
    %broadcast_in_dim3A = vector.shape_cast %reduce_max3A_10 : vector<128x512xf32> to vector<1x128x512xf32>
    %sub3A = vector.broadcast %broadcast_in_dim3A : vector<1x128x512xf32> to vector<19x128x512xf32>
    %sub3A_11 = arith.subf %get3A_4, %sub3A : vector<19x128x512xf32>
    %exp3A = math.exp %sub3A_11 : vector<19x128x512xf32>
    %reduce_sum3A = arith.constant dense<0.000000e+00> : vector<128x512xf32>
    %reduce_sum3A_12 = vector.multi_reduction <add>, %exp3A, %reduce_sum3A [0] : vector<19x128x512xf32> to vector<128x512xf32>
    %ne3A = arith.constant 255 : i32
    %ne3A_13 = vector.broadcast %ne3A : i32 to vector<128x512xi32>
    %ne3A_14 = arith.cmpi ne, %get3A_9, %ne3A_13 : vector<128x512xi32>
    %max3A = arith.constant 0 : i32
    %max3A_15 = vector.broadcast %max3A : i32 to vector<128x512xi32>
    %max3A_16 = arith.maxsi %get3A_9, %max3A_15 : vector<128x512xi32>
    %min3A = arith.constant 18 : i32
    %min3A_17 = vector.broadcast %min3A : i32 to vector<128x512xi32>
    %min3A_18 = arith.minsi %max3A_16, %min3A_17 : vector<128x512xi32>
    %slice3A = vector.extract_strided_slice %get3A_4 {offsets = [0, 0, 0], sizes = [1, 128, 512], strides = [1, 1, 1]} : vector<19x128x512xf32> to vector<1x128x512xf32>
    %squeeze3A = vector.shape_cast %slice3A : vector<1x128x512xf32> to vector<128x512xf32>
    %eq3A = arith.constant 1 : i32
    %eq3A_19 = vector.broadcast %eq3A : i32 to vector<128x512xi32>
    %eq3A_20 = arith.cmpi eq, %min3A_18, %eq3A_19 : vector<128x512xi32>
    %slice3A_21 = vector.extract_strided_slice %get3A_4 {offsets = [1, 0, 0], sizes = [1, 128, 512], strides = [1, 1, 1]} : vector<19x128x512xf32> to vector<1x128x512xf32>
    %squeeze3A_22 = vector.shape_cast %slice3A_21 : vector<1x128x512xf32> to vector<128x512xf32>
    %select_n3A = arith.select %eq3A_20, %squeeze3A_22, %squeeze3A : vector<128x512xi1>, vector<128x512xf32>
    %eq3A_23 = arith.constant 2 : i32
    %eq3A_24 = vector.broadcast %eq3A_23 : i32 to vector<128x512xi32>
    %eq3A_25 = arith.cmpi eq, %min3A_18, %eq3A_24 : vector<128x512xi32>
    %slice3A_26 = vector.extract_strided_slice %get3A_4 {offsets = [2, 0, 0], sizes = [1, 128, 512], strides = [1, 1, 1]} : vector<19x128x512xf32> to vector<1x128x512xf32>
    %squeeze3A_27 = vector.shape_cast %slice3A_26 : vector<1x128x512xf32> to vector<128x512xf32>
    %select_n3A_28 = arith.select %eq3A_25, %squeeze3A_27, %select_n3A : vector<128x512xi1>, vector<128x512xf32>
    %eq3A_29 = arith.constant 3 : i32
    %eq3A_30 = vector.broadcast %eq3A_29 : i32 to vector<128x512xi32>
    %eq3A_31 = arith.cmpi eq, %min3A_18, %eq3A_30 : vector<128x512xi32>
    %slice3A_32 = vector.extract_strided_slice %get3A_4 {offsets = [3, 0, 0], sizes = [1, 128, 512], strides = [1, 1, 1]} : vector<19x128x512xf32> to vector<1x128x512xf32>
    %squeeze3A_33 = vector.shape_cast %slice3A_32 : vector<1x128x512xf32> to vector<128x512xf32>
    %select_n3A_34 = arith.select %eq3A_31, %squeeze3A_33, %select_n3A_28 : vector<128x512xi1>, vector<128x512xf32>
    %eq3A_35 = arith.constant 4 : i32
    %eq3A_36 = vector.broadcast %eq3A_35 : i32 to vector<128x512xi32>
    %eq3A_37 = arith.cmpi eq, %min3A_18, %eq3A_36 : vector<128x512xi32>
    %slice3A_38 = vector.extract_strided_slice %get3A_4 {offsets = [4, 0, 0], sizes = [1, 128, 512], strides = [1, 1, 1]} : vector<19x128x512xf32> to vector<1x128x512xf32>
    %squeeze3A_39 = vector.shape_cast %slice3A_38 : vector<1x128x512xf32> to vector<128x512xf32>
    %select_n3A_40 = arith.select %eq3A_37, %squeeze3A_39, %select_n3A_34 : vector<128x512xi1>, vector<128x512xf32>
    %eq3A_41 = arith.constant 5 : i32
    %eq3A_42 = vector.broadcast %eq3A_41 : i32 to vector<128x512xi32>
    %eq3A_43 = arith.cmpi eq, %min3A_18, %eq3A_42 : vector<128x512xi32>
    %slice3A_44 = vector.extract_strided_slice %get3A_4 {offsets = [5, 0, 0], sizes = [1, 128, 512], strides = [1, 1, 1]} : vector<19x128x512xf32> to vector<1x128x512xf32>
    %squeeze3A_45 = vector.shape_cast %slice3A_44 : vector<1x128x512xf32> to vector<128x512xf32>
    %select_n3A_46 = arith.select %eq3A_43, %squeeze3A_45, %select_n3A_40 : vector<128x512xi1>, vector<128x512xf32>
    %eq3A_47 = arith.constant 6 : i32
    %eq3A_48 = vector.broadcast %eq3A_47 : i32 to vector<128x512xi32>
    %eq3A_49 = arith.cmpi eq, %min3A_18, %eq3A_48 : vector<128x512xi32>
    %slice3A_50 = vector.extract_strided_slice %get3A_4 {offsets = [6, 0, 0], sizes = [1, 128, 512], strides = [1, 1, 1]} : vector<19x128x512xf32> to vector<1x128x512xf32>
    %squeeze3A_51 = vector.shape_cast %slice3A_50 : vector<1x128x512xf32> to vector<128x512xf32>
    %select_n3A_52 = arith.select %eq3A_49, %squeeze3A_51, %select_n3A_46 : vector<128x512xi1>, vector<128x512xf32>
    %eq3A_53 = arith.constant 7 : i32
    %eq3A_54 = vector.broadcast %eq3A_53 : i32 to vector<128x512xi32>
    %eq3A_55 = arith.cmpi eq, %min3A_18, %eq3A_54 : vector<128x512xi32>
    %slice3A_56 = vector.extract_strided_slice %get3A_4 {offsets = [7, 0, 0], sizes = [1, 128, 512], strides = [1, 1, 1]} : vector<19x128x512xf32> to vector<1x128x512xf32>
    %squeeze3A_57 = vector.shape_cast %slice3A_56 : vector<1x128x512xf32> to vector<128x512xf32>
    %select_n3A_58 = arith.select %eq3A_55, %squeeze3A_57, %select_n3A_52 : vector<128x512xi1>, vector<128x512xf32>
    %eq3A_59 = arith.constant 8 : i32
    %eq3A_60 = vector.broadcast %eq3A_59 : i32 to vector<128x512xi32>
    %eq3A_61 = arith.cmpi eq, %min3A_18, %eq3A_60 : vector<128x512xi32>
    %slice3A_62 = vector.extract_strided_slice %get3A_4 {offsets = [8, 0, 0], sizes = [1, 128, 512], strides = [1, 1, 1]} : vector<19x128x512xf32> to vector<1x128x512xf32>
    %squeeze3A_63 = vector.shape_cast %slice3A_62 : vector<1x128x512xf32> to vector<128x512xf32>
    %select_n3A_64 = arith.select %eq3A_61, %squeeze3A_63, %select_n3A_58 : vector<128x512xi1>, vector<128x512xf32>
    %eq3A_65 = arith.constant 9 : i32
    %eq3A_66 = vector.broadcast %eq3A_65 : i32 to vector<128x512xi32>
    %eq3A_67 = arith.cmpi eq, %min3A_18, %eq3A_66 : vector<128x512xi32>
    %slice3A_68 = vector.extract_strided_slice %get3A_4 {offsets = [9, 0, 0], sizes = [1, 128, 512], strides = [1, 1, 1]} : vector<19x128x512xf32> to vector<1x128x512xf32>
    %squeeze3A_69 = vector.shape_cast %slice3A_68 : vector<1x128x512xf32> to vector<128x512xf32>
    %select_n3A_70 = arith.select %eq3A_67, %squeeze3A_69, %select_n3A_64 : vector<128x512xi1>, vector<128x512xf32>
    %eq3A_71 = arith.constant 10 : i32
    %eq3A_72 = vector.broadcast %eq3A_71 : i32 to vector<128x512xi32>
    %eq3A_73 = arith.cmpi eq, %min3A_18, %eq3A_72 : vector<128x512xi32>
    %slice3A_74 = vector.extract_strided_slice %get3A_4 {offsets = [10, 0, 0], sizes = [1, 128, 512], strides = [1, 1, 1]} : vector<19x128x512xf32> to vector<1x128x512xf32>
    %squeeze3A_75 = vector.shape_cast %slice3A_74 : vector<1x128x512xf32> to vector<128x512xf32>
    %select_n3A_76 = arith.select %eq3A_73, %squeeze3A_75, %select_n3A_70 : vector<128x512xi1>, vector<128x512xf32>
    %eq3A_77 = arith.constant 11 : i32
    %eq3A_78 = vector.broadcast %eq3A_77 : i32 to vector<128x512xi32>
    %eq3A_79 = arith.cmpi eq, %min3A_18, %eq3A_78 : vector<128x512xi32>
    %slice3A_80 = vector.extract_strided_slice %get3A_4 {offsets = [11, 0, 0], sizes = [1, 128, 512], strides = [1, 1, 1]} : vector<19x128x512xf32> to vector<1x128x512xf32>
    %squeeze3A_81 = vector.shape_cast %slice3A_80 : vector<1x128x512xf32> to vector<128x512xf32>
    %select_n3A_82 = arith.select %eq3A_79, %squeeze3A_81, %select_n3A_76 : vector<128x512xi1>, vector<128x512xf32>
    %eq3A_83 = arith.constant 12 : i32
    %eq3A_84 = vector.broadcast %eq3A_83 : i32 to vector<128x512xi32>
    %eq3A_85 = arith.cmpi eq, %min3A_18, %eq3A_84 : vector<128x512xi32>
    %slice3A_86 = vector.extract_strided_slice %get3A_4 {offsets = [12, 0, 0], sizes = [1, 128, 512], strides = [1, 1, 1]} : vector<19x128x512xf32> to vector<1x128x512xf32>
    %squeeze3A_87 = vector.shape_cast %slice3A_86 : vector<1x128x512xf32> to vector<128x512xf32>
    %select_n3A_88 = arith.select %eq3A_85, %squeeze3A_87, %select_n3A_82 : vector<128x512xi1>, vector<128x512xf32>
    %eq3A_89 = arith.constant 13 : i32
    %eq3A_90 = vector.broadcast %eq3A_89 : i32 to vector<128x512xi32>
    %eq3A_91 = arith.cmpi eq, %min3A_18, %eq3A_90 : vector<128x512xi32>
    %slice3A_92 = vector.extract_strided_slice %get3A_4 {offsets = [13, 0, 0], sizes = [1, 128, 512], strides = [1, 1, 1]} : vector<19x128x512xf32> to vector<1x128x512xf32>
    %squeeze3A_93 = vector.shape_cast %slice3A_92 : vector<1x128x512xf32> to vector<128x512xf32>
    %select_n3A_94 = arith.select %eq3A_91, %squeeze3A_93, %select_n3A_88 : vector<128x512xi1>, vector<128x512xf32>
    %eq3A_95 = arith.constant 14 : i32
    %eq3A_96 = vector.broadcast %eq3A_95 : i32 to vector<128x512xi32>
    %eq3A_97 = arith.cmpi eq, %min3A_18, %eq3A_96 : vector<128x512xi32>
    %slice3A_98 = vector.extract_strided_slice %get3A_4 {offsets = [14, 0, 0], sizes = [1, 128, 512], strides = [1, 1, 1]} : vector<19x128x512xf32> to vector<1x128x512xf32>
    %squeeze3A_99 = vector.shape_cast %slice3A_98 : vector<1x128x512xf32> to vector<128x512xf32>
    %select_n3A_100 = arith.select %eq3A_97, %squeeze3A_99, %select_n3A_94 : vector<128x512xi1>, vector<128x512xf32>
    %eq3A_101 = arith.constant 15 : i32
    %eq3A_102 = vector.broadcast %eq3A_101 : i32 to vector<128x512xi32>
    %eq3A_103 = arith.cmpi eq, %min3A_18, %eq3A_102 : vector<128x512xi32>
    %slice3A_104 = vector.extract_strided_slice %get3A_4 {offsets = [15, 0, 0], sizes = [1, 128, 512], strides = [1, 1, 1]} : vector<19x128x512xf32> to vector<1x128x512xf32>
    %squeeze3A_105 = vector.shape_cast %slice3A_104 : vector<1x128x512xf32> to vector<128x512xf32>
    %select_n3A_106 = arith.select %eq3A_103, %squeeze3A_105, %select_n3A_100 : vector<128x512xi1>, vector<128x512xf32>
    %eq3A_107 = arith.constant 16 : i32
    %eq3A_108 = vector.broadcast %eq3A_107 : i32 to vector<128x512xi32>
    %eq3A_109 = arith.cmpi eq, %min3A_18, %eq3A_108 : vector<128x512xi32>
    %slice3A_110 = vector.extract_strided_slice %get3A_4 {offsets = [16, 0, 0], sizes = [1, 128, 512], strides = [1, 1, 1]} : vector<19x128x512xf32> to vector<1x128x512xf32>
    %squeeze3A_111 = vector.shape_cast %slice3A_110 : vector<1x128x512xf32> to vector<128x512xf32>
    %select_n3A_112 = arith.select %eq3A_109, %squeeze3A_111, %select_n3A_106 : vector<128x512xi1>, vector<128x512xf32>
    %eq3A_113 = arith.constant 17 : i32
    %eq3A_114 = vector.broadcast %eq3A_113 : i32 to vector<128x512xi32>
    %eq3A_115 = arith.cmpi eq, %min3A_18, %eq3A_114 : vector<128x512xi32>
    %slice3A_116 = vector.extract_strided_slice %get3A_4 {offsets = [17, 0, 0], sizes = [1, 128, 512], strides = [1, 1, 1]} : vector<19x128x512xf32> to vector<1x128x512xf32>
    %squeeze3A_117 = vector.shape_cast %slice3A_116 : vector<1x128x512xf32> to vector<128x512xf32>
    %select_n3A_118 = arith.select %eq3A_115, %squeeze3A_117, %select_n3A_112 : vector<128x512xi1>, vector<128x512xf32>
    %eq3A_119 = arith.constant 18 : i32
    %eq3A_120 = vector.broadcast %eq3A_119 : i32 to vector<128x512xi32>
    %eq3A_121 = arith.cmpi eq, %min3A_18, %eq3A_120 : vector<128x512xi32>
    %slice3A_122 = vector.extract_strided_slice %get3A_4 {offsets = [18, 0, 0], sizes = [1, 128, 512], strides = [1, 1, 1]} : vector<19x128x512xf32> to vector<1x128x512xf32>
    %squeeze3A_123 = vector.shape_cast %slice3A_122 : vector<1x128x512xf32> to vector<128x512xf32>
    %select_n3A_124 = arith.select %eq3A_121, %squeeze3A_123, %select_n3A_118 : vector<128x512xi1>, vector<128x512xf32>
    %log3A = math.log %reduce_sum3A_12 : vector<128x512xf32>
    %sub3A_125 = arith.subf %select_n3A_124, %reduce_max3A_10 : vector<128x512xf32>
    %sub3A_126 = arith.subf %log3A, %sub3A_125 : vector<128x512xf32>
    %jit3A = arith.constant 0.000000e+00 : f32
    %broadcast_in_dim3A_127 = vector.broadcast %jit3A : f32 to vector<128x512xf32>
    %select_n3A_128 = arith.select %ne3A_14, %sub3A_126, %broadcast_in_dim3A_127 : vector<128x512xi1>, vector<128x512xf32>
    %swap3A = arith.constant 0 : index
    %swap3A_129 = arith.constant 0 : index
    %swap3A_130 = arith.constant 0 : index
    %swap3A_131 = vector.load %arg4[%swap3A, %swap3A_129, %swap3A_130] : memref<1x128x512xf32, #tpu.memory_space<vmem>>, vector<1x128x512xf32>
    %swap3A_132 = vector.shape_cast %swap3A_131 : vector<1x128x512xf32> to vector<128x512xf32>
    %swap3A_133 = vector.shape_cast %select_n3A_128 : vector<128x512xf32> to vector<1x128x512xf32>
    tpu.vector_store %arg4[%swap3A, %swap3A_129, %swap3A_130], %swap3A_133 {strides = array<i32>} : memref<1x128x512xf32, #tpu.memory_space<vmem>>, vector<1x128x512xf32>,
    %gt3A = arith.constant 0.356674939 : f32
    %gt3A_134 = vector.broadcast %gt3A : f32 to vector<128x512xf32>
    %gt3A_135 = arith.cmpf ogt, %select_n3A_128, %gt3A_134 : vector<128x512xf32>
    %convert_element_type3A = arith.extui %gt3A_135 : vector<128x512xi1> to vector<128x512xi32>
    %convert_element_type3A_136 = arith.sitofp %convert_element_type3A : vector<128x512xi32> to vector<128x512xf32>
    %reduce_sum3A_137 = vector.shape_cast %convert_element_type3A_136 : vector<128x512xf32> to vector<1x128x512xf32>
    %reduce_sum3A_138 = arith.constant dense<0.000000e+00> : vector<1xf32>
    %reduce_sum3A_139 = vector.multi_reduction <add>, %reduce_sum3A_137, %reduce_sum3A_138 [1, 2] : vector<1x128x512xf32> to vector<1xf32>
    %reduce_sum3A_140 = vector.shape_cast %reduce_sum3A_139 : vector<1xf32> to vector<1x1x1xf32>
    %reduce_sum3A_141 = vector.extract %reduce_sum3A_140[0, 0, 0] : f32 from vector<1x1x1xf32>
    %swap3A_142 = arith.constant 0 : index
    %swap3A_143 = arith.constant 0 : index
    %swap3A_144 = arith.constant 0 : index
    %swap3A_145 = memref.load %arg5[%swap3A_142, %swap3A_143, %swap3A_144] : memref<1x1x3xf32, #tpu.memory_space<smem>>
    memref.store %reduce_sum3A_141, %arg5[%swap3A_142, %swap3A_143, %swap3A_144] : memref<1x1x3xf32, #tpu.memory_space<smem>>
    %jit3A_146 = arith.constant 0.000000e+00 : f32
    %broadcast_in_dim3A_147 = vector.broadcast %jit3A_146 : f32 to vector<128x512xf32>
    %select_n3A_148 = arith.select %gt3A_135, %select_n3A_128, %broadcast_in_dim3A_147 : vector<128x512xi1>, vector<128x512xf32>
    %reduce_sum3A_149 = vector.shape_cast %select_n3A_148 : vector<128x512xf32> to vector<1x128x512xf32>
    %reduce_sum3A_150 = arith.constant dense<0.000000e+00> : vector<1xf32>
    %reduce_sum3A_151 = vector.multi_reduction <add>, %reduce_sum3A_149, %reduce_sum3A_150 [1, 2] : vector<1x128x512xf32> to vector<1xf32>
    %reduce_sum3A_152 = vector.shape_cast %reduce_sum3A_151 : vector<1xf32> to vector<1x1x1xf32>
    %reduce_sum3A_153 = vector.extract %reduce_sum3A_152[0, 0, 0] : f32 from vector<1x1x1xf32>
    %swap3A_154 = arith.constant 0 : index
    %swap3A_155 = arith.constant 0 : index
    %swap3A_156 = arith.constant 1 : index
    %swap3A_157 = memref.load %arg5[%swap3A_154, %swap3A_155, %swap3A_156] : memref<1x1x3xf32, #tpu.memory_space<smem>>
    memref.store %reduce_sum3A_153, %arg5[%swap3A_154, %swap3A_155, %swap3A_156] : memref<1x1x3xf32, #tpu.memory_space<smem>>
    %convert_element_type3A_158 = arith.extui %ne3A_14 : vector<128x512xi1> to vector<128x512xi32>
    %convert_element_type3A_159 = arith.sitofp %convert_element_type3A_158 : vector<128x512xi32> to vector<128x512xf32>
    %reduce_sum3A_160 = vector.shape_cast %convert_element_type3A_159 : vector<128x512xf32> to vector<1x128x512xf32>
    %reduce_sum3A_161 = arith.constant dense<0.000000e+00> : vector<1xf32>
    %reduce_sum3A_162 = vector.multi_reduction <add>, %reduce_sum3A_160, %reduce_sum3A_161 [1, 2] : vector<1x128x512xf32> to vector<1xf32>
    %reduce_sum3A_163 = vector.shape_cast %reduce_sum3A_162 : vector<1xf32> to vector<1x1x1xf32>
    %reduce_sum3A_164 = vector.extract %reduce_sum3A_163[0, 0, 0] : f32 from vector<1x1x1xf32>
    %swap3A_165 = arith.constant 0 : index
    %swap3A_166 = arith.constant 0 : index
    %swap3A_167 = arith.constant 2 : index
    %swap3A_168 = memref.load %arg5[%swap3A_165, %swap3A_166, %swap3A_167] : memref<1x1x3xf32, #tpu.memory_space<smem>>
    memref.store %reduce_sum3A_164, %arg5[%swap3A_165, %swap3A_166, %swap3A_167] : memref<1x1x3xf32, #tpu.memory_space<smem>>
    return
  }
  func.func @transform_0(%arg0: i32, %arg1: i32) -> (i32, i32, i32, i32) {
    %add3A = arith.constant 2 : i32
    %add3A_0 = arith.addi %arg0, %add3A : i32
    %c0_i32 = arith.constant 0 : i32
    %c0_i32_1 = arith.constant 0 : i32
    %c0_i32_2 = arith.constant 0 : i32
    return %add3A_0, %c0_i32, %arg1, %c0_i32_1 : i32, i32, i32, i32
  }
  func.func @transform_1(%arg0: i32, %arg1: i32) -> (i32, i32, i32) {
    %add3A = arith.constant 2 : i32
    %add3A_0 = arith.addi %arg0, %add3A : i32
    %c0_i32 = arith.constant 0 : i32
    %c0_i32_1 = arith.constant 0 : i32
    return %add3A_0, %arg1, %c0_i32 : i32, i32, i32
  }
  func.func @transform_2(%arg0: i32, %arg1: i32) -> (i32, i32, i32) {
    %c0_i32 = arith.constant 0 : i32
    %c0_i32_0 = arith.constant 0 : i32
    return %arg0, %arg1, %c0_i32 : i32, i32, i32
  }
  func.func @transform_3(%arg0: i32, %arg1: i32) -> (i32, i32, i32) {
    %mul3A = arith.constant 4 : i32
    %mul3A_0 = arith.muli %arg0, %mul3A : i32
    %add3A = arith.addi %mul3A_0, %arg1 : i32
    %c0_i32 = arith.constant 0 : i32
    %c0_i32_1 = arith.constant 0 : i32
    %c0_i32_2 = arith.constant 0 : i32
    return %add3A, %c0_i32, %c0_i32_1 : i32, i32, i32
  }
}

module attributes {stable_mosaic.version = 14 : i64} {
  func.func @_topk_mean_body(%arg0: memref<2x512x512xf32, #tpu.memory_space<vmem>>, %arg1: memref<6x512x512xf32, #tpu.memory_space<vmem>>, %arg2: memref<1x1xf32, #tpu.memory_space<smem>>) attributes {dimension_semantics = [], scalar_prefetch = 0 : i64, scratch_operands = 0 : i64, tpu.core_type = #tpu.core_type<tc>} {
    %get3A = arith.constant 0 : index
    %get3A_0 = arith.constant 0 : index
    %get3A_1 = arith.constant 0 : index
    %get3A_2 = vector.load %arg0[%get3A, %get3A_0, %get3A_1] : memref<2x512x512xf32, #tpu.memory_space<vmem>>, vector<2x512x512xf32>
    %max3A = arith.constant 0.000000e+00 : f32
    %max3A_3 = vector.broadcast %max3A : f32 to vector<2x512x512xf32>
    %max3A_4 = arith.maximumf %get3A_2, %max3A_3 : vector<2x512x512xf32>
    %get3A_5 = arith.constant 0 : index
    %get3A_6 = arith.constant 0 : index
    %get3A_7 = arith.constant 0 : index
    %get3A_8 = vector.load %arg1[%get3A_5, %get3A_6, %get3A_7] : memref<6x512x512xf32, #tpu.memory_space<vmem>>, vector<6x512x512xf32>
    %max3A_9 = arith.constant 0.000000e+00 : f32
    %max3A_10 = vector.broadcast %max3A_9 : f32 to vector<6x512x512xf32>
    %max3A_11 = arith.maximumf %get3A_8, %max3A_10 : vector<6x512x512xf32>
    %bitcast_convert_type3A = tpu.bitcast %max3A_4 : vector<2x512x512xf32> -> vector<2x512x512xi32>
    %bitcast_convert_type3A_12 = tpu.bitcast %max3A_11 : vector<6x512x512xf32> -> vector<6x512x512xi32>
    %scan3A = arith.constant 1.310720e+05 : f32
    %scan3A_13 = arith.constant 0 : i32
    %scan3A_14 = arith.constant 0 : i32
    %scan3A_15 = arith.constant 31 : i32
    %scan3A_16 = arith.addi %scan3A_14, %scan3A_15 : i32
    %scan3A_17 = arith.constant 1 : i32
    %scan3A_18 = scf.for %scan3A_55 = %scan3A_14 to %scan3A_16 step %scan3A_17 iter_args(%scan3A_56 = %scan3A_13) -> (i32)  : i32 {
      %sub3A_57 = arith.constant 30 : i32
      %sub3A_58 = arith.subi %sub3A_57, %scan3A_55 : i32
      %shift_left3A = arith.constant 1 : i32
      %shift_left3A_59 = arith.shli %shift_left3A, %sub3A_58 : i32
      %or3A = arith.ori %scan3A_56, %shift_left3A_59 : i32
      %ge3A = vector.broadcast %or3A : i32 to vector<2x512x512xi32>
      %ge3A_60 = arith.cmpi sge, %bitcast_convert_type3A, %ge3A : vector<2x512x512xi32>
      %convert_element_type3A_61 = arith.extui %ge3A_60 : vector<2x512x512xi1> to vector<2x512x512xi32>
      %convert_element_type3A_62 = arith.sitofp %convert_element_type3A_61 : vector<2x512x512xi32> to vector<2x512x512xf32>
      %reduce_sum3A_63 = vector.shape_cast %convert_element_type3A_62 : vector<2x512x512xf32> to vector<1x2x512x512xf32>
      %reduce_sum3A_64 = arith.constant dense<0.000000e+00> : vector<1xf32>
      %reduce_sum3A_65 = vector.multi_reduction <add>, %reduce_sum3A_63, %reduce_sum3A_64 [1, 2, 3] : vector<1x2x512x512xf32> to vector<1xf32>
      %reduce_sum3A_66 = vector.shape_cast %reduce_sum3A_65 : vector<1xf32> to vector<1x1x1x1xf32>
      %reduce_sum3A_67 = vector.extract %reduce_sum3A_66[0, 0, 0, 0] : f32 from vector<1x1x1x1xf32>
      %ge3A_68 = vector.broadcast %or3A : i32 to vector<6x512x512xi32>
      %ge3A_69 = arith.cmpi sge, %bitcast_convert_type3A_12, %ge3A_68 : vector<6x512x512xi32>
      %convert_element_type3A_70 = arith.extui %ge3A_69 : vector<6x512x512xi1> to vector<6x512x512xi32>
      %convert_element_type3A_71 = arith.sitofp %convert_element_type3A_70 : vector<6x512x512xi32> to vector<6x512x512xf32>
      %reduce_sum3A_72 = vector.shape_cast %convert_element_type3A_71 : vector<6x512x512xf32> to vector<1x6x512x512xf32>
      %reduce_sum3A_73 = arith.constant dense<0.000000e+00> : vector<1xf32>
      %reduce_sum3A_74 = vector.multi_reduction <add>, %reduce_sum3A_72, %reduce_sum3A_73 [1, 2, 3] : vector<1x6x512x512xf32> to vector<1xf32>
      %reduce_sum3A_75 = vector.shape_cast %reduce_sum3A_74 : vector<1xf32> to vector<1x1x1x1xf32>
      %reduce_sum3A_76 = vector.extract %reduce_sum3A_75[0, 0, 0, 0] : f32 from vector<1x1x1x1xf32>
      %add3A_77 = arith.addf %reduce_sum3A_67, %reduce_sum3A_76 : f32
      %ge3A_78 = arith.cmpf oge, %add3A_77, %scan3A : f32
      %select_n3A_79 = arith.select %ge3A_78, %or3A, %scan3A_56 : i32
      scf.yield %select_n3A_79 : i32
    }
    %scan3A_19 = arith.constant 31 : i32
    %bitcast_convert_type3A_20 = arith.bitcast %scan3A_18 : i32 to f32
    %gt3A = vector.broadcast %bitcast_convert_type3A_20 : f32 to vector<2x512x512xf32>
    %gt3A_21 = arith.cmpf ogt, %max3A_4, %gt3A : vector<2x512x512xf32>
    %gt3A_22 = vector.broadcast %bitcast_convert_type3A_20 : f32 to vector<6x512x512xf32>
    %gt3A_23 = arith.cmpf ogt, %max3A_11, %gt3A_22 : vector<6x512x512xf32>
    %convert_element_type3A = arith.extui %gt3A_21 : vector<2x512x512xi1> to vector<2x512x512xi32>
    %convert_element_type3A_24 = arith.sitofp %convert_element_type3A : vector<2x512x512xi32> to vector<2x512x512xf32>
    %reduce_sum3A = vector.shape_cast %convert_element_type3A_24 : vector<2x512x512xf32> to vector<1x2x512x512xf32>
    %reduce_sum3A_25 = arith.constant dense<0.000000e+00> : vector<1xf32>
    %reduce_sum3A_26 = vector.multi_reduction <add>, %reduce_sum3A, %reduce_sum3A_25 [1, 2, 3] : vector<1x2x512x512xf32> to vector<1xf32>
    %reduce_sum3A_27 = vector.shape_cast %reduce_sum3A_26 : vector<1xf32> to vector<1x1x1x1xf32>
    %reduce_sum3A_28 = vector.extract %reduce_sum3A_27[0, 0, 0, 0] : f32 from vector<1x1x1x1xf32>
    %convert_element_type3A_29 = arith.extui %gt3A_23 : vector<6x512x512xi1> to vector<6x512x512xi32>
    %convert_element_type3A_30 = arith.sitofp %convert_element_type3A_29 : vector<6x512x512xi32> to vector<6x512x512xf32>
    %reduce_sum3A_31 = vector.shape_cast %convert_element_type3A_30 : vector<6x512x512xf32> to vector<1x6x512x512xf32>
    %reduce_sum3A_32 = arith.constant dense<0.000000e+00> : vector<1xf32>
    %reduce_sum3A_33 = vector.multi_reduction <add>, %reduce_sum3A_31, %reduce_sum3A_32 [1, 2, 3] : vector<1x6x512x512xf32> to vector<1xf32>
    %reduce_sum3A_34 = vector.shape_cast %reduce_sum3A_33 : vector<1xf32> to vector<1x1x1x1xf32>
    %reduce_sum3A_35 = vector.extract %reduce_sum3A_34[0, 0, 0, 0] : f32 from vector<1x1x1x1xf32>
    %add3A = arith.addf %reduce_sum3A_28, %reduce_sum3A_35 : f32
    %jit3A = arith.constant 0.000000e+00 : f32
    %broadcast_in_dim3A = vector.broadcast %jit3A : f32 to vector<2x512x512xf32>
    %select_n3A = arith.select %gt3A_21, %max3A_4, %broadcast_in_dim3A : vector<2x512x512xi1>, vector<2x512x512xf32>
    %reduce_sum3A_36 = vector.shape_cast %select_n3A : vector<2x512x512xf32> to vector<1x2x512x512xf32>
    %reduce_sum3A_37 = arith.constant dense<0.000000e+00> : vector<1xf32>
    %reduce_sum3A_38 = vector.multi_reduction <add>, %reduce_sum3A_36, %reduce_sum3A_37 [1, 2, 3] : vector<1x2x512x512xf32> to vector<1xf32>
    %reduce_sum3A_39 = vector.shape_cast %reduce_sum3A_38 : vector<1xf32> to vector<1x1x1x1xf32>
    %reduce_sum3A_40 = vector.extract %reduce_sum3A_39[0, 0, 0, 0] : f32 from vector<1x1x1x1xf32>
    %jit3A_41 = arith.constant 0.000000e+00 : f32
    %broadcast_in_dim3A_42 = vector.broadcast %jit3A_41 : f32 to vector<6x512x512xf32>
    %select_n3A_43 = arith.select %gt3A_23, %max3A_11, %broadcast_in_dim3A_42 : vector<6x512x512xi1>, vector<6x512x512xf32>
    %reduce_sum3A_44 = vector.shape_cast %select_n3A_43 : vector<6x512x512xf32> to vector<1x6x512x512xf32>
    %reduce_sum3A_45 = arith.constant dense<0.000000e+00> : vector<1xf32>
    %reduce_sum3A_46 = vector.multi_reduction <add>, %reduce_sum3A_44, %reduce_sum3A_45 [1, 2, 3] : vector<1x6x512x512xf32> to vector<1xf32>
    %reduce_sum3A_47 = vector.shape_cast %reduce_sum3A_46 : vector<1xf32> to vector<1x1x1x1xf32>
    %reduce_sum3A_48 = vector.extract %reduce_sum3A_47[0, 0, 0, 0] : f32 from vector<1x1x1x1xf32>
    %add3A_49 = arith.addf %reduce_sum3A_40, %reduce_sum3A_48 : f32
    %sub3A = arith.constant 1.310720e+05 : f32
    %sub3A_50 = arith.subf %sub3A, %add3A : f32
    %mul3A = arith.mulf %sub3A_50, %bitcast_convert_type3A_20 : f32
    %add3A_51 = arith.addf %add3A_49, %mul3A : f32
    %div3A = arith.constant 1.310720e+05 : f32
    %div3A_52 = arith.divf %add3A_51, %div3A : f32
    %swap3A = arith.constant 0 : index
    %swap3A_53 = arith.constant 0 : index
    %swap3A_54 = memref.load %arg2[%swap3A, %swap3A_53] : memref<1x1xf32, #tpu.memory_space<smem>>
    memref.store %div3A_52, %arg2[%swap3A, %swap3A_53] : memref<1x1xf32, #tpu.memory_space<smem>>
    return
  }
}

</mosaic_0001>

<sc_bundles>
// kernel: kernel.4.cloned.1.call-start
scs
__scs_entry_jumppad:
0x0: {  	(pc) =	sbr.rel $0x88, $3  }
0x1: {  	(tag) =	ssettag $0x0;
	lr =	simm.s32 $0x1  }
0x2: {  	[smem:$0x3F9F] =	sst lr;
	_ =	strace $0xD0000000  }
0x3: {  	_ = 	snop  }
0x4: {  	_ = 	snop  }
0x5: {  	_ = 	snop  }
0x6: {  	_ = 	snop  }
0x7: {  	_ = 	snop  }
__scs_overlays_trampoline_lowered:
0x8: {  	[smem:$0x3FAE] =	sst s0  }
0x9: {  	[smem:$0x3FAF] =	sst s1  }
0xa: {  	[smem:$0x3FB0] =	sst s2  }
0xb: {  	[smem:$0x3FB1] =	sst s3  }
0xc: {  	[smem:$0x3FB2] =	sst s4  }
0xd: {  	[smem:$0x3FB3] =	sst s5  }
0xe: {  	[smem:$0x3FB4] =	sst s6  }
0xf: {  	[smem:$0x3FB5] =	sst s7  }
0x10: {  	[smem:$0x3FB6] =	sst s8  }
0x11: {  	[smem:$0x3FB7] =	sst s9;
	s0 =	simm.s32 @!p0 $0x0  }
0x12: {  	s1 =	sld [smem:$0x3F9D];
	s0 =	simm.s32 @p0 $0x1  }
0x13: {  	[smem:$0x3FB8] =	sst s0;
	s0 =	simm.s32 @!p1 $0x0  }
0x14: {  	s2 =	sld [smem:$0x3F9C];
	s0 =	simm.s32 @p1 $0x1  }
0x15: {  	[smem:$0x3FB9] =	sst s0;
	s0 =	simm.s32 @!p2 $0x0  }
0x16: {  	s3 =	sld [smem:$0x3FDB];
	s0 =	simm.s32 @p2 $0x1  }
0x17: {  	s4 =	simm.s32 $0x1BF5;
	[smem:$0x3FBB] =	sst s0  }
0x18: {  	s0 =	sld [smem:$0x3F9E];
	_ =	swait.ge [sflag:s4], $0x0  }
0x19: {  	s7 =	sld [smem:$0x3F9F]  }
0x1a: {  	s8 =	sadd.s32 $0xFFFFE003, lr  }
0x1b: {  	s9 =	sadd.s32 $0xFFFFFEF7, lr;
	s5 =	simm.s32 $0xFFFFFFFF;
	p2 =	slt.u32 s8, $0xFFFFF086  }
0x1c: {  	p1 =	slt.u32 s9, $0xF7A;
	s5 =	simm.s32 @!p2 $0x0  }
0x1d: {  	s5 =	simm.s32 @p1 $0x1;
	p0 =	seq.s32 s7, s2  }
0x1e: {  	s7 =	smul.u32 @!p0 $0xF7A, s2;
	p2 =	seq.s32 @!p0 s5, $0x0  }
0x1f: {  	s9 =	smul.u32 $0xF7A, s1;
	s8 =	simm.s32 @!p0 $0x1BF5;
	p2 =	por !p2, p0  }
0x20: {  	[sflag:s8] =	ssyncset.s32 @!p0 $0xFFFFF086;
	s6 =	sadd.s32 @!p0 s3, s7;
	s7 =	simm.s32 @!p0 $0x108  }
0x21: {  	s3 =	sadd.s32 s3, s9;
	s6 =	sadd.s32 @!p0 $0x88, s6;
	s7 =	simm.s32 @p2 $0x1082  }
0x22: {  	[simem:s7], [sflag:s8] =	dma.local @!p0 [hbm:s6], $0xF7A  }
0x23: {  	s9 =	sor.u32 $0xD0000000, s2;
	s6 =	simm.s32 $0x108;
	_ =	swait.ge @!p0 [sflag:s8], $0x0  }
0x24: {  	s3 =	sadd.s32 $0x88, s3;
	s6 =	simm.s32 @!p1 $0x1082;
	[sflag:s4] =	ssyncset.s32 $0xFFFFF086  }
0x25: {  	[simem:s6], [sflag:s4] =	dma.local [hbm:s3], $0xF7A  }
0x26: {  	[smem:$0x3F9F] =	sst s1;
	(tag) =	ssettag s2;
	_ =	strace s9  }
0x27: {  	s1 =	sld [smem:$0x3FAF]  }
0x28: {  	s2 =	sld [smem:$0x3FB0]  }
0x29: {  	s4 =	sld [smem:$0x3FB2]  }
0x2a: {  	p0 =	seq.s32 s5, $0x0;
	s5 =	sld [smem:$0x3FB3]  }
0x2b: {  	s6 =	sld [smem:$0x3FB4]  }
0x2c: {  	s7 =	sld [smem:$0x3FB5]  }
0x2d: {  	s3 =	simm.s32 $0x108;
	s8 =	sld [smem:$0x3FB6]  }
0x2e: {  	s3 =	simm.s32 @!p0 $0x1082;
	s9 =	sld [smem:$0x3FB7]  }
0x2f: {  	lr =	sadd.s32 s0, s3;
	s0 =	sld [smem:$0x3FAE]  }
0x30: {  	s3 =	sld [smem:$0x3FB1]  }
0x31: {  	[smem:$0x3FBA] =	sst s10  }
0x32: {  	s10 =	sld [smem:$0x3FB8];
	_ =	sdelay $0x3  }
0x33: {  	p0 =	seq.s32 s10, $0x1;
	s10 =	sld [smem:$0x3FBA];
	_ =	sdelay $0x3  }
0x34: {  	[smem:$0x3FBA] =	sst s10  }
0x35: {  	s10 =	sld [smem:$0x3FB9];
	_ =	sdelay $0x3  }
0x36: {  	p1 =	seq.s32 s10, $0x1;
	s10 =	sld [smem:$0x3FBA];
	_ =	sdelay $0x3  }
0x37: {  	[smem:$0x3FBA] =	sst s10  }
0x38: {  	s10 =	sld [smem:$0x3FBB]  }
0x39: {  	_ = 	snop;
	(pc) =	sbr.ind lr, $3  }
0x3a: {  	_ = 	snop  }
0x3b: {  	_ = 	snop  }
0x3c: {  	p2 =	seq.s32 s10, $0x1;
	s10 =	sld [smem:$0x3FBA]  }
0x3d: {  	_ =	shalt  }
0x3e: {  	_ =	shalt  }
0x3f: {  	_ =	shalt  }
0x40: {  	_ =	shalt  }
0x41: {  	_ =	shalt  }
0x42: {  	_ =	shalt  }
0x43: {  	_ =	shalt  }
0x44: {  	_ =	shalt  }
0x45: {  	_ =	shalt  }
0x46: {  	_ =	shalt  }
0x47: {  	_ =	shalt  }
0x48: {  	_ =	shalt  }
0x49: {  	_ =	shalt  }
0x4a: {  	_ =	shalt  }
0x4b: {  	_ =	shalt  }
0x4c: {  	_ =	shalt  }
0x4d: {  	_ =	shalt  }
0x4e: {  	_ =	shalt  }
0x4f: {  	_ =	shalt  }
0x50: {  	_ =	shalt  }
0x51: {  	_ =	shalt  }
0x52: {  	_ =	shalt  }
0x53: {  	_ =	shalt  }
0x54: {  	_ =	shalt  }
0x55: {  	_ =	shalt  }
0x56: {  	_ =	shalt  }
0x57: {  	_ =	shalt  }
0x58: {  	_ =	shalt  }
0x59: {  	_ =	shalt  }
0x5a: {  	_ =	shalt  }
0x5b: {  	_ =	shalt  }
0x5c: {  	_ =	shalt  }
0x5d: {  	_ =	shalt  }
0x5e: {  	_ =	shalt  }
0x5f: {  	_ =	shalt  }
0x60: {  	_ =	shalt  }
0x61: {  	_ =	shalt  }
0x62: {  	_ =	shalt  }
0x63: {  	_ =	shalt  }
0x64: {  	_ =	shalt  }
0x65: {  	_ =	shalt  }
0x66: {  	_ =	shalt  }
0x67: {  	_ =	shalt  }
0x68: {  	_ =	shalt  }
0x69: {  	_ =	shalt  }
0x6a: {  	_ =	shalt  }
0x6b: {  	_ =	shalt  }
0x6c: {  	_ =	shalt  }
0x6d: {  	_ =	shalt  }
0x6e: {  	_ =	shalt  }
0x6f: {  	_ =	shalt  }
0x70: {  	_ =	shalt  }
0x71: {  	_ =	shalt  }
0x72: {  	_ =	shalt  }
0x73: {  	_ =	shalt  }
0x74: {  	_ =	shalt  }
0x75: {  	_ =	shalt  }
0x76: {  	_ =	shalt  }
0x77: {  	_ =	shalt  }
0x78: {  	_ =	shalt  }
0x79: {  	_ =	shalt  }
0x7a: {  	_ =	shalt  }
0x7b: {  	_ =	shalt  }
0x7c: {  	_ =	shalt  }
0x7d: {  	_ =	shalt  }
0x7e: {  	_ =	shalt  }
0x7f: {  	_ =	shalt  }
0x80: {  	_ =	shalt  }
0x81: {  	_ =	shalt  }
0x82: {  	_ =	shalt  }
0x83: {  	_ =	shalt  }
0x84: {  	_ =	shalt  }
0x85: {  	_ =	shalt  }
0x86: {  	_ =	shalt  }
0x87: {  	_ =	shalt  }
.Lfunc_end0:
.L_simem_size_0:
called_computation_lowered:
.L_overlay_start_0:
0x88: {  	s2 =	sld [smem:$0x3FD9]  }
0x89: {  	s3 =	sld [smem:$0x3FFE];
	_ =	sdelay $0x1  }
0x8a: {  	s1 =	srdreg.scid  }
0x8b: {  	s0 =	sand.u32 $0x1, s1  }
0x8c: {  	s17 =	sshll.u32 s0, $0xA;
	s2 =	sadd.s32 s3, s2  }
0x8d: {  	s2 =	sadd.s32 s2, s17  }
0x8e: {  	[smem:$0x3FC6] =	sst s2  }
0x8f: {  	_ = 	snop  }
0x90: {  	s2 =	sld [smem:$0x3FC9]  }
0x91: {  	s18 =	sld [smem:$0x3FC8];
	(tm) =	ssettm $0x1  }
0x92: {  	s4 =	sld [smem:$0x3FFB];
	_ =	sdelay $0x3  }
0x93: {  	_ =	strace s4  }
0x94: {  	s4 =	sld [smem:$0x3FFC];
	_ =	sdelay $0x3  }
0x95: {  	_ =	strace s4  }
0x96: {  	s4 =	sld [smem:$0x3FFD];
	_ =	sdelay $0x3  }
0x97: {  	_ =	strace s4  }
0x98: {  	_ =	strace $0x8FFFFFFF  }
0x99: {  	s19 =	sld [smem:$0x3FDB];
	_ =	sdelay $0x1  }
0x9a: {  	s5 =	simm.s32 $_scs_section_size  }
0x9b: {  	s6 =	simm.s32 $_size__tile_overlayer_lowered;
	s7 =	simm.s32 $_tile_overlayer_lowered  }
0x9c: {  	s22 =	simm.s32 $0x1BFF;
	s21 =	sshll.u32 s7, $0x1;
	s4 =	sadd.s32 s5, s19  }
0x9d: {  	s8 =	simm.s32 $0x0;
	s20 =	sshll.u32 s6, $0x1;
	s6 =	sadd.s32 s21, s4  }
0x9e: {  	[timem:s8], [sflag:s22] =	dma.local [hbm:s6], s20  }
0x9f: {  	_ =	swait.ge [sflag:s22], s20  }
0xa0: {  	s5 =	ssub.s32 $0x0, s20;
	[sflag:s22] =	ssyncset.done $0x0  }
0xa1: {  	[sflag:s22] =	ssyncadd.s32 s5;
	_ =	sdelay $0x1  }
0xa2: {  	s23 =	simm.s32 $0x1B8B  }
0xa3: {  	_ =	swait.ge [sflag:s23], $0x1  }
0xa4: {  	[sflag:s23] =	ssyncset.done $0x0  }
0xa5: {  	s25 =	simm.s32 $0x1B8E;
	s24 =	sld [smem:$0x3FFE];
	[sflag:s23] =	ssyncadd.s32 $0xFFFFFFFF  }
0xa6: {  	s26 =	simm.s32 $execute0_lowered;
	[smem:$0x3FD2] =	sst s25  }
0xa7: {  	s6 =	sshll.u32 s26, $0x1;
	_ =	strace $0x80000046;
	[dreg:$0x1] =	wrdreg $0xFFFFFFFF  }
0xa8: {  	s28 =	simm.s32 $_size_execute0_lowered;
	s4 =	sadd.s32 s4, s6;
	[dreg:$0x0] =	wrdreg $0x0  }
0xa9: {  	s6 =	sshll.u32 s28, $0x1;
	[dreg:$0x2] =	wrdreg s4  }
0xaa: {  	[dreg:$0x3] =	wrdreg s6  }
0xab: {  	[dreg:$0x4] =	wrdreg $0xC0  }
0xac: {  	_ =	task [dreg:s8], $0x5FFFF  }
0xad: {  	[dreg:$0x1] =	wrdreg $0xFFFFFFFF  }
0xae: {  	[dreg:$0x0] =	wrdreg $0x60  }
0xaf: {  	[dreg:$0x2] =	wrdreg s2  }
0xb0: {  	[dreg:$0x3] =	wrdreg s18  }
0xb1: {  	[dreg:$0x4] =	wrdreg s24  }
0xb2: {  	[dreg:$0x5] =	wrdreg $0x9  }
0xb3: {  	_ =	task.clear_ibuf [dreg:s8], $0x6FFFF;
	_ =	strace $0x90000046  }
0xb4: {  	s29 =	simm.s32 $0x9;
	_ =	strace $0x80000048  }
0xb5: {  	_ =	swait.ge [sflag:s29], $0x1  }
0xb6: {  	[sflag:s29] =	ssyncadd.s32 $0xFFFFFFFF  }
0xb7: {  	_ =	strace $0x90000048  }
0xb8: {  	_ =	sfence  }
0xb9: {  	s30 =	sld [smem:$0x0];
	_ =	sdelay $0x2  }
0xba: {  	s31 =	sshll.u32 s1, $0xD;
	s1 =	sshrl.u32 s1, $0x2  }
0xbb: {  	s3 =	sand.u32 $0x4000, s31;
	s1 =	sadd.s32 s1, s30  }
0xbc: {  	s0 =	sor.u32 s3, s0;
	s1 =	sshll.u32 s1, $0x11  }
0xbd: {  	s0 =	sor.u32 s1, s0  }
0xbe: {  	s0 =	sadd.s32 $0x8F2B, s0  }
0xbf: {  	[sflag:s0] =	ssyncadd.remote.s32 $0x1  }
0xc0: {  	_ =	sfence.sel $0xFFFF  }
0xc1: {  	[dreg:$0x0] =	wrdreg $0xFFFFFFFF;
	(pc) =	sbr.abs _section_cstart, $3  }
0xc2: {  	[dreg:$0x1] =	wrdreg $0xFFFFFFFF  }
0xc3: {  	_ =	task.clear_ibuf [dreg:s8], $0x2FFFF;
	_ =	strace $0x9FFFFFFF  }
0xc4: {  	(tm) =	ssettm $0x7FFFFFFF  }
0xc5: {  	_ =	shalt  }
tec
execute0_lowered:
.L_overlay_start_1:
0x0: {  	(tag) =	ssettag $0x1  }
0x1: {  	s8 =	rddreg [dreg:$0x0]  }
0x2: {  	s0 =	srdreg.scid;
	s9 =	rddreg [dreg:$0x1]  }
0x3: {  	s2 =	stileid.u32;
	s4 =	rddreg [dreg:$0x2];
	s5 =	simm.s32 $0x0  }
0x4: {  	s0 =	sand.u32 $0x1, s0;
	s1 =	sshll.u32 s2, $0x1;
	s2 =	sshrl.u32 s2, $0x3  }
0x5: {  	[smem:$0x7FF] =	sst s5;
	s11 =	sadd.s32 $0x400, s4;
	s6 =	smul.u32 $0x4C0000, s2  }
0x6: {  	s21 =	sadd.s32 $0x100, s8;
	s23 =	sadd.s32 $0x100, s9;
	s25 =	sadd.s32 $0x500, s4  }
0x7: {  	s1 =	sor.u32 s0, s1;
	s0 =	ssub.s32 $0x2, s0;
	[dreg:$0x4] =	wrdreg s6  }
0x8: {  	s2 =	sshll.u32 s2, $0x12;
	_ =	strace $0x80000047;
	[dreg:$0x6] =	wrdreg s11  }
0x9: {  	s3 =	sshll.u32 s1, $0xE;
	s7 =	sshrl.u32 s0, $0x1;
	[dreg:$0x10] =	wrdreg s21  }
0xa: {  	s22 =	smov.u32 s2;
	s1 =	sshll.u32 s1, $0x1;
	[dreg:$0x11] =	wrdreg s23  }
0xb: {  	s3 =	sand.u32 $0x3C000, s3;
	s1 =	sadd.s32 s4, s1;
	[dreg:$0x16] =	wrdreg s25  }
0xc: {  	s0 =	ssub.s32 s0, s7;
	s2 =	sor.u32 s2, s3;
	[dreg:$0x15] =	wrdreg s1  }
0xd: {  	s6 =	sor.u32 s6, s3;
	s24 =	sor.u32 $0x1000, s3;
	[dreg:$0xc] =	wrdreg s2  }
0xe: {  	s0 =	smax.u32 s0, $0x1;
	s2 =	sshrl.u32 s2, $0x3;
	[dreg:$0x14] =	wrdreg s24  }
0xf: {  	s6 =	sshrl.u32 s6, $0x3;
	[dreg:$0x17] =	wrdreg s0;
	s20 =	sadd.s32 s9, s2  }
0x10: {  	s10 =	sadd.s32 s8, s6;
	s6 =	sadd.s32 s6, s21;
	[dreg:$0xf] =	wrdreg s20  }
0x11: {  	s2 =	sadd.s32 s2, s23;
	[dreg:$0x12] =	wrdreg s6  }
0x12: {  	[dreg:$0x13] =	wrdreg s2  }
0x13: {  	s13 =	sadd.s32 $0x8000, s10;
	[dreg:$0x5] =	wrdreg s10  }
0x14: {  	s14 =	sadd.s32 $0x10000, s10;
	[dreg:$0x7] =	wrdreg s13  }
0x15: {  	s15 =	sadd.s32 $0x18000, s10;
	[dreg:$0x8] =	wrdreg s14  }
0x16: {  	s16 =	sadd.s32 $0x20000, s10;
	[dreg:$0x9] =	wrdreg s15  }
0x17: {  	s17 =	sadd.s32 $0x28000, s10;
	[dreg:$0xa] =	wrdreg s16  }
0x18: {  	s18 =	sadd.s32 $0x30000, s10;
	[dreg:$0xb] =	wrdreg s17  }
0x19: {  	s19 =	sadd.s32 $0x38000, s10;
	[dreg:$0xd] =	wrdreg s18  }
0x1a: {  	s26 =	sadd.s32 $0x40000, s10;
	[dreg:$0xe] =	wrdreg s19  }
0x1b: {  	s28 =	sadd.s32 $0x48000, s10;
	[dreg:$0x18] =	wrdreg s26  }
0x1c: {  	s29 =	sadd.s32 $0x50000, s10;
	[dreg:$0x19] =	wrdreg s28  }
0x1d: {  	s30 =	sadd.s32 $0x58000, s10;
	[dreg:$0x1a] =	wrdreg s29  }
0x1e: {  	s31 =	sadd.s32 $0x60000, s10;
	[dreg:$0x1b] =	wrdreg s30  }
0x1f: {  	s2 =	sadd.s32 $0x68000, s10;
	[dreg:$0x1c] =	wrdreg s31  }
0x20: {  	s3 =	sadd.s32 $0x70000, s10;
	[dreg:$0x1d] =	wrdreg s2  }
0x21: {  	s4 =	sadd.s32 $0x78000, s10;
	[dreg:$0x1e] =	wrdreg s3  }
0x22: {  	s6 =	sadd.s32 $0x80000, s10;
	[dreg:$0x1f] =	wrdreg s4  }
0x23: {  	s7 =	sadd.s32 $0x88000, s10;
	[smem:$0x7E7] =	sst s6  }
0x24: {  	s8 =	sadd.s32 $0x90000, s10;
	[smem:$0x7E8] =	sst s7  }
0x25: {  	s9 =	sadd.s32 $0x8100, s10;
	[smem:$0x7E9] =	sst s8  }
0x26: {  	s11 =	sadd.s32 $0x10100, s10;
	[smem:$0x7EA] =	sst s9  }
0x27: {  	s12 =	sadd.s32 $0x18100, s10;
	[smem:$0x7EB] =	sst s11  }
0x28: {  	s20 =	sadd.s32 $0x58100, s10;
	[smem:$0x7EC] =	sst s12  }
0x29: {  	s21 =	sadd.s32 $0x60100, s10;
	[smem:$0x7F4] =	sst s20  }
0x2a: {  	s23 =	sadd.s32 $0x68100, s10;
	[smem:$0x7F5] =	sst s21  }
0x2b: {  	s24 =	sadd.s32 $0x70100, s10;
	[smem:$0x7F6] =	sst s23  }
0x2c: {  	s25 =	sadd.s32 $0x78100, s10;
	[smem:$0x7F7] =	sst s24  }
0x2d: {  	s13 =	sadd.s32 $0x20100, s10;
	[smem:$0x7F8] =	sst s25  }
0x2e: {  	s14 =	sadd.s32 $0x28100, s10;
	[smem:$0x7ED] =	sst s13  }
0x2f: {  	s15 =	sadd.s32 $0x30100, s10;
	[smem:$0x7EE] =	sst s14  }
0x30: {  	s16 =	sadd.s32 $0x38100, s10;
	[smem:$0x7EF] =	sst s15  }
0x31: {  	s17 =	sadd.s32 $0x40100, s10;
	[smem:$0x7F0] =	sst s16  }
0x32: {  	s18 =	sadd.s32 $0x48100, s10;
	[smem:$0x7F1] =	sst s17  }
0x33: {  	s19 =	sadd.s32 $0x50100, s10;
	[smem:$0x7F2] =	sst s18  }
0x34: {  	s26 =	sadd.s32 $0x80100, s10;
	[smem:$0x7F3] =	sst s19  }
.Ltmp0:
0x35: {  	s28 =	sadd.s32 $0x88100, s10;
	[smem:$0x7F9] =	sst s26;
	(pc) =	sbr.rel .LBB2_1-.Ltmp0, $4  }
0x36: {  	s29 =	sadd.s32 $0x90100, s10;
	[smem:$0x7FA] =	sst s28  }
0x37: {  	s30 =	sadd.s32 $0x200, s1;
	[smem:$0x7FB] =	sst s29  }
0x38: {  	s31 =	sadd.s32 $0x10400, s1;
	[smem:$0x7FC] =	sst s30  }
0x39: {  	v0 =	vimm.s32 $0x0;
	v1 =	vimm.f32 $0.0e+00;
	v2 =	vimm.f32 $1.000000000e+00;
	s23 =	simm.s32 $0x1;
	s1 =	simm.s32 $0x0;
	[smem:$0x7FD] =	sst s31  }
.LBB2_10:
0x3a: {  	s0 =	simm.s32 $0x2  }
0x3b: {  	_ =	swait.ge [sflag:s0], $0x800  }
0x3c: {  	[sflag:s0] =	ssyncset.done $0x0  }
0x3d: {  	[sflag:s0] =	ssyncadd.s32 $0xFFFFF800  }
0x3e: {  	_ =	swait.ge [sflag:s0], $0x800  }
0x3f: {  	[sflag:s0] =	ssyncset.done $0x0;
	s26 =	sld [smem:$0x7FC]  }
0x40: {  	[sflag:s0] =	ssyncadd.s32 $0xFFFFF800  }
0x41: {  	s1 =	simm.s32 $0x15000;
	s2 =	simm.s32 $0x3;
	[tilespmem:$0x15000] =	vst v5  }
0x42: {  	[hbm4b:s26+s5] =	stream.linear.scatter [tilespmem:s1], [sflag:$0x3], $0x10, $0x38;
	[tilespmem:$0x15080] =	vst v63  }
0x43: {  	_ =	swait.ge [sflag:s2], $0x10  }
0x44: {  	[sflag:s2] =	ssyncset.done $0x0;
	s28 =	sld [smem:$0x7FD]  }
0x45: {  	[sflag:s2] =	ssyncadd.s32 $0xFFFFFFF0  }
0x46: {  	[tilespmem:$0x15000] =	vst v4  }
0x47: {  	[hbm4b:s28+s5] =	stream.linear.scatter [tilespmem:s1], [sflag:$0x3], $0x10, $0x38;
	[tilespmem:$0x15080] =	vst v63  }
0x48: {  	_ =	swait.ge [sflag:s2], $0x10  }
0x49: {  	[sflag:s2] =	ssyncset.done $0x0  }
0x4a: {  	[sflag:s2] =	ssyncadd.s32 $0xFFFFFFF0  }
0x4b: {  	s29 =	rddreg [dreg:$0x15];
	[tilespmem:$0x15000] =	vst v3  }
0x4c: {  	[hbm4b:s29+s5] =	stream.linear.scatter [tilespmem:s1], [sflag:$0x3], $0x10, $0x38;
	[tilespmem:$0x15080] =	vst v63  }
0x4d: {  	_ =	swait.ge [sflag:s2], $0x10  }
0x4e: {  	s30 =	sld [smem:$0x7E6];
	_ =	sdelay $0x2  }
0x4f: {  	s31 =	rddreg [dreg:$0x17];
	s1 =	sadd.s32 $0x1, s30  }
0x50: {  	p0 =	sne.s32 s1, s31  }
.Ltmp1:
0x51: {  	_ = 	snop;
	(pc) =	sbr.rel @!p0 .LBB2_11-.Ltmp1, $3  }
0x52: {  	_ =	sdelay $0x1  }
0x53: {  	[sflag:s2] =	ssyncset.done $0x0  }
0x54: {  	[sflag:s2] =	ssyncadd.s32 $0xFFFFFFF0  }
.LBB2_1:
0x55: {  	s0 =	rddreg [dreg:$0x5]  }
0x56: {  	s2 =	rddreg [dreg:$0x7]  }
0x57: {  	[tilespmem:s5], [sflag:$0x1] =	stream.linear.gather [hbm4b:s0+s5], $0x800, $0x38;
	[tilespmem:$0x15080] =	vst v63  }
0x58: {  	s3 =	simm.s32 $0x800;
	s4 =	rddreg [dreg:$0x8]  }
0x59: {  	[tilespmem:s3], [sflag:$0x1] =	stream.linear.gather [hbm4b:s2+s5], $0x800, $0x38;
	[tilespmem:$0x15080] =	vst v63  }
0x5a: {  	s6 =	simm.s32 $0x1000;
	s7 =	rddreg [dreg:$0x9]  }
0x5b: {  	[tilespmem:s6], [sflag:$0x1] =	stream.linear.gather [hbm4b:s4+s5], $0x800, $0x38;
	[tilespmem:$0x15080] =	vst v63  }
0x5c: {  	s8 =	simm.s32 $0x1800;
	s9 =	rddreg [dreg:$0xa]  }
0x5d: {  	[tilespmem:s8], [sflag:$0x1] =	stream.linear.gather [hbm4b:s7+s5], $0x800, $0x38;
	[tilespmem:$0x15080] =	vst v63  }
0x5e: {  	s10 =	simm.s32 $0x2000;
	s11 =	rddreg [dreg:$0xb]  }
0x5f: {  	[tilespmem:s10], [sflag:$0x1] =	stream.linear.gather [hbm4b:s9+s5], $0x800, $0x38;
	[tilespmem:$0x15080] =	vst v63  }
0x60: {  	s12 =	simm.s32 $0x2800;
	s13 =	rddreg [dreg:$0xd]  }
0x61: {  	[tilespmem:s12], [sflag:$0x1] =	stream.linear.gather [hbm4b:s11+s5], $0x800, $0x38;
	[tilespmem:$0x15080] =	vst v63  }
0x62: {  	s14 =	simm.s32 $0x3000;
	s15 =	rddreg [dreg:$0xe]  }
0x63: {  	[tilespmem:s14], [sflag:$0x1] =	stream.linear.gather [hbm4b:s13+s5], $0x800, $0x38;
	[tilespmem:$0x15080] =	vst v63  }
0x64: {  	s16 =	simm.s32 $0x3800;
	s17 =	rddreg [dreg:$0x18]  }
0x65: {  	[tilespmem:s16], [sflag:$0x1] =	stream.linear.gather [hbm4b:s15+s5], $0x800, $0x38;
	[tilespmem:$0x15080] =	vst v63  }
0x66: {  	s18 =	simm.s32 $0x4000;
	s19 =	rddreg [dreg:$0x19]  }
0x67: {  	[tilespmem:s18], [sflag:$0x1] =	stream.linear.gather [hbm4b:s17+s5], $0x800, $0x38;
	[tilespmem:$0x15080] =	vst v63  }
0x68: {  	s20 =	simm.s32 $0x4800;
	s21 =	rddreg [dreg:$0x1a]  }
0x69: {  	[tilespmem:s20], [sflag:$0x1] =	stream.linear.gather [hbm4b:s19+s5], $0x800, $0x38;
	[tilespmem:$0x15080] =	vst v63  }
0x6a: {  	s24 =	simm.s32 $0x5000;
	s25 =	rddreg [dreg:$0x1b]  }
0x6b: {  	[tilespmem:s24], [sflag:$0x1] =	stream.linear.gather [hbm4b:s21+s5], $0x800, $0x38;
	[tilespmem:$0x15080] =	vst v63  }
0x6c: {  	s26 =	simm.s32 $0x5800;
	s28 =	rddreg [dreg:$0x1c]  }
0x6d: {  	[tilespmem:s26], [sflag:$0x1] =	stream.linear.gather [hbm4b:s25+s5], $0x800, $0x38;
	[tilespmem:$0x15080] =	vst v63  }
0x6e: {  	s29 =	simm.s32 $0x6000;
	s30 =	rddreg [dreg:$0x1d]  }
0x6f: {  	[tilespmem:s29], [sflag:$0x1] =	stream.linear.gather [hbm4b:s28+s5], $0x800, $0x38;
	[tilespmem:$0x15080] =	vst v63  }
0x70: {  	s31 =	simm.s32 $0x6800;
	s2 =	rddreg [dreg:$0x1e]  }
0x71: {  	[tilespmem:s31], [sflag:$0x1] =	stream.linear.gather [hbm4b:s30+s5], $0x800, $0x38;
	[tilespmem:$0x15080] =	vst v63  }
0x72: {  	s3 =	simm.s32 $0x7000;
	s4 =	rddreg [dreg:$0x1f]  }
0x73: {  	[tilespmem:s3], [sflag:$0x1] =	stream.linear.gather [hbm4b:s2+s5], $0x800, $0x38;
	[tilespmem:$0x15080] =	vst v63  }
0x74: {  	s6 =	simm.s32 $0x7800;
	s7 =	sld [smem:$0x7E7]  }
0x75: {  	[tilespmem:s6], [sflag:$0x1] =	stream.linear.gather [hbm4b:s4+s5], $0x800, $0x38;
	[tilespmem:$0x15080] =	vst v63  }
0x76: {  	s8 =	simm.s32 $0x8000;
	s9 =	sld [smem:$0x7E8]  }
0x77: {  	[tilespmem:s8], [sflag:$0x1] =	stream.linear.gather [hbm4b:s7+s5], $0x800, $0x38;
	[tilespmem:$0x15080] =	vst v63  }
0x78: {  	s10 =	simm.s32 $0x8800;
	s11 =	sld [smem:$0x7E9]  }
0x79: {  	[tilespmem:s10], [sflag:$0x1] =	stream.linear.gather [hbm4b:s9+s5], $0x800, $0x38;
	[tilespmem:$0x15080] =	vst v63  }
0x7a: {  	s12 =	simm.s32 $0x9000;
	s13 =	rddreg [dreg:$0xf]  }
0x7b: {  	[tilespmem:s12], [sflag:$0x1] =	stream.linear.gather [hbm4b:s11+s5], $0x800, $0x38;
	[tilespmem:$0x15080] =	vst v63  }
0x7c: {  	s14 =	simm.s32 $0x13000;
	s15 =	rddreg [dreg:$0x12]  }
0x7d: {  	[tilespmem:s14], [sflag:$0x1] =	stream.linear.gather [hbm4b:s13+s5], $0x800, $0x38;
	[tilespmem:$0x15080] =	vst v63  }
0x7e: {  	s16 =	simm.s32 $0x9800;
	s17 =	sld [smem:$0x7EA]  }
0x7f: {  	[tilespmem:s16], [sflag:$0x1] =	stream.linear.gather [hbm4b:s15+s5], $0x800, $0x38;
	[tilespmem:$0x15080] =	vst v63  }
0x80: {  	s18 =	simm.s32 $0xA000;
	s19 =	sld [smem:$0x7EB]  }
0x81: {  	[tilespmem:s18], [sflag:$0x1] =	stream.linear.gather [hbm4b:s17+s5], $0x800, $0x38;
	[tilespmem:$0x15080] =	vst v63  }
0x82: {  	s20 =	simm.s32 $0xA800;
	s21 =	sld [smem:$0x7EC]  }
0x83: {  	[tilespmem:s20], [sflag:$0x1] =	stream.linear.gather [hbm4b:s19+s5], $0x800, $0x38;
	[tilespmem:$0x15080] =	vst v63  }
0x84: {  	s24 =	simm.s32 $0xB000;
	s25 =	sld [smem:$0x7ED]  }
0x85: {  	[tilespmem:s24], [sflag:$0x1] =	stream.linear.gather [hbm4b:s21+s5], $0x800, $0x38;
	[tilespmem:$0x15080] =	vst v63  }
0x86: {  	s26 =	simm.s32 $0xB800;
	s28 =	sld [smem:$0x7EE]  }
0x87: {  	[tilespmem:s26], [sflag:$0x1] =	stream.linear.gather [hbm4b:s25+s5], $0x800, $0x38;
	[tilespmem:$0x15080] =	vst v63  }
0x88: {  	s29 =	simm.s32 $0xC000;
	s30 =	sld [smem:$0x7EF]  }
0x89: {  	[tilespmem:s29], [sflag:$0x1] =	stream.linear.gather [hbm4b:s28+s5], $0x800, $0x38;
	[tilespmem:$0x15080] =	vst v63  }
0x8a: {  	s31 =	simm.s32 $0xC800;
	s2 =	sld [smem:$0x7F0]  }
0x8b: {  	[tilespmem:s31], [sflag:$0x1] =	stream.linear.gather [hbm4b:s30+s5], $0x800, $0x38;
	[tilespmem:$0x15080] =	vst v63  }
0x8c: {  	s3 =	simm.s32 $0xD000;
	s4 =	sld [smem:$0x7F1]  }
0x8d: {  	[tilespmem:s3], [sflag:$0x1] =	stream.linear.gather [hbm4b:s2+s5], $0x800, $0x38;
	[tilespmem:$0x15080] =	vst v63  }
0x8e: {  	s6 =	simm.s32 $0xD800;
	s7 =	sld [smem:$0x7F2]  }
0x8f: {  	[tilespmem:s6], [sflag:$0x1] =	stream.linear.gather [hbm4b:s4+s5], $0x800, $0x38;
	[tilespmem:$0x15080] =	vst v63  }
0x90: {  	s8 =	simm.s32 $0xE000;
	s9 =	sld [smem:$0x7F3]  }
0x91: {  	[tilespmem:s8], [sflag:$0x1] =	stream.linear.gather [hbm4b:s7+s5], $0x800, $0x38;
	[tilespmem:$0x15080] =	vst v63  }
0x92: {  	s10 =	simm.s32 $0xE800;
	s11 =	sld [smem:$0x7F4]  }
0x93: {  	[tilespmem:s10], [sflag:$0x1] =	stream.linear.gather [hbm4b:s9+s5], $0x800, $0x38;
	[tilespmem:$0x15080] =	vst v63  }
0x94: {  	s12 =	simm.s32 $0xF000;
	s13 =	sld [smem:$0x7F5]  }
0x95: {  	[tilespmem:s12], [sflag:$0x1] =	stream.linear.gather [hbm4b:s11+s5], $0x800, $0x38;
	[tilespmem:$0x15080] =	vst v63  }
0x96: {  	s14 =	simm.s32 $0xF800;
	s15 =	sld [smem:$0x7F6]  }
0x97: {  	[tilespmem:s14], [sflag:$0x1] =	stream.linear.gather [hbm4b:s13+s5], $0x800, $0x38;
	[tilespmem:$0x15080] =	vst v63  }
0x98: {  	s16 =	simm.s32 $0x10000;
	s17 =	sld [smem:$0x7F7]  }
0x99: {  	[tilespmem:s16], [sflag:$0x1] =	stream.linear.gather [hbm4b:s15+s5], $0x800, $0x38;
	[tilespmem:$0x15080] =	vst v63  }
0x9a: {  	s18 =	simm.s32 $0x10800;
	s19 =	sld [smem:$0x7F8]  }
0x9b: {  	[tilespmem:s18], [sflag:$0x1] =	stream.linear.gather [hbm4b:s17+s5], $0x800, $0x38;
	[tilespmem:$0x15080] =	vst v63  }
0x9c: {  	s20 =	simm.s32 $0x11000;
	s21 =	sld [smem:$0x7F9]  }
0x9d: {  	[tilespmem:s20], [sflag:$0x1] =	stream.linear.gather [hbm4b:s19+s5], $0x800, $0x38;
	[tilespmem:$0x15080] =	vst v63  }
0x9e: {  	s24 =	simm.s32 $0x11800;
	s25 =	sld [smem:$0x7FA]  }
0x9f: {  	[tilespmem:s24], [sflag:$0x1] =	stream.linear.gather [hbm4b:s21+s5], $0x800, $0x38;
	[tilespmem:$0x15080] =	vst v63  }
0xa0: {  	s26 =	simm.s32 $0x12000;
	s28 =	sld [smem:$0x7FB]  }
0xa1: {  	[tilespmem:s26], [sflag:$0x1] =	stream.linear.gather [hbm4b:s25+s5], $0x800, $0x38;
	[tilespmem:$0x15080] =	vst v63  }
0xa2: {  	[smem:$0x7E6] =	sst s1;
	s29 =	simm.s32 $0x12800  }
0xa3: {  	[tilespmem:s29], [sflag:$0x1] =	stream.linear.gather [hbm4b:s28+s5], $0x800, $0x38;
	[tilespmem:$0x15080] =	vst v63  }
0xa4: {  	s30 =	rddreg [dreg:$0x13];
	s31 =	simm.s32 $0x13800;
	s16 =	simm.s32 $0x0  }
0xa5: {  	v3 =	vimm.f32 $0.0e+00;
	v4 =	vimm.f32 $0.0e+00;
	v5 =	vimm.f32 $0.0e+00;
	[tilespmem:s31], [sflag:$0x1] =	stream.linear.gather [hbm4b:s30+s5], $0x800, $0x38;
	[tilespmem:$0x15080] =	vst v63  }
.LBB2_2:
0xa6: {  	_ =	swait.ge [sflag:s23], $0x800  }
0xa7: {  	[sflag:s23] =	ssyncset.done $0x0  }
0xa8: {  	[sflag:s23] =	ssyncadd.s32 $0xFFFFF800  }
0xa9: {  	_ =	swait.ge [sflag:s23], $0x800  }
0xaa: {  	[sflag:s23] =	ssyncset.done $0x0  }
0xab: {  	[sflag:s23] =	ssyncadd.s32 $0xFFFFF800  }
0xac: {  	_ =	swait.ge [sflag:s23], $0x800  }
0xad: {  	[sflag:s23] =	ssyncset.done $0x0  }
0xae: {  	[sflag:s23] =	ssyncadd.s32 $0xFFFFF800  }
0xaf: {  	_ =	swait.ge [sflag:s23], $0x800  }
0xb0: {  	[sflag:s23] =	ssyncset.done $0x0  }
0xb1: {  	[sflag:s23] =	ssyncadd.s32 $0xFFFFF800  }
0xb2: {  	_ =	swait.ge [sflag:s23], $0x800  }
0xb3: {  	[sflag:s23] =	ssyncset.done $0x0  }
0xb4: {  	[sflag:s23] =	ssyncadd.s32 $0xFFFFF800  }
0xb5: {  	_ =	swait.ge [sflag:s23], $0x800  }
0xb6: {  	[sflag:s23] =	ssyncset.done $0x0  }
0xb7: {  	[sflag:s23] =	ssyncadd.s32 $0xFFFFF800  }
0xb8: {  	_ =	swait.ge [sflag:s23], $0x800  }
0xb9: {  	[sflag:s23] =	ssyncset.done $0x0  }
0xba: {  	[sflag:s23] =	ssyncadd.s32 $0xFFFFF800  }
0xbb: {  	_ =	swait.ge [sflag:s23], $0x800  }
0xbc: {  	[sflag:s23] =	ssyncset.done $0x0  }
0xbd: {  	[sflag:s23] =	ssyncadd.s32 $0xFFFFF800  }
0xbe: {  	_ =	swait.ge [sflag:s23], $0x800  }
0xbf: {  	[sflag:s23] =	ssyncset.done $0x0  }
0xc0: {  	[sflag:s23] =	ssyncadd.s32 $0xFFFFF800  }
0xc1: {  	_ =	swait.ge [sflag:s23], $0x800  }
0xc2: {  	[sflag:s23] =	ssyncset.done $0x0  }
0xc3: {  	[sflag:s23] =	ssyncadd.s32 $0xFFFFF800  }
0xc4: {  	_ =	swait.ge [sflag:s23], $0x800  }
0xc5: {  	[sflag:s23] =	ssyncset.done $0x0  }
0xc6: {  	[sflag:s23] =	ssyncadd.s32 $0xFFFFF800  }
0xc7: {  	_ =	swait.ge [sflag:s23], $0x800  }
0xc8: {  	[sflag:s23] =	ssyncset.done $0x0  }
0xc9: {  	[sflag:s23] =	ssyncadd.s32 $0xFFFFF800  }
0xca: {  	_ =	swait.ge [sflag:s23], $0x800  }
0xcb: {  	[sflag:s23] =	ssyncset.done $0x0  }
0xcc: {  	[sflag:s23] =	ssyncadd.s32 $0xFFFFF800  }
0xcd: {  	_ =	swait.ge [sflag:s23], $0x800  }
0xce: {  	[sflag:s23] =	ssyncset.done $0x0  }
0xcf: {  	[sflag:s23] =	ssyncadd.s32 $0xFFFFF800  }
0xd0: {  	_ =	swait.ge [sflag:s23], $0x800  }
0xd1: {  	[sflag:s23] =	ssyncset.done $0x0  }
0xd2: {  	[sflag:s23] =	ssyncadd.s32 $0xFFFFF800  }
0xd3: {  	_ =	swait.ge [sflag:s23], $0x800  }
0xd4: {  	[sflag:s23] =	ssyncset.done $0x0  }
0xd5: {  	[sflag:s23] =	ssyncadd.s32 $0xFFFFF800  }
0xd6: {  	_ =	swait.ge [sflag:s23], $0x800  }
0xd7: {  	[sflag:s23] =	ssyncset.done $0x0  }
0xd8: {  	[sflag:s23] =	ssyncadd.s32 $0xFFFFF800  }
0xd9: {  	_ =	swait.ge [sflag:s23], $0x800  }
0xda: {  	[sflag:s23] =	ssyncset.done $0x0  }
0xdb: {  	[sflag:s23] =	ssyncadd.s32 $0xFFFFF800  }
0xdc: {  	_ =	swait.ge [sflag:s23], $0x800  }
0xdd: {  	[sflag:s23] =	ssyncset.done $0x0  }
0xde: {  	[sflag:s23] =	ssyncadd.s32 $0xFFFFF800  }
0xdf: {  	_ =	swait.ge [sflag:s23], $0x800  }
0xe0: {  	p0 =	seq.s32 s16, $0x0;
	[sflag:s23] =	ssyncset.done $0x0  }
0xe1: {  	s0 =	simm.s32 @!p0 $0x2;
	[sflag:s23] =	ssyncadd.s32 $0xFFFFF800  }
0xe2: {  	_ =	swait.ge @!p0 [sflag:s0], $0x800  }
0xe3: {  	s17 =	simm.s32 $0x0;
	[sflag:s0] =	ssyncset.done @!p0 $0x0  }
0xe4: {  	s20 =	simm.s32 $0x0;
	s21 =	simm.s32 $0x0;
	[sflag:s0] =	ssyncadd.s32 @!p0 $0xFFFFF800  }
.LBB2_3:
0xe5: {  	s0 =	sand.u32 $0x400, s17;
	s1 =	sand.u32 $0x380, s21  }
0xe6: {  	s2 =	sand.u32 $0x60, s20;
	s25 =	sor.u32 s1, s0  }
0xe7: {  	s0 =	sor.u32 s2, s25;
	s26 =	sor.u32 $0x800, s25  }
0xe8: {  	s28 =	sor.u32 $0x1000, s25;
	v9 =	vld [tilespmem:s0+$0x0];
	s13 =	sor.u32 s2, s26  }
0xe9: {  	s29 =	sor.u32 $0x1800, s25;
	s14 =	sor.u32 s2, s28;
	v13 =	vld [tilespmem:s13+$0x0]  }
0xea: {  	s8 =	sor.u32 $0x2000, s25;
	s15 =	sor.u32 s2, s29;
	v14 =	vld [tilespmem:s14+$0x0]  }
0xeb: {  	s9 =	sor.u32 $0x2800, s25;
	s18 =	sor.u32 s2, s8;
	v15 =	vld [tilespmem:s15+$0x0]  }
0xec: {  	s10 =	sor.u32 $0x3000, s25;
	s19 =	sor.u32 s2, s9;
	v16 =	vld [tilespmem:s18+$0x0]  }
0xed: {  	s12 =	sor.u32 $0x3800, s25;
	s24 =	sor.u32 s2, s10;
	v17 =	vld [tilespmem:s19+$0x0]  }
0xee: {  	s30 =	sor.u32 s2, s12;
	v19 =	vld [tilespmem:s24+$0x0];
	s13 =	sor.u32 $0x4000, s25;
	v6 =	vmax.f32 v9, v13  }
0xef: {  	v21 =	vld [tilespmem:s30+$0x0];
	s15 =	sor.u32 $0x4800, s25;
	s31 =	sor.u32 s2, s13;
	v6 =	vmax.f32 v6, v14  }
0xf0: {  	s6 =	sor.u32 $0x5000, s25;
	s3 =	sor.u32 s2, s15;
	v23 =	vld [tilespmem:s31+$0x0];
	v6 =	vmax.f32 v6, v15  }
0xf1: {  	s4 =	sor.u32 s2, s6;
	v25 =	vld [tilespmem:s3+$0x0];
	s3 =	sor.u32 $0x5800, s25;
	v6 =	vmax.f32 v6, v16  }
0xf2: {  	s1 =	sor.u32 $0x6000, s25;
	v24 =	vld [tilespmem:s4+$0x0];
	s4 =	sor.u32 s2, s3;
	v6 =	vmax.f32 v6, v17  }
0xf3: {  	s7 =	sor.u32 s2, s1;
	s18 =	sor.u32 $0x6800, s25;
	v22 =	vld [tilespmem:s4+$0x0];
	v6 =	vmax.f32 v6, v19  }
0xf4: {  	v18 =	vld [tilespmem:s7+$0x0];
	s19 =	sor.u32 $0x7000, s25;
	s11 =	sor.u32 s2, s18;
	v6 =	vmax.f32 v6, v21  }
0xf5: {  	s7 =	sor.u32 $0x7800, s25;
	s14 =	sor.u32 s2, s19;
	v11 =	vld [tilespmem:s11+$0x0];
	v6 =	vmax.f32 v6, v23  }
0xf6: {  	s24 =	sor.u32 s2, s7;
	v12 =	vld [tilespmem:s14+$0x0];
	s14 =	sor.u32 $0x8000, s25;
	v6 =	vmax.f32 v6, v25  }
0xf7: {  	v20 =	vld [tilespmem:s24+$0x0];
	s24 =	sor.u32 $0x8800, s25;
	s30 =	sor.u32 s2, s14;
	v6 =	vmax.f32 v6, v24  }
0xf8: {  	s11 =	sor.u32 s2, s24;
	v8 =	vld [tilespmem:s30+$0x0];
	s4 =	sor.u32 $0x9000, s25;
	v6 =	vmax.f32 v6, v22  }
0xf9: {  	v7 =	vld [tilespmem:s11+$0x0];
	s31 =	sor.u32 s2, s4;
	v6 =	vmax.f32 v6, v18  }
0xfa: {  	v10 =	vmax.f32 v6, v11;
	v6 =	vld [tilespmem:s31+$0x0]  }
0xfb: {  	v10 =	vmax.f32 v10, v12  }
0xfc: {  	v10 =	vmax.f32 v10, v20  }
0xfd: {  	v10 =	vmax.f32 v10, v8  }
0xfe: {  	v10 =	vmax.f32 v10, v7  }
0xff: {  	v10 =	vmax.f32 v10, v6  }
0x100: {  	v26 =	vsub.f32 v9, v10  }
0x101: {  	v27 =	vsub.f32 v13, v10  }
0x102: {  	v28 =	vsub.f32 v14, v10;
	v26 =	vmul.f32 $1.442695020e+00, v26  }
0x103: {  	v29 =	vsub.f32 v15, v10;
	v27 =	vmul.f32 $1.442695020e+00, v27  }
0x104: {  	v39 =	vsub.f32 v16, v10;
	v38 =	vmul.f32 $1.442695020e+00, v28;
	(erf) = vpow2.f32 v26  }
0x105: {  	v41 =	vsub.f32 v17, v10;
	v40 =	vmul.f32 $1.442695020e+00, v29;
	(erf) = vpow2.f32 v27  }
0x106: {  	v43 =	vsub.f32 v19, v10;
	v42 =	vmul.f32 $1.442695020e+00, v39;
	(erf) = vpow2.f32 v38  }
0x107: {  	v45 =	vsub.f32 v21, v10;
	v44 =	vmul.f32 $1.442695020e+00, v41;
	(erf) = vpow2.f32 v40  }
0x108: {  	v47 =	vsub.f32 v23, v10;
	v46 =	vmul.f32 $1.442695020e+00, v43;
	(erf) = vpow2.f32 v42  }
0x109: {  	v49 =	vsub.f32 v25, v10;
	v48 =	vmul.f32 $1.442695020e+00, v45;
	(erf) = vpow2.f32 v44  }
0x10a: {  	v51 =	vsub.f32 v24, v10;
	v50 =	vmul.f32 $1.442695020e+00, v47;
	(erf) = vpow2.f32 v46  }
0x10b: {  	v53 =	vsub.f32 v22, v10;
	v52 =	vmul.f32 $1.442695020e+00, v49;
	(erf) = vpow2.f32 v48  }
0x10c: {  	v55 =	vsub.f32 v18, v10;
	v54 =	vmul.f32 $1.442695020e+00, v51;
	(erf) = vpow2.f32 v50  }
0x10d: {  	v57 =	vsub.f32 v11, v10;
	v56 =	vmul.f32 $1.442695020e+00, v53;
	v30 =	vpop (erf);
	(erf) = vpow2.f32 v52  }
0x10e: {  	v59 =	vsub.f32 v12, v10;
	v58 =	vmul.f32 $1.442695020e+00, v55;
	v31 =	vpop (erf);
	(erf) = vpow2.f32 v54  }
0x10f: {  	v61 =	vsub.f32 v20, v10;
	v60 =	vmul.f32 $1.442695020e+00, v57;
	v32 =	vpop (erf);
	(erf) = vpow2.f32 v56  }
0x110: {  	v62 =	vmul.f32 $1.442695020e+00, v59;
	v33 =	vpop (erf);
	(erf) = vpow2.f32 v58  }
0x111: {  	v40 =	vmul.f32 $1.442695020e+00, v61;
	v63 =	vpop (erf);
	(erf) = vpow2.f32 v60  }
0x112: {  	v41 =	vsub.f32 v8, v10;
	v34 =	vpop (erf);
	(erf) = vpow2.f32 v62  }
0x113: {  	v42 =	vsub.f32 v7, v10;
	v35 =	vpop (erf);
	(erf) = vpow2.f32 v40  }
0x114: {  	v43 =	vmul.f32 $1.442695020e+00, v41;
	v44 =	vpop (erf)  }
0x115: {  	v45 =	vsub.f32 v6, v10;
	v26 =	vmul.f32 $1.442695020e+00, v42;
	v36 =	vpop (erf)  }
0x116: {  	(erf) = vpow2.f32 v43;
	v37 =	vpop (erf)  }
0x117: {  	v27 =	vmul.f32 $1.442695020e+00, v45;
	(erf) = vpow2.f32 v26;
	v46 =	vpop (erf)  }
0x118: {  	v38 =	vpop (erf)  }
0x119: {  	(erf) = vpow2.f32 v27;
	v39 =	vpop (erf)  }
0x11a: {  	v30 =	vadd.f32 v31, v30;
	v48 =	vadd.f32 v33, v32;
	v47 =	vpop (erf)  }
0x11b: {  	v28 =	vadd.f32 v34, v63;
	v29 =	vadd.f32 v44, v35;
	v49 =	vpop (erf)  }
0x11c: {  	v51 =	vadd.f32 v37, v36;
	v26 =	vadd.f32 v38, v46;
	v50 =	vpop (erf)  }
0x11d: {  	v27 =	vadd.f32 v47, v39;
	v32 =	vadd.f32 v50, v49  }
0x11e: {  	v30 =	vadd.f32 v48, v30;
	v28 =	vadd.f32 v29, v28  }
0x11f: {  	v26 =	vadd.f32 v26, v51;
	v52 =	vpop (erf);
	v27 =	vadd.f32 v32, v27  }
0x120: {  	v28 =	vadd.f32 v28, v30;
	v53 =	vpop (erf)  }
0x121: {  	v54 =	vld [tilespmem:s0+$0x13000];
	v29 =	vadd.f32 v53, v52;
	v26 =	vadd.f32 v27, v26  }
0x122: {  	v55 =	vpop (erf)  }
0x123: {  	v27 =	vadd.f32 v29, v55;
	v26 =	vadd.f32 v26, v28;
	_ =	sdelay $0x1  }
0x124: {  	v26 =	vadd.f32 v26, v27  }
0x125: {  	vm0 =	veq.s32 v54, $0x1  }
0x126: {  	vm14 =	veq.s32 v54, $0x2;
	v9 =	vsel vm0, v13, v9;
	v56 =	vand.u32 $0x7FFFFF, v26  }
0x127: {  	vm15 =	veq.s32 v54, $0x3;
	v9 =	vsel vm14, v14, v9;
	v13 =	vor.u32 $0x3F800000, v56  }
0x128: {  	vm4 =	veq.s32 v54, $0x4;
	v9 =	vsel vm15, v15, v9;
	v57 =	vmul.f32 $5.000000000e-01, v13  }
0x129: {  	vm1 =	veq.s32 v54, $0x5;
	v9 =	vsel vm4, v16, v9;
	vm5 =	vgt.f32 v13, $1.414213540e+00  }
0x12a: {  	vm6 =	veq.s32 v54, $0x6;
	v9 =	vsel vm1, v17, v9;
	v13 =	vsel vm5, v57, v13  }
0x12b: {  	vm7 =	veq.s32 v54, $0x7;
	v9 =	vsel vm6, v19, v9;
	v13 =	vadd.f32 $-1.000000000e+00, v13  }
0x12c: {  	vm8 =	veq.s32 v54, $0x8;
	v9 =	vsel vm7, v21, v9  }
0x12d: {  	vm9 =	veq.s32 v54, $0x9;
	v9 =	vsel vm8, v23, v9;
	v58 =	vmul.f32 $1.151461010e-01, v13  }
0x12e: {  	vm10 =	veq.s32 v54, $0xA;
	v9 =	vsel vm9, v25, v9  }
0x12f: {  	v59 =	vmul.f32 v13, v13;
	v60 =	vmul.f32 $1.242014100e-01, v13;
	v14 =	vsub.f32 $1.167699840e-01, v58  }
0x130: {  	vm11 =	veq.s32 v54, $0xB;
	v9 =	vsel vm10, v24, v9;
	v62 =	vmul.f32 $1.666805740e-01, v13  }
0x131: {  	v61 =	vmul.f32 v59, v59;
	v16 =	vsub.f32 $1.424932330e-01, v60;
	v14 =	vmul.f32 v14, v59  }
0x132: {  	v9 =	vsel vm11, v22, v9;
	v63 =	vmul.f32 $2.499999400e-01, v13  }
0x133: {  	v19 =	vsub.f32 $2.000071410e-01, v62;
	v22 =	vmul.f32 $7.037683580e-02, v61;
	v14 =	vadd.f32 v14, v16;
	_ =	sdelay $0x1  }
0x134: {  	v23 =	vsub.f32 $3.333333130e-01, v63;
	v19 =	vmul.f32 v19, v59;
	v14 =	vadd.f32 v14, v22  }
0x135: {  	vm12 =	veq.s32 v54, $0xC  }
0x136: {  	vm13 =	veq.s32 v54, $0xD;
	v24 =	vadd.f32 v19, v23;
	v14 =	vmul.f32 v14, v61  }
0x137: {  	vm14 =	veq.s32 v54, $0xE;
	vm15 =	veq.s32 v54, $0xF;
	v9 =	vsel vm12, v18, v9  }
0x138: {  	v9 =	vsel vm13, v11, v9;
	v25 =	vmul.f32 v59, v13;
	v11 =	vadd.f32 v14, v24  }
0x139: {  	v9 =	vsel vm14, v12, v9;
	v27 =	vshra.s32 v26, $0x17;
	v28 =	vsel vm5, $0x1, v0  }
0x13a: {  	v29 =	vmul.f32 $5.000000000e-01, v59;
	v14 =	vadd.s32 v28, v27;
	v11 =	vmul.f32 v11, v25  }
0x13b: {  	vm4 =	veq.s32 v54, $0x10;
	v9 =	vsel vm15, v20, v9;
	v30 =	vadd.s32 $0xFFFFFF81, v14  }
0x13c: {  	v8 =	vsel vm4, v8, v9;
	v9 =	vcvt.s32.f32 v30;
	v11 =	vsub.f32 v11, v29  }
0x13d: {  	vm6 =	vgt.s32 v54, $0x11;
	vm5 =	veq.s32 v54, $0x11  }
0x13e: {  	v7 =	vsel vm5, v7, v8;
	v9 =	vmul.f32 $6.931471820e-01, v9;
	v32 =	vadd.f32 v11, v13  }
0x13f: {  	v6 =	vsel vm6, v6, v7  }
0x140: {  	v6 =	vsub.f32 v10, v6;
	v7 =	vadd.f32 v32, v9;
	_ =	sdelay $0x1  }
0x141: {  	v6 =	vadd.f32 v7, v6  }
0x142: {  	vm0 =	veq.s32 v54, $0xFF  }
0x143: {  	s2 =	sor.u32 $0x10, s2;
	v6 =	vsel vm0, $0x0, v6  }
0x144: {  	[tilespmem:s0+$0x14000] =	vst v6;
	s0 =	sor.u32 s2, s25  }
0x145: {  	s26 =	sor.u32 s2, s26;
	v23 =	vld [tilespmem:s0+$0x0]  }
0x146: {  	s30 =	sor.u32 s2, s28;
	v26 =	vld [tilespmem:s26+$0x0]  }
0x147: {  	s31 =	sor.u32 s2, s29;
	v25 =	vld [tilespmem:s30+$0x0]  }
0x148: {  	s8 =	sor.u32 s2, s8;
	v24 =	vld [tilespmem:s31+$0x0]  }
0x149: {  	s9 =	sor.u32 s2, s9;
	v20 =	vld [tilespmem:s8+$0x0]  }
0x14a: {  	s11 =	sor.u32 s2, s10;
	v17 =	vld [tilespmem:s9+$0x0]  }
0x14b: {  	s12 =	sor.u32 s2, s12;
	v18 =	vld [tilespmem:s11+$0x0];
	v7 =	vmax.f32 v23, v26  }
0x14c: {  	s13 =	sor.u32 s2, s13;
	v19 =	vld [tilespmem:s12+$0x0];
	v7 =	vmax.f32 v7, v25  }
0x14d: {  	s15 =	sor.u32 s2, s15;
	v21 =	vld [tilespmem:s13+$0x0];
	v7 =	vmax.f32 v7, v24  }
0x14e: {  	s6 =	sor.u32 s2, s6;
	v22 =	vld [tilespmem:s15+$0x0];
	v7 =	vmax.f32 v7, v20  }
0x14f: {  	s3 =	sor.u32 s2, s3;
	v16 =	vld [tilespmem:s6+$0x0];
	v7 =	vmax.f32 v7, v17  }
0x150: {  	s1 =	sor.u32 s2, s1;
	v15 =	vld [tilespmem:s3+$0x0];
	v7 =	vmax.f32 v7, v18  }
0x151: {  	s25 =	sor.u32 s2, s18;
	v14 =	vld [tilespmem:s1+$0x0];
	v7 =	vmax.f32 v7, v19  }
0x152: {  	v12 =	vld [tilespmem:s25+$0x0];
	s26 =	sor.u32 s2, s19;
	v7 =	vmax.f32 v7, v21  }
0x153: {  	s28 =	sor.u32 s2, s7;
	v11 =	vld [tilespmem:s26+$0x0];
	v7 =	vmax.f32 v7, v22  }
0x154: {  	s29 =	sor.u32 s2, s14;
	v13 =	vld [tilespmem:s28+$0x0];
	v7 =	vmax.f32 v7, v16  }
0x155: {  	v9 =	vld [tilespmem:s29+$0x0];
	s30 =	sor.u32 s2, s24;
	v7 =	vmax.f32 v7, v15  }
0x156: {  	s31 =	sor.u32 s2, s4;
	v8 =	vld [tilespmem:s30+$0x0];
	v7 =	vmax.f32 v7, v14  }
0x157: {  	v33 =	vmax.f32 v7, v12;
	v7 =	vld [tilespmem:s31+$0x0]  }
0x158: {  	v10 =	vmax.f32 v33, v11  }
0x159: {  	v10 =	vmax.f32 v10, v13  }
0x15a: {  	v10 =	vmax.f32 v10, v9  }
0x15b: {  	v10 =	vmax.f32 v10, v8  }
0x15c: {  	v10 =	vmax.f32 v10, v7  }
0x15d: {  	v34 =	vsub.f32 v23, v10  }
0x15e: {  	v35 =	vsub.f32 v26, v10  }
0x15f: {  	v36 =	vsub.f32 v25, v10;
	v27 =	vmul.f32 $1.442695020e+00, v34  }
0x160: {  	v37 =	vsub.f32 v24, v10;
	v28 =	vmul.f32 $1.442695020e+00, v35  }
0x161: {  	v39 =	vsub.f32 v20, v10;
	v38 =	vmul.f32 $1.442695020e+00, v36;
	(erf) = vpow2.f32 v27  }
0x162: {  	v41 =	vsub.f32 v17, v10;
	v40 =	vmul.f32 $1.442695020e+00, v37;
	(erf) = vpow2.f32 v28  }
0x163: {  	v43 =	vsub.f32 v18, v10;
	v42 =	vmul.f32 $1.442695020e+00, v39;
	(erf) = vpow2.f32 v38  }
0x164: {  	v45 =	vsub.f32 v19, v10;
	v44 =	vmul.f32 $1.442695020e+00, v41;
	(erf) = vpow2.f32 v40  }
0x165: {  	v47 =	vsub.f32 v21, v10;
	v46 =	vmul.f32 $1.442695020e+00, v43;
	(erf) = vpow2.f32 v42  }
0x166: {  	v49 =	vsub.f32 v22, v10;
	v48 =	vmul.f32 $1.442695020e+00, v45;
	(erf) = vpow2.f32 v44  }
0x167: {  	v51 =	vsub.f32 v16, v10;
	v50 =	vmul.f32 $1.442695020e+00, v47;
	(erf) = vpow2.f32 v46  }
0x168: {  	v53 =	vsub.f32 v15, v10;
	v52 =	vmul.f32 $1.442695020e+00, v49;
	(erf) = vpow2.f32 v48  }
0x169: {  	v55 =	vsub.f32 v14, v10;
	v54 =	vmul.f32 $1.442695020e+00, v51;
	(erf) = vpow2.f32 v50  }
0x16a: {  	v57 =	vsub.f32 v12, v10;
	v56 =	vmul.f32 $1.442695020e+00, v53;
	v31 =	vpop (erf);
	(erf) = vpow2.f32 v52  }
0x16b: {  	v59 =	vsub.f32 v11, v10;
	v58 =	vmul.f32 $1.442695020e+00, v55;
	v32 =	vpop (erf);
	(erf) = vpow2.f32 v54  }
0x16c: {  	v62 =	vsub.f32 v13, v10;
	v61 =	vmul.f32 $1.442695020e+00, v57;
	v60 =	vpop (erf);
	(erf) = vpow2.f32 v56  }
0x16d: {  	v43 =	vmul.f32 $1.442695020e+00, v59;
	v63 =	vpop (erf);
	(erf) = vpow2.f32 v58  }
0x16e: {  	v45 =	vmul.f32 $1.442695020e+00, v62;
	v44 =	vpop (erf);
	(erf) = vpow2.f32 v61  }
0x16f: {  	v46 =	vsub.f32 v9, v10;
	v47 =	vpop (erf);
	(erf) = vpow2.f32 v43  }
0x170: {  	v48 =	vsub.f32 v8, v10;
	v49 =	vpop (erf);
	(erf) = vpow2.f32 v45  }
0x171: {  	v50 =	vmul.f32 $1.442695020e+00, v46;
	v51 =	vpop (erf)  }
0x172: {  	v53 =	vsub.f32 v7, v10;
	v27 =	vmul.f32 $1.442695020e+00, v48;
	v52 =	vpop (erf)  }
0x173: {  	(erf) = vpow2.f32 v50;
	v54 =	vpop (erf)  }
0x174: {  	v28 =	vmul.f32 $1.442695020e+00, v53;
	(erf) = vpow2.f32 v27;
	v55 =	vpop (erf)  }
0x175: {  	v56 =	vpop (erf)  }
0x176: {  	(erf) = vpow2.f32 v28;
	v40 =	vpop (erf)  }
0x177: {  	v31 =	vadd.f32 v32, v31;
	v58 =	vadd.f32 v63, v60;
	v57 =	vpop (erf)  }
0x178: {  	v29 =	vadd.f32 v47, v44;
	v30 =	vadd.f32 v51, v49;
	v59 =	vpop (erf)  }
0x179: {  	v61 =	vadd.f32 v54, v52;
	v27 =	vadd.f32 v56, v55;
	v60 =	vpop (erf)  }
0x17a: {  	v28 =	vadd.f32 v57, v40;
	v33 =	vadd.f32 v60, v59  }
0x17b: {  	v31 =	vadd.f32 v58, v31;
	v29 =	vadd.f32 v30, v29  }
0x17c: {  	v27 =	vadd.f32 v27, v61;
	v62 =	vpop (erf);
	v28 =	vadd.f32 v33, v28  }
0x17d: {  	v29 =	vadd.f32 v29, v31;
	v63 =	vpop (erf)  }
0x17e: {  	v30 =	vadd.f32 v63, v62;
	v27 =	vadd.f32 v28, v27  }
0x17f: {  	v37 =	vpop (erf)  }
0x180: {  	v36 =	vld [tilespmem:s0+$0x13000];
	v28 =	vadd.f32 v30, v37;
	v27 =	vadd.f32 v27, v29;
	_ =	sdelay $0x1  }
0x181: {  	v27 =	vadd.f32 v27, v28;
	_ =	sdelay $0x1  }
0x182: {  	v38 =	vand.u32 $0x7FFFFF, v27  }
0x183: {  	vm7 =	veq.s32 v36, $0x1;
	v39 =	vor.u32 $0x3F800000, v38  }
0x184: {  	vm8 =	veq.s32 v36, $0x2;
	v23 =	vsel vm7, v26, v23;
	v40 =	vmul.f32 $5.000000000e-01, v39  }
0x185: {  	vm9 =	veq.s32 v36, $0x3;
	v23 =	vsel vm8, v25, v23;
	vm11 =	vgt.f32 v39, $1.414213540e+00  }
0x186: {  	vm10 =	veq.s32 v36, $0x4;
	v23 =	vsel vm9, v24, v23;
	v41 =	vsel vm11, v40, v39  }
0x187: {  	vm2 =	veq.s32 v36, $0x5;
	v20 =	vsel vm10, v20, v23;
	v42 =	vadd.f32 $-1.000000000e+00, v41  }
0x188: {  	vm12 =	veq.s32 v36, $0x6;
	v17 =	vsel vm2, v17, v20  }
0x189: {  	vm13 =	veq.s32 v36, $0x7;
	v17 =	vsel vm12, v18, v17;
	v43 =	vmul.f32 $1.151461010e-01, v42  }
0x18a: {  	vm14 =	veq.s32 v36, $0x8;
	v17 =	vsel vm13, v19, v17  }
0x18b: {  	v20 =	vmul.f32 v42, v42;
	v44 =	vmul.f32 $1.242014100e-01, v42;
	v19 =	vsub.f32 $1.167699840e-01, v43  }
0x18c: {  	vm15 =	veq.s32 v36, $0x9;
	v17 =	vsel vm14, v21, v17;
	v46 =	vmul.f32 $1.666805740e-01, v42  }
0x18d: {  	v45 =	vmul.f32 v20, v20;
	v21 =	vsub.f32 $1.424932330e-01, v44;
	v19 =	vmul.f32 v19, v20  }
0x18e: {  	v17 =	vsel vm15, v22, v17;
	v47 =	vmul.f32 $2.499999400e-01, v42  }
0x18f: {  	v22 =	vsub.f32 $2.000071410e-01, v46;
	v48 =	vmul.f32 $7.037683580e-02, v45;
	v19 =	vadd.f32 v19, v21  }
0x190: {  	vm4 =	veq.s32 v36, $0xA;
	vm5 =	veq.s32 v36, $0xB  }
0x191: {  	v49 =	vsub.f32 $3.333333130e-01, v47;
	v50 =	vmul.f32 v22, v20;
	v19 =	vadd.f32 v19, v48  }
0x192: {  	vm6 =	veq.s32 v36, $0xC;
	vm7 =	veq.s32 v36, $0xD;
	v16 =	vsel vm4, v16, v17  }
0x193: {  	v15 =	vsel vm5, v15, v16;
	v51 =	vadd.f32 v50, v49;
	v52 =	vmul.f32 v19, v45  }
0x194: {  	vm8 =	veq.s32 v36, $0xE;
	vm9 =	veq.s32 v36, $0xF;
	v14 =	vsel vm6, v14, v15  }
0x195: {  	v12 =	vsel vm7, v12, v14;
	v54 =	vmul.f32 v20, v42;
	v53 =	vadd.f32 v52, v51  }
0x196: {  	v11 =	vsel vm8, v11, v12;
	v55 =	vshra.s32 v27, $0x17;
	v56 =	vsel vm11, $0x1, v0  }
0x197: {  	v14 =	vadd.s32 v56, v55;
	v57 =	vmul.f32 $5.000000000e-01, v20;
	v12 =	vmul.f32 v53, v54  }
0x198: {  	vm10 =	veq.s32 v36, $0x10;
	v11 =	vsel vm9, v13, v11;
	v58 =	vadd.s32 $0xFFFFFF81, v14  }
0x199: {  	v9 =	vsel vm10, v9, v11;
	v11 =	vcvt.s32.f32 v58;
	v12 =	vsub.f32 v12, v57  }
0x19a: {  	vm12 =	vgt.s32 v36, $0x11;
	vm11 =	veq.s32 v36, $0x11  }
0x19b: {  	v8 =	vsel vm11, v8, v9;
	v11 =	vmul.f32 $6.931471820e-01, v11;
	v59 =	vadd.f32 v12, v42  }
0x19c: {  	v7 =	vsel vm12, v7, v8  }
0x19d: {  	v7 =	vsub.f32 v10, v7;
	v60 =	vadd.f32 v59, v11;
	_ =	sdelay $0x1  }
0x19e: {  	v7 =	vadd.f32 v60, v7  }
0x19f: {  	p1 =	sne.s32 s21, $0x3F0;
	vm13 =	vgt.f32 v6, $3.566749390e-01;
	vm14 =	veq.s32 v36, $0xFF  }
.Ltmp2:
0x1a0: {  	v6 =	vnsel vm13, $0x0, v6;
	v61 =	vsel vm13, $0x3F800000, v1;
	v7 =	vsel vm14, $0x0, v7;
	(pc) =	sbr.rel @p1 .LBB2_3-.Ltmp2, $4  }
0x1a1: {  	v5 =	vadd.f32 v61, v5;
	v62 =	vsel vm0, $0x0, v2;
	vm15 =	vgt.f32 v7, $3.566749390e-01  }
0x1a2: {  	v4 =	vadd.f32 v6, v4;
	v3 =	vadd.f32 v62, v3;
	v6 =	vsel vm15, $0x3F800000, v1  }
0x1a3: {  	v63 =	vsel vm14, $0x0, v2;
	v5 =	vadd.f32 v6, v5;
	v6 =	vnsel vm15, $0x0, v7  }
0x1a4: {  	s20 =	sadd.s32 $0x20, s20;
	s17 =	sadd.s32 $0x100, s17;
	s21 =	sadd.s32 $0x10, s21;
	v3 =	vadd.f32 v63, v3;
	[tilespmem:s0+$0x14000] =	vst v7;
	v4 =	vadd.f32 v6, v4  }
0x1a5: {  	p1 =	seq.s32 s16, $0x3  }
.Ltmp3:
0x1a6: {  	s17 =	sshll.u32 s16, $0xC;
	s0 =	rddreg [dreg:$0xc];
	(pc) =	sbr.rel @p1 .LBB2_6-.Ltmp3, $4  }
0x1a7: {  	s0 =	sor.u32 s17, s0  }
0x1a8: {  	s31 =	rddreg [dreg:$0x6];
	s20 =	sshrl.u32 s0, $0x3  }
0x1a9: {  	s1 =	simm.s32 $0x14000;
	s0 =	sadd.s32 s31, s20  }
0x1aa: {  	[hbm4b:s0+s5] =	stream.linear.scatter [tilespmem:s1], [sflag:$0x2], $0x800, $0x38;
	[tilespmem:$0x15080] =	vst v63  }
0x1ab: {  	s0 =	rddreg [dreg:$0x14]  }
0x1ac: {  	s1 =	rddreg [dreg:$0x4];
	s0 =	sadd.s32 s17, s0  }
0x1ad: {  	s1 =	sadd.s32 s1, s0  }
0x1ae: {  	s2 =	rddreg [dreg:$0x0];
	s1 =	sshrl.u32 s1, $0x3  }
0x1af: {  	s1 =	sadd.s32 s2, s1  }
0x1b0: {  	[tilespmem:s5], [sflag:$0x1] =	stream.linear.gather [hbm4b:s1+s5], $0x800, $0x38;
	[tilespmem:$0x15080] =	vst v63  }
0x1b1: {  	s3 =	simm.s32 $0x800;
	s2 =	sadd.s32 $0x8000, s1  }
0x1b2: {  	[tilespmem:s3], [sflag:$0x1] =	stream.linear.gather [hbm4b:s2+s5], $0x800, $0x38;
	[tilespmem:$0x15080] =	vst v63  }
0x1b3: {  	s13 =	simm.s32 $0x1000;
	s12 =	sadd.s32 $0x10000, s1  }
0x1b4: {  	[tilespmem:s13], [sflag:$0x1] =	stream.linear.gather [hbm4b:s12+s5], $0x800, $0x38;
	[tilespmem:$0x15080] =	vst v63  }
0x1b5: {  	s15 =	simm.s32 $0x1800;
	s14 =	sadd.s32 $0x18000, s1  }
0x1b6: {  	[tilespmem:s15], [sflag:$0x1] =	stream.linear.gather [hbm4b:s14+s5], $0x800, $0x38;
	[tilespmem:$0x15080] =	vst v63  }
0x1b7: {  	s19 =	simm.s32 $0x2000;
	s18 =	sadd.s32 $0x20000, s1  }
0x1b8: {  	[tilespmem:s19], [sflag:$0x1] =	stream.linear.gather [hbm4b:s18+s5], $0x800, $0x38;
	[tilespmem:$0x15080] =	vst v63  }
0x1b9: {  	s24 =	simm.s32 $0x2800;
	s21 =	sadd.s32 $0x28000, s1  }
0x1ba: {  	[tilespmem:s24], [sflag:$0x1] =	stream.linear.gather [hbm4b:s21+s5], $0x800, $0x38;
	[tilespmem:$0x15080] =	vst v63  }
0x1bb: {  	s26 =	simm.s32 $0x3000;
	s25 =	sadd.s32 $0x30000, s1  }
0x1bc: {  	[tilespmem:s26], [sflag:$0x1] =	stream.linear.gather [hbm4b:s25+s5], $0x800, $0x38;
	[tilespmem:$0x15080] =	vst v63  }
0x1bd: {  	s29 =	simm.s32 $0x3800;
	s28 =	sadd.s32 $0x38000, s1  }
0x1be: {  	[tilespmem:s29], [sflag:$0x1] =	stream.linear.gather [hbm4b:s28+s5], $0x800, $0x38;
	[tilespmem:$0x15080] =	vst v63  }
0x1bf: {  	s31 =	simm.s32 $0x4000;
	s30 =	sadd.s32 $0x40000, s1  }
0x1c0: {  	[tilespmem:s31], [sflag:$0x1] =	stream.linear.gather [hbm4b:s30+s5], $0x800, $0x38;
	[tilespmem:$0x15080] =	vst v63  }
0x1c1: {  	s6 =	simm.s32 $0x4800;
	s4 =	sadd.s32 $0x48000, s1  }
0x1c2: {  	[tilespmem:s6], [sflag:$0x1] =	stream.linear.gather [hbm4b:s4+s5], $0x800, $0x38;
	[tilespmem:$0x15080] =	vst v63  }
0x1c3: {  	s8 =	simm.s32 $0x5000;
	s7 =	sadd.s32 $0x50000, s1  }
0x1c4: {  	[tilespmem:s8], [sflag:$0x1] =	stream.linear.gather [hbm4b:s7+s5], $0x800, $0x38;
	[tilespmem:$0x15080] =	vst v63  }
0x1c5: {  	s10 =	simm.s32 $0x5800;
	s9 =	sadd.s32 $0x58000, s1  }
0x1c6: {  	[tilespmem:s10], [sflag:$0x1] =	stream.linear.gather [hbm4b:s9+s5], $0x800, $0x38;
	[tilespmem:$0x15080] =	vst v63  }
0x1c7: {  	s11 =	sadd.s32 $0x60000, s1;
	s12 =	simm.s32 $0x6000  }
0x1c8: {  	[tilespmem:s12], [sflag:$0x1] =	stream.linear.gather [hbm4b:s11+s5], $0x800, $0x38;
	[tilespmem:$0x15080] =	vst v63  }
0x1c9: {  	s13 =	sadd.s32 $0x68000, s1;
	s14 =	simm.s32 $0x6800  }
0x1ca: {  	[tilespmem:s14], [sflag:$0x1] =	stream.linear.gather [hbm4b:s13+s5], $0x800, $0x38;
	[tilespmem:$0x15080] =	vst v63  }
0x1cb: {  	s15 =	sadd.s32 $0x70000, s1;
	s18 =	simm.s32 $0x7000  }
0x1cc: {  	[tilespmem:s18], [sflag:$0x1] =	stream.linear.gather [hbm4b:s15+s5], $0x800, $0x38;
	[tilespmem:$0x15080] =	vst v63  }
0x1cd: {  	s19 =	sadd.s32 $0x78000, s1;
	s21 =	simm.s32 $0x7800  }
0x1ce: {  	[tilespmem:s21], [sflag:$0x1] =	stream.linear.gather [hbm4b:s19+s5], $0x800, $0x38;
	[tilespmem:$0x15080] =	vst v63  }
0x1cf: {  	s0 =	sadd.s32 s22, s0;
	s24 =	sadd.s32 $0x80000, s1;
	s25 =	simm.s32 $0x8000  }
0x1d0: {  	[tilespmem:s25], [sflag:$0x1] =	stream.linear.gather [hbm4b:s24+s5], $0x800, $0x38;
	[tilespmem:$0x15080] =	vst v63  }
0x1d1: {  	s0 =	sshrl.u32 s0, $0x3;
	s26 =	sadd.s32 $0x88000, s1;
	s28 =	simm.s32 $0x8800  }
0x1d2: {  	[tilespmem:s28], [sflag:$0x1] =	stream.linear.gather [hbm4b:s26+s5], $0x800, $0x38;
	[tilespmem:$0x15080] =	vst v63  }
0x1d3: {  	s1 =	sadd.s32 $0x90000, s1;
	s29 =	simm.s32 $0x9000;
	s30 =	rddreg [dreg:$0x1]  }
0x1d4: {  	[tilespmem:s29], [sflag:$0x1] =	stream.linear.gather [hbm4b:s1+s5], $0x800, $0x38;
	[tilespmem:$0x15080] =	vst v63  }
0x1d5: {  	s31 =	simm.s32 $0x13000;
	s0 =	sadd.s32 s30, s0  }
0x1d6: {  	[tilespmem:s31], [sflag:$0x1] =	stream.linear.gather [hbm4b:s0+s5], $0x800, $0x38;
	[tilespmem:$0x15080] =	vst v63  }
.LBB2_6:
0x1d7: {  	_ =	swait.ge [sflag:s23], $0x800  }
0x1d8: {  	[sflag:s23] =	ssyncset.done $0x0  }
0x1d9: {  	[sflag:s23] =	ssyncadd.s32 $0xFFFFF800  }
0x1da: {  	_ =	swait.ge [sflag:s23], $0x800  }
0x1db: {  	[sflag:s23] =	ssyncset.done $0x0  }
0x1dc: {  	[sflag:s23] =	ssyncadd.s32 $0xFFFFF800  }
0x1dd: {  	_ =	swait.ge [sflag:s23], $0x800  }
0x1de: {  	[sflag:s23] =	ssyncset.done $0x0  }
0x1df: {  	[sflag:s23] =	ssyncadd.s32 $0xFFFFF800  }
0x1e0: {  	_ =	swait.ge [sflag:s23], $0x800  }
0x1e1: {  	[sflag:s23] =	ssyncset.done $0x0  }
0x1e2: {  	[sflag:s23] =	ssyncadd.s32 $0xFFFFF800  }
0x1e3: {  	_ =	swait.ge [sflag:s23], $0x800  }
0x1e4: {  	[sflag:s23] =	ssyncset.done $0x0  }
0x1e5: {  	[sflag:s23] =	ssyncadd.s32 $0xFFFFF800  }
0x1e6: {  	_ =	swait.ge [sflag:s23], $0x800  }
0x1e7: {  	[sflag:s23] =	ssyncset.done $0x0  }
0x1e8: {  	[sflag:s23] =	ssyncadd.s32 $0xFFFFF800  }
0x1e9: {  	_ =	swait.ge [sflag:s23], $0x800  }
0x1ea: {  	[sflag:s23] =	ssyncset.done $0x0  }
0x1eb: {  	[sflag:s23] =	ssyncadd.s32 $0xFFFFF800  }
0x1ec: {  	_ =	swait.ge [sflag:s23], $0x800  }
0x1ed: {  	[sflag:s23] =	ssyncset.done $0x0  }
0x1ee: {  	[sflag:s23] =	ssyncadd.s32 $0xFFFFF800  }
0x1ef: {  	_ =	swait.ge [sflag:s23], $0x800  }
0x1f0: {  	[sflag:s23] =	ssyncset.done $0x0  }
0x1f1: {  	[sflag:s23] =	ssyncadd.s32 $0xFFFFF800  }
0x1f2: {  	_ =	swait.ge [sflag:s23], $0x800  }
0x1f3: {  	[sflag:s23] =	ssyncset.done $0x0  }
0x1f4: {  	[sflag:s23] =	ssyncadd.s32 $0xFFFFF800  }
0x1f5: {  	_ =	swait.ge [sflag:s23], $0x800  }
0x1f6: {  	[sflag:s23] =	ssyncset.done $0x0  }
0x1f7: {  	[sflag:s23] =	ssyncadd.s32 $0xFFFFF800  }
0x1f8: {  	_ =	swait.ge [sflag:s23], $0x800  }
0x1f9: {  	[sflag:s23] =	ssyncset.done $0x0  }
0x1fa: {  	[sflag:s23] =	ssyncadd.s32 $0xFFFFF800  }
0x1fb: {  	_ =	swait.ge [sflag:s23], $0x800  }
0x1fc: {  	[sflag:s23] =	ssyncset.done $0x0  }
0x1fd: {  	[sflag:s23] =	ssyncadd.s32 $0xFFFFF800  }
0x1fe: {  	_ =	swait.ge [sflag:s23], $0x800  }
0x1ff: {  	[sflag:s23] =	ssyncset.done $0x0  }
0x200: {  	[sflag:s23] =	ssyncadd.s32 $0xFFFFF800  }
0x201: {  	_ =	swait.ge [sflag:s23], $0x800  }
0x202: {  	[sflag:s23] =	ssyncset.done $0x0  }
0x203: {  	[sflag:s23] =	ssyncadd.s32 $0xFFFFF800  }
0x204: {  	_ =	swait.ge [sflag:s23], $0x800  }
0x205: {  	[sflag:s23] =	ssyncset.done $0x0  }
0x206: {  	[sflag:s23] =	ssyncadd.s32 $0xFFFFF800  }
0x207: {  	_ =	swait.ge [sflag:s23], $0x800  }
0x208: {  	[sflag:s23] =	ssyncset.done $0x0  }
0x209: {  	[sflag:s23] =	ssyncadd.s32 $0xFFFFF800  }
0x20a: {  	_ =	swait.ge [sflag:s23], $0x800  }
0x20b: {  	[sflag:s23] =	ssyncset.done $0x0  }
0x20c: {  	[sflag:s23] =	ssyncadd.s32 $0xFFFFF800  }
0x20d: {  	_ =	swait.ge [sflag:s23], $0x800  }
0x20e: {  	[sflag:s23] =	ssyncset.done $0x0  }
0x20f: {  	[sflag:s23] =	ssyncadd.s32 $0xFFFFF800  }
0x210: {  	_ =	swait.ge [sflag:s23], $0x800  }
0x211: {  	[sflag:s23] =	ssyncset.done $0x0  }
0x212: {  	s0 =	simm.s32 @!p0 $0x2;
	[sflag:s23] =	ssyncadd.s32 $0xFFFFF800  }
0x213: {  	_ =	swait.ge @!p0 [sflag:s0], $0x800  }
0x214: {  	s21 =	simm.s32 $0x0;
	[sflag:s0] =	ssyncset.done @!p0 $0x0  }
0x215: {  	s25 =	simm.s32 $0x0;
	s26 =	simm.s32 $0x0;
	[sflag:s0] =	ssyncadd.s32 @!p0 $0xFFFFF800  }
.LBB2_7:
0x216: {  	s0 =	sand.u32 $0x400, s21;
	s1 =	sand.u32 $0x380, s26  }
0x217: {  	s28 =	sor.u32 s1, s0  }
0x218: {  	s31 =	sand.u32 $0x60, s25;
	s29 =	sor.u32 $0x9800, s28  }
0x219: {  	s30 =	sor.u32 $0xA000, s28;
	s10 =	sor.u32 s31, s29  }
0x21a: {  	s2 =	sor.u32 $0xA800, s28;
	s11 =	sor.u32 s31, s30;
	v9 =	vld [tilespmem:s10+$0x0]  }
0x21b: {  	s0 =	sor.u32 $0xB000, s28;
	s12 =	sor.u32 s31, s2;
	v13 =	vld [tilespmem:s11+$0x0]  }
0x21c: {  	s8 =	sor.u32 $0xB800, s28;
	s13 =	sor.u32 s31, s0;
	v14 =	vld [tilespmem:s12+$0x0]  }
0x21d: {  	s9 =	sor.u32 $0xC000, s28;
	s14 =	sor.u32 s31, s8;
	v15 =	vld [tilespmem:s13+$0x0]  }
0x21e: {  	s15 =	sor.u32 s31, s9;
	v16 =	vld [tilespmem:s14+$0x0];
	s10 =	sor.u32 $0xC800, s28  }
0x21f: {  	v17 =	vld [tilespmem:s15+$0x0];
	s12 =	sor.u32 $0xD000, s28;
	s18 =	sor.u32 s31, s10  }
0x220: {  	s13 =	sor.u32 $0xD800, s28;
	s19 =	sor.u32 s31, s12;
	v19 =	vld [tilespmem:s18+$0x0];
	v6 =	vmax.f32 v9, v13  }
0x221: {  	s15 =	sor.u32 $0xE000, s28;
	s24 =	sor.u32 s31, s13;
	v21 =	vld [tilespmem:s19+$0x0];
	v6 =	vmax.f32 v6, v14  }
0x222: {  	s6 =	sor.u32 $0xE800, s28;
	s3 =	sor.u32 s31, s15;
	v23 =	vld [tilespmem:s24+$0x0];
	v6 =	vmax.f32 v6, v15  }
0x223: {  	s4 =	sor.u32 s31, s6;
	v25 =	vld [tilespmem:s3+$0x0];
	s3 =	sor.u32 $0xF000, s28;
	v6 =	vmax.f32 v6, v16  }
0x224: {  	s1 =	sor.u32 $0xF800, s28;
	v24 =	vld [tilespmem:s4+$0x0];
	s4 =	sor.u32 s31, s3;
	v6 =	vmax.f32 v6, v17  }
0x225: {  	s7 =	sor.u32 s31, s1;
	s18 =	sor.u32 $0x10000, s28;
	v22 =	vld [tilespmem:s4+$0x0];
	v6 =	vmax.f32 v6, v19  }
0x226: {  	v18 =	vld [tilespmem:s7+$0x0];
	s19 =	sor.u32 $0x10800, s28;
	s11 =	sor.u32 s31, s18;
	v6 =	vmax.f32 v6, v21  }
0x227: {  	s7 =	sor.u32 $0x11000, s28;
	s14 =	sor.u32 s31, s19;
	v11 =	vld [tilespmem:s11+$0x0];
	v6 =	vmax.f32 v6, v23  }
0x228: {  	s24 =	sor.u32 s31, s7;
	v12 =	vld [tilespmem:s14+$0x0];
	s14 =	sor.u32 $0x11800, s28;
	v6 =	vmax.f32 v6, v25  }
0x229: {  	v20 =	vld [tilespmem:s24+$0x0];
	s24 =	sor.u32 $0x12000, s28;
	s11 =	sor.u32 s31, s14;
	v6 =	vmax.f32 v6, v24  }
0x22a: {  	s4 =	sor.u32 $0x12800, s28;
	v8 =	vld [tilespmem:s11+$0x0];
	s11 =	sor.u32 s31, s24;
	v6 =	vmax.f32 v6, v22  }
0x22b: {  	v7 =	vld [tilespmem:s11+$0x0];
	s11 =	sor.u32 s31, s4;
	v6 =	vmax.f32 v6, v18  }
0x22c: {  	v10 =	vmax.f32 v6, v11;
	v6 =	vld [tilespmem:s11+$0x0]  }
0x22d: {  	v10 =	vmax.f32 v10, v12  }
0x22e: {  	v10 =	vmax.f32 v10, v20  }
0x22f: {  	v10 =	vmax.f32 v10, v8  }
0x230: {  	v10 =	vmax.f32 v10, v7  }
0x231: {  	v10 =	vmax.f32 v10, v6  }
0x232: {  	v26 =	vsub.f32 v9, v10  }
0x233: {  	v27 =	vsub.f32 v13, v10  }
0x234: {  	v28 =	vsub.f32 v14, v10;
	v26 =	vmul.f32 $1.442695020e+00, v26  }
0x235: {  	v29 =	vsub.f32 v15, v10;
	v27 =	vmul.f32 $1.442695020e+00, v27  }
0x236: {  	v39 =	vsub.f32 v16, v10;
	v38 =	vmul.f32 $1.442695020e+00, v28;
	(erf) = vpow2.f32 v26  }
0x237: {  	v41 =	vsub.f32 v17, v10;
	v40 =	vmul.f32 $1.442695020e+00, v29;
	(erf) = vpow2.f32 v27  }
0x238: {  	v43 =	vsub.f32 v19, v10;
	v42 =	vmul.f32 $1.442695020e+00, v39;
	(erf) = vpow2.f32 v38  }
0x239: {  	v45 =	vsub.f32 v21, v10;
	v44 =	vmul.f32 $1.442695020e+00, v41;
	(erf) = vpow2.f32 v40  }
0x23a: {  	v47 =	vsub.f32 v23, v10;
	v46 =	vmul.f32 $1.442695020e+00, v43;
	(erf) = vpow2.f32 v42  }
0x23b: {  	v49 =	vsub.f32 v25, v10;
	v48 =	vmul.f32 $1.442695020e+00, v45;
	(erf) = vpow2.f32 v44  }
0x23c: {  	v51 =	vsub.f32 v24, v10;
	v50 =	vmul.f32 $1.442695020e+00, v47;
	(erf) = vpow2.f32 v46  }
0x23d: {  	v53 =	vsub.f32 v22, v10;
	v52 =	vmul.f32 $1.442695020e+00, v49;
	(erf) = vpow2.f32 v48  }
0x23e: {  	v55 =	vsub.f32 v18, v10;
	v54 =	vmul.f32 $1.442695020e+00, v51;
	(erf) = vpow2.f32 v50  }
0x23f: {  	v57 =	vsub.f32 v11, v10;
	v56 =	vmul.f32 $1.442695020e+00, v53;
	v30 =	vpop (erf);
	(erf) = vpow2.f32 v52  }
0x240: {  	v59 =	vsub.f32 v12, v10;
	v58 =	vmul.f32 $1.442695020e+00, v55;
	v31 =	vpop (erf);
	(erf) = vpow2.f32 v54  }
0x241: {  	v61 =	vsub.f32 v20, v10;
	v60 =	vmul.f32 $1.442695020e+00, v57;
	v32 =	vpop (erf);
	(erf) = vpow2.f32 v56  }
0x242: {  	v62 =	vmul.f32 $1.442695020e+00, v59;
	v33 =	vpop (erf);
	(erf) = vpow2.f32 v58  }
0x243: {  	v40 =	vmul.f32 $1.442695020e+00, v61;
	v63 =	vpop (erf);
	(erf) = vpow2.f32 v60  }
0x244: {  	v41 =	vsub.f32 v8, v10;
	v34 =	vpop (erf);
	(erf) = vpow2.f32 v62  }
0x245: {  	v42 =	vsub.f32 v7, v10;
	v35 =	vpop (erf);
	(erf) = vpow2.f32 v40  }
0x246: {  	v43 =	vmul.f32 $1.442695020e+00, v41;
	v44 =	vpop (erf)  }
0x247: {  	v45 =	vsub.f32 v6, v10;
	v26 =	vmul.f32 $1.442695020e+00, v42;
	v36 =	vpop (erf)  }
0x248: {  	(erf) = vpow2.f32 v43;
	v37 =	vpop (erf)  }
0x249: {  	v27 =	vmul.f32 $1.442695020e+00, v45;
	(erf) = vpow2.f32 v26;
	v46 =	vpop (erf)  }
0x24a: {  	v38 =	vpop (erf)  }
0x24b: {  	(erf) = vpow2.f32 v27;
	v39 =	vpop (erf)  }
0x24c: {  	v30 =	vadd.f32 v31, v30;
	v48 =	vadd.f32 v33, v32;
	v47 =	vpop (erf)  }
0x24d: {  	v28 =	vadd.f32 v34, v63;
	v29 =	vadd.f32 v44, v35;
	v49 =	vpop (erf)  }
0x24e: {  	v51 =	vadd.f32 v37, v36;
	v26 =	vadd.f32 v38, v46;
	v50 =	vpop (erf)  }
0x24f: {  	v27 =	vadd.f32 v47, v39;
	v32 =	vadd.f32 v50, v49  }
0x250: {  	v30 =	vadd.f32 v48, v30;
	v28 =	vadd.f32 v29, v28  }
0x251: {  	v26 =	vadd.f32 v26, v51;
	v52 =	vpop (erf);
	v27 =	vadd.f32 v32, v27  }
0x252: {  	s11 =	sor.u32 s31, s28;
	v28 =	vadd.f32 v28, v30;
	v53 =	vpop (erf)  }
0x253: {  	v54 =	vld [tilespmem:s11+$0x13800];
	v29 =	vadd.f32 v53, v52;
	v26 =	vadd.f32 v27, v26  }
0x254: {  	v55 =	vpop (erf)  }
0x255: {  	v27 =	vadd.f32 v29, v55;
	v26 =	vadd.f32 v26, v28;
	_ =	sdelay $0x1  }
0x256: {  	v26 =	vadd.f32 v26, v27  }
0x257: {  	vm0 =	veq.s32 v54, $0x1  }
0x258: {  	vm14 =	veq.s32 v54, $0x2;
	v9 =	vsel vm0, v13, v9;
	v56 =	vand.u32 $0x7FFFFF, v26  }
0x259: {  	vm15 =	veq.s32 v54, $0x3;
	v9 =	vsel vm14, v14, v9;
	v13 =	vor.u32 $0x3F800000, v56  }
0x25a: {  	vm4 =	veq.s32 v54, $0x4;
	v9 =	vsel vm15, v15, v9;
	v57 =	vmul.f32 $5.000000000e-01, v13  }
0x25b: {  	vm1 =	veq.s32 v54, $0x5;
	v9 =	vsel vm4, v16, v9;
	vm5 =	vgt.f32 v13, $1.414213540e+00  }
0x25c: {  	vm6 =	veq.s32 v54, $0x6;
	v9 =	vsel vm1, v17, v9;
	v13 =	vsel vm5, v57, v13  }
0x25d: {  	vm7 =	veq.s32 v54, $0x7;
	v9 =	vsel vm6, v19, v9;
	v13 =	vadd.f32 $-1.000000000e+00, v13  }
0x25e: {  	vm8 =	veq.s32 v54, $0x8;
	v9 =	vsel vm7, v21, v9  }
0x25f: {  	vm9 =	veq.s32 v54, $0x9;
	v9 =	vsel vm8, v23, v9;
	v58 =	vmul.f32 $1.151461010e-01, v13  }
0x260: {  	vm10 =	veq.s32 v54, $0xA;
	v9 =	vsel vm9, v25, v9  }
0x261: {  	v59 =	vmul.f32 v13, v13;
	v60 =	vmul.f32 $1.242014100e-01, v13;
	v14 =	vsub.f32 $1.167699840e-01, v58  }
0x262: {  	vm11 =	veq.s32 v54, $0xB;
	v9 =	vsel vm10, v24, v9;
	v62 =	vmul.f32 $1.666805740e-01, v13  }
0x263: {  	v61 =	vmul.f32 v59, v59;
	v16 =	vsub.f32 $1.424932330e-01, v60;
	v14 =	vmul.f32 v14, v59  }
0x264: {  	v9 =	vsel vm11, v22, v9;
	v63 =	vmul.f32 $2.499999400e-01, v13  }
0x265: {  	v19 =	vsub.f32 $2.000071410e-01, v62;
	v22 =	vmul.f32 $7.037683580e-02, v61;
	v14 =	vadd.f32 v14, v16;
	_ =	sdelay $0x1  }
0x266: {  	v23 =	vsub.f32 $3.333333130e-01, v63;
	v19 =	vmul.f32 v19, v59;
	v14 =	vadd.f32 v14, v22  }
0x267: {  	vm12 =	veq.s32 v54, $0xC  }
0x268: {  	vm13 =	veq.s32 v54, $0xD;
	v24 =	vadd.f32 v19, v23;
	v14 =	vmul.f32 v14, v61  }
0x269: {  	vm14 =	veq.s32 v54, $0xE;
	vm15 =	veq.s32 v54, $0xF;
	v9 =	vsel vm12, v18, v9  }
0x26a: {  	v9 =	vsel vm13, v11, v9;
	v25 =	vmul.f32 v59, v13;
	v11 =	vadd.f32 v14, v24  }
0x26b: {  	v9 =	vsel vm14, v12, v9;
	v27 =	vshra.s32 v26, $0x17;
	v28 =	vsel vm5, $0x1, v0  }
0x26c: {  	v29 =	vmul.f32 $5.000000000e-01, v59;
	v14 =	vadd.s32 v28, v27;
	v11 =	vmul.f32 v11, v25  }
0x26d: {  	vm4 =	veq.s32 v54, $0x10;
	v9 =	vsel vm15, v20, v9;
	v30 =	vadd.s32 $0xFFFFFF81, v14  }
0x26e: {  	v8 =	vsel vm4, v8, v9;
	v9 =	vcvt.s32.f32 v30;
	v11 =	vsub.f32 v11, v29  }
0x26f: {  	vm6 =	vgt.s32 v54, $0x11;
	vm5 =	veq.s32 v54, $0x11  }
0x270: {  	v7 =	vsel vm5, v7, v8;
	v9 =	vmul.f32 $6.931471820e-01, v9;
	v32 =	vadd.f32 v11, v13  }
0x271: {  	v6 =	vsel vm6, v6, v7  }
0x272: {  	v6 =	vsub.f32 v10, v6;
	v7 =	vadd.f32 v32, v9;
	_ =	sdelay $0x1  }
0x273: {  	v6 =	vadd.f32 v7, v6  }
0x274: {  	vm0 =	veq.s32 v54, $0xFF  }
0x275: {  	s31 =	sor.u32 $0x10, s31;
	v6 =	vsel vm0, $0x0, v6  }
0x276: {  	s29 =	sor.u32 s31, s29;
	[tilespmem:s11+$0x14800] =	vst v6  }
0x277: {  	s30 =	sor.u32 s31, s30;
	v23 =	vld [tilespmem:s29+$0x0]  }
0x278: {  	s2 =	sor.u32 s31, s2;
	v26 =	vld [tilespmem:s30+$0x0]  }
0x279: {  	s0 =	sor.u32 s31, s0;
	v25 =	vld [tilespmem:s2+$0x0]  }
0x27a: {  	s11 =	sor.u32 s31, s8;
	v24 =	vld [tilespmem:s0+$0x0]  }
0x27b: {  	v20 =	vld [tilespmem:s11+$0x0];
	s29 =	sor.u32 s31, s9  }
0x27c: {  	s30 =	sor.u32 s31, s10;
	v17 =	vld [tilespmem:s29+$0x0]  }
0x27d: {  	s2 =	sor.u32 s31, s12;
	v18 =	vld [tilespmem:s30+$0x0];
	v7 =	vmax.f32 v23, v26  }
0x27e: {  	s8 =	sor.u32 s31, s13;
	v19 =	vld [tilespmem:s2+$0x0];
	v7 =	vmax.f32 v7, v25  }
0x27f: {  	v21 =	vld [tilespmem:s8+$0x0];
	s9 =	sor.u32 s31, s15;
	v7 =	vmax.f32 v7, v24  }
0x280: {  	s10 =	sor.u32 s31, s6;
	v22 =	vld [tilespmem:s9+$0x0];
	v7 =	vmax.f32 v7, v20  }
0x281: {  	s11 =	sor.u32 s31, s3;
	v16 =	vld [tilespmem:s10+$0x0];
	v7 =	vmax.f32 v7, v17  }
0x282: {  	s12 =	sor.u32 s31, s1;
	v15 =	vld [tilespmem:s11+$0x0];
	v7 =	vmax.f32 v7, v18  }
0x283: {  	s13 =	sor.u32 s31, s18;
	v14 =	vld [tilespmem:s12+$0x0];
	v7 =	vmax.f32 v7, v19  }
0x284: {  	v12 =	vld [tilespmem:s13+$0x0];
	s15 =	sor.u32 s31, s19;
	v7 =	vmax.f32 v7, v21  }
0x285: {  	s18 =	sor.u32 s31, s7;
	v11 =	vld [tilespmem:s15+$0x0];
	v7 =	vmax.f32 v7, v22  }
0x286: {  	v13 =	vld [tilespmem:s18+$0x0];
	s19 =	sor.u32 s31, s14;
	v7 =	vmax.f32 v7, v16  }
0x287: {  	v9 =	vld [tilespmem:s19+$0x0];
	s29 =	sor.u32 s31, s24;
	v7 =	vmax.f32 v7, v15  }
0x288: {  	s30 =	sor.u32 s31, s4;
	v8 =	vld [tilespmem:s29+$0x0];
	v7 =	vmax.f32 v7, v14  }
0x289: {  	v33 =	vmax.f32 v7, v12;
	v7 =	vld [tilespmem:s30+$0x0]  }
0x28a: {  	v10 =	vmax.f32 v33, v11  }
0x28b: {  	v10 =	vmax.f32 v10, v13  }
0x28c: {  	v10 =	vmax.f32 v10, v9  }
0x28d: {  	v10 =	vmax.f32 v10, v8  }
0x28e: {  	v10 =	vmax.f32 v10, v7  }
0x28f: {  	v34 =	vsub.f32 v23, v10  }
0x290: {  	v35 =	vsub.f32 v26, v10  }
0x291: {  	v36 =	vsub.f32 v25, v10;
	v27 =	vmul.f32 $1.442695020e+00, v34  }
0x292: {  	v37 =	vsub.f32 v24, v10;
	v28 =	vmul.f32 $1.442695020e+00, v35  }
0x293: {  	v39 =	vsub.f32 v20, v10;
	v38 =	vmul.f32 $1.442695020e+00, v36;
	(erf) = vpow2.f32 v27  }
0x294: {  	v41 =	vsub.f32 v17, v10;
	v40 =	vmul.f32 $1.442695020e+00, v37;
	(erf) = vpow2.f32 v28  }
0x295: {  	v43 =	vsub.f32 v18, v10;
	v42 =	vmul.f32 $1.442695020e+00, v39;
	(erf) = vpow2.f32 v38  }
0x296: {  	v45 =	vsub.f32 v19, v10;
	v44 =	vmul.f32 $1.442695020e+00, v41;
	(erf) = vpow2.f32 v40  }
0x297: {  	v47 =	vsub.f32 v21, v10;
	v46 =	vmul.f32 $1.442695020e+00, v43;
	(erf) = vpow2.f32 v42  }
0x298: {  	v49 =	vsub.f32 v22, v10;
	v48 =	vmul.f32 $1.442695020e+00, v45;
	(erf) = vpow2.f32 v44  }
0x299: {  	v51 =	vsub.f32 v16, v10;
	v50 =	vmul.f32 $1.442695020e+00, v47;
	(erf) = vpow2.f32 v46  }
0x29a: {  	v53 =	vsub.f32 v15, v10;
	v52 =	vmul.f32 $1.442695020e+00, v49;
	(erf) = vpow2.f32 v48  }
0x29b: {  	v55 =	vsub.f32 v14, v10;
	v54 =	vmul.f32 $1.442695020e+00, v51;
	(erf) = vpow2.f32 v50  }
0x29c: {  	v57 =	vsub.f32 v12, v10;
	v56 =	vmul.f32 $1.442695020e+00, v53;
	v31 =	vpop (erf);
	(erf) = vpow2.f32 v52  }
0x29d: {  	v59 =	vsub.f32 v11, v10;
	v58 =	vmul.f32 $1.442695020e+00, v55;
	v32 =	vpop (erf);
	(erf) = vpow2.f32 v54  }
0x29e: {  	v62 =	vsub.f32 v13, v10;
	v61 =	vmul.f32 $1.442695020e+00, v57;
	v60 =	vpop (erf);
	(erf) = vpow2.f32 v56  }
0x29f: {  	v43 =	vmul.f32 $1.442695020e+00, v59;
	v63 =	vpop (erf);
	(erf) = vpow2.f32 v58  }
0x2a0: {  	v45 =	vmul.f32 $1.442695020e+00, v62;
	v44 =	vpop (erf);
	(erf) = vpow2.f32 v61  }
0x2a1: {  	v46 =	vsub.f32 v9, v10;
	v47 =	vpop (erf);
	(erf) = vpow2.f32 v43  }
0x2a2: {  	v48 =	vsub.f32 v8, v10;
	v49 =	vpop (erf);
	(erf) = vpow2.f32 v45  }
0x2a3: {  	v50 =	vmul.f32 $1.442695020e+00, v46;
	v51 =	vpop (erf)  }
0x2a4: {  	v53 =	vsub.f32 v7, v10;
	v27 =	vmul.f32 $1.442695020e+00, v48;
	v52 =	vpop (erf)  }
0x2a5: {  	(erf) = vpow2.f32 v50;
	v54 =	vpop (erf)  }
0x2a6: {  	v28 =	vmul.f32 $1.442695020e+00, v53;
	(erf) = vpow2.f32 v27;
	v55 =	vpop (erf)  }
0x2a7: {  	v56 =	vpop (erf)  }
0x2a8: {  	(erf) = vpow2.f32 v28;
	v40 =	vpop (erf)  }
0x2a9: {  	v31 =	vadd.f32 v32, v31;
	v58 =	vadd.f32 v63, v60;
	v57 =	vpop (erf)  }
0x2aa: {  	v29 =	vadd.f32 v47, v44;
	v30 =	vadd.f32 v51, v49;
	v59 =	vpop (erf)  }
0x2ab: {  	v61 =	vadd.f32 v54, v52;
	v27 =	vadd.f32 v56, v55;
	v60 =	vpop (erf)  }
0x2ac: {  	v28 =	vadd.f32 v57, v40;
	v33 =	vadd.f32 v60, v59  }
0x2ad: {  	v31 =	vadd.f32 v58, v31;
	v29 =	vadd.f32 v30, v29  }
0x2ae: {  	v27 =	vadd.f32 v27, v61;
	v62 =	vpop (erf);
	v28 =	vadd.f32 v33, v28  }
0x2af: {  	v29 =	vadd.f32 v29, v31;
	v63 =	vpop (erf)  }
0x2b0: {  	v30 =	vadd.f32 v63, v62;
	v27 =	vadd.f32 v28, v27  }
0x2b1: {  	s31 =	sor.u32 s31, s28;
	v37 =	vpop (erf)  }
0x2b2: {  	v36 =	vld [tilespmem:s31+$0x13800];
	v28 =	vadd.f32 v30, v37;
	v27 =	vadd.f32 v27, v29;
	_ =	sdelay $0x1  }
0x2b3: {  	v27 =	vadd.f32 v27, v28;
	_ =	sdelay $0x1  }
0x2b4: {  	v38 =	vand.u32 $0x7FFFFF, v27  }
0x2b5: {  	vm7 =	veq.s32 v36, $0x1;
	v39 =	vor.u32 $0x3F800000, v38  }
0x2b6: {  	vm8 =	veq.s32 v36, $0x2;
	v23 =	vsel vm7, v26, v23;
	v40 =	vmul.f32 $5.000000000e-01, v39  }
0x2b7: {  	vm9 =	veq.s32 v36, $0x3;
	v23 =	vsel vm8, v25, v23;
	vm11 =	vgt.f32 v39, $1.414213540e+00  }
0x2b8: {  	vm10 =	veq.s32 v36, $0x4;
	v23 =	vsel vm9, v24, v23;
	v41 =	vsel vm11, v40, v39  }
0x2b9: {  	vm2 =	veq.s32 v36, $0x5;
	v20 =	vsel vm10, v20, v23;
	v42 =	vadd.f32 $-1.000000000e+00, v41  }
0x2ba: {  	vm12 =	veq.s32 v36, $0x6;
	v17 =	vsel vm2, v17, v20  }
0x2bb: {  	vm13 =	veq.s32 v36, $0x7;
	v17 =	vsel vm12, v18, v17;
	v43 =	vmul.f32 $1.151461010e-01, v42  }
0x2bc: {  	vm14 =	veq.s32 v36, $0x8;
	v17 =	vsel vm13, v19, v17  }
0x2bd: {  	v20 =	vmul.f32 v42, v42;
	v44 =	vmul.f32 $1.242014100e-01, v42;
	v19 =	vsub.f32 $1.167699840e-01, v43  }
0x2be: {  	vm15 =	veq.s32 v36, $0x9;
	v17 =	vsel vm14, v21, v17;
	v46 =	vmul.f32 $1.666805740e-01, v42  }
0x2bf: {  	v45 =	vmul.f32 v20, v20;
	v21 =	vsub.f32 $1.424932330e-01, v44;
	v19 =	vmul.f32 v19, v20  }
0x2c0: {  	v17 =	vsel vm15, v22, v17;
	v47 =	vmul.f32 $2.499999400e-01, v42  }
0x2c1: {  	v22 =	vsub.f32 $2.000071410e-01, v46;
	v48 =	vmul.f32 $7.037683580e-02, v45;
	v19 =	vadd.f32 v19, v21  }
0x2c2: {  	vm4 =	veq.s32 v36, $0xA;
	vm5 =	veq.s32 v36, $0xB  }
0x2c3: {  	v49 =	vsub.f32 $3.333333130e-01, v47;
	v50 =	vmul.f32 v22, v20;
	v19 =	vadd.f32 v19, v48  }
0x2c4: {  	vm6 =	veq.s32 v36, $0xC;
	vm7 =	veq.s32 v36, $0xD;
	v16 =	vsel vm4, v16, v17  }
0x2c5: {  	v15 =	vsel vm5, v15, v16;
	v51 =	vadd.f32 v50, v49;
	v52 =	vmul.f32 v19, v45  }
0x2c6: {  	vm8 =	veq.s32 v36, $0xE;
	vm9 =	veq.s32 v36, $0xF;
	v14 =	vsel vm6, v14, v15  }
0x2c7: {  	v12 =	vsel vm7, v12, v14;
	v54 =	vmul.f32 v20, v42;
	v53 =	vadd.f32 v52, v51  }
0x2c8: {  	v11 =	vsel vm8, v11, v12;
	v55 =	vshra.s32 v27, $0x17;
	v56 =	vsel vm11, $0x1, v0  }
0x2c9: {  	v14 =	vadd.s32 v56, v55;
	v57 =	vmul.f32 $5.000000000e-01, v20;
	v12 =	vmul.f32 v53, v54  }
0x2ca: {  	vm10 =	veq.s32 v36, $0x10;
	v11 =	vsel vm9, v13, v11;
	v58 =	vadd.s32 $0xFFFFFF81, v14  }
0x2cb: {  	v9 =	vsel vm10, v9, v11;
	v11 =	vcvt.s32.f32 v58;
	v12 =	vsub.f32 v12, v57  }
0x2cc: {  	vm12 =	vgt.s32 v36, $0x11;
	vm11 =	veq.s32 v36, $0x11  }
0x2cd: {  	v8 =	vsel vm11, v8, v9;
	v11 =	vmul.f32 $6.931471820e-01, v11;
	v59 =	vadd.f32 v12, v42  }
0x2ce: {  	v7 =	vsel vm12, v7, v8  }
0x2cf: {  	v7 =	vsub.f32 v10, v7;
	v60 =	vadd.f32 v59, v11;
	_ =	sdelay $0x1  }
0x2d0: {  	v7 =	vadd.f32 v60, v7  }
0x2d1: {  	p0 =	sne.s32 s26, $0x3F0;
	vm13 =	vgt.f32 v6, $3.566749390e-01;
	vm14 =	veq.s32 v36, $0xFF  }
.Ltmp4:
0x2d2: {  	v6 =	vnsel vm13, $0x0, v6;
	v61 =	vsel vm13, $0x3F800000, v1;
	v7 =	vsel vm14, $0x0, v7;
	(pc) =	sbr.rel @p0 .LBB2_7-.Ltmp4, $4  }
0x2d3: {  	v5 =	vadd.f32 v61, v5;
	v62 =	vsel vm0, $0x0, v2;
	vm15 =	vgt.f32 v7, $3.566749390e-01  }
0x2d4: {  	v4 =	vadd.f32 v6, v4;
	v3 =	vadd.f32 v62, v3;
	v6 =	vsel vm15, $0x3F800000, v1  }
0x2d5: {  	v63 =	vsel vm14, $0x0, v2;
	v5 =	vadd.f32 v6, v5;
	v6 =	vnsel vm15, $0x0, v7  }
0x2d6: {  	s25 =	sadd.s32 $0x20, s25;
	s21 =	sadd.s32 $0x100, s21;
	s26 =	sadd.s32 $0x10, s26;
	v3 =	vadd.f32 v63, v3;
	[tilespmem:s31+$0x14800] =	vst v7;
	v4 =	vadd.f32 v6, v4  }
.Ltmp5:
0x2d7: {  	(pc) =	sbr.rel @p1 .LBB2_10-.Ltmp5, $4  }
0x2d8: {  	_ = 	snop  }
0x2d9: {  	s0 =	rddreg [dreg:$0x16]  }
0x2da: {  	s1 =	simm.s32 $0x14800;
	s0 =	sadd.s32 s20, s0  }
0x2db: {  	[hbm4b:s0+s5] =	stream.linear.scatter [tilespmem:s1], [sflag:$0x2], $0x800, $0x38;
	[tilespmem:$0x15080] =	vst v63  }
0x2dc: {  	s0 =	rddreg [dreg:$0x14]  }
0x2dd: {  	s1 =	rddreg [dreg:$0x4];
	s0 =	sadd.s32 s17, s0  }
0x2de: {  	s2 =	rddreg [dreg:$0x10];
	s1 =	sadd.s32 s1, s0  }
0x2df: {  	s14 =	rddreg [dreg:$0x0];
	s1 =	sshrl.u32 s1, $0x3  }
0x2e0: {  	s3 =	simm.s32 $0x9800;
	s2 =	sadd.s32 s1, s2;
	s1 =	sadd.s32 s14, s1  }
0x2e1: {  	[tilespmem:s3], [sflag:$0x1] =	stream.linear.gather [hbm4b:s2+s5], $0x800, $0x38;
	[tilespmem:$0x15080] =	vst v63  }
0x2e2: {  	s15 =	simm.s32 $0xA000;
	s2 =	sadd.s32 $0x8100, s1  }
0x2e3: {  	[tilespmem:s15], [sflag:$0x1] =	stream.linear.gather [hbm4b:s2+s5], $0x800, $0x38;
	[tilespmem:$0x15080] =	vst v63  }
0x2e4: {  	s18 =	simm.s32 $0xA800;
	s17 =	sadd.s32 $0x10100, s1  }
0x2e5: {  	[tilespmem:s18], [sflag:$0x1] =	stream.linear.gather [hbm4b:s17+s5], $0x800, $0x38;
	[tilespmem:$0x15080] =	vst v63  }
0x2e6: {  	s20 =	simm.s32 $0xB000;
	s19 =	sadd.s32 $0x18100, s1  }
0x2e7: {  	[tilespmem:s20], [sflag:$0x1] =	stream.linear.gather [hbm4b:s19+s5], $0x800, $0x38;
	[tilespmem:$0x15080] =	vst v63  }
0x2e8: {  	s24 =	simm.s32 $0xB800;
	s21 =	sadd.s32 $0x20100, s1  }
0x2e9: {  	[tilespmem:s24], [sflag:$0x1] =	stream.linear.gather [hbm4b:s21+s5], $0x800, $0x38;
	[tilespmem:$0x15080] =	vst v63  }
0x2ea: {  	s26 =	simm.s32 $0xC000;
	s25 =	sadd.s32 $0x28100, s1  }
0x2eb: {  	[tilespmem:s26], [sflag:$0x1] =	stream.linear.gather [hbm4b:s25+s5], $0x800, $0x38;
	[tilespmem:$0x15080] =	vst v63  }
0x2ec: {  	s29 =	simm.s32 $0xC800;
	s28 =	sadd.s32 $0x30100, s1  }
0x2ed: {  	[tilespmem:s29], [sflag:$0x1] =	stream.linear.gather [hbm4b:s28+s5], $0x800, $0x38;
	[tilespmem:$0x15080] =	vst v63  }
0x2ee: {  	s31 =	simm.s32 $0xD000;
	s30 =	sadd.s32 $0x38100, s1  }
0x2ef: {  	[tilespmem:s31], [sflag:$0x1] =	stream.linear.gather [hbm4b:s30+s5], $0x800, $0x38;
	[tilespmem:$0x15080] =	vst v63  }
0x2f0: {  	s6 =	simm.s32 $0xD800;
	s4 =	sadd.s32 $0x40100, s1  }
0x2f1: {  	[tilespmem:s6], [sflag:$0x1] =	stream.linear.gather [hbm4b:s4+s5], $0x800, $0x38;
	[tilespmem:$0x15080] =	vst v63  }
0x2f2: {  	s8 =	simm.s32 $0xE000;
	s7 =	sadd.s32 $0x48100, s1  }
0x2f3: {  	[tilespmem:s8], [sflag:$0x1] =	stream.linear.gather [hbm4b:s7+s5], $0x800, $0x38;
	[tilespmem:$0x15080] =	vst v63  }
0x2f4: {  	s10 =	simm.s32 $0xE800;
	s9 =	sadd.s32 $0x50100, s1  }
0x2f5: {  	[tilespmem:s10], [sflag:$0x1] =	stream.linear.gather [hbm4b:s9+s5], $0x800, $0x38;
	[tilespmem:$0x15080] =	vst v63  }
0x2f6: {  	s12 =	simm.s32 $0xF000;
	s11 =	sadd.s32 $0x58100, s1  }
0x2f7: {  	[tilespmem:s12], [sflag:$0x1] =	stream.linear.gather [hbm4b:s11+s5], $0x800, $0x38;
	[tilespmem:$0x15080] =	vst v63  }
0x2f8: {  	s14 =	simm.s32 $0xF800;
	s13 =	sadd.s32 $0x60100, s1  }
0x2f9: {  	[tilespmem:s14], [sflag:$0x1] =	stream.linear.gather [hbm4b:s13+s5], $0x800, $0x38;
	[tilespmem:$0x15080] =	vst v63  }
0x2fa: {  	s15 =	sadd.s32 $0x68100, s1;
	s17 =	simm.s32 $0x10000  }
0x2fb: {  	[tilespmem:s17], [sflag:$0x1] =	stream.linear.gather [hbm4b:s15+s5], $0x800, $0x38;
	[tilespmem:$0x15080] =	vst v63  }
0x2fc: {  	s18 =	sadd.s32 $0x70100, s1;
	s19 =	simm.s32 $0x10800  }
0x2fd: {  	[tilespmem:s19], [sflag:$0x1] =	stream.linear.gather [hbm4b:s18+s5], $0x800, $0x38;
	[tilespmem:$0x15080] =	vst v63  }
0x2fe: {  	s20 =	sadd.s32 $0x78100, s1;
	s21 =	simm.s32 $0x11000  }
0x2ff: {  	[tilespmem:s21], [sflag:$0x1] =	stream.linear.gather [hbm4b:s20+s5], $0x800, $0x38;
	[tilespmem:$0x15080] =	vst v63  }
0x300: {  	s24 =	sadd.s32 $0x80100, s1;
	s25 =	simm.s32 $0x11800  }
0x301: {  	[tilespmem:s25], [sflag:$0x1] =	stream.linear.gather [hbm4b:s24+s5], $0x800, $0x38;
	[tilespmem:$0x15080] =	vst v63  }
0x302: {  	s0 =	sadd.s32 s22, s0;
	s26 =	sadd.s32 $0x88100, s1;
	s28 =	simm.s32 $0x12000  }
0x303: {  	[tilespmem:s28], [sflag:$0x1] =	stream.linear.gather [hbm4b:s26+s5], $0x800, $0x38;
	[tilespmem:$0x15080] =	vst v63  }
.Ltmp6:
0x304: {  	s0 =	sshrl.u32 s0, $0x3;
	(pc) =	sbr.rel .LBB2_2-.Ltmp6, $4  }
0x305: {  	s1 =	sadd.s32 $0x90100, s1;
	s29 =	simm.s32 $0x12800;
	s30 =	rddreg [dreg:$0x11]  }
0x306: {  	[tilespmem:s29], [sflag:$0x1] =	stream.linear.gather [hbm4b:s1+s5], $0x800, $0x38;
	[tilespmem:$0x15080] =	vst v63  }
0x307: {  	s16 =	sadd.s32 $0x1, s16;
	s31 =	simm.s32 $0x13800;
	s0 =	sadd.s32 s0, s30  }
0x308: {  	[tilespmem:s31], [sflag:$0x1] =	stream.linear.gather [hbm4b:s0+s5], $0x800, $0x38;
	[tilespmem:$0x15080] =	vst v63  }
.LBB2_11:
0x309: {  	_ =	sfence.sel $0x180000  }
0x30a: {  	[bflag:$0x0] =	sbarrier.arrive $0xFFFF  }
0x30b: {  	_ =	strace $0x90000047  }
0x30c: {  	s0 =	stileid.u32;
	[bflag:$0x2] =	sbarrier.arrive $0xFFFF  }
0x30d: {  	p0 =	sne.s32 s0, $0x0;
	s0 =	rddreg [dreg:$0x3]  }
0x30e: {  	s0 =	sadd.s32 @!p0 $0x100000, s0  }
0x30f: {  	[sflag:s0] =	ssyncadd.tile.s32 @!p0 $0x1;
	_ =	shalt  }
.Lfunc_end2:
_tile_overlayer_lowered:
.L_overlay_start_2:
0x310: {  	(tag) =	ssettag $0x2  }
0x311: {  	s0 =	rddreg [dreg:$0x0];
	s2 =	stileid.u32  }
0x312: {  	s1 =	rddreg [dreg:$0x1];
	p0 =	sne.s32 s2, $0x0  }
0x313: {  	s3 =	rddreg [dreg:$0x2];
	[bflag:$0x3] =	sbarrier.arrive $0xFFFF;
	s2 =	simm.s32 @!p0 $0x1C03  }
0x314: {  	[timem:s3], [sflag:s2] =	dma.local @!p0 [hbm:s0], s1  }
0x315: {  	s0 =	simm.s32 @!p0 $0x3  }
0x316: {  	_ =	swait.ge @!p0 [sflag:s0], s1  }
0x317: {  	s1 =	ssub.s32 @!p0 $0x0, s1;
	[sflag:s0] =	ssyncset.done @!p0 $0x0  }
0x318: {  	[sflag:s0] =	ssyncadd.s32 @!p0 s1  }
0x319: {  	[bflag:$0x3] =	sbarrier.arrive $0xFFFF  }
0x31a: {  	_ =	shalt  }

</sc_bundles>
